<compile_context>
chip_gen: v7x
topology: tpu7x:2x2x1
jax: 0.10.2.dev20260603
libtpu: 0.0.44.dev20260713+nightly
codegen_flags: <defaults>
</compile_context>

<pallas_src>
import functools

import jax
import jax.numpy as jnp
from jax import lax
from jax.experimental import pallas as pl
from jax.experimental.pallas import tpu as pltpu
from jax.experimental.pallas import tpu_sc as plsc

_IW = 128
_RPU = 4
_CB = _RPU * _IW
_TC = 896


def _worker_id(nc):
  return lax.axis_index("s") * nc + lax.axis_index("c")


@functools.cache
def _make_pack(v: int, d: int):
  info = plsc.get_sparse_core_info()
  nc, ns, nl = info.num_cores, info.num_subcores, info.num_lanes
  nw = nc * ns
  nch = v // _TC
  tail = v - nch * _TC
  pairs = (nch + 2 * nw - 1) // (2 * nw)
  rpc = _TC * d // 128

  mesh = plsc.VectorSubcoreMesh(core_axis_name="c", subcore_axis_name="s")

  @functools.partial(
      pl.kernel,
      mesh=mesh,
      out_type=jax.ShapeDtypeStruct((v * d // 128, 128), jnp.float32),
      compiler_params=pltpu.CompilerParams(needs_layout_passes=False),
      scratch_types=[
          pltpu.VMEM((d, _TC), jnp.float32),
          pltpu.VMEM((d, _TC), jnp.float32),
          pltpu.VMEM((rpc, 128), jnp.float32),
          pltpu.VMEM((rpc, 128), jnp.float32),
          pltpu.SemaphoreType.DMA,
          pltpu.SemaphoreType.DMA,
          pltpu.SemaphoreType.DMA,
          pltpu.SemaphoreType.DMA,
      ],
  )
  def pack(tt_hbm, tail_hbm, out_hbm, buf0, buf1, ov0, ov1,
           ss0, ss1, sw0, sw1):
    wid = _worker_id(nc)
    lane = lax.iota(jnp.int32, nl)
    cols = [(lane + dd) & (d - 1) for dd in range(d)]
    bufs, ovs = (buf0, buf1), (ov0, ov1)
    ssems, wsems = (ss0, ss1), (sw0, sw1)

    def fire_stage(c, p):
      pltpu.async_copy(tt_hbm.at[:, pl.ds(c * _TC, _TC)], bufs[p], ssems[p])

    def wait_stage(p):
      pltpu.make_async_copy(
          tt_hbm.at[:, pl.ds(0, _TC)], bufs[p], ssems[p]).wait()

    def fire_wb(c, p):
      pltpu.async_copy(ovs[p], out_hbm.at[pl.ds(c * rpc, rpc), :], wsems[p])

    def wait_wb(p):
      pltpu.make_async_copy(
          ovs[p], out_hbm.at[pl.ds(0, rpc), :], wsems[p]).wait()

    def transpose(p):
      buf, outv = bufs[p], ovs[p]

      def _tj(j, carry):
        rows = j * nl + lane
        rdiv = rows >> 2
        rmod = (rows & 3) << 5
        vals = [plsc.load_gather(buf, [cols[dd], rows]) for dd in range(d)]
        for dd in range(d):
          plsc.store_scatter(outv, [rdiv, rmod + cols[dd]], vals[dd])
        return carry

      lax.fori_loop(0, _TC // nl, _tj, 0)

    def half(c_this, c_next2, p, first):
      @pl.when(c_this < nch)
      def _():
        wait_stage(p)

        @pl.when(jnp.logical_not(first))
        def _():
          wait_wb(p)

        transpose(p)
        fire_wb(c_this, p)

        @pl.when(c_next2 < nch)
        def _():
          fire_stage(c_next2, p)

    fire_stage(wid, 0)

    @pl.when(wid + nw < nch)
    def _():
      fire_stage(wid + nw, 1)

    def body(i, carry):
      ca = wid + (2 * i) * nw
      cb = wid + (2 * i + 1) * nw
      half(ca, wid + (2 * i + 2) * nw, 0, i == 0)
      half(cb, wid + (2 * i + 3) * nw, 1, i == 0)
      return carry

    lax.fori_loop(0, pairs, body, 0)
    wait_wb(0)
    wait_wb(1)

    if tail:
      trows = tail * d // 128

      @pl.when(wid == 0)
      def _():
        pltpu.sync_copy(tail_hbm, ov0.at[pl.ds(0, trows), :])
        pltpu.sync_copy(ov0.at[pl.ds(0, trows), :],
                        out_hbm.at[pl.ds(nch * rpc, trows), :])

  return pack


@functools.cache
def _make_gather(b: int, f: int, v: int, d: int):
  info = plsc.get_sparse_core_info()
  nc, ns, nl = info.num_cores, info.num_subcores, info.num_lanes
  nw = nc * ns
  assert b == nw * _CB and d % nl == 0 and nl == 16

  mesh = plsc.VectorSubcoreMesh(core_axis_name="c", subcore_axis_name="s")

  @functools.partial(
      pl.kernel,
      mesh=mesh,
      out_type=jax.ShapeDtypeStruct((f, d // 8, b // 128, 8, 128),
                                    jnp.float32),
      compiler_params=pltpu.CompilerParams(
          use_tc_tiling_on_sc=False, needs_layout_passes=False),
      scratch_types=[
          pltpu.VMEM((f, _RPU, _IW), jnp.int32),
          pltpu.VMEM((_CB, d), jnp.float32),
          pltpu.VMEM((_CB, d), jnp.float32),
          pltpu.VMEM((d // 8, _CB // 128, 8, 128), jnp.float32),
          pltpu.VMEM((d // 8, _CB // 128, 8, 128), jnp.float32),
          pltpu.SemaphoreType.DMA,
          pltpu.SemaphoreType.DMA,
          pltpu.SemaphoreType.DMA,
          pltpu.SemaphoreType.DMA,
      ],
  )
  def gather(idx_hbm, table_hbm, out_hbm, idx_all, buf0, buf1, ov0, ov1,
             sg0, sg1, sw0, sw1):
    wid = _worker_id(nc)
    b0 = wid * _CB
    pltpu.sync_copy(idx_hbm.at[:, pl.ds(wid * _RPU, _RPU), :], idx_all)

    bufs, ovs = (buf0, buf1), (ov0, ov1)
    gsems, wsems = (sg0, sg1), (sw0, sw1)
    lane = lax.iota(jnp.int32, nl)
    cols = [(lane + dd) & (d - 1) for dd in range(d)]

    def fire(u, p):
      for r in range(_RPU):
        pltpu.async_copy(
            table_hbm.at[idx_all.at[u, r]],
            bufs[p].at[pl.ds(r * _IW, _IW), :],
            gsems[p],
        )

    def wait(p):
      for r in range(_RPU):
        pltpu.make_async_copy(
            table_hbm.at[idx_all.at[0, r]],
            bufs[p].at[pl.ds(r * _IW, _IW), :],
            gsems[p],
        ).wait()

    tb0 = wid * (_CB // 128)
    tdv = [c >> 3 for c in cols]
    d8v = [c & 7 for c in cols]

    def fire_wb(u, p):
      pltpu.async_copy(
          ovs[p], out_hbm.at[u, :, pl.ds(tb0, _CB // 128), :, :], wsems[p])

    def wait_wb(p):
      pltpu.make_async_copy(
          ovs[p], out_hbm.at[0, :, pl.ds(0, _CB // 128), :, :],
          wsems[p]).wait()

    def transpose(p):
      buf, outv = bufs[p], ovs[p]

      def _tj(j, carry):
        rows = j * nl + lane
        tb = rows >> 7
        b128 = rows & 127
        vals = [plsc.load_gather(buf, [rows, cols[dd]]) for dd in range(d)]
        for dd in range(d):
          plsc.store_scatter(outv, [tdv[dd], tb, d8v[dd], b128], vals[dd])
        return carry

      lax.fori_loop(0, _CB // nl, _tj, 0)

    def unit(u, p, prefetch, first):
      wait(p)

      @pl.when(prefetch)
      def _():
        fire(u + 1, 1 - p)

      @pl.when(jnp.logical_not(first))
      def _():
        wait_wb(p)

      transpose(p)
      fire_wb(u, p)

    npairs = f // 2
    fire(0, 0)

    def body(j, carry):
      unit(2 * j, 0, jnp.bool_(True), j == 0)
      unit(2 * j + 1, 1, j < npairs - 1, j == 0)
      return carry

    lax.fori_loop(0, npairs, body, 0)
    wait_wb(0)
    wait_wb(1)

  return gather


def kernel(ids, table):
  b, f = ids.shape
  v, d = table.shape
  ids3 = ids.T.reshape(f, b // _IW, _IW)
  nfull = (v // _TC) * _TC
  tail_rm = table[nfull:, :].reshape((v - nfull) * d // 128, 128)
  packed = _make_pack(v, d)(table.T, tail_rm)
  table_rm = packed.reshape(v, d)
  out5 = _make_gather(b, f, v, d)(ids3, table_rm)
  return out5.transpose(2, 4, 0, 1, 3).reshape(b, f, d)

# --- scband reference (transcript-rebuilt; emitter-appended) ---
"""Pipeline reference for scband-diamond-embedding-48163763257599 (READ-ONLY COPY).

The authoritative reference and input builder live on the scoring server;
editing this copy changes nothing except your own understanding.
"""

import jax, jax.numpy as jnp
import numpy as np

VOCAB = 1000000
DIM = 32
B = 16384
F = 26


def setup_inputs(seed: int = 0) -> dict:
    key = jax.random.key(seed)
    k1, k2 = jax.random.split(key)
    ids = jax.random.randint(k1, (B, F), 0, VOCAB, dtype=jnp.int32)
    # Dynamic-embedding parameter table (materialized dense as [VOCAB, DIM]).
    # Matches tf.keras.initializers.RandomNormal default stddev=0.05.
    table = jax.random.normal(k2, (VOCAB, DIM), dtype=jnp.float32) * 0.05
    return {"ids": ids, "table": table}


def reference(ids, table):
    # Faithful translation of DynamicEmbedding.call with with_unique=True:
    #   ids_flat = reshape(ids, [-1])
    #   unique_ids, idx = tf.unique(ids_flat)
    #   unique_embeddings = embedding_lookup(params, unique_ids)
    #   embeddings_flat = tf.gather(unique_embeddings, idx)
    #   embeddings = reshape(embeddings_flat, shape(ids) + [embedding_size])
    ids_flat = ids.reshape(-1)
    n = ids_flat.shape[0]
    unique_ids, idx = jnp.unique(ids_flat, return_inverse=True, size=n, fill_value=0)
    idx = idx.reshape(-1)
    unique_embeddings = jnp.take(table, unique_ids, axis=0)
    embeddings_flat = jnp.take(unique_embeddings, idx, axis=0)
    embeddings = embeddings_flat.reshape(ids.shape + (table.shape[1],))
    return embeddings

if __name__ == "__main__":
    import jax
    _d = setup_inputs()
    print(jax.jit(kernel)(*tuple(_d.values())))

</pallas_src>

<mosaic_0001>
#map = affine_map<(d0, d1) -> (0, 0)>
module attributes {stable_mosaic.version = 14 : i64} {
  func.func @pack(%arg0: i32, %arg1: i32, %arg2: memref<32x1000000xf32, #tpu.memory_space<hbm>>, %arg3: memref<16x128xf32, #tpu.memory_space<hbm>>, %arg4: memref<250000x128xf32, #tpu.memory_space<hbm>>, %arg5: memref<32x896xf32, #tpu.memory_space<vmem>>, %arg6: memref<32x896xf32, #tpu.memory_space<vmem>>, %arg7: memref<224x128xf32, #tpu.memory_space<vmem>>, %arg8: memref<224x128xf32, #tpu.memory_space<vmem>>, %arg9: memref<!tpu.dma_semaphore, #tpu.memory_space<semaphore_mem>>, %arg10: memref<!tpu.dma_semaphore, #tpu.memory_space<semaphore_mem>>, %arg11: memref<!tpu.dma_semaphore, #tpu.memory_space<semaphore_mem>>, %arg12: memref<!tpu.dma_semaphore, #tpu.memory_space<semaphore_mem>>) attributes {dimension_semantics = [#tpu.dimension_semantics<core_parallel>, #tpu.dimension_semantics<subcore_parallel>], iteration_bounds = array<i64: 2, 16>, scalar_prefetch = 0 : i64, scratch_operands = 8 : i64, tpu.core_type = #tpu.core_type<sc_vector_subcore>, window_params = [{transform_indices = #map}, {transform_indices = #map}, {transform_indices = #map}]} {
    %mul3A = arith.constant 2 : i32
    %mul3A_0 = arith.muli %arg1, %mul3A : i32
    %add3A = arith.addi %mul3A_0, %arg0 : i32
    %iota3A = tpu.iota {dimensions = array<i32: 0>} : vector<16xi32>
    %add3A_1 = arith.constant 0 : i32
    %add3A_2 = vector.broadcast %add3A_1 : i32 to vector<16xi32>
    %add3A_3 = arith.addi %iota3A, %add3A_2 : vector<16xi32>
    %and3A = arith.constant 31 : i32
    %and3A_4 = vector.broadcast %and3A : i32 to vector<16xi32>
    %and3A_5 = arith.andi %add3A_3, %and3A_4 : vector<16xi32>
    %add3A_6 = arith.constant 1 : i32
    %add3A_7 = vector.broadcast %add3A_6 : i32 to vector<16xi32>
    %add3A_8 = arith.addi %iota3A, %add3A_7 : vector<16xi32>
    %and3A_9 = arith.constant 31 : i32
    %and3A_10 = vector.broadcast %and3A_9 : i32 to vector<16xi32>
    %and3A_11 = arith.andi %add3A_8, %and3A_10 : vector<16xi32>
    %add3A_12 = arith.constant 2 : i32
    %add3A_13 = vector.broadcast %add3A_12 : i32 to vector<16xi32>
    %add3A_14 = arith.addi %iota3A, %add3A_13 : vector<16xi32>
    %and3A_15 = arith.constant 31 : i32
    %and3A_16 = vector.broadcast %and3A_15 : i32 to vector<16xi32>
    %and3A_17 = arith.andi %add3A_14, %and3A_16 : vector<16xi32>
    %add3A_18 = arith.constant 3 : i32
    %add3A_19 = vector.broadcast %add3A_18 : i32 to vector<16xi32>
    %add3A_20 = arith.addi %iota3A, %add3A_19 : vector<16xi32>
    %and3A_21 = arith.constant 31 : i32
    %and3A_22 = vector.broadcast %and3A_21 : i32 to vector<16xi32>
    %and3A_23 = arith.andi %add3A_20, %and3A_22 : vector<16xi32>
    %add3A_24 = arith.constant 4 : i32
    %add3A_25 = vector.broadcast %add3A_24 : i32 to vector<16xi32>
    %add3A_26 = arith.addi %iota3A, %add3A_25 : vector<16xi32>
    %and3A_27 = arith.constant 31 : i32
    %and3A_28 = vector.broadcast %and3A_27 : i32 to vector<16xi32>
    %and3A_29 = arith.andi %add3A_26, %and3A_28 : vector<16xi32>
    %add3A_30 = arith.constant 5 : i32
    %add3A_31 = vector.broadcast %add3A_30 : i32 to vector<16xi32>
    %add3A_32 = arith.addi %iota3A, %add3A_31 : vector<16xi32>
    %and3A_33 = arith.constant 31 : i32
    %and3A_34 = vector.broadcast %and3A_33 : i32 to vector<16xi32>
    %and3A_35 = arith.andi %add3A_32, %and3A_34 : vector<16xi32>
    %add3A_36 = arith.constant 6 : i32
    %add3A_37 = vector.broadcast %add3A_36 : i32 to vector<16xi32>
    %add3A_38 = arith.addi %iota3A, %add3A_37 : vector<16xi32>
    %and3A_39 = arith.constant 31 : i32
    %and3A_40 = vector.broadcast %and3A_39 : i32 to vector<16xi32>
    %and3A_41 = arith.andi %add3A_38, %and3A_40 : vector<16xi32>
    %add3A_42 = arith.constant 7 : i32
    %add3A_43 = vector.broadcast %add3A_42 : i32 to vector<16xi32>
    %add3A_44 = arith.addi %iota3A, %add3A_43 : vector<16xi32>
    %and3A_45 = arith.constant 31 : i32
    %and3A_46 = vector.broadcast %and3A_45 : i32 to vector<16xi32>
    %and3A_47 = arith.andi %add3A_44, %and3A_46 : vector<16xi32>
    %add3A_48 = arith.constant 8 : i32
    %add3A_49 = vector.broadcast %add3A_48 : i32 to vector<16xi32>
    %add3A_50 = arith.addi %iota3A, %add3A_49 : vector<16xi32>
    %and3A_51 = arith.constant 31 : i32
    %and3A_52 = vector.broadcast %and3A_51 : i32 to vector<16xi32>
    %and3A_53 = arith.andi %add3A_50, %and3A_52 : vector<16xi32>
    %add3A_54 = arith.constant 9 : i32
    %add3A_55 = vector.broadcast %add3A_54 : i32 to vector<16xi32>
    %add3A_56 = arith.addi %iota3A, %add3A_55 : vector<16xi32>
    %and3A_57 = arith.constant 31 : i32
    %and3A_58 = vector.broadcast %and3A_57 : i32 to vector<16xi32>
    %and3A_59 = arith.andi %add3A_56, %and3A_58 : vector<16xi32>
    %add3A_60 = arith.constant 10 : i32
    %add3A_61 = vector.broadcast %add3A_60 : i32 to vector<16xi32>
    %add3A_62 = arith.addi %iota3A, %add3A_61 : vector<16xi32>
    %and3A_63 = arith.constant 31 : i32
    %and3A_64 = vector.broadcast %and3A_63 : i32 to vector<16xi32>
    %and3A_65 = arith.andi %add3A_62, %and3A_64 : vector<16xi32>
    %add3A_66 = arith.constant 11 : i32
    %add3A_67 = vector.broadcast %add3A_66 : i32 to vector<16xi32>
    %add3A_68 = arith.addi %iota3A, %add3A_67 : vector<16xi32>
    %and3A_69 = arith.constant 31 : i32
    %and3A_70 = vector.broadcast %and3A_69 : i32 to vector<16xi32>
    %and3A_71 = arith.andi %add3A_68, %and3A_70 : vector<16xi32>
    %add3A_72 = arith.constant 12 : i32
    %add3A_73 = vector.broadcast %add3A_72 : i32 to vector<16xi32>
    %add3A_74 = arith.addi %iota3A, %add3A_73 : vector<16xi32>
    %and3A_75 = arith.constant 31 : i32
    %and3A_76 = vector.broadcast %and3A_75 : i32 to vector<16xi32>
    %and3A_77 = arith.andi %add3A_74, %and3A_76 : vector<16xi32>
    %add3A_78 = arith.constant 13 : i32
    %add3A_79 = vector.broadcast %add3A_78 : i32 to vector<16xi32>
    %add3A_80 = arith.addi %iota3A, %add3A_79 : vector<16xi32>
    %and3A_81 = arith.constant 31 : i32
    %and3A_82 = vector.broadcast %and3A_81 : i32 to vector<16xi32>
    %and3A_83 = arith.andi %add3A_80, %and3A_82 : vector<16xi32>
    %add3A_84 = arith.constant 14 : i32
    %add3A_85 = vector.broadcast %add3A_84 : i32 to vector<16xi32>
    %add3A_86 = arith.addi %iota3A, %add3A_85 : vector<16xi32>
    %and3A_87 = arith.constant 31 : i32
    %and3A_88 = vector.broadcast %and3A_87 : i32 to vector<16xi32>
    %and3A_89 = arith.andi %add3A_86, %and3A_88 : vector<16xi32>
    %add3A_90 = arith.constant 15 : i32
    %add3A_91 = vector.broadcast %add3A_90 : i32 to vector<16xi32>
    %add3A_92 = arith.addi %iota3A, %add3A_91 : vector<16xi32>
    %and3A_93 = arith.constant 31 : i32
    %and3A_94 = vector.broadcast %and3A_93 : i32 to vector<16xi32>
    %and3A_95 = arith.andi %add3A_92, %and3A_94 : vector<16xi32>
    %add3A_96 = arith.constant 16 : i32
    %add3A_97 = vector.broadcast %add3A_96 : i32 to vector<16xi32>
    %add3A_98 = arith.addi %iota3A, %add3A_97 : vector<16xi32>
    %and3A_99 = arith.constant 31 : i32
    %and3A_100 = vector.broadcast %and3A_99 : i32 to vector<16xi32>
    %and3A_101 = arith.andi %add3A_98, %and3A_100 : vector<16xi32>
    %add3A_102 = arith.constant 17 : i32
    %add3A_103 = vector.broadcast %add3A_102 : i32 to vector<16xi32>
    %add3A_104 = arith.addi %iota3A, %add3A_103 : vector<16xi32>
    %and3A_105 = arith.constant 31 : i32
    %and3A_106 = vector.broadcast %and3A_105 : i32 to vector<16xi32>
    %and3A_107 = arith.andi %add3A_104, %and3A_106 : vector<16xi32>
    %add3A_108 = arith.constant 18 : i32
    %add3A_109 = vector.broadcast %add3A_108 : i32 to vector<16xi32>
    %add3A_110 = arith.addi %iota3A, %add3A_109 : vector<16xi32>
    %and3A_111 = arith.constant 31 : i32
    %and3A_112 = vector.broadcast %and3A_111 : i32 to vector<16xi32>
    %and3A_113 = arith.andi %add3A_110, %and3A_112 : vector<16xi32>
    %add3A_114 = arith.constant 19 : i32
    %add3A_115 = vector.broadcast %add3A_114 : i32 to vector<16xi32>
    %add3A_116 = arith.addi %iota3A, %add3A_115 : vector<16xi32>
    %and3A_117 = arith.constant 31 : i32
    %and3A_118 = vector.broadcast %and3A_117 : i32 to vector<16xi32>
    %and3A_119 = arith.andi %add3A_116, %and3A_118 : vector<16xi32>
    %add3A_120 = arith.constant 20 : i32
    %add3A_121 = vector.broadcast %add3A_120 : i32 to vector<16xi32>
    %add3A_122 = arith.addi %iota3A, %add3A_121 : vector<16xi32>
    %and3A_123 = arith.constant 31 : i32
    %and3A_124 = vector.broadcast %and3A_123 : i32 to vector<16xi32>
    %and3A_125 = arith.andi %add3A_122, %and3A_124 : vector<16xi32>
    %add3A_126 = arith.constant 21 : i32
    %add3A_127 = vector.broadcast %add3A_126 : i32 to vector<16xi32>
    %add3A_128 = arith.addi %iota3A, %add3A_127 : vector<16xi32>
    %and3A_129 = arith.constant 31 : i32
    %and3A_130 = vector.broadcast %and3A_129 : i32 to vector<16xi32>
    %and3A_131 = arith.andi %add3A_128, %and3A_130 : vector<16xi32>
    %add3A_132 = arith.constant 22 : i32
    %add3A_133 = vector.broadcast %add3A_132 : i32 to vector<16xi32>
    %add3A_134 = arith.addi %iota3A, %add3A_133 : vector<16xi32>
    %and3A_135 = arith.constant 31 : i32
    %and3A_136 = vector.broadcast %and3A_135 : i32 to vector<16xi32>
    %and3A_137 = arith.andi %add3A_134, %and3A_136 : vector<16xi32>
    %add3A_138 = arith.constant 23 : i32
    %add3A_139 = vector.broadcast %add3A_138 : i32 to vector<16xi32>
    %add3A_140 = arith.addi %iota3A, %add3A_139 : vector<16xi32>
    %and3A_141 = arith.constant 31 : i32
    %and3A_142 = vector.broadcast %and3A_141 : i32 to vector<16xi32>
    %and3A_143 = arith.andi %add3A_140, %and3A_142 : vector<16xi32>
    %add3A_144 = arith.constant 24 : i32
    %add3A_145 = vector.broadcast %add3A_144 : i32 to vector<16xi32>
    %add3A_146 = arith.addi %iota3A, %add3A_145 : vector<16xi32>
    %and3A_147 = arith.constant 31 : i32
    %and3A_148 = vector.broadcast %and3A_147 : i32 to vector<16xi32>
    %and3A_149 = arith.andi %add3A_146, %and3A_148 : vector<16xi32>
    %add3A_150 = arith.constant 25 : i32
    %add3A_151 = vector.broadcast %add3A_150 : i32 to vector<16xi32>
    %add3A_152 = arith.addi %iota3A, %add3A_151 : vector<16xi32>
    %and3A_153 = arith.constant 31 : i32
    %and3A_154 = vector.broadcast %and3A_153 : i32 to vector<16xi32>
    %and3A_155 = arith.andi %add3A_152, %and3A_154 : vector<16xi32>
    %add3A_156 = arith.constant 26 : i32
    %add3A_157 = vector.broadcast %add3A_156 : i32 to vector<16xi32>
    %add3A_158 = arith.addi %iota3A, %add3A_157 : vector<16xi32>
    %and3A_159 = arith.constant 31 : i32
    %and3A_160 = vector.broadcast %and3A_159 : i32 to vector<16xi32>
    %and3A_161 = arith.andi %add3A_158, %and3A_160 : vector<16xi32>
    %add3A_162 = arith.constant 27 : i32
    %add3A_163 = vector.broadcast %add3A_162 : i32 to vector<16xi32>
    %add3A_164 = arith.addi %iota3A, %add3A_163 : vector<16xi32>
    %and3A_165 = arith.constant 31 : i32
    %and3A_166 = vector.broadcast %and3A_165 : i32 to vector<16xi32>
    %and3A_167 = arith.andi %add3A_164, %and3A_166 : vector<16xi32>
    %add3A_168 = arith.constant 28 : i32
    %add3A_169 = vector.broadcast %add3A_168 : i32 to vector<16xi32>
    %add3A_170 = arith.addi %iota3A, %add3A_169 : vector<16xi32>
    %and3A_171 = arith.constant 31 : i32
    %and3A_172 = vector.broadcast %and3A_171 : i32 to vector<16xi32>
    %and3A_173 = arith.andi %add3A_170, %and3A_172 : vector<16xi32>
    %add3A_174 = arith.constant 29 : i32
    %add3A_175 = vector.broadcast %add3A_174 : i32 to vector<16xi32>
    %add3A_176 = arith.addi %iota3A, %add3A_175 : vector<16xi32>
    %and3A_177 = arith.constant 31 : i32
    %and3A_178 = vector.broadcast %and3A_177 : i32 to vector<16xi32>
    %and3A_179 = arith.andi %add3A_176, %and3A_178 : vector<16xi32>
    %add3A_180 = arith.constant 30 : i32
    %add3A_181 = vector.broadcast %add3A_180 : i32 to vector<16xi32>
    %add3A_182 = arith.addi %iota3A, %add3A_181 : vector<16xi32>
    %and3A_183 = arith.constant 31 : i32
    %and3A_184 = vector.broadcast %and3A_183 : i32 to vector<16xi32>
    %and3A_185 = arith.andi %add3A_182, %and3A_184 : vector<16xi32>
    %add3A_186 = arith.constant 31 : i32
    %add3A_187 = vector.broadcast %add3A_186 : i32 to vector<16xi32>
    %add3A_188 = arith.addi %iota3A, %add3A_187 : vector<16xi32>
    %and3A_189 = arith.constant 31 : i32
    %and3A_190 = vector.broadcast %and3A_189 : i32 to vector<16xi32>
    %and3A_191 = arith.andi %add3A_188, %and3A_190 : vector<16xi32>
    %mul3A_192 = arith.constant 896 : i32
    %mul3A_193 = arith.muli %add3A, %mul3A_192 : i32
    %dma_start3A = arith.constant 0 : i32
    %dma_start3A_194 = tpu.memref_slice %arg2[%dma_start3A, %mul3A_193] : memref<32x1000000xf32, #tpu.memory_space<hbm>> -> memref<32x896xf32, #tpu.memory_space<hbm>>
    %dma_start3A_195 = arith.constant 0 : i32
    %dma_start3A_196 = tpu.memref_slice %arg2[%dma_start3A_195, %mul3A_193] : memref<32x1000000xf32, #tpu.memory_space<hbm>> -> memref<32x896xf32, #tpu.memory_space<hbm>>
    tpu.enqueue_dma source(%dma_start3A_196 : memref<32x896xf32, #tpu.memory_space<hbm>>) target(%arg5 : memref<32x896xf32, #tpu.memory_space<vmem>>) target_semaphore(%arg9 : memref<!tpu.dma_semaphore, #tpu.memory_space<semaphore_mem>>)
    %add3A_197 = arith.constant 32 : i32
    %add3A_198 = arith.addi %add3A, %add3A_197 : i32
    %lt3A = arith.constant 1116 : i32
    %lt3A_199 = arith.cmpi slt, %add3A_198, %lt3A : i32
    %convert_element_type3A = arith.extui %lt3A_199 : i1 to i32
    %cond3A = arith.constant 0 : i32
    %cond3A_200 = arith.cmpi ne, %convert_element_type3A, %cond3A : i32
    scf.if %cond3A_200 {
      %add3A_221 = arith.constant 32 : i32
      %add3A_222 = arith.addi %add3A, %add3A_221 : i32
      %mul3A_223 = arith.constant 896 : i32
      %mul3A_224 = arith.muli %add3A_222, %mul3A_223 : i32
      %dma_start3A_225 = arith.constant 0 : i32
      %dma_start3A_226 = tpu.memref_slice %arg2[%dma_start3A_225, %mul3A_224] : memref<32x1000000xf32, #tpu.memory_space<hbm>> -> memref<32x896xf32, #tpu.memory_space<hbm>>
      %dma_start3A_227 = arith.constant 0 : i32
      %dma_start3A_228 = tpu.memref_slice %arg2[%dma_start3A_227, %mul3A_224] : memref<32x1000000xf32, #tpu.memory_space<hbm>> -> memref<32x896xf32, #tpu.memory_space<hbm>>
      tpu.enqueue_dma source(%dma_start3A_228 : memref<32x896xf32, #tpu.memory_space<hbm>>) target(%arg6 : memref<32x896xf32, #tpu.memory_space<vmem>>) target_semaphore(%arg10 : memref<!tpu.dma_semaphore, #tpu.memory_space<semaphore_mem>>)
    } else {
    }
    %scan3A = arith.constant 0 : i32
    %scan3A_201 = arith.constant 0 : i32
    %scan3A_202 = arith.constant 18 : i32
    %scan3A_203 = arith.addi %scan3A_201, %scan3A_202 : i32
    %scan3A_204 = arith.constant 1 : i32
    scf.for %scan3A_221 = %scan3A_201 to %scan3A_203 step %scan3A_204  : i32 {
      %mul3A_222 = arith.constant 2 : i32
      %mul3A_223 = arith.muli %mul3A_222, %scan3A_221 : i32
      %mul3A_224 = arith.constant 32 : i32
      %mul3A_225 = arith.muli %mul3A_223, %mul3A_224 : i32
      %add3A_226 = arith.addi %add3A, %mul3A_225 : i32
      %mul3A_227 = arith.constant 2 : i32
      %mul3A_228 = arith.muli %mul3A_227, %scan3A_221 : i32
      %add3A_229 = arith.constant 1 : i32
      %add3A_230 = arith.addi %mul3A_228, %add3A_229 : i32
      %mul3A_231 = arith.constant 32 : i32
      %mul3A_232 = arith.muli %add3A_230, %mul3A_231 : i32
      %add3A_233 = arith.addi %add3A, %mul3A_232 : i32
      %mul3A_234 = arith.constant 2 : i32
      %mul3A_235 = arith.muli %mul3A_234, %scan3A_221 : i32
      %add3A_236 = arith.constant 2 : i32
      %add3A_237 = arith.addi %mul3A_235, %add3A_236 : i32
      %mul3A_238 = arith.constant 32 : i32
      %mul3A_239 = arith.muli %add3A_237, %mul3A_238 : i32
      %add3A_240 = arith.addi %add3A, %mul3A_239 : i32
      %eq3A_241 = arith.constant 0 : i32
      %eq3A_242 = arith.cmpi eq, %scan3A_221, %eq3A_241 : i32
      %lt3A_243 = arith.constant 1116 : i32
      %lt3A_244 = arith.cmpi slt, %add3A_226, %lt3A_243 : i32
      %convert_element_type3A_245 = arith.extui %lt3A_244 : i1 to i32
      %cond3A_246 = arith.constant 0 : i32
      %cond3A_247 = arith.cmpi ne, %convert_element_type3A_245, %cond3A_246 : i32
      scf.if %cond3A_247 {
        %dma_wait3A_262 = arith.constant 0 : i32
        %dma_wait3A_263 = arith.constant 0 : i32
        %dma_wait3A_264 = tpu.memref_slice %arg2[%dma_wait3A_262, %dma_wait3A_263] : memref<32x1000000xf32, #tpu.memory_space<hbm>> -> memref<32x896xf32, #tpu.memory_space<hbm>>
        %dma_wait3A_265 = arith.constant 0 : i32
        %dma_wait3A_266 = arith.constant 0 : i32
        %dma_wait3A_267 = tpu.memref_slice %arg2[%dma_wait3A_265, %dma_wait3A_266] : memref<32x1000000xf32, #tpu.memory_space<hbm>> -> memref<32x896xf32, #tpu.memory_space<hbm>>
        tpu.wait_dma2 semaphore(%arg9 : memref<!tpu.dma_semaphore, #tpu.memory_space<semaphore_mem>>) src(%dma_wait3A_267 : memref<32x896xf32, #tpu.memory_space<hbm>>) dst(%arg5 : memref<32x896xf32, #tpu.memory_space<vmem>>)
        %not3A = arith.constant true
        %not3A_268 = arith.xori %eq3A_242, %not3A : i1
        %convert_element_type3A_269 = arith.extui %not3A_268 : i1 to i32
        %cond3A_270 = arith.constant 0 : i32
        %cond3A_271 = arith.cmpi ne, %convert_element_type3A_269, %cond3A_270 : i32
        scf.if %cond3A_271 {
          %dma_wait3A_289 = arith.constant 0 : i32
          %dma_wait3A_290 = arith.constant 0 : i32
          %dma_wait3A_291 = tpu.memref_slice %arg4[%dma_wait3A_289, %dma_wait3A_290] : memref<250000x128xf32, #tpu.memory_space<hbm>> -> memref<224x128xf32, #tpu.memory_space<hbm>>
          %dma_wait3A_292 = arith.constant 0 : i32
          %dma_wait3A_293 = arith.constant 0 : i32
          %dma_wait3A_294 = tpu.memref_slice %arg4[%dma_wait3A_292, %dma_wait3A_293] : memref<250000x128xf32, #tpu.memory_space<hbm>> -> memref<224x128xf32, #tpu.memory_space<hbm>>
          tpu.wait_dma2 semaphore(%arg11 : memref<!tpu.dma_semaphore, #tpu.memory_space<semaphore_mem>>) src(%arg7 : memref<224x128xf32, #tpu.memory_space<vmem>>) dst(%dma_wait3A_294 : memref<224x128xf32, #tpu.memory_space<hbm>>)
        } else {
        }
        %scan3A_272 = arith.constant 0 : i32
        %scan3A_273 = arith.constant 0 : i32
        %scan3A_274 = arith.constant 56 : i32
        %scan3A_275 = arith.addi %scan3A_273, %scan3A_274 : i32
        %scan3A_276 = arith.constant 1 : i32
        scf.for %scan3A_289 = %scan3A_273 to %scan3A_275 step %scan3A_276  : i32 {
          %mul3A_290 = arith.constant 16 : i32
          %mul3A_291 = arith.muli %scan3A_289, %mul3A_290 : i32
          %add3A_292 = vector.broadcast %mul3A_291 : i32 to vector<16xi32>
          %add3A_293 = arith.addi %add3A_292, %iota3A : vector<16xi32>
          %shift_right_arithmetic3A = arith.constant 2 : i32
          %shift_right_arithmetic3A_294 = vector.broadcast %shift_right_arithmetic3A : i32 to vector<16xi32>
          %shift_right_arithmetic3A_295 = arith.shrsi %add3A_293, %shift_right_arithmetic3A_294 : vector<16xi32>
          %and3A_296 = arith.constant 3 : i32
          %and3A_297 = vector.broadcast %and3A_296 : i32 to vector<16xi32>
          %and3A_298 = arith.andi %add3A_293, %and3A_297 : vector<16xi32>
          %shift_left3A = arith.constant 5 : i32
          %shift_left3A_299 = vector.broadcast %shift_left3A : i32 to vector<16xi32>
          %shift_left3A_300 = arith.shli %and3A_298, %shift_left3A_299 : vector<16xi32>
          %gather3A = tpu.vector_load_idx %arg5[%and3A_5, %add3A_293] : memref<32x896xf32, #tpu.memory_space<vmem>>[vector<16xi32>, vector<16xi32>], vector<16xf32>,
          %gather3A_301 = tpu.vector_load_idx %arg5[%and3A_11, %add3A_293] : memref<32x896xf32, #tpu.memory_space<vmem>>[vector<16xi32>, vector<16xi32>], vector<16xf32>,
          %gather3A_302 = tpu.vector_load_idx %arg5[%and3A_17, %add3A_293] : memref<32x896xf32, #tpu.memory_space<vmem>>[vector<16xi32>, vector<16xi32>], vector<16xf32>,
          %gather3A_303 = tpu.vector_load_idx %arg5[%and3A_23, %add3A_293] : memref<32x896xf32, #tpu.memory_space<vmem>>[vector<16xi32>, vector<16xi32>], vector<16xf32>,
          %gather3A_304 = tpu.vector_load_idx %arg5[%and3A_29, %add3A_293] : memref<32x896xf32, #tpu.memory_space<vmem>>[vector<16xi32>, vector<16xi32>], vector<16xf32>,
          %gather3A_305 = tpu.vector_load_idx %arg5[%and3A_35, %add3A_293] : memref<32x896xf32, #tpu.memory_space<vmem>>[vector<16xi32>, vector<16xi32>], vector<16xf32>,
          %gather3A_306 = tpu.vector_load_idx %arg5[%and3A_41, %add3A_293] : memref<32x896xf32, #tpu.memory_space<vmem>>[vector<16xi32>, vector<16xi32>], vector<16xf32>,
          %gather3A_307 = tpu.vector_load_idx %arg5[%and3A_47, %add3A_293] : memref<32x896xf32, #tpu.memory_space<vmem>>[vector<16xi32>, vector<16xi32>], vector<16xf32>,
          %gather3A_308 = tpu.vector_load_idx %arg5[%and3A_53, %add3A_293] : memref<32x896xf32, #tpu.memory_space<vmem>>[vector<16xi32>, vector<16xi32>], vector<16xf32>,
          %gather3A_309 = tpu.vector_load_idx %arg5[%and3A_59, %add3A_293] : memref<32x896xf32, #tpu.memory_space<vmem>>[vector<16xi32>, vector<16xi32>], vector<16xf32>,
          %gather3A_310 = tpu.vector_load_idx %arg5[%and3A_65, %add3A_293] : memref<32x896xf32, #tpu.memory_space<vmem>>[vector<16xi32>, vector<16xi32>], vector<16xf32>,
          %gather3A_311 = tpu.vector_load_idx %arg5[%and3A_71, %add3A_293] : memref<32x896xf32, #tpu.memory_space<vmem>>[vector<16xi32>, vector<16xi32>], vector<16xf32>,
          %gather3A_312 = tpu.vector_load_idx %arg5[%and3A_77, %add3A_293] : memref<32x896xf32, #tpu.memory_space<vmem>>[vector<16xi32>, vector<16xi32>], vector<16xf32>,
          %gather3A_313 = tpu.vector_load_idx %arg5[%and3A_83, %add3A_293] : memref<32x896xf32, #tpu.memory_space<vmem>>[vector<16xi32>, vector<16xi32>], vector<16xf32>,
          %gather3A_314 = tpu.vector_load_idx %arg5[%and3A_89, %add3A_293] : memref<32x896xf32, #tpu.memory_space<vmem>>[vector<16xi32>, vector<16xi32>], vector<16xf32>,
          %gather3A_315 = tpu.vector_load_idx %arg5[%and3A_95, %add3A_293] : memref<32x896xf32, #tpu.memory_space<vmem>>[vector<16xi32>, vector<16xi32>], vector<16xf32>,
          %gather3A_316 = tpu.vector_load_idx %arg5[%and3A_101, %add3A_293] : memref<32x896xf32, #tpu.memory_space<vmem>>[vector<16xi32>, vector<16xi32>], vector<16xf32>,
          %gather3A_317 = tpu.vector_load_idx %arg5[%and3A_107, %add3A_293] : memref<32x896xf32, #tpu.memory_space<vmem>>[vector<16xi32>, vector<16xi32>], vector<16xf32>,
          %gather3A_318 = tpu.vector_load_idx %arg5[%and3A_113, %add3A_293] : memref<32x896xf32, #tpu.memory_space<vmem>>[vector<16xi32>, vector<16xi32>], vector<16xf32>,
          %gather3A_319 = tpu.vector_load_idx %arg5[%and3A_119, %add3A_293] : memref<32x896xf32, #tpu.memory_space<vmem>>[vector<16xi32>, vector<16xi32>], vector<16xf32>,
          %gather3A_320 = tpu.vector_load_idx %arg5[%and3A_125, %add3A_293] : memref<32x896xf32, #tpu.memory_space<vmem>>[vector<16xi32>, vector<16xi32>], vector<16xf32>,
          %gather3A_321 = tpu.vector_load_idx %arg5[%and3A_131, %add3A_293] : memref<32x896xf32, #tpu.memory_space<vmem>>[vector<16xi32>, vector<16xi32>], vector<16xf32>,
          %gather3A_322 = tpu.vector_load_idx %arg5[%and3A_137, %add3A_293] : memref<32x896xf32, #tpu.memory_space<vmem>>[vector<16xi32>, vector<16xi32>], vector<16xf32>,
          %gather3A_323 = tpu.vector_load_idx %arg5[%and3A_143, %add3A_293] : memref<32x896xf32, #tpu.memory_space<vmem>>[vector<16xi32>, vector<16xi32>], vector<16xf32>,
          %gather3A_324 = tpu.vector_load_idx %arg5[%and3A_149, %add3A_293] : memref<32x896xf32, #tpu.memory_space<vmem>>[vector<16xi32>, vector<16xi32>], vector<16xf32>,
          %gather3A_325 = tpu.vector_load_idx %arg5[%and3A_155, %add3A_293] : memref<32x896xf32, #tpu.memory_space<vmem>>[vector<16xi32>, vector<16xi32>], vector<16xf32>,
          %gather3A_326 = tpu.vector_load_idx %arg5[%and3A_161, %add3A_293] : memref<32x896xf32, #tpu.memory_space<vmem>>[vector<16xi32>, vector<16xi32>], vector<16xf32>,
          %gather3A_327 = tpu.vector_load_idx %arg5[%and3A_167, %add3A_293] : memref<32x896xf32, #tpu.memory_space<vmem>>[vector<16xi32>, vector<16xi32>], vector<16xf32>,
          %gather3A_328 = tpu.vector_load_idx %arg5[%and3A_173, %add3A_293] : memref<32x896xf32, #tpu.memory_space<vmem>>[vector<16xi32>, vector<16xi32>], vector<16xf32>,
          %gather3A_329 = tpu.vector_load_idx %arg5[%and3A_179, %add3A_293] : memref<32x896xf32, #tpu.memory_space<vmem>>[vector<16xi32>, vector<16xi32>], vector<16xf32>,
          %gather3A_330 = tpu.vector_load_idx %arg5[%and3A_185, %add3A_293] : memref<32x896xf32, #tpu.memory_space<vmem>>[vector<16xi32>, vector<16xi32>], vector<16xf32>,
          %gather3A_331 = tpu.vector_load_idx %arg5[%and3A_191, %add3A_293] : memref<32x896xf32, #tpu.memory_space<vmem>>[vector<16xi32>, vector<16xi32>], vector<16xf32>,
          %add3A_332 = arith.addi %shift_left3A_300, %and3A_5 : vector<16xi32>
          tpu.vector_store_idx %arg7[%shift_right_arithmetic3A_295, %add3A_332], %gather3A : memref<224x128xf32, #tpu.memory_space<vmem>>[vector<16xi32>, vector<16xi32>], vector<16xf32>,
          %add3A_333 = arith.addi %shift_left3A_300, %and3A_11 : vector<16xi32>
          tpu.vector_store_idx %arg7[%shift_right_arithmetic3A_295, %add3A_333], %gather3A_301 : memref<224x128xf32, #tpu.memory_space<vmem>>[vector<16xi32>, vector<16xi32>], vector<16xf32>,
          %add3A_334 = arith.addi %shift_left3A_300, %and3A_17 : vector<16xi32>
          tpu.vector_store_idx %arg7[%shift_right_arithmetic3A_295, %add3A_334], %gather3A_302 : memref<224x128xf32, #tpu.memory_space<vmem>>[vector<16xi32>, vector<16xi32>], vector<16xf32>,
          %add3A_335 = arith.addi %shift_left3A_300, %and3A_23 : vector<16xi32>
          tpu.vector_store_idx %arg7[%shift_right_arithmetic3A_295, %add3A_335], %gather3A_303 : memref<224x128xf32, #tpu.memory_space<vmem>>[vector<16xi32>, vector<16xi32>], vector<16xf32>,
          %add3A_336 = arith.addi %shift_left3A_300, %and3A_29 : vector<16xi32>
          tpu.vector_store_idx %arg7[%shift_right_arithmetic3A_295, %add3A_336], %gather3A_304 : memref<224x128xf32, #tpu.memory_space<vmem>>[vector<16xi32>, vector<16xi32>], vector<16xf32>,
          %add3A_337 = arith.addi %shift_left3A_300, %and3A_35 : vector<16xi32>
          tpu.vector_store_idx %arg7[%shift_right_arithmetic3A_295, %add3A_337], %gather3A_305 : memref<224x128xf32, #tpu.memory_space<vmem>>[vector<16xi32>, vector<16xi32>], vector<16xf32>,
          %add3A_338 = arith.addi %shift_left3A_300, %and3A_41 : vector<16xi32>
          tpu.vector_store_idx %arg7[%shift_right_arithmetic3A_295, %add3A_338], %gather3A_306 : memref<224x128xf32, #tpu.memory_space<vmem>>[vector<16xi32>, vector<16xi32>], vector<16xf32>,
          %add3A_339 = arith.addi %shift_left3A_300, %and3A_47 : vector<16xi32>
          tpu.vector_store_idx %arg7[%shift_right_arithmetic3A_295, %add3A_339], %gather3A_307 : memref<224x128xf32, #tpu.memory_space<vmem>>[vector<16xi32>, vector<16xi32>], vector<16xf32>,
          %add3A_340 = arith.addi %shift_left3A_300, %and3A_53 : vector<16xi32>
          tpu.vector_store_idx %arg7[%shift_right_arithmetic3A_295, %add3A_340], %gather3A_308 : memref<224x128xf32, #tpu.memory_space<vmem>>[vector<16xi32>, vector<16xi32>], vector<16xf32>,
          %add3A_341 = arith.addi %shift_left3A_300, %and3A_59 : vector<16xi32>
          tpu.vector_store_idx %arg7[%shift_right_arithmetic3A_295, %add3A_341], %gather3A_309 : memref<224x128xf32, #tpu.memory_space<vmem>>[vector<16xi32>, vector<16xi32>], vector<16xf32>,
          %add3A_342 = arith.addi %shift_left3A_300, %and3A_65 : vector<16xi32>
          tpu.vector_store_idx %arg7[%shift_right_arithmetic3A_295, %add3A_342], %gather3A_310 : memref<224x128xf32, #tpu.memory_space<vmem>>[vector<16xi32>, vector<16xi32>], vector<16xf32>,
          %add3A_343 = arith.addi %shift_left3A_300, %and3A_71 : vector<16xi32>
          tpu.vector_store_idx %arg7[%shift_right_arithmetic3A_295, %add3A_343], %gather3A_311 : memref<224x128xf32, #tpu.memory_space<vmem>>[vector<16xi32>, vector<16xi32>], vector<16xf32>,
          %add3A_344 = arith.addi %shift_left3A_300, %and3A_77 : vector<16xi32>
          tpu.vector_store_idx %arg7[%shift_right_arithmetic3A_295, %add3A_344], %gather3A_312 : memref<224x128xf32, #tpu.memory_space<vmem>>[vector<16xi32>, vector<16xi32>], vector<16xf32>,
          %add3A_345 = arith.addi %shift_left3A_300, %and3A_83 : vector<16xi32>
          tpu.vector_store_idx %arg7[%shift_right_arithmetic3A_295, %add3A_345], %gather3A_313 : memref<224x128xf32, #tpu.memory_space<vmem>>[vector<16xi32>, vector<16xi32>], vector<16xf32>,
          %add3A_346 = arith.addi %shift_left3A_300, %and3A_89 : vector<16xi32>
          tpu.vector_store_idx %arg7[%shift_right_arithmetic3A_295, %add3A_346], %gather3A_314 : memref<224x128xf32, #tpu.memory_space<vmem>>[vector<16xi32>, vector<16xi32>], vector<16xf32>,
          %add3A_347 = arith.addi %shift_left3A_300, %and3A_95 : vector<16xi32>
          tpu.vector_store_idx %arg7[%shift_right_arithmetic3A_295, %add3A_347], %gather3A_315 : memref<224x128xf32, #tpu.memory_space<vmem>>[vector<16xi32>, vector<16xi32>], vector<16xf32>,
          %add3A_348 = arith.addi %shift_left3A_300, %and3A_101 : vector<16xi32>
          tpu.vector_store_idx %arg7[%shift_right_arithmetic3A_295, %add3A_348], %gather3A_316 : memref<224x128xf32, #tpu.memory_space<vmem>>[vector<16xi32>, vector<16xi32>], vector<16xf32>,
          %add3A_349 = arith.addi %shift_left3A_300, %and3A_107 : vector<16xi32>
          tpu.vector_store_idx %arg7[%shift_right_arithmetic3A_295, %add3A_349], %gather3A_317 : memref<224x128xf32, #tpu.memory_space<vmem>>[vector<16xi32>, vector<16xi32>], vector<16xf32>,
          %add3A_350 = arith.addi %shift_left3A_300, %and3A_113 : vector<16xi32>
          tpu.vector_store_idx %arg7[%shift_right_arithmetic3A_295, %add3A_350], %gather3A_318 : memref<224x128xf32, #tpu.memory_space<vmem>>[vector<16xi32>, vector<16xi32>], vector<16xf32>,
          %add3A_351 = arith.addi %shift_left3A_300, %and3A_119 : vector<16xi32>
          tpu.vector_store_idx %arg7[%shift_right_arithmetic3A_295, %add3A_351], %gather3A_319 : memref<224x128xf32, #tpu.memory_space<vmem>>[vector<16xi32>, vector<16xi32>], vector<16xf32>,
          %add3A_352 = arith.addi %shift_left3A_300, %and3A_125 : vector<16xi32>
          tpu.vector_store_idx %arg7[%shift_right_arithmetic3A_295, %add3A_352], %gather3A_320 : memref<224x128xf32, #tpu.memory_space<vmem>>[vector<16xi32>, vector<16xi32>], vector<16xf32>,
          %add3A_353 = arith.addi %shift_left3A_300, %and3A_131 : vector<16xi32>
          tpu.vector_store_idx %arg7[%shift_right_arithmetic3A_295, %add3A_353], %gather3A_321 : memref<224x128xf32, #tpu.memory_space<vmem>>[vector<16xi32>, vector<16xi32>], vector<16xf32>,
          %add3A_354 = arith.addi %shift_left3A_300, %and3A_137 : vector<16xi32>
          tpu.vector_store_idx %arg7[%shift_right_arithmetic3A_295, %add3A_354], %gather3A_322 : memref<224x128xf32, #tpu.memory_space<vmem>>[vector<16xi32>, vector<16xi32>], vector<16xf32>,
          %add3A_355 = arith.addi %shift_left3A_300, %and3A_143 : vector<16xi32>
          tpu.vector_store_idx %arg7[%shift_right_arithmetic3A_295, %add3A_355], %gather3A_323 : memref<224x128xf32, #tpu.memory_space<vmem>>[vector<16xi32>, vector<16xi32>], vector<16xf32>,
          %add3A_356 = arith.addi %shift_left3A_300, %and3A_149 : vector<16xi32>
          tpu.vector_store_idx %arg7[%shift_right_arithmetic3A_295, %add3A_356], %gather3A_324 : memref<224x128xf32, #tpu.memory_space<vmem>>[vector<16xi32>, vector<16xi32>], vector<16xf32>,
          %add3A_357 = arith.addi %shift_left3A_300, %and3A_155 : vector<16xi32>
          tpu.vector_store_idx %arg7[%shift_right_arithmetic3A_295, %add3A_357], %gather3A_325 : memref<224x128xf32, #tpu.memory_space<vmem>>[vector<16xi32>, vector<16xi32>], vector<16xf32>,
          %add3A_358 = arith.addi %shift_left3A_300, %and3A_161 : vector<16xi32>
          tpu.vector_store_idx %arg7[%shift_right_arithmetic3A_295, %add3A_358], %gather3A_326 : memref<224x128xf32, #tpu.memory_space<vmem>>[vector<16xi32>, vector<16xi32>], vector<16xf32>,
          %add3A_359 = arith.addi %shift_left3A_300, %and3A_167 : vector<16xi32>
          tpu.vector_store_idx %arg7[%shift_right_arithmetic3A_295, %add3A_359], %gather3A_327 : memref<224x128xf32, #tpu.memory_space<vmem>>[vector<16xi32>, vector<16xi32>], vector<16xf32>,
          %add3A_360 = arith.addi %shift_left3A_300, %and3A_173 : vector<16xi32>
          tpu.vector_store_idx %arg7[%shift_right_arithmetic3A_295, %add3A_360], %gather3A_328 : memref<224x128xf32, #tpu.memory_space<vmem>>[vector<16xi32>, vector<16xi32>], vector<16xf32>,
          %add3A_361 = arith.addi %shift_left3A_300, %and3A_179 : vector<16xi32>
          tpu.vector_store_idx %arg7[%shift_right_arithmetic3A_295, %add3A_361], %gather3A_329 : memref<224x128xf32, #tpu.memory_space<vmem>>[vector<16xi32>, vector<16xi32>], vector<16xf32>,
          %add3A_362 = arith.addi %shift_left3A_300, %and3A_185 : vector<16xi32>
          tpu.vector_store_idx %arg7[%shift_right_arithmetic3A_295, %add3A_362], %gather3A_330 : memref<224x128xf32, #tpu.memory_space<vmem>>[vector<16xi32>, vector<16xi32>], vector<16xf32>,
          %add3A_363 = arith.addi %shift_left3A_300, %and3A_191 : vector<16xi32>
          tpu.vector_store_idx %arg7[%shift_right_arithmetic3A_295, %add3A_363], %gather3A_331 : memref<224x128xf32, #tpu.memory_space<vmem>>[vector<16xi32>, vector<16xi32>], vector<16xf32>,
        }
        %scan3A_277 = arith.constant 56 : i32
        %mul3A_278 = arith.constant 224 : i32
        %mul3A_279 = arith.muli %add3A_226, %mul3A_278 : i32
        %dma_start3A_280 = arith.constant 0 : i32
        %dma_start3A_281 = tpu.memref_slice %arg4[%mul3A_279, %dma_start3A_280] : memref<250000x128xf32, #tpu.memory_space<hbm>> -> memref<224x128xf32, #tpu.memory_space<hbm>>
        %dma_start3A_282 = arith.constant 0 : i32
        %dma_start3A_283 = tpu.memref_slice %arg4[%mul3A_279, %dma_start3A_282] : memref<250000x128xf32, #tpu.memory_space<hbm>> -> memref<224x128xf32, #tpu.memory_space<hbm>>
        tpu.enqueue_dma source(%arg7 : memref<224x128xf32, #tpu.memory_space<vmem>>) target(%dma_start3A_283 : memref<224x128xf32, #tpu.memory_space<hbm>>) target_semaphore(%arg11 : memref<!tpu.dma_semaphore, #tpu.memory_space<semaphore_mem>>)
        %lt3A_284 = arith.constant 1116 : i32
        %lt3A_285 = arith.cmpi slt, %add3A_240, %lt3A_284 : i32
        %convert_element_type3A_286 = arith.extui %lt3A_285 : i1 to i32
        %cond3A_287 = arith.constant 0 : i32
        %cond3A_288 = arith.cmpi ne, %convert_element_type3A_286, %cond3A_287 : i32
        scf.if %cond3A_288 {
          %mul3A_289 = arith.constant 896 : i32
          %mul3A_290 = arith.muli %add3A_240, %mul3A_289 : i32
          %dma_start3A_291 = arith.constant 0 : i32
          %dma_start3A_292 = tpu.memref_slice %arg2[%dma_start3A_291, %mul3A_290] : memref<32x1000000xf32, #tpu.memory_space<hbm>> -> memref<32x896xf32, #tpu.memory_space<hbm>>
          %dma_start3A_293 = arith.constant 0 : i32
          %dma_start3A_294 = tpu.memref_slice %arg2[%dma_start3A_293, %mul3A_290] : memref<32x1000000xf32, #tpu.memory_space<hbm>> -> memref<32x896xf32, #tpu.memory_space<hbm>>
          tpu.enqueue_dma source(%dma_start3A_294 : memref<32x896xf32, #tpu.memory_space<hbm>>) target(%arg5 : memref<32x896xf32, #tpu.memory_space<vmem>>) target_semaphore(%arg9 : memref<!tpu.dma_semaphore, #tpu.memory_space<semaphore_mem>>)
        } else {
        }
      } else {
      }
      %mul3A_248 = arith.constant 2 : i32
      %mul3A_249 = arith.muli %mul3A_248, %scan3A_221 : i32
      %add3A_250 = arith.constant 3 : i32
      %add3A_251 = arith.addi %mul3A_249, %add3A_250 : i32
      %mul3A_252 = arith.constant 32 : i32
      %mul3A_253 = arith.muli %add3A_251, %mul3A_252 : i32
      %add3A_254 = arith.addi %add3A, %mul3A_253 : i32
      %eq3A_255 = arith.constant 0 : i32
      %eq3A_256 = arith.cmpi eq, %scan3A_221, %eq3A_255 : i32
      %lt3A_257 = arith.constant 1116 : i32
      %lt3A_258 = arith.cmpi slt, %add3A_233, %lt3A_257 : i32
      %convert_element_type3A_259 = arith.extui %lt3A_258 : i1 to i32
      %cond3A_260 = arith.constant 0 : i32
      %cond3A_261 = arith.cmpi ne, %convert_element_type3A_259, %cond3A_260 : i32
      scf.if %cond3A_261 {
        %dma_wait3A_262 = arith.constant 0 : i32
        %dma_wait3A_263 = arith.constant 0 : i32
        %dma_wait3A_264 = tpu.memref_slice %arg2[%dma_wait3A_262, %dma_wait3A_263] : memref<32x1000000xf32, #tpu.memory_space<hbm>> -> memref<32x896xf32, #tpu.memory_space<hbm>>
        %dma_wait3A_265 = arith.constant 0 : i32
        %dma_wait3A_266 = arith.constant 0 : i32
        %dma_wait3A_267 = tpu.memref_slice %arg2[%dma_wait3A_265, %dma_wait3A_266] : memref<32x1000000xf32, #tpu.memory_space<hbm>> -> memref<32x896xf32, #tpu.memory_space<hbm>>
        tpu.wait_dma2 semaphore(%arg10 : memref<!tpu.dma_semaphore, #tpu.memory_space<semaphore_mem>>) src(%dma_wait3A_267 : memref<32x896xf32, #tpu.memory_space<hbm>>) dst(%arg6 : memref<32x896xf32, #tpu.memory_space<vmem>>)
        %not3A = arith.constant true
        %not3A_268 = arith.xori %eq3A_256, %not3A : i1
        %convert_element_type3A_269 = arith.extui %not3A_268 : i1 to i32
        %cond3A_270 = arith.constant 0 : i32
        %cond3A_271 = arith.cmpi ne, %convert_element_type3A_269, %cond3A_270 : i32
        scf.if %cond3A_271 {
          %dma_wait3A_289 = arith.constant 0 : i32
          %dma_wait3A_290 = arith.constant 0 : i32
          %dma_wait3A_291 = tpu.memref_slice %arg4[%dma_wait3A_289, %dma_wait3A_290] : memref<250000x128xf32, #tpu.memory_space<hbm>> -> memref<224x128xf32, #tpu.memory_space<hbm>>
          %dma_wait3A_292 = arith.constant 0 : i32
          %dma_wait3A_293 = arith.constant 0 : i32
          %dma_wait3A_294 = tpu.memref_slice %arg4[%dma_wait3A_292, %dma_wait3A_293] : memref<250000x128xf32, #tpu.memory_space<hbm>> -> memref<224x128xf32, #tpu.memory_space<hbm>>
          tpu.wait_dma2 semaphore(%arg12 : memref<!tpu.dma_semaphore, #tpu.memory_space<semaphore_mem>>) src(%arg8 : memref<224x128xf32, #tpu.memory_space<vmem>>) dst(%dma_wait3A_294 : memref<224x128xf32, #tpu.memory_space<hbm>>)
        } else {
        }
        %scan3A_272 = arith.constant 0 : i32
        %scan3A_273 = arith.constant 0 : i32
        %scan3A_274 = arith.constant 56 : i32
        %scan3A_275 = arith.addi %scan3A_273, %scan3A_274 : i32
        %scan3A_276 = arith.constant 1 : i32
        scf.for %scan3A_289 = %scan3A_273 to %scan3A_275 step %scan3A_276  : i32 {
          %mul3A_290 = arith.constant 16 : i32
          %mul3A_291 = arith.muli %scan3A_289, %mul3A_290 : i32
          %add3A_292 = vector.broadcast %mul3A_291 : i32 to vector<16xi32>
          %add3A_293 = arith.addi %add3A_292, %iota3A : vector<16xi32>
          %shift_right_arithmetic3A = arith.constant 2 : i32
          %shift_right_arithmetic3A_294 = vector.broadcast %shift_right_arithmetic3A : i32 to vector<16xi32>
          %shift_right_arithmetic3A_295 = arith.shrsi %add3A_293, %shift_right_arithmetic3A_294 : vector<16xi32>
          %and3A_296 = arith.constant 3 : i32
          %and3A_297 = vector.broadcast %and3A_296 : i32 to vector<16xi32>
          %and3A_298 = arith.andi %add3A_293, %and3A_297 : vector<16xi32>
          %shift_left3A = arith.constant 5 : i32
          %shift_left3A_299 = vector.broadcast %shift_left3A : i32 to vector<16xi32>
          %shift_left3A_300 = arith.shli %and3A_298, %shift_left3A_299 : vector<16xi32>
          %gather3A = tpu.vector_load_idx %arg6[%and3A_5, %add3A_293] : memref<32x896xf32, #tpu.memory_space<vmem>>[vector<16xi32>, vector<16xi32>], vector<16xf32>,
          %gather3A_301 = tpu.vector_load_idx %arg6[%and3A_11, %add3A_293] : memref<32x896xf32, #tpu.memory_space<vmem>>[vector<16xi32>, vector<16xi32>], vector<16xf32>,
          %gather3A_302 = tpu.vector_load_idx %arg6[%and3A_17, %add3A_293] : memref<32x896xf32, #tpu.memory_space<vmem>>[vector<16xi32>, vector<16xi32>], vector<16xf32>,
          %gather3A_303 = tpu.vector_load_idx %arg6[%and3A_23, %add3A_293] : memref<32x896xf32, #tpu.memory_space<vmem>>[vector<16xi32>, vector<16xi32>], vector<16xf32>,
          %gather3A_304 = tpu.vector_load_idx %arg6[%and3A_29, %add3A_293] : memref<32x896xf32, #tpu.memory_space<vmem>>[vector<16xi32>, vector<16xi32>], vector<16xf32>,
          %gather3A_305 = tpu.vector_load_idx %arg6[%and3A_35, %add3A_293] : memref<32x896xf32, #tpu.memory_space<vmem>>[vector<16xi32>, vector<16xi32>], vector<16xf32>,
          %gather3A_306 = tpu.vector_load_idx %arg6[%and3A_41, %add3A_293] : memref<32x896xf32, #tpu.memory_space<vmem>>[vector<16xi32>, vector<16xi32>], vector<16xf32>,
          %gather3A_307 = tpu.vector_load_idx %arg6[%and3A_47, %add3A_293] : memref<32x896xf32, #tpu.memory_space<vmem>>[vector<16xi32>, vector<16xi32>], vector<16xf32>,
          %gather3A_308 = tpu.vector_load_idx %arg6[%and3A_53, %add3A_293] : memref<32x896xf32, #tpu.memory_space<vmem>>[vector<16xi32>, vector<16xi32>], vector<16xf32>,
          %gather3A_309 = tpu.vector_load_idx %arg6[%and3A_59, %add3A_293] : memref<32x896xf32, #tpu.memory_space<vmem>>[vector<16xi32>, vector<16xi32>], vector<16xf32>,
          %gather3A_310 = tpu.vector_load_idx %arg6[%and3A_65, %add3A_293] : memref<32x896xf32, #tpu.memory_space<vmem>>[vector<16xi32>, vector<16xi32>], vector<16xf32>,
          %gather3A_311 = tpu.vector_load_idx %arg6[%and3A_71, %add3A_293] : memref<32x896xf32, #tpu.memory_space<vmem>>[vector<16xi32>, vector<16xi32>], vector<16xf32>,
          %gather3A_312 = tpu.vector_load_idx %arg6[%and3A_77, %add3A_293] : memref<32x896xf32, #tpu.memory_space<vmem>>[vector<16xi32>, vector<16xi32>], vector<16xf32>,
          %gather3A_313 = tpu.vector_load_idx %arg6[%and3A_83, %add3A_293] : memref<32x896xf32, #tpu.memory_space<vmem>>[vector<16xi32>, vector<16xi32>], vector<16xf32>,
          %gather3A_314 = tpu.vector_load_idx %arg6[%and3A_89, %add3A_293] : memref<32x896xf32, #tpu.memory_space<vmem>>[vector<16xi32>, vector<16xi32>], vector<16xf32>,
          %gather3A_315 = tpu.vector_load_idx %arg6[%and3A_95, %add3A_293] : memref<32x896xf32, #tpu.memory_space<vmem>>[vector<16xi32>, vector<16xi32>], vector<16xf32>,
          %gather3A_316 = tpu.vector_load_idx %arg6[%and3A_101, %add3A_293] : memref<32x896xf32, #tpu.memory_space<vmem>>[vector<16xi32>, vector<16xi32>], vector<16xf32>,
          %gather3A_317 = tpu.vector_load_idx %arg6[%and3A_107, %add3A_293] : memref<32x896xf32, #tpu.memory_space<vmem>>[vector<16xi32>, vector<16xi32>], vector<16xf32>,
          %gather3A_318 = tpu.vector_load_idx %arg6[%and3A_113, %add3A_293] : memref<32x896xf32, #tpu.memory_space<vmem>>[vector<16xi32>, vector<16xi32>], vector<16xf32>,
          %gather3A_319 = tpu.vector_load_idx %arg6[%and3A_119, %add3A_293] : memref<32x896xf32, #tpu.memory_space<vmem>>[vector<16xi32>, vector<16xi32>], vector<16xf32>,
          %gather3A_320 = tpu.vector_load_idx %arg6[%and3A_125, %add3A_293] : memref<32x896xf32, #tpu.memory_space<vmem>>[vector<16xi32>, vector<16xi32>], vector<16xf32>,
          %gather3A_321 = tpu.vector_load_idx %arg6[%and3A_131, %add3A_293] : memref<32x896xf32, #tpu.memory_space<vmem>>[vector<16xi32>, vector<16xi32>], vector<16xf32>,
          %gather3A_322 = tpu.vector_load_idx %arg6[%and3A_137, %add3A_293] : memref<32x896xf32, #tpu.memory_space<vmem>>[vector<16xi32>, vector<16xi32>], vector<16xf32>,
          %gather3A_323 = tpu.vector_load_idx %arg6[%and3A_143, %add3A_293] : memref<32x896xf32, #tpu.memory_space<vmem>>[vector<16xi32>, vector<16xi32>], vector<16xf32>,
          %gather3A_324 = tpu.vector_load_idx %arg6[%and3A_149, %add3A_293] : memref<32x896xf32, #tpu.memory_space<vmem>>[vector<16xi32>, vector<16xi32>], vector<16xf32>,
          %gather3A_325 = tpu.vector_load_idx %arg6[%and3A_155, %add3A_293] : memref<32x896xf32, #tpu.memory_space<vmem>>[vector<16xi32>, vector<16xi32>], vector<16xf32>,
          %gather3A_326 = tpu.vector_load_idx %arg6[%and3A_161, %add3A_293] : memref<32x896xf32, #tpu.memory_space<vmem>>[vector<16xi32>, vector<16xi32>], vector<16xf32>,
          %gather3A_327 = tpu.vector_load_idx %arg6[%and3A_167, %add3A_293] : memref<32x896xf32, #tpu.memory_space<vmem>>[vector<16xi32>, vector<16xi32>], vector<16xf32>,
          %gather3A_328 = tpu.vector_load_idx %arg6[%and3A_173, %add3A_293] : memref<32x896xf32, #tpu.memory_space<vmem>>[vector<16xi32>, vector<16xi32>], vector<16xf32>,
          %gather3A_329 = tpu.vector_load_idx %arg6[%and3A_179, %add3A_293] : memref<32x896xf32, #tpu.memory_space<vmem>>[vector<16xi32>, vector<16xi32>], vector<16xf32>,
          %gather3A_330 = tpu.vector_load_idx %arg6[%and3A_185, %add3A_293] : memref<32x896xf32, #tpu.memory_space<vmem>>[vector<16xi32>, vector<16xi32>], vector<16xf32>,
          %gather3A_331 = tpu.vector_load_idx %arg6[%and3A_191, %add3A_293] : memref<32x896xf32, #tpu.memory_space<vmem>>[vector<16xi32>, vector<16xi32>], vector<16xf32>,
          %add3A_332 = arith.addi %shift_left3A_300, %and3A_5 : vector<16xi32>
          tpu.vector_store_idx %arg8[%shift_right_arithmetic3A_295, %add3A_332], %gather3A : memref<224x128xf32, #tpu.memory_space<vmem>>[vector<16xi32>, vector<16xi32>], vector<16xf32>,
          %add3A_333 = arith.addi %shift_left3A_300, %and3A_11 : vector<16xi32>
          tpu.vector_store_idx %arg8[%shift_right_arithmetic3A_295, %add3A_333], %gather3A_301 : memref<224x128xf32, #tpu.memory_space<vmem>>[vector<16xi32>, vector<16xi32>], vector<16xf32>,
          %add3A_334 = arith.addi %shift_left3A_300, %and3A_17 : vector<16xi32>
          tpu.vector_store_idx %arg8[%shift_right_arithmetic3A_295, %add3A_334], %gather3A_302 : memref<224x128xf32, #tpu.memory_space<vmem>>[vector<16xi32>, vector<16xi32>], vector<16xf32>,
          %add3A_335 = arith.addi %shift_left3A_300, %and3A_23 : vector<16xi32>
          tpu.vector_store_idx %arg8[%shift_right_arithmetic3A_295, %add3A_335], %gather3A_303 : memref<224x128xf32, #tpu.memory_space<vmem>>[vector<16xi32>, vector<16xi32>], vector<16xf32>,
          %add3A_336 = arith.addi %shift_left3A_300, %and3A_29 : vector<16xi32>
          tpu.vector_store_idx %arg8[%shift_right_arithmetic3A_295, %add3A_336], %gather3A_304 : memref<224x128xf32, #tpu.memory_space<vmem>>[vector<16xi32>, vector<16xi32>], vector<16xf32>,
          %add3A_337 = arith.addi %shift_left3A_300, %and3A_35 : vector<16xi32>
          tpu.vector_store_idx %arg8[%shift_right_arithmetic3A_295, %add3A_337], %gather3A_305 : memref<224x128xf32, #tpu.memory_space<vmem>>[vector<16xi32>, vector<16xi32>], vector<16xf32>,
          %add3A_338 = arith.addi %shift_left3A_300, %and3A_41 : vector<16xi32>
          tpu.vector_store_idx %arg8[%shift_right_arithmetic3A_295, %add3A_338], %gather3A_306 : memref<224x128xf32, #tpu.memory_space<vmem>>[vector<16xi32>, vector<16xi32>], vector<16xf32>,
          %add3A_339 = arith.addi %shift_left3A_300, %and3A_47 : vector<16xi32>
          tpu.vector_store_idx %arg8[%shift_right_arithmetic3A_295, %add3A_339], %gather3A_307 : memref<224x128xf32, #tpu.memory_space<vmem>>[vector<16xi32>, vector<16xi32>], vector<16xf32>,
          %add3A_340 = arith.addi %shift_left3A_300, %and3A_53 : vector<16xi32>
          tpu.vector_store_idx %arg8[%shift_right_arithmetic3A_295, %add3A_340], %gather3A_308 : memref<224x128xf32, #tpu.memory_space<vmem>>[vector<16xi32>, vector<16xi32>], vector<16xf32>,
          %add3A_341 = arith.addi %shift_left3A_300, %and3A_59 : vector<16xi32>
          tpu.vector_store_idx %arg8[%shift_right_arithmetic3A_295, %add3A_341], %gather3A_309 : memref<224x128xf32, #tpu.memory_space<vmem>>[vector<16xi32>, vector<16xi32>], vector<16xf32>,
          %add3A_342 = arith.addi %shift_left3A_300, %and3A_65 : vector<16xi32>
          tpu.vector_store_idx %arg8[%shift_right_arithmetic3A_295, %add3A_342], %gather3A_310 : memref<224x128xf32, #tpu.memory_space<vmem>>[vector<16xi32>, vector<16xi32>], vector<16xf32>,
          %add3A_343 = arith.addi %shift_left3A_300, %and3A_71 : vector<16xi32>
          tpu.vector_store_idx %arg8[%shift_right_arithmetic3A_295, %add3A_343], %gather3A_311 : memref<224x128xf32, #tpu.memory_space<vmem>>[vector<16xi32>, vector<16xi32>], vector<16xf32>,
          %add3A_344 = arith.addi %shift_left3A_300, %and3A_77 : vector<16xi32>
          tpu.vector_store_idx %arg8[%shift_right_arithmetic3A_295, %add3A_344], %gather3A_312 : memref<224x128xf32, #tpu.memory_space<vmem>>[vector<16xi32>, vector<16xi32>], vector<16xf32>,
          %add3A_345 = arith.addi %shift_left3A_300, %and3A_83 : vector<16xi32>
          tpu.vector_store_idx %arg8[%shift_right_arithmetic3A_295, %add3A_345], %gather3A_313 : memref<224x128xf32, #tpu.memory_space<vmem>>[vector<16xi32>, vector<16xi32>], vector<16xf32>,
          %add3A_346 = arith.addi %shift_left3A_300, %and3A_89 : vector<16xi32>
          tpu.vector_store_idx %arg8[%shift_right_arithmetic3A_295, %add3A_346], %gather3A_314 : memref<224x128xf32, #tpu.memory_space<vmem>>[vector<16xi32>, vector<16xi32>], vector<16xf32>,
          %add3A_347 = arith.addi %shift_left3A_300, %and3A_95 : vector<16xi32>
          tpu.vector_store_idx %arg8[%shift_right_arithmetic3A_295, %add3A_347], %gather3A_315 : memref<224x128xf32, #tpu.memory_space<vmem>>[vector<16xi32>, vector<16xi32>], vector<16xf32>,
          %add3A_348 = arith.addi %shift_left3A_300, %and3A_101 : vector<16xi32>
          tpu.vector_store_idx %arg8[%shift_right_arithmetic3A_295, %add3A_348], %gather3A_316 : memref<224x128xf32, #tpu.memory_space<vmem>>[vector<16xi32>, vector<16xi32>], vector<16xf32>,
          %add3A_349 = arith.addi %shift_left3A_300, %and3A_107 : vector<16xi32>
          tpu.vector_store_idx %arg8[%shift_right_arithmetic3A_295, %add3A_349], %gather3A_317 : memref<224x128xf32, #tpu.memory_space<vmem>>[vector<16xi32>, vector<16xi32>], vector<16xf32>,
          %add3A_350 = arith.addi %shift_left3A_300, %and3A_113 : vector<16xi32>
          tpu.vector_store_idx %arg8[%shift_right_arithmetic3A_295, %add3A_350], %gather3A_318 : memref<224x128xf32, #tpu.memory_space<vmem>>[vector<16xi32>, vector<16xi32>], vector<16xf32>,
          %add3A_351 = arith.addi %shift_left3A_300, %and3A_119 : vector<16xi32>
          tpu.vector_store_idx %arg8[%shift_right_arithmetic3A_295, %add3A_351], %gather3A_319 : memref<224x128xf32, #tpu.memory_space<vmem>>[vector<16xi32>, vector<16xi32>], vector<16xf32>,
          %add3A_352 = arith.addi %shift_left3A_300, %and3A_125 : vector<16xi32>
          tpu.vector_store_idx %arg8[%shift_right_arithmetic3A_295, %add3A_352], %gather3A_320 : memref<224x128xf32, #tpu.memory_space<vmem>>[vector<16xi32>, vector<16xi32>], vector<16xf32>,
          %add3A_353 = arith.addi %shift_left3A_300, %and3A_131 : vector<16xi32>
          tpu.vector_store_idx %arg8[%shift_right_arithmetic3A_295, %add3A_353], %gather3A_321 : memref<224x128xf32, #tpu.memory_space<vmem>>[vector<16xi32>, vector<16xi32>], vector<16xf32>,
          %add3A_354 = arith.addi %shift_left3A_300, %and3A_137 : vector<16xi32>
          tpu.vector_store_idx %arg8[%shift_right_arithmetic3A_295, %add3A_354], %gather3A_322 : memref<224x128xf32, #tpu.memory_space<vmem>>[vector<16xi32>, vector<16xi32>], vector<16xf32>,
          %add3A_355 = arith.addi %shift_left3A_300, %and3A_143 : vector<16xi32>
          tpu.vector_store_idx %arg8[%shift_right_arithmetic3A_295, %add3A_355], %gather3A_323 : memref<224x128xf32, #tpu.memory_space<vmem>>[vector<16xi32>, vector<16xi32>], vector<16xf32>,
          %add3A_356 = arith.addi %shift_left3A_300, %and3A_149 : vector<16xi32>
          tpu.vector_store_idx %arg8[%shift_right_arithmetic3A_295, %add3A_356], %gather3A_324 : memref<224x128xf32, #tpu.memory_space<vmem>>[vector<16xi32>, vector<16xi32>], vector<16xf32>,
          %add3A_357 = arith.addi %shift_left3A_300, %and3A_155 : vector<16xi32>
          tpu.vector_store_idx %arg8[%shift_right_arithmetic3A_295, %add3A_357], %gather3A_325 : memref<224x128xf32, #tpu.memory_space<vmem>>[vector<16xi32>, vector<16xi32>], vector<16xf32>,
          %add3A_358 = arith.addi %shift_left3A_300, %and3A_161 : vector<16xi32>
          tpu.vector_store_idx %arg8[%shift_right_arithmetic3A_295, %add3A_358], %gather3A_326 : memref<224x128xf32, #tpu.memory_space<vmem>>[vector<16xi32>, vector<16xi32>], vector<16xf32>,
          %add3A_359 = arith.addi %shift_left3A_300, %and3A_167 : vector<16xi32>
          tpu.vector_store_idx %arg8[%shift_right_arithmetic3A_295, %add3A_359], %gather3A_327 : memref<224x128xf32, #tpu.memory_space<vmem>>[vector<16xi32>, vector<16xi32>], vector<16xf32>,
          %add3A_360 = arith.addi %shift_left3A_300, %and3A_173 : vector<16xi32>
          tpu.vector_store_idx %arg8[%shift_right_arithmetic3A_295, %add3A_360], %gather3A_328 : memref<224x128xf32, #tpu.memory_space<vmem>>[vector<16xi32>, vector<16xi32>], vector<16xf32>,
          %add3A_361 = arith.addi %shift_left3A_300, %and3A_179 : vector<16xi32>
          tpu.vector_store_idx %arg8[%shift_right_arithmetic3A_295, %add3A_361], %gather3A_329 : memref<224x128xf32, #tpu.memory_space<vmem>>[vector<16xi32>, vector<16xi32>], vector<16xf32>,
          %add3A_362 = arith.addi %shift_left3A_300, %and3A_185 : vector<16xi32>
          tpu.vector_store_idx %arg8[%shift_right_arithmetic3A_295, %add3A_362], %gather3A_330 : memref<224x128xf32, #tpu.memory_space<vmem>>[vector<16xi32>, vector<16xi32>], vector<16xf32>,
          %add3A_363 = arith.addi %shift_left3A_300, %and3A_191 : vector<16xi32>
          tpu.vector_store_idx %arg8[%shift_right_arithmetic3A_295, %add3A_363], %gather3A_331 : memref<224x128xf32, #tpu.memory_space<vmem>>[vector<16xi32>, vector<16xi32>], vector<16xf32>,
        }
        %scan3A_277 = arith.constant 56 : i32
        %mul3A_278 = arith.constant 224 : i32
        %mul3A_279 = arith.muli %add3A_233, %mul3A_278 : i32
        %dma_start3A_280 = arith.constant 0 : i32
        %dma_start3A_281 = tpu.memref_slice %arg4[%mul3A_279, %dma_start3A_280] : memref<250000x128xf32, #tpu.memory_space<hbm>> -> memref<224x128xf32, #tpu.memory_space<hbm>>
        %dma_start3A_282 = arith.constant 0 : i32
        %dma_start3A_283 = tpu.memref_slice %arg4[%mul3A_279, %dma_start3A_282] : memref<250000x128xf32, #tpu.memory_space<hbm>> -> memref<224x128xf32, #tpu.memory_space<hbm>>
        tpu.enqueue_dma source(%arg8 : memref<224x128xf32, #tpu.memory_space<vmem>>) target(%dma_start3A_283 : memref<224x128xf32, #tpu.memory_space<hbm>>) target_semaphore(%arg12 : memref<!tpu.dma_semaphore, #tpu.memory_space<semaphore_mem>>)
        %lt3A_284 = arith.constant 1116 : i32
        %lt3A_285 = arith.cmpi slt, %add3A_254, %lt3A_284 : i32
        %convert_element_type3A_286 = arith.extui %lt3A_285 : i1 to i32
        %cond3A_287 = arith.constant 0 : i32
        %cond3A_288 = arith.cmpi ne, %convert_element_type3A_286, %cond3A_287 : i32
        scf.if %cond3A_288 {
          %mul3A_289 = arith.constant 896 : i32
          %mul3A_290 = arith.muli %add3A_254, %mul3A_289 : i32
          %dma_start3A_291 = arith.constant 0 : i32
          %dma_start3A_292 = tpu.memref_slice %arg2[%dma_start3A_291, %mul3A_290] : memref<32x1000000xf32, #tpu.memory_space<hbm>> -> memref<32x896xf32, #tpu.memory_space<hbm>>
          %dma_start3A_293 = arith.constant 0 : i32
          %dma_start3A_294 = tpu.memref_slice %arg2[%dma_start3A_293, %mul3A_290] : memref<32x1000000xf32, #tpu.memory_space<hbm>> -> memref<32x896xf32, #tpu.memory_space<hbm>>
          tpu.enqueue_dma source(%dma_start3A_294 : memref<32x896xf32, #tpu.memory_space<hbm>>) target(%arg6 : memref<32x896xf32, #tpu.memory_space<vmem>>) target_semaphore(%arg10 : memref<!tpu.dma_semaphore, #tpu.memory_space<semaphore_mem>>)
        } else {
        }
      } else {
      }
    }
    %scan3A_205 = arith.constant 18 : i32
    %dma_wait3A = arith.constant 0 : i32
    %dma_wait3A_206 = arith.constant 0 : i32
    %dma_wait3A_207 = tpu.memref_slice %arg4[%dma_wait3A, %dma_wait3A_206] : memref<250000x128xf32, #tpu.memory_space<hbm>> -> memref<224x128xf32, #tpu.memory_space<hbm>>
    %dma_wait3A_208 = arith.constant 0 : i32
    %dma_wait3A_209 = arith.constant 0 : i32
    %dma_wait3A_210 = tpu.memref_slice %arg4[%dma_wait3A_208, %dma_wait3A_209] : memref<250000x128xf32, #tpu.memory_space<hbm>> -> memref<224x128xf32, #tpu.memory_space<hbm>>
    tpu.wait_dma2 semaphore(%arg11 : memref<!tpu.dma_semaphore, #tpu.memory_space<semaphore_mem>>) src(%arg7 : memref<224x128xf32, #tpu.memory_space<vmem>>) dst(%dma_wait3A_210 : memref<224x128xf32, #tpu.memory_space<hbm>>)
    %dma_wait3A_211 = arith.constant 0 : i32
    %dma_wait3A_212 = arith.constant 0 : i32
    %dma_wait3A_213 = tpu.memref_slice %arg4[%dma_wait3A_211, %dma_wait3A_212] : memref<250000x128xf32, #tpu.memory_space<hbm>> -> memref<224x128xf32, #tpu.memory_space<hbm>>
    %dma_wait3A_214 = arith.constant 0 : i32
    %dma_wait3A_215 = arith.constant 0 : i32
    %dma_wait3A_216 = tpu.memref_slice %arg4[%dma_wait3A_214, %dma_wait3A_215] : memref<250000x128xf32, #tpu.memory_space<hbm>> -> memref<224x128xf32, #tpu.memory_space<hbm>>
    tpu.wait_dma2 semaphore(%arg12 : memref<!tpu.dma_semaphore, #tpu.memory_space<semaphore_mem>>) src(%arg8 : memref<224x128xf32, #tpu.memory_space<vmem>>) dst(%dma_wait3A_216 : memref<224x128xf32, #tpu.memory_space<hbm>>)
    %eq3A = arith.constant 0 : i32
    %eq3A_217 = arith.cmpi eq, %add3A, %eq3A : i32
    %convert_element_type3A_218 = arith.extui %eq3A_217 : i1 to i32
    %cond3A_219 = arith.constant 0 : i32
    %cond3A_220 = arith.cmpi ne, %convert_element_type3A_218, %cond3A_219 : i32
    scf.if %cond3A_220 {
      "tpu.region"() ({
        %run_scoped3A = tpu.sem_alloc : memref<!tpu.dma_semaphore, #tpu.memory_space<semaphore_mem>>
        %dma_start3A_221 = arith.constant 0 : i32
        %dma_start3A_222 = arith.constant 0 : i32
        %dma_start3A_223 = tpu.memref_slice %arg7[%dma_start3A_221, %dma_start3A_222] : memref<224x128xf32, #tpu.memory_space<vmem>> -> memref<16x128xf32, #tpu.memory_space<vmem>>
        %dma_start3A_224 = arith.constant 0 : i32
        %dma_start3A_225 = arith.constant 0 : i32
        %dma_start3A_226 = tpu.memref_slice %arg7[%dma_start3A_224, %dma_start3A_225] : memref<224x128xf32, #tpu.memory_space<vmem>> -> memref<16x128xf32, #tpu.memory_space<vmem>>
        tpu.enqueue_dma source(%arg3 : memref<16x128xf32, #tpu.memory_space<hbm>>) target(%dma_start3A_226 : memref<16x128xf32, #tpu.memory_space<vmem>>) target_semaphore(%run_scoped3A : memref<!tpu.dma_semaphore, #tpu.memory_space<semaphore_mem>>)
        %dma_wait3A_227 = arith.constant 0 : i32
        %dma_wait3A_228 = arith.constant 0 : i32
        %dma_wait3A_229 = tpu.memref_slice %arg7[%dma_wait3A_227, %dma_wait3A_228] : memref<224x128xf32, #tpu.memory_space<vmem>> -> memref<16x128xf32, #tpu.memory_space<vmem>>
        %dma_wait3A_230 = arith.constant 0 : i32
        %dma_wait3A_231 = arith.constant 0 : i32
        %dma_wait3A_232 = tpu.memref_slice %arg7[%dma_wait3A_230, %dma_wait3A_231] : memref<224x128xf32, #tpu.memory_space<vmem>> -> memref<16x128xf32, #tpu.memory_space<vmem>>
        tpu.wait_dma2 semaphore(%run_scoped3A : memref<!tpu.dma_semaphore, #tpu.memory_space<semaphore_mem>>) src(%arg3 : memref<16x128xf32, #tpu.memory_space<hbm>>) dst(%dma_wait3A_232 : memref<16x128xf32, #tpu.memory_space<vmem>>)
        tpu.yield
      }) : () -> ()
      "tpu.region"() ({
        %run_scoped3A = tpu.sem_alloc : memref<!tpu.dma_semaphore, #tpu.memory_space<semaphore_mem>>
        %dma_start3A_221 = arith.constant 0 : i32
        %dma_start3A_222 = arith.constant 0 : i32
        %dma_start3A_223 = tpu.memref_slice %arg7[%dma_start3A_221, %dma_start3A_222] : memref<224x128xf32, #tpu.memory_space<vmem>> -> memref<16x128xf32, #tpu.memory_space<vmem>>
        %dma_start3A_224 = arith.constant 249984 : i32
        %dma_start3A_225 = arith.constant 0 : i32
        %dma_start3A_226 = tpu.memref_slice %arg4[%dma_start3A_224, %dma_start3A_225] : memref<250000x128xf32, #tpu.memory_space<hbm>> -> memref<16x128xf32, #tpu.memory_space<hbm>>
        %dma_start3A_227 = arith.constant 249984 : i32
        %dma_start3A_228 = arith.constant 0 : i32
        %dma_start3A_229 = tpu.memref_slice %arg4[%dma_start3A_227, %dma_start3A_228] : memref<250000x128xf32, #tpu.memory_space<hbm>> -> memref<16x128xf32, #tpu.memory_space<hbm>>
        %dma_start3A_230 = arith.constant 0 : i32
        %dma_start3A_231 = arith.constant 0 : i32
        %dma_start3A_232 = tpu.memref_slice %arg7[%dma_start3A_230, %dma_start3A_231] : memref<224x128xf32, #tpu.memory_space<vmem>> -> memref<16x128xf32, #tpu.memory_space<vmem>>
        tpu.enqueue_dma source(%dma_start3A_232 : memref<16x128xf32, #tpu.memory_space<vmem>>) target(%dma_start3A_229 : memref<16x128xf32, #tpu.memory_space<hbm>>) target_semaphore(%run_scoped3A : memref<!tpu.dma_semaphore, #tpu.memory_space<semaphore_mem>>)
        %dma_wait3A_233 = arith.constant 0 : i32
        %dma_wait3A_234 = arith.constant 0 : i32
        %dma_wait3A_235 = tpu.memref_slice %arg7[%dma_wait3A_233, %dma_wait3A_234] : memref<224x128xf32, #tpu.memory_space<vmem>> -> memref<16x128xf32, #tpu.memory_space<vmem>>
        %dma_wait3A_236 = arith.constant 249984 : i32
        %dma_wait3A_237 = arith.constant 0 : i32
        %dma_wait3A_238 = tpu.memref_slice %arg4[%dma_wait3A_236, %dma_wait3A_237] : memref<250000x128xf32, #tpu.memory_space<hbm>> -> memref<16x128xf32, #tpu.memory_space<hbm>>
        %dma_wait3A_239 = arith.constant 249984 : i32
        %dma_wait3A_240 = arith.constant 0 : i32
        %dma_wait3A_241 = tpu.memref_slice %arg4[%dma_wait3A_239, %dma_wait3A_240] : memref<250000x128xf32, #tpu.memory_space<hbm>> -> memref<16x128xf32, #tpu.memory_space<hbm>>
        %dma_wait3A_242 = arith.constant 0 : i32
        %dma_wait3A_243 = arith.constant 0 : i32
        %dma_wait3A_244 = tpu.memref_slice %arg7[%dma_wait3A_242, %dma_wait3A_243] : memref<224x128xf32, #tpu.memory_space<vmem>> -> memref<16x128xf32, #tpu.memory_space<vmem>>
        tpu.wait_dma2 semaphore(%run_scoped3A : memref<!tpu.dma_semaphore, #tpu.memory_space<semaphore_mem>>) src(%dma_wait3A_244 : memref<16x128xf32, #tpu.memory_space<vmem>>) dst(%dma_wait3A_241 : memref<16x128xf32, #tpu.memory_space<hbm>>)
        tpu.yield
      }) : () -> ()
    } else {
    }
    return
  }
}

#map = affine_map<(d0, d1) -> (0, 0, 0)>
#map1 = affine_map<(d0, d1) -> (0, 0)>
#map2 = affine_map<(d0, d1) -> (0, 0, 0, 0, 0)>
module attributes {stable_mosaic.version = 14 : i64} {
  func.func @gather(%arg0: i32, %arg1: i32, %arg2: memref<26x128x128xi32, #tpu.memory_space<hbm>>, %arg3: memref<1000000x32xf32, #tpu.memory_space<hbm>>, %arg4: memref<26x4x128x8x128xf32, #tpu.memory_space<hbm>>, %arg5: memref<26x4x128xi32, #tpu.memory_space<vmem>>, %arg6: memref<512x32xf32, #tpu.memory_space<vmem>>, %arg7: memref<512x32xf32, #tpu.memory_space<vmem>>, %arg8: memref<4x4x8x128xf32, #tpu.memory_space<vmem>>, %arg9: memref<4x4x8x128xf32, #tpu.memory_space<vmem>>, %arg10: memref<!tpu.dma_semaphore, #tpu.memory_space<semaphore_mem>>, %arg11: memref<!tpu.dma_semaphore, #tpu.memory_space<semaphore_mem>>, %arg12: memref<!tpu.dma_semaphore, #tpu.memory_space<semaphore_mem>>, %arg13: memref<!tpu.dma_semaphore, #tpu.memory_space<semaphore_mem>>) attributes {dimension_semantics = [#tpu.dimension_semantics<core_parallel>, #tpu.dimension_semantics<subcore_parallel>], iteration_bounds = array<i64: 2, 16>, scalar_prefetch = 0 : i64, scratch_operands = 9 : i64, tpu.core_type = #tpu.core_type<sc_vector_subcore>, window_params = [{transform_indices = #map}, {transform_indices = #map1}, {transform_indices = #map2}]} {
    %mul3A = arith.constant 2 : i32
    %mul3A_0 = arith.muli %arg1, %mul3A : i32
    %add3A = arith.addi %mul3A_0, %arg0 : i32
    %mul3A_1 = arith.constant 512 : i32
    %mul3A_2 = arith.muli %add3A, %mul3A_1 : i32
    %mul3A_3 = arith.constant 4 : i32
    %mul3A_4 = arith.muli %add3A, %mul3A_3 : i32
    "tpu.region"() ({
      %run_scoped3A = tpu.sem_alloc : memref<!tpu.dma_semaphore, #tpu.memory_space<semaphore_mem>>
      %dma_start3A_462 = arith.constant 0 : i32
      %dma_start3A_463 = arith.constant 0 : i32
      %dma_start3A_464 = tpu.memref_slice %arg2[%dma_start3A_462, %mul3A_4, %dma_start3A_463] : memref<26x128x128xi32, #tpu.memory_space<hbm>> -> memref<26x4x128xi32, #tpu.memory_space<hbm>>
      %dma_start3A_465 = arith.constant 0 : i32
      %dma_start3A_466 = arith.constant 0 : i32
      %dma_start3A_467 = tpu.memref_slice %arg2[%dma_start3A_465, %mul3A_4, %dma_start3A_466] : memref<26x128x128xi32, #tpu.memory_space<hbm>> -> memref<26x4x128xi32, #tpu.memory_space<hbm>>
      tpu.enqueue_dma source(%dma_start3A_467 : memref<26x4x128xi32, #tpu.memory_space<hbm>>) target(%arg5 : memref<26x4x128xi32, #tpu.memory_space<vmem>>) target_semaphore(%run_scoped3A : memref<!tpu.dma_semaphore, #tpu.memory_space<semaphore_mem>>)
      %dma_wait3A_468 = arith.constant 0 : i32
      %dma_wait3A_469 = arith.constant 0 : i32
      %dma_wait3A_470 = tpu.memref_slice %arg2[%dma_wait3A_468, %mul3A_4, %dma_wait3A_469] : memref<26x128x128xi32, #tpu.memory_space<hbm>> -> memref<26x4x128xi32, #tpu.memory_space<hbm>>
      %dma_wait3A_471 = arith.constant 0 : i32
      %dma_wait3A_472 = arith.constant 0 : i32
      %dma_wait3A_473 = tpu.memref_slice %arg2[%dma_wait3A_471, %mul3A_4, %dma_wait3A_472] : memref<26x128x128xi32, #tpu.memory_space<hbm>> -> memref<26x4x128xi32, #tpu.memory_space<hbm>>
      tpu.wait_dma2 semaphore(%run_scoped3A : memref<!tpu.dma_semaphore, #tpu.memory_space<semaphore_mem>>) src(%dma_wait3A_473 : memref<26x4x128xi32, #tpu.memory_space<hbm>>) dst(%arg5 : memref<26x4x128xi32, #tpu.memory_space<vmem>>)
      tpu.yield
    }) : () -> ()
    %iota3A = tpu.iota {dimensions = array<i32: 0>} : vector<16xi32>
    %add3A_5 = arith.constant 0 : i32
    %add3A_6 = vector.broadcast %add3A_5 : i32 to vector<16xi32>
    %add3A_7 = arith.addi %iota3A, %add3A_6 : vector<16xi32>
    %and3A = arith.constant 31 : i32
    %and3A_8 = vector.broadcast %and3A : i32 to vector<16xi32>
    %and3A_9 = arith.andi %add3A_7, %and3A_8 : vector<16xi32>
    %add3A_10 = arith.constant 1 : i32
    %add3A_11 = vector.broadcast %add3A_10 : i32 to vector<16xi32>
    %add3A_12 = arith.addi %iota3A, %add3A_11 : vector<16xi32>
    %and3A_13 = arith.constant 31 : i32
    %and3A_14 = vector.broadcast %and3A_13 : i32 to vector<16xi32>
    %and3A_15 = arith.andi %add3A_12, %and3A_14 : vector<16xi32>
    %add3A_16 = arith.constant 2 : i32
    %add3A_17 = vector.broadcast %add3A_16 : i32 to vector<16xi32>
    %add3A_18 = arith.addi %iota3A, %add3A_17 : vector<16xi32>
    %and3A_19 = arith.constant 31 : i32
    %and3A_20 = vector.broadcast %and3A_19 : i32 to vector<16xi32>
    %and3A_21 = arith.andi %add3A_18, %and3A_20 : vector<16xi32>
    %add3A_22 = arith.constant 3 : i32
    %add3A_23 = vector.broadcast %add3A_22 : i32 to vector<16xi32>
    %add3A_24 = arith.addi %iota3A, %add3A_23 : vector<16xi32>
    %and3A_25 = arith.constant 31 : i32
    %and3A_26 = vector.broadcast %and3A_25 : i32 to vector<16xi32>
    %and3A_27 = arith.andi %add3A_24, %and3A_26 : vector<16xi32>
    %add3A_28 = arith.constant 4 : i32
    %add3A_29 = vector.broadcast %add3A_28 : i32 to vector<16xi32>
    %add3A_30 = arith.addi %iota3A, %add3A_29 : vector<16xi32>
    %and3A_31 = arith.constant 31 : i32
    %and3A_32 = vector.broadcast %and3A_31 : i32 to vector<16xi32>
    %and3A_33 = arith.andi %add3A_30, %and3A_32 : vector<16xi32>
    %add3A_34 = arith.constant 5 : i32
    %add3A_35 = vector.broadcast %add3A_34 : i32 to vector<16xi32>
    %add3A_36 = arith.addi %iota3A, %add3A_35 : vector<16xi32>
    %and3A_37 = arith.constant 31 : i32
    %and3A_38 = vector.broadcast %and3A_37 : i32 to vector<16xi32>
    %and3A_39 = arith.andi %add3A_36, %and3A_38 : vector<16xi32>
    %add3A_40 = arith.constant 6 : i32
    %add3A_41 = vector.broadcast %add3A_40 : i32 to vector<16xi32>
    %add3A_42 = arith.addi %iota3A, %add3A_41 : vector<16xi32>
    %and3A_43 = arith.constant 31 : i32
    %and3A_44 = vector.broadcast %and3A_43 : i32 to vector<16xi32>
    %and3A_45 = arith.andi %add3A_42, %and3A_44 : vector<16xi32>
    %add3A_46 = arith.constant 7 : i32
    %add3A_47 = vector.broadcast %add3A_46 : i32 to vector<16xi32>
    %add3A_48 = arith.addi %iota3A, %add3A_47 : vector<16xi32>
    %and3A_49 = arith.constant 31 : i32
    %and3A_50 = vector.broadcast %and3A_49 : i32 to vector<16xi32>
    %and3A_51 = arith.andi %add3A_48, %and3A_50 : vector<16xi32>
    %add3A_52 = arith.constant 8 : i32
    %add3A_53 = vector.broadcast %add3A_52 : i32 to vector<16xi32>
    %add3A_54 = arith.addi %iota3A, %add3A_53 : vector<16xi32>
    %and3A_55 = arith.constant 31 : i32
    %and3A_56 = vector.broadcast %and3A_55 : i32 to vector<16xi32>
    %and3A_57 = arith.andi %add3A_54, %and3A_56 : vector<16xi32>
    %add3A_58 = arith.constant 9 : i32
    %add3A_59 = vector.broadcast %add3A_58 : i32 to vector<16xi32>
    %add3A_60 = arith.addi %iota3A, %add3A_59 : vector<16xi32>
    %and3A_61 = arith.constant 31 : i32
    %and3A_62 = vector.broadcast %and3A_61 : i32 to vector<16xi32>
    %and3A_63 = arith.andi %add3A_60, %and3A_62 : vector<16xi32>
    %add3A_64 = arith.constant 10 : i32
    %add3A_65 = vector.broadcast %add3A_64 : i32 to vector<16xi32>
    %add3A_66 = arith.addi %iota3A, %add3A_65 : vector<16xi32>
    %and3A_67 = arith.constant 31 : i32
    %and3A_68 = vector.broadcast %and3A_67 : i32 to vector<16xi32>
    %and3A_69 = arith.andi %add3A_66, %and3A_68 : vector<16xi32>
    %add3A_70 = arith.constant 11 : i32
    %add3A_71 = vector.broadcast %add3A_70 : i32 to vector<16xi32>
    %add3A_72 = arith.addi %iota3A, %add3A_71 : vector<16xi32>
    %and3A_73 = arith.constant 31 : i32
    %and3A_74 = vector.broadcast %and3A_73 : i32 to vector<16xi32>
    %and3A_75 = arith.andi %add3A_72, %and3A_74 : vector<16xi32>
    %add3A_76 = arith.constant 12 : i32
    %add3A_77 = vector.broadcast %add3A_76 : i32 to vector<16xi32>
    %add3A_78 = arith.addi %iota3A, %add3A_77 : vector<16xi32>
    %and3A_79 = arith.constant 31 : i32
    %and3A_80 = vector.broadcast %and3A_79 : i32 to vector<16xi32>
    %and3A_81 = arith.andi %add3A_78, %and3A_80 : vector<16xi32>
    %add3A_82 = arith.constant 13 : i32
    %add3A_83 = vector.broadcast %add3A_82 : i32 to vector<16xi32>
    %add3A_84 = arith.addi %iota3A, %add3A_83 : vector<16xi32>
    %and3A_85 = arith.constant 31 : i32
    %and3A_86 = vector.broadcast %and3A_85 : i32 to vector<16xi32>
    %and3A_87 = arith.andi %add3A_84, %and3A_86 : vector<16xi32>
    %add3A_88 = arith.constant 14 : i32
    %add3A_89 = vector.broadcast %add3A_88 : i32 to vector<16xi32>
    %add3A_90 = arith.addi %iota3A, %add3A_89 : vector<16xi32>
    %and3A_91 = arith.constant 31 : i32
    %and3A_92 = vector.broadcast %and3A_91 : i32 to vector<16xi32>
    %and3A_93 = arith.andi %add3A_90, %and3A_92 : vector<16xi32>
    %add3A_94 = arith.constant 15 : i32
    %add3A_95 = vector.broadcast %add3A_94 : i32 to vector<16xi32>
    %add3A_96 = arith.addi %iota3A, %add3A_95 : vector<16xi32>
    %and3A_97 = arith.constant 31 : i32
    %and3A_98 = vector.broadcast %and3A_97 : i32 to vector<16xi32>
    %and3A_99 = arith.andi %add3A_96, %and3A_98 : vector<16xi32>
    %add3A_100 = arith.constant 16 : i32
    %add3A_101 = vector.broadcast %add3A_100 : i32 to vector<16xi32>
    %add3A_102 = arith.addi %iota3A, %add3A_101 : vector<16xi32>
    %and3A_103 = arith.constant 31 : i32
    %and3A_104 = vector.broadcast %and3A_103 : i32 to vector<16xi32>
    %and3A_105 = arith.andi %add3A_102, %and3A_104 : vector<16xi32>
    %add3A_106 = arith.constant 17 : i32
    %add3A_107 = vector.broadcast %add3A_106 : i32 to vector<16xi32>
    %add3A_108 = arith.addi %iota3A, %add3A_107 : vector<16xi32>
    %and3A_109 = arith.constant 31 : i32
    %and3A_110 = vector.broadcast %and3A_109 : i32 to vector<16xi32>
    %and3A_111 = arith.andi %add3A_108, %and3A_110 : vector<16xi32>
    %add3A_112 = arith.constant 18 : i32
    %add3A_113 = vector.broadcast %add3A_112 : i32 to vector<16xi32>
    %add3A_114 = arith.addi %iota3A, %add3A_113 : vector<16xi32>
    %and3A_115 = arith.constant 31 : i32
    %and3A_116 = vector.broadcast %and3A_115 : i32 to vector<16xi32>
    %and3A_117 = arith.andi %add3A_114, %and3A_116 : vector<16xi32>
    %add3A_118 = arith.constant 19 : i32
    %add3A_119 = vector.broadcast %add3A_118 : i32 to vector<16xi32>
    %add3A_120 = arith.addi %iota3A, %add3A_119 : vector<16xi32>
    %and3A_121 = arith.constant 31 : i32
    %and3A_122 = vector.broadcast %and3A_121 : i32 to vector<16xi32>
    %and3A_123 = arith.andi %add3A_120, %and3A_122 : vector<16xi32>
    %add3A_124 = arith.constant 20 : i32
    %add3A_125 = vector.broadcast %add3A_124 : i32 to vector<16xi32>
    %add3A_126 = arith.addi %iota3A, %add3A_125 : vector<16xi32>
    %and3A_127 = arith.constant 31 : i32
    %and3A_128 = vector.broadcast %and3A_127 : i32 to vector<16xi32>
    %and3A_129 = arith.andi %add3A_126, %and3A_128 : vector<16xi32>
    %add3A_130 = arith.constant 21 : i32
    %add3A_131 = vector.broadcast %add3A_130 : i32 to vector<16xi32>
    %add3A_132 = arith.addi %iota3A, %add3A_131 : vector<16xi32>
    %and3A_133 = arith.constant 31 : i32
    %and3A_134 = vector.broadcast %and3A_133 : i32 to vector<16xi32>
    %and3A_135 = arith.andi %add3A_132, %and3A_134 : vector<16xi32>
    %add3A_136 = arith.constant 22 : i32
    %add3A_137 = vector.broadcast %add3A_136 : i32 to vector<16xi32>
    %add3A_138 = arith.addi %iota3A, %add3A_137 : vector<16xi32>
    %and3A_139 = arith.constant 31 : i32
    %and3A_140 = vector.broadcast %and3A_139 : i32 to vector<16xi32>
    %and3A_141 = arith.andi %add3A_138, %and3A_140 : vector<16xi32>
    %add3A_142 = arith.constant 23 : i32
    %add3A_143 = vector.broadcast %add3A_142 : i32 to vector<16xi32>
    %add3A_144 = arith.addi %iota3A, %add3A_143 : vector<16xi32>
    %and3A_145 = arith.constant 31 : i32
    %and3A_146 = vector.broadcast %and3A_145 : i32 to vector<16xi32>
    %and3A_147 = arith.andi %add3A_144, %and3A_146 : vector<16xi32>
    %add3A_148 = arith.constant 24 : i32
    %add3A_149 = vector.broadcast %add3A_148 : i32 to vector<16xi32>
    %add3A_150 = arith.addi %iota3A, %add3A_149 : vector<16xi32>
    %and3A_151 = arith.constant 31 : i32
    %and3A_152 = vector.broadcast %and3A_151 : i32 to vector<16xi32>
    %and3A_153 = arith.andi %add3A_150, %and3A_152 : vector<16xi32>
    %add3A_154 = arith.constant 25 : i32
    %add3A_155 = vector.broadcast %add3A_154 : i32 to vector<16xi32>
    %add3A_156 = arith.addi %iota3A, %add3A_155 : vector<16xi32>
    %and3A_157 = arith.constant 31 : i32
    %and3A_158 = vector.broadcast %and3A_157 : i32 to vector<16xi32>
    %and3A_159 = arith.andi %add3A_156, %and3A_158 : vector<16xi32>
    %add3A_160 = arith.constant 26 : i32
    %add3A_161 = vector.broadcast %add3A_160 : i32 to vector<16xi32>
    %add3A_162 = arith.addi %iota3A, %add3A_161 : vector<16xi32>
    %and3A_163 = arith.constant 31 : i32
    %and3A_164 = vector.broadcast %and3A_163 : i32 to vector<16xi32>
    %and3A_165 = arith.andi %add3A_162, %and3A_164 : vector<16xi32>
    %add3A_166 = arith.constant 27 : i32
    %add3A_167 = vector.broadcast %add3A_166 : i32 to vector<16xi32>
    %add3A_168 = arith.addi %iota3A, %add3A_167 : vector<16xi32>
    %and3A_169 = arith.constant 31 : i32
    %and3A_170 = vector.broadcast %and3A_169 : i32 to vector<16xi32>
    %and3A_171 = arith.andi %add3A_168, %and3A_170 : vector<16xi32>
    %add3A_172 = arith.constant 28 : i32
    %add3A_173 = vector.broadcast %add3A_172 : i32 to vector<16xi32>
    %add3A_174 = arith.addi %iota3A, %add3A_173 : vector<16xi32>
    %and3A_175 = arith.constant 31 : i32
    %and3A_176 = vector.broadcast %and3A_175 : i32 to vector<16xi32>
    %and3A_177 = arith.andi %add3A_174, %and3A_176 : vector<16xi32>
    %add3A_178 = arith.constant 29 : i32
    %add3A_179 = vector.broadcast %add3A_178 : i32 to vector<16xi32>
    %add3A_180 = arith.addi %iota3A, %add3A_179 : vector<16xi32>
    %and3A_181 = arith.constant 31 : i32
    %and3A_182 = vector.broadcast %and3A_181 : i32 to vector<16xi32>
    %and3A_183 = arith.andi %add3A_180, %and3A_182 : vector<16xi32>
    %add3A_184 = arith.constant 30 : i32
    %add3A_185 = vector.broadcast %add3A_184 : i32 to vector<16xi32>
    %add3A_186 = arith.addi %iota3A, %add3A_185 : vector<16xi32>
    %and3A_187 = arith.constant 31 : i32
    %and3A_188 = vector.broadcast %and3A_187 : i32 to vector<16xi32>
    %and3A_189 = arith.andi %add3A_186, %and3A_188 : vector<16xi32>
    %add3A_190 = arith.constant 31 : i32
    %add3A_191 = vector.broadcast %add3A_190 : i32 to vector<16xi32>
    %add3A_192 = arith.addi %iota3A, %add3A_191 : vector<16xi32>
    %and3A_193 = arith.constant 31 : i32
    %and3A_194 = vector.broadcast %and3A_193 : i32 to vector<16xi32>
    %and3A_195 = arith.andi %add3A_192, %and3A_194 : vector<16xi32>
    %mul3A_196 = arith.constant 4 : i32
    %mul3A_197 = arith.muli %add3A, %mul3A_196 : i32
    %shift_right_arithmetic3A = arith.constant 3 : i32
    %shift_right_arithmetic3A_198 = vector.broadcast %shift_right_arithmetic3A : i32 to vector<16xi32>
    %shift_right_arithmetic3A_199 = arith.shrsi %and3A_9, %shift_right_arithmetic3A_198 : vector<16xi32>
    %shift_right_arithmetic3A_200 = arith.constant 3 : i32
    %shift_right_arithmetic3A_201 = vector.broadcast %shift_right_arithmetic3A_200 : i32 to vector<16xi32>
    %shift_right_arithmetic3A_202 = arith.shrsi %and3A_15, %shift_right_arithmetic3A_201 : vector<16xi32>
    %shift_right_arithmetic3A_203 = arith.constant 3 : i32
    %shift_right_arithmetic3A_204 = vector.broadcast %shift_right_arithmetic3A_203 : i32 to vector<16xi32>
    %shift_right_arithmetic3A_205 = arith.shrsi %and3A_21, %shift_right_arithmetic3A_204 : vector<16xi32>
    %shift_right_arithmetic3A_206 = arith.constant 3 : i32
    %shift_right_arithmetic3A_207 = vector.broadcast %shift_right_arithmetic3A_206 : i32 to vector<16xi32>
    %shift_right_arithmetic3A_208 = arith.shrsi %and3A_27, %shift_right_arithmetic3A_207 : vector<16xi32>
    %shift_right_arithmetic3A_209 = arith.constant 3 : i32
    %shift_right_arithmetic3A_210 = vector.broadcast %shift_right_arithmetic3A_209 : i32 to vector<16xi32>
    %shift_right_arithmetic3A_211 = arith.shrsi %and3A_33, %shift_right_arithmetic3A_210 : vector<16xi32>
    %shift_right_arithmetic3A_212 = arith.constant 3 : i32
    %shift_right_arithmetic3A_213 = vector.broadcast %shift_right_arithmetic3A_212 : i32 to vector<16xi32>
    %shift_right_arithmetic3A_214 = arith.shrsi %and3A_39, %shift_right_arithmetic3A_213 : vector<16xi32>
    %shift_right_arithmetic3A_215 = arith.constant 3 : i32
    %shift_right_arithmetic3A_216 = vector.broadcast %shift_right_arithmetic3A_215 : i32 to vector<16xi32>
    %shift_right_arithmetic3A_217 = arith.shrsi %and3A_45, %shift_right_arithmetic3A_216 : vector<16xi32>
    %shift_right_arithmetic3A_218 = arith.constant 3 : i32
    %shift_right_arithmetic3A_219 = vector.broadcast %shift_right_arithmetic3A_218 : i32 to vector<16xi32>
    %shift_right_arithmetic3A_220 = arith.shrsi %and3A_51, %shift_right_arithmetic3A_219 : vector<16xi32>
    %shift_right_arithmetic3A_221 = arith.constant 3 : i32
    %shift_right_arithmetic3A_222 = vector.broadcast %shift_right_arithmetic3A_221 : i32 to vector<16xi32>
    %shift_right_arithmetic3A_223 = arith.shrsi %and3A_57, %shift_right_arithmetic3A_222 : vector<16xi32>
    %shift_right_arithmetic3A_224 = arith.constant 3 : i32
    %shift_right_arithmetic3A_225 = vector.broadcast %shift_right_arithmetic3A_224 : i32 to vector<16xi32>
    %shift_right_arithmetic3A_226 = arith.shrsi %and3A_63, %shift_right_arithmetic3A_225 : vector<16xi32>
    %shift_right_arithmetic3A_227 = arith.constant 3 : i32
    %shift_right_arithmetic3A_228 = vector.broadcast %shift_right_arithmetic3A_227 : i32 to vector<16xi32>
    %shift_right_arithmetic3A_229 = arith.shrsi %and3A_69, %shift_right_arithmetic3A_228 : vector<16xi32>
    %shift_right_arithmetic3A_230 = arith.constant 3 : i32
    %shift_right_arithmetic3A_231 = vector.broadcast %shift_right_arithmetic3A_230 : i32 to vector<16xi32>
    %shift_right_arithmetic3A_232 = arith.shrsi %and3A_75, %shift_right_arithmetic3A_231 : vector<16xi32>
    %shift_right_arithmetic3A_233 = arith.constant 3 : i32
    %shift_right_arithmetic3A_234 = vector.broadcast %shift_right_arithmetic3A_233 : i32 to vector<16xi32>
    %shift_right_arithmetic3A_235 = arith.shrsi %and3A_81, %shift_right_arithmetic3A_234 : vector<16xi32>
    %shift_right_arithmetic3A_236 = arith.constant 3 : i32
    %shift_right_arithmetic3A_237 = vector.broadcast %shift_right_arithmetic3A_236 : i32 to vector<16xi32>
    %shift_right_arithmetic3A_238 = arith.shrsi %and3A_87, %shift_right_arithmetic3A_237 : vector<16xi32>
    %shift_right_arithmetic3A_239 = arith.constant 3 : i32
    %shift_right_arithmetic3A_240 = vector.broadcast %shift_right_arithmetic3A_239 : i32 to vector<16xi32>
    %shift_right_arithmetic3A_241 = arith.shrsi %and3A_93, %shift_right_arithmetic3A_240 : vector<16xi32>
    %shift_right_arithmetic3A_242 = arith.constant 3 : i32
    %shift_right_arithmetic3A_243 = vector.broadcast %shift_right_arithmetic3A_242 : i32 to vector<16xi32>
    %shift_right_arithmetic3A_244 = arith.shrsi %and3A_99, %shift_right_arithmetic3A_243 : vector<16xi32>
    %shift_right_arithmetic3A_245 = arith.constant 3 : i32
    %shift_right_arithmetic3A_246 = vector.broadcast %shift_right_arithmetic3A_245 : i32 to vector<16xi32>
    %shift_right_arithmetic3A_247 = arith.shrsi %and3A_105, %shift_right_arithmetic3A_246 : vector<16xi32>
    %shift_right_arithmetic3A_248 = arith.constant 3 : i32
    %shift_right_arithmetic3A_249 = vector.broadcast %shift_right_arithmetic3A_248 : i32 to vector<16xi32>
    %shift_right_arithmetic3A_250 = arith.shrsi %and3A_111, %shift_right_arithmetic3A_249 : vector<16xi32>
    %shift_right_arithmetic3A_251 = arith.constant 3 : i32
    %shift_right_arithmetic3A_252 = vector.broadcast %shift_right_arithmetic3A_251 : i32 to vector<16xi32>
    %shift_right_arithmetic3A_253 = arith.shrsi %and3A_117, %shift_right_arithmetic3A_252 : vector<16xi32>
    %shift_right_arithmetic3A_254 = arith.constant 3 : i32
    %shift_right_arithmetic3A_255 = vector.broadcast %shift_right_arithmetic3A_254 : i32 to vector<16xi32>
    %shift_right_arithmetic3A_256 = arith.shrsi %and3A_123, %shift_right_arithmetic3A_255 : vector<16xi32>
    %shift_right_arithmetic3A_257 = arith.constant 3 : i32
    %shift_right_arithmetic3A_258 = vector.broadcast %shift_right_arithmetic3A_257 : i32 to vector<16xi32>
    %shift_right_arithmetic3A_259 = arith.shrsi %and3A_129, %shift_right_arithmetic3A_258 : vector<16xi32>
    %shift_right_arithmetic3A_260 = arith.constant 3 : i32
    %shift_right_arithmetic3A_261 = vector.broadcast %shift_right_arithmetic3A_260 : i32 to vector<16xi32>
    %shift_right_arithmetic3A_262 = arith.shrsi %and3A_135, %shift_right_arithmetic3A_261 : vector<16xi32>
    %shift_right_arithmetic3A_263 = arith.constant 3 : i32
    %shift_right_arithmetic3A_264 = vector.broadcast %shift_right_arithmetic3A_263 : i32 to vector<16xi32>
    %shift_right_arithmetic3A_265 = arith.shrsi %and3A_141, %shift_right_arithmetic3A_264 : vector<16xi32>
    %shift_right_arithmetic3A_266 = arith.constant 3 : i32
    %shift_right_arithmetic3A_267 = vector.broadcast %shift_right_arithmetic3A_266 : i32 to vector<16xi32>
    %shift_right_arithmetic3A_268 = arith.shrsi %and3A_147, %shift_right_arithmetic3A_267 : vector<16xi32>
    %shift_right_arithmetic3A_269 = arith.constant 3 : i32
    %shift_right_arithmetic3A_270 = vector.broadcast %shift_right_arithmetic3A_269 : i32 to vector<16xi32>
    %shift_right_arithmetic3A_271 = arith.shrsi %and3A_153, %shift_right_arithmetic3A_270 : vector<16xi32>
    %shift_right_arithmetic3A_272 = arith.constant 3 : i32
    %shift_right_arithmetic3A_273 = vector.broadcast %shift_right_arithmetic3A_272 : i32 to vector<16xi32>
    %shift_right_arithmetic3A_274 = arith.shrsi %and3A_159, %shift_right_arithmetic3A_273 : vector<16xi32>
    %shift_right_arithmetic3A_275 = arith.constant 3 : i32
    %shift_right_arithmetic3A_276 = vector.broadcast %shift_right_arithmetic3A_275 : i32 to vector<16xi32>
    %shift_right_arithmetic3A_277 = arith.shrsi %and3A_165, %shift_right_arithmetic3A_276 : vector<16xi32>
    %shift_right_arithmetic3A_278 = arith.constant 3 : i32
    %shift_right_arithmetic3A_279 = vector.broadcast %shift_right_arithmetic3A_278 : i32 to vector<16xi32>
    %shift_right_arithmetic3A_280 = arith.shrsi %and3A_171, %shift_right_arithmetic3A_279 : vector<16xi32>
    %shift_right_arithmetic3A_281 = arith.constant 3 : i32
    %shift_right_arithmetic3A_282 = vector.broadcast %shift_right_arithmetic3A_281 : i32 to vector<16xi32>
    %shift_right_arithmetic3A_283 = arith.shrsi %and3A_177, %shift_right_arithmetic3A_282 : vector<16xi32>
    %shift_right_arithmetic3A_284 = arith.constant 3 : i32
    %shift_right_arithmetic3A_285 = vector.broadcast %shift_right_arithmetic3A_284 : i32 to vector<16xi32>
    %shift_right_arithmetic3A_286 = arith.shrsi %and3A_183, %shift_right_arithmetic3A_285 : vector<16xi32>
    %shift_right_arithmetic3A_287 = arith.constant 3 : i32
    %shift_right_arithmetic3A_288 = vector.broadcast %shift_right_arithmetic3A_287 : i32 to vector<16xi32>
    %shift_right_arithmetic3A_289 = arith.shrsi %and3A_189, %shift_right_arithmetic3A_288 : vector<16xi32>
    %shift_right_arithmetic3A_290 = arith.constant 3 : i32
    %shift_right_arithmetic3A_291 = vector.broadcast %shift_right_arithmetic3A_290 : i32 to vector<16xi32>
    %shift_right_arithmetic3A_292 = arith.shrsi %and3A_195, %shift_right_arithmetic3A_291 : vector<16xi32>
    %and3A_293 = arith.constant 7 : i32
    %and3A_294 = vector.broadcast %and3A_293 : i32 to vector<16xi32>
    %and3A_295 = arith.andi %and3A_9, %and3A_294 : vector<16xi32>
    %and3A_296 = arith.constant 7 : i32
    %and3A_297 = vector.broadcast %and3A_296 : i32 to vector<16xi32>
    %and3A_298 = arith.andi %and3A_15, %and3A_297 : vector<16xi32>
    %and3A_299 = arith.constant 7 : i32
    %and3A_300 = vector.broadcast %and3A_299 : i32 to vector<16xi32>
    %and3A_301 = arith.andi %and3A_21, %and3A_300 : vector<16xi32>
    %and3A_302 = arith.constant 7 : i32
    %and3A_303 = vector.broadcast %and3A_302 : i32 to vector<16xi32>
    %and3A_304 = arith.andi %and3A_27, %and3A_303 : vector<16xi32>
    %and3A_305 = arith.constant 7 : i32
    %and3A_306 = vector.broadcast %and3A_305 : i32 to vector<16xi32>
    %and3A_307 = arith.andi %and3A_33, %and3A_306 : vector<16xi32>
    %and3A_308 = arith.constant 7 : i32
    %and3A_309 = vector.broadcast %and3A_308 : i32 to vector<16xi32>
    %and3A_310 = arith.andi %and3A_39, %and3A_309 : vector<16xi32>
    %and3A_311 = arith.constant 7 : i32
    %and3A_312 = vector.broadcast %and3A_311 : i32 to vector<16xi32>
    %and3A_313 = arith.andi %and3A_45, %and3A_312 : vector<16xi32>
    %and3A_314 = arith.constant 7 : i32
    %and3A_315 = vector.broadcast %and3A_314 : i32 to vector<16xi32>
    %and3A_316 = arith.andi %and3A_51, %and3A_315 : vector<16xi32>
    %and3A_317 = arith.constant 7 : i32
    %and3A_318 = vector.broadcast %and3A_317 : i32 to vector<16xi32>
    %and3A_319 = arith.andi %and3A_57, %and3A_318 : vector<16xi32>
    %and3A_320 = arith.constant 7 : i32
    %and3A_321 = vector.broadcast %and3A_320 : i32 to vector<16xi32>
    %and3A_322 = arith.andi %and3A_63, %and3A_321 : vector<16xi32>
    %and3A_323 = arith.constant 7 : i32
    %and3A_324 = vector.broadcast %and3A_323 : i32 to vector<16xi32>
    %and3A_325 = arith.andi %and3A_69, %and3A_324 : vector<16xi32>
    %and3A_326 = arith.constant 7 : i32
    %and3A_327 = vector.broadcast %and3A_326 : i32 to vector<16xi32>
    %and3A_328 = arith.andi %and3A_75, %and3A_327 : vector<16xi32>
    %and3A_329 = arith.constant 7 : i32
    %and3A_330 = vector.broadcast %and3A_329 : i32 to vector<16xi32>
    %and3A_331 = arith.andi %and3A_81, %and3A_330 : vector<16xi32>
    %and3A_332 = arith.constant 7 : i32
    %and3A_333 = vector.broadcast %and3A_332 : i32 to vector<16xi32>
    %and3A_334 = arith.andi %and3A_87, %and3A_333 : vector<16xi32>
    %and3A_335 = arith.constant 7 : i32
    %and3A_336 = vector.broadcast %and3A_335 : i32 to vector<16xi32>
    %and3A_337 = arith.andi %and3A_93, %and3A_336 : vector<16xi32>
    %and3A_338 = arith.constant 7 : i32
    %and3A_339 = vector.broadcast %and3A_338 : i32 to vector<16xi32>
    %and3A_340 = arith.andi %and3A_99, %and3A_339 : vector<16xi32>
    %and3A_341 = arith.constant 7 : i32
    %and3A_342 = vector.broadcast %and3A_341 : i32 to vector<16xi32>
    %and3A_343 = arith.andi %and3A_105, %and3A_342 : vector<16xi32>
    %and3A_344 = arith.constant 7 : i32
    %and3A_345 = vector.broadcast %and3A_344 : i32 to vector<16xi32>
    %and3A_346 = arith.andi %and3A_111, %and3A_345 : vector<16xi32>
    %and3A_347 = arith.constant 7 : i32
    %and3A_348 = vector.broadcast %and3A_347 : i32 to vector<16xi32>
    %and3A_349 = arith.andi %and3A_117, %and3A_348 : vector<16xi32>
    %and3A_350 = arith.constant 7 : i32
    %and3A_351 = vector.broadcast %and3A_350 : i32 to vector<16xi32>
    %and3A_352 = arith.andi %and3A_123, %and3A_351 : vector<16xi32>
    %and3A_353 = arith.constant 7 : i32
    %and3A_354 = vector.broadcast %and3A_353 : i32 to vector<16xi32>
    %and3A_355 = arith.andi %and3A_129, %and3A_354 : vector<16xi32>
    %and3A_356 = arith.constant 7 : i32
    %and3A_357 = vector.broadcast %and3A_356 : i32 to vector<16xi32>
    %and3A_358 = arith.andi %and3A_135, %and3A_357 : vector<16xi32>
    %and3A_359 = arith.constant 7 : i32
    %and3A_360 = vector.broadcast %and3A_359 : i32 to vector<16xi32>
    %and3A_361 = arith.andi %and3A_141, %and3A_360 : vector<16xi32>
    %and3A_362 = arith.constant 7 : i32
    %and3A_363 = vector.broadcast %and3A_362 : i32 to vector<16xi32>
    %and3A_364 = arith.andi %and3A_147, %and3A_363 : vector<16xi32>
    %and3A_365 = arith.constant 7 : i32
    %and3A_366 = vector.broadcast %and3A_365 : i32 to vector<16xi32>
    %and3A_367 = arith.andi %and3A_153, %and3A_366 : vector<16xi32>
    %and3A_368 = arith.constant 7 : i32
    %and3A_369 = vector.broadcast %and3A_368 : i32 to vector<16xi32>
    %and3A_370 = arith.andi %and3A_159, %and3A_369 : vector<16xi32>
    %and3A_371 = arith.constant 7 : i32
    %and3A_372 = vector.broadcast %and3A_371 : i32 to vector<16xi32>
    %and3A_373 = arith.andi %and3A_165, %and3A_372 : vector<16xi32>
    %and3A_374 = arith.constant 7 : i32
    %and3A_375 = vector.broadcast %and3A_374 : i32 to vector<16xi32>
    %and3A_376 = arith.andi %and3A_171, %and3A_375 : vector<16xi32>
    %and3A_377 = arith.constant 7 : i32
    %and3A_378 = vector.broadcast %and3A_377 : i32 to vector<16xi32>
    %and3A_379 = arith.andi %and3A_177, %and3A_378 : vector<16xi32>
    %and3A_380 = arith.constant 7 : i32
    %and3A_381 = vector.broadcast %and3A_380 : i32 to vector<16xi32>
    %and3A_382 = arith.andi %and3A_183, %and3A_381 : vector<16xi32>
    %and3A_383 = arith.constant 7 : i32
    %and3A_384 = vector.broadcast %and3A_383 : i32 to vector<16xi32>
    %and3A_385 = arith.andi %and3A_189, %and3A_384 : vector<16xi32>
    %and3A_386 = arith.constant 7 : i32
    %and3A_387 = vector.broadcast %and3A_386 : i32 to vector<16xi32>
    %and3A_388 = arith.andi %and3A_195, %and3A_387 : vector<16xi32>
    %dma_start3A = arith.constant 0 : i32
    %dma_start3A_389 = arith.constant 0 : i32
    %dma_start3A_390 = arith.constant 0 : i32
    %dma_start3A_391 = arith.constant 0 : i32
    %dma_start3A_392 = tpu.memref_slice %arg6[%dma_start3A_390, %dma_start3A_391] : memref<512x32xf32, #tpu.memory_space<vmem>> -> memref<128x32xf32, #tpu.memory_space<vmem>>
    %dma_start3A_393 = arith.constant 0 : i32
    %dma_start3A_394 = tpu.memref_slice %arg5[%dma_start3A, %dma_start3A_389, %dma_start3A_393] : memref<26x4x128xi32, #tpu.memory_space<vmem>> -> memref<1x1x128xi32, #tpu.memory_space<vmem>>
    %dma_start3A_395 = tpu.memref_squeeze %dma_start3A_394 : memref<1x1x128xi32, #tpu.memory_space<vmem>> -> memref<128xi32, #tpu.memory_space<vmem>>
    %dma_start3A_396 = arith.constant 0 : i32
    %dma_start3A_397 = arith.constant 0 : i32
    %dma_start3A_398 = tpu.memref_slice %arg3[%dma_start3A_396, %dma_start3A_397] : memref<1000000x32xf32, #tpu.memory_space<hbm>> -> memref<1000000x32xf32, #tpu.memory_space<hbm>>
    tpu.enqueue_indirect_dma source(%dma_start3A_398 : memref<1000000x32xf32, #tpu.memory_space<hbm>>) target(%dma_start3A_392 : memref<128x32xf32, #tpu.memory_space<vmem>>) offsets(%dma_start3A_395 : memref<128xi32, #tpu.memory_space<vmem>>) semaphore(%arg10 : memref<!tpu.dma_semaphore, #tpu.memory_space<semaphore_mem>>)
    %dma_start3A_399 = arith.constant 0 : i32
    %dma_start3A_400 = arith.constant 1 : i32
    %dma_start3A_401 = arith.constant 128 : i32
    %dma_start3A_402 = arith.constant 0 : i32
    %dma_start3A_403 = tpu.memref_slice %arg6[%dma_start3A_401, %dma_start3A_402] : memref<512x32xf32, #tpu.memory_space<vmem>> -> memref<128x32xf32, #tpu.memory_space<vmem>>
    %dma_start3A_404 = arith.constant 0 : i32
    %dma_start3A_405 = tpu.memref_slice %arg5[%dma_start3A_399, %dma_start3A_400, %dma_start3A_404] : memref<26x4x128xi32, #tpu.memory_space<vmem>> -> memref<1x1x128xi32, #tpu.memory_space<vmem>>
    %dma_start3A_406 = tpu.memref_squeeze %dma_start3A_405 : memref<1x1x128xi32, #tpu.memory_space<vmem>> -> memref<128xi32, #tpu.memory_space<vmem>>
    %dma_start3A_407 = arith.constant 0 : i32
    %dma_start3A_408 = arith.constant 0 : i32
    %dma_start3A_409 = tpu.memref_slice %arg3[%dma_start3A_407, %dma_start3A_408] : memref<1000000x32xf32, #tpu.memory_space<hbm>> -> memref<1000000x32xf32, #tpu.memory_space<hbm>>
    tpu.enqueue_indirect_dma source(%dma_start3A_409 : memref<1000000x32xf32, #tpu.memory_space<hbm>>) target(%dma_start3A_403 : memref<128x32xf32, #tpu.memory_space<vmem>>) offsets(%dma_start3A_406 : memref<128xi32, #tpu.memory_space<vmem>>) semaphore(%arg10 : memref<!tpu.dma_semaphore, #tpu.memory_space<semaphore_mem>>)
    %dma_start3A_410 = arith.constant 0 : i32
    %dma_start3A_411 = arith.constant 2 : i32
    %dma_start3A_412 = arith.constant 256 : i32
    %dma_start3A_413 = arith.constant 0 : i32
    %dma_start3A_414 = tpu.memref_slice %arg6[%dma_start3A_412, %dma_start3A_413] : memref<512x32xf32, #tpu.memory_space<vmem>> -> memref<128x32xf32, #tpu.memory_space<vmem>>
    %dma_start3A_415 = arith.constant 0 : i32
    %dma_start3A_416 = tpu.memref_slice %arg5[%dma_start3A_410, %dma_start3A_411, %dma_start3A_415] : memref<26x4x128xi32, #tpu.memory_space<vmem>> -> memref<1x1x128xi32, #tpu.memory_space<vmem>>
    %dma_start3A_417 = tpu.memref_squeeze %dma_start3A_416 : memref<1x1x128xi32, #tpu.memory_space<vmem>> -> memref<128xi32, #tpu.memory_space<vmem>>
    %dma_start3A_418 = arith.constant 0 : i32
    %dma_start3A_419 = arith.constant 0 : i32
    %dma_start3A_420 = tpu.memref_slice %arg3[%dma_start3A_418, %dma_start3A_419] : memref<1000000x32xf32, #tpu.memory_space<hbm>> -> memref<1000000x32xf32, #tpu.memory_space<hbm>>
    tpu.enqueue_indirect_dma source(%dma_start3A_420 : memref<1000000x32xf32, #tpu.memory_space<hbm>>) target(%dma_start3A_414 : memref<128x32xf32, #tpu.memory_space<vmem>>) offsets(%dma_start3A_417 : memref<128xi32, #tpu.memory_space<vmem>>) semaphore(%arg10 : memref<!tpu.dma_semaphore, #tpu.memory_space<semaphore_mem>>)
    %dma_start3A_421 = arith.constant 0 : i32
    %dma_start3A_422 = arith.constant 3 : i32
    %dma_start3A_423 = arith.constant 384 : i32
    %dma_start3A_424 = arith.constant 0 : i32
    %dma_start3A_425 = tpu.memref_slice %arg6[%dma_start3A_423, %dma_start3A_424] : memref<512x32xf32, #tpu.memory_space<vmem>> -> memref<128x32xf32, #tpu.memory_space<vmem>>
    %dma_start3A_426 = arith.constant 0 : i32
    %dma_start3A_427 = tpu.memref_slice %arg5[%dma_start3A_421, %dma_start3A_422, %dma_start3A_426] : memref<26x4x128xi32, #tpu.memory_space<vmem>> -> memref<1x1x128xi32, #tpu.memory_space<vmem>>
    %dma_start3A_428 = tpu.memref_squeeze %dma_start3A_427 : memref<1x1x128xi32, #tpu.memory_space<vmem>> -> memref<128xi32, #tpu.memory_space<vmem>>
    %dma_start3A_429 = arith.constant 0 : i32
    %dma_start3A_430 = arith.constant 0 : i32
    %dma_start3A_431 = tpu.memref_slice %arg3[%dma_start3A_429, %dma_start3A_430] : memref<1000000x32xf32, #tpu.memory_space<hbm>> -> memref<1000000x32xf32, #tpu.memory_space<hbm>>
    tpu.enqueue_indirect_dma source(%dma_start3A_431 : memref<1000000x32xf32, #tpu.memory_space<hbm>>) target(%dma_start3A_425 : memref<128x32xf32, #tpu.memory_space<vmem>>) offsets(%dma_start3A_428 : memref<128xi32, #tpu.memory_space<vmem>>) semaphore(%arg10 : memref<!tpu.dma_semaphore, #tpu.memory_space<semaphore_mem>>)
    %scan3A = arith.constant 0 : i32
    %scan3A_432 = arith.constant 0 : i32
    %scan3A_433 = arith.constant 13 : i32
    %scan3A_434 = arith.addi %scan3A_432, %scan3A_433 : i32
    %scan3A_435 = arith.constant 1 : i32
    scf.for %scan3A_462 = %scan3A_432 to %scan3A_434 step %scan3A_435  : i32 {
      %mul3A_463 = arith.constant 2 : i32
      %mul3A_464 = arith.muli %mul3A_463, %scan3A_462 : i32
      %eq3A = arith.constant 0 : i32
      %eq3A_465 = arith.cmpi eq, %scan3A_462, %eq3A : i32
      %dma_wait3A_466 = arith.constant 0 : i32
      %dma_wait3A_467 = arith.constant 0 : i32
      %dma_wait3A_468 = arith.constant 0 : i32
      %dma_wait3A_469 = arith.constant 0 : i32
      %dma_wait3A_470 = tpu.memref_slice %arg6[%dma_wait3A_468, %dma_wait3A_469] : memref<512x32xf32, #tpu.memory_space<vmem>> -> memref<128x32xf32, #tpu.memory_space<vmem>>
      %dma_wait3A_471 = arith.constant 0 : i32
      %dma_wait3A_472 = tpu.memref_slice %arg5[%dma_wait3A_466, %dma_wait3A_467, %dma_wait3A_471] : memref<26x4x128xi32, #tpu.memory_space<vmem>> -> memref<1x1x128xi32, #tpu.memory_space<vmem>>
      %dma_wait3A_473 = tpu.memref_squeeze %dma_wait3A_472 : memref<1x1x128xi32, #tpu.memory_space<vmem>> -> memref<128xi32, #tpu.memory_space<vmem>>
      %dma_wait3A_474 = arith.constant 0 : i32
      %dma_wait3A_475 = arith.constant 0 : i32
      %dma_wait3A_476 = tpu.memref_slice %arg3[%dma_wait3A_474, %dma_wait3A_475] : memref<1000000x32xf32, #tpu.memory_space<hbm>> -> memref<1000000x32xf32, #tpu.memory_space<hbm>>
      tpu.wait_indirect_dma semaphore(%arg10 : memref<!tpu.dma_semaphore, #tpu.memory_space<semaphore_mem>>) src(%dma_wait3A_476 : memref<1000000x32xf32, #tpu.memory_space<hbm>>) dst(%dma_wait3A_470 : memref<128x32xf32, #tpu.memory_space<vmem>>)
      %dma_wait3A_477 = arith.constant 0 : i32
      %dma_wait3A_478 = arith.constant 1 : i32
      %dma_wait3A_479 = arith.constant 128 : i32
      %dma_wait3A_480 = arith.constant 0 : i32
      %dma_wait3A_481 = tpu.memref_slice %arg6[%dma_wait3A_479, %dma_wait3A_480] : memref<512x32xf32, #tpu.memory_space<vmem>> -> memref<128x32xf32, #tpu.memory_space<vmem>>
      %dma_wait3A_482 = arith.constant 0 : i32
      %dma_wait3A_483 = tpu.memref_slice %arg5[%dma_wait3A_477, %dma_wait3A_478, %dma_wait3A_482] : memref<26x4x128xi32, #tpu.memory_space<vmem>> -> memref<1x1x128xi32, #tpu.memory_space<vmem>>
      %dma_wait3A_484 = tpu.memref_squeeze %dma_wait3A_483 : memref<1x1x128xi32, #tpu.memory_space<vmem>> -> memref<128xi32, #tpu.memory_space<vmem>>
      %dma_wait3A_485 = arith.constant 0 : i32
      %dma_wait3A_486 = arith.constant 0 : i32
      %dma_wait3A_487 = tpu.memref_slice %arg3[%dma_wait3A_485, %dma_wait3A_486] : memref<1000000x32xf32, #tpu.memory_space<hbm>> -> memref<1000000x32xf32, #tpu.memory_space<hbm>>
      tpu.wait_indirect_dma semaphore(%arg10 : memref<!tpu.dma_semaphore, #tpu.memory_space<semaphore_mem>>) src(%dma_wait3A_487 : memref<1000000x32xf32, #tpu.memory_space<hbm>>) dst(%dma_wait3A_481 : memref<128x32xf32, #tpu.memory_space<vmem>>)
      %dma_wait3A_488 = arith.constant 0 : i32
      %dma_wait3A_489 = arith.constant 2 : i32
      %dma_wait3A_490 = arith.constant 256 : i32
      %dma_wait3A_491 = arith.constant 0 : i32
      %dma_wait3A_492 = tpu.memref_slice %arg6[%dma_wait3A_490, %dma_wait3A_491] : memref<512x32xf32, #tpu.memory_space<vmem>> -> memref<128x32xf32, #tpu.memory_space<vmem>>
      %dma_wait3A_493 = arith.constant 0 : i32
      %dma_wait3A_494 = tpu.memref_slice %arg5[%dma_wait3A_488, %dma_wait3A_489, %dma_wait3A_493] : memref<26x4x128xi32, #tpu.memory_space<vmem>> -> memref<1x1x128xi32, #tpu.memory_space<vmem>>
      %dma_wait3A_495 = tpu.memref_squeeze %dma_wait3A_494 : memref<1x1x128xi32, #tpu.memory_space<vmem>> -> memref<128xi32, #tpu.memory_space<vmem>>
      %dma_wait3A_496 = arith.constant 0 : i32
      %dma_wait3A_497 = arith.constant 0 : i32
      %dma_wait3A_498 = tpu.memref_slice %arg3[%dma_wait3A_496, %dma_wait3A_497] : memref<1000000x32xf32, #tpu.memory_space<hbm>> -> memref<1000000x32xf32, #tpu.memory_space<hbm>>
      tpu.wait_indirect_dma semaphore(%arg10 : memref<!tpu.dma_semaphore, #tpu.memory_space<semaphore_mem>>) src(%dma_wait3A_498 : memref<1000000x32xf32, #tpu.memory_space<hbm>>) dst(%dma_wait3A_492 : memref<128x32xf32, #tpu.memory_space<vmem>>)
      %dma_wait3A_499 = arith.constant 0 : i32
      %dma_wait3A_500 = arith.constant 3 : i32
      %dma_wait3A_501 = arith.constant 384 : i32
      %dma_wait3A_502 = arith.constant 0 : i32
      %dma_wait3A_503 = tpu.memref_slice %arg6[%dma_wait3A_501, %dma_wait3A_502] : memref<512x32xf32, #tpu.memory_space<vmem>> -> memref<128x32xf32, #tpu.memory_space<vmem>>
      %dma_wait3A_504 = arith.constant 0 : i32
      %dma_wait3A_505 = tpu.memref_slice %arg5[%dma_wait3A_499, %dma_wait3A_500, %dma_wait3A_504] : memref<26x4x128xi32, #tpu.memory_space<vmem>> -> memref<1x1x128xi32, #tpu.memory_space<vmem>>
      %dma_wait3A_506 = tpu.memref_squeeze %dma_wait3A_505 : memref<1x1x128xi32, #tpu.memory_space<vmem>> -> memref<128xi32, #tpu.memory_space<vmem>>
      %dma_wait3A_507 = arith.constant 0 : i32
      %dma_wait3A_508 = arith.constant 0 : i32
      %dma_wait3A_509 = tpu.memref_slice %arg3[%dma_wait3A_507, %dma_wait3A_508] : memref<1000000x32xf32, #tpu.memory_space<hbm>> -> memref<1000000x32xf32, #tpu.memory_space<hbm>>
      tpu.wait_indirect_dma semaphore(%arg10 : memref<!tpu.dma_semaphore, #tpu.memory_space<semaphore_mem>>) src(%dma_wait3A_509 : memref<1000000x32xf32, #tpu.memory_space<hbm>>) dst(%dma_wait3A_503 : memref<128x32xf32, #tpu.memory_space<vmem>>)
      %cond3A = arith.constant 1 : i32
      %add3A_510 = arith.constant 1 : i32
      %add3A_511 = arith.addi %mul3A_464, %add3A_510 : i32
      %dma_start3A_512 = arith.constant 0 : i32
      %dma_start3A_513 = arith.constant 0 : i32
      %dma_start3A_514 = arith.constant 0 : i32
      %dma_start3A_515 = tpu.memref_slice %arg7[%dma_start3A_513, %dma_start3A_514] : memref<512x32xf32, #tpu.memory_space<vmem>> -> memref<128x32xf32, #tpu.memory_space<vmem>>
      %dma_start3A_516 = arith.constant 0 : i32
      %dma_start3A_517 = tpu.memref_slice %arg5[%add3A_511, %dma_start3A_512, %dma_start3A_516] : memref<26x4x128xi32, #tpu.memory_space<vmem>> -> memref<1x1x128xi32, #tpu.memory_space<vmem>>
      %dma_start3A_518 = tpu.memref_squeeze %dma_start3A_517 : memref<1x1x128xi32, #tpu.memory_space<vmem>> -> memref<128xi32, #tpu.memory_space<vmem>>
      %dma_start3A_519 = arith.constant 0 : i32
      %dma_start3A_520 = arith.constant 0 : i32
      %dma_start3A_521 = tpu.memref_slice %arg3[%dma_start3A_519, %dma_start3A_520] : memref<1000000x32xf32, #tpu.memory_space<hbm>> -> memref<1000000x32xf32, #tpu.memory_space<hbm>>
      tpu.enqueue_indirect_dma source(%dma_start3A_521 : memref<1000000x32xf32, #tpu.memory_space<hbm>>) target(%dma_start3A_515 : memref<128x32xf32, #tpu.memory_space<vmem>>) offsets(%dma_start3A_518 : memref<128xi32, #tpu.memory_space<vmem>>) semaphore(%arg11 : memref<!tpu.dma_semaphore, #tpu.memory_space<semaphore_mem>>)
      %dma_start3A_522 = arith.constant 1 : i32
      %dma_start3A_523 = arith.constant 128 : i32
      %dma_start3A_524 = arith.constant 0 : i32
      %dma_start3A_525 = tpu.memref_slice %arg7[%dma_start3A_523, %dma_start3A_524] : memref<512x32xf32, #tpu.memory_space<vmem>> -> memref<128x32xf32, #tpu.memory_space<vmem>>
      %dma_start3A_526 = arith.constant 0 : i32
      %dma_start3A_527 = tpu.memref_slice %arg5[%add3A_511, %dma_start3A_522, %dma_start3A_526] : memref<26x4x128xi32, #tpu.memory_space<vmem>> -> memref<1x1x128xi32, #tpu.memory_space<vmem>>
      %dma_start3A_528 = tpu.memref_squeeze %dma_start3A_527 : memref<1x1x128xi32, #tpu.memory_space<vmem>> -> memref<128xi32, #tpu.memory_space<vmem>>
      %dma_start3A_529 = arith.constant 0 : i32
      %dma_start3A_530 = arith.constant 0 : i32
      %dma_start3A_531 = tpu.memref_slice %arg3[%dma_start3A_529, %dma_start3A_530] : memref<1000000x32xf32, #tpu.memory_space<hbm>> -> memref<1000000x32xf32, #tpu.memory_space<hbm>>
      tpu.enqueue_indirect_dma source(%dma_start3A_531 : memref<1000000x32xf32, #tpu.memory_space<hbm>>) target(%dma_start3A_525 : memref<128x32xf32, #tpu.memory_space<vmem>>) offsets(%dma_start3A_528 : memref<128xi32, #tpu.memory_space<vmem>>) semaphore(%arg11 : memref<!tpu.dma_semaphore, #tpu.memory_space<semaphore_mem>>)
      %dma_start3A_532 = arith.constant 2 : i32
      %dma_start3A_533 = arith.constant 256 : i32
      %dma_start3A_534 = arith.constant 0 : i32
      %dma_start3A_535 = tpu.memref_slice %arg7[%dma_start3A_533, %dma_start3A_534] : memref<512x32xf32, #tpu.memory_space<vmem>> -> memref<128x32xf32, #tpu.memory_space<vmem>>
      %dma_start3A_536 = arith.constant 0 : i32
      %dma_start3A_537 = tpu.memref_slice %arg5[%add3A_511, %dma_start3A_532, %dma_start3A_536] : memref<26x4x128xi32, #tpu.memory_space<vmem>> -> memref<1x1x128xi32, #tpu.memory_space<vmem>>
      %dma_start3A_538 = tpu.memref_squeeze %dma_start3A_537 : memref<1x1x128xi32, #tpu.memory_space<vmem>> -> memref<128xi32, #tpu.memory_space<vmem>>
      %dma_start3A_539 = arith.constant 0 : i32
      %dma_start3A_540 = arith.constant 0 : i32
      %dma_start3A_541 = tpu.memref_slice %arg3[%dma_start3A_539, %dma_start3A_540] : memref<1000000x32xf32, #tpu.memory_space<hbm>> -> memref<1000000x32xf32, #tpu.memory_space<hbm>>
      tpu.enqueue_indirect_dma source(%dma_start3A_541 : memref<1000000x32xf32, #tpu.memory_space<hbm>>) target(%dma_start3A_535 : memref<128x32xf32, #tpu.memory_space<vmem>>) offsets(%dma_start3A_538 : memref<128xi32, #tpu.memory_space<vmem>>) semaphore(%arg11 : memref<!tpu.dma_semaphore, #tpu.memory_space<semaphore_mem>>)
      %dma_start3A_542 = arith.constant 3 : i32
      %dma_start3A_543 = arith.constant 384 : i32
      %dma_start3A_544 = arith.constant 0 : i32
      %dma_start3A_545 = tpu.memref_slice %arg7[%dma_start3A_543, %dma_start3A_544] : memref<512x32xf32, #tpu.memory_space<vmem>> -> memref<128x32xf32, #tpu.memory_space<vmem>>
      %dma_start3A_546 = arith.constant 0 : i32
      %dma_start3A_547 = tpu.memref_slice %arg5[%add3A_511, %dma_start3A_542, %dma_start3A_546] : memref<26x4x128xi32, #tpu.memory_space<vmem>> -> memref<1x1x128xi32, #tpu.memory_space<vmem>>
      %dma_start3A_548 = tpu.memref_squeeze %dma_start3A_547 : memref<1x1x128xi32, #tpu.memory_space<vmem>> -> memref<128xi32, #tpu.memory_space<vmem>>
      %dma_start3A_549 = arith.constant 0 : i32
      %dma_start3A_550 = arith.constant 0 : i32
      %dma_start3A_551 = tpu.memref_slice %arg3[%dma_start3A_549, %dma_start3A_550] : memref<1000000x32xf32, #tpu.memory_space<hbm>> -> memref<1000000x32xf32, #tpu.memory_space<hbm>>
      tpu.enqueue_indirect_dma source(%dma_start3A_551 : memref<1000000x32xf32, #tpu.memory_space<hbm>>) target(%dma_start3A_545 : memref<128x32xf32, #tpu.memory_space<vmem>>) offsets(%dma_start3A_548 : memref<128xi32, #tpu.memory_space<vmem>>) semaphore(%arg11 : memref<!tpu.dma_semaphore, #tpu.memory_space<semaphore_mem>>)
      %not3A = arith.constant true
      %not3A_552 = arith.xori %eq3A_465, %not3A : i1
      %convert_element_type3A = arith.extui %not3A_552 : i1 to i32
      %cond3A_553 = arith.constant 0 : i32
      %cond3A_554 = arith.cmpi ne, %convert_element_type3A, %cond3A_553 : i32
      scf.if %cond3A_554 {
        %dma_wait3A_646 = arith.constant 0 : i32
        %dma_wait3A_647 = arith.constant 0 : i32
        %dma_wait3A_648 = arith.constant 0 : i32
        %dma_wait3A_649 = arith.constant 0 : i32
        %dma_wait3A_650 = arith.constant 0 : i32
        %dma_wait3A_651 = tpu.memref_slice %arg4[%dma_wait3A_646, %dma_wait3A_647, %dma_wait3A_648, %dma_wait3A_649, %dma_wait3A_650] : memref<26x4x128x8x128xf32, #tpu.memory_space<hbm>> -> memref<1x4x4x8x128xf32, #tpu.memory_space<hbm>>
        %dma_wait3A_652 = tpu.memref_squeeze %dma_wait3A_651 : memref<1x4x4x8x128xf32, #tpu.memory_space<hbm>> -> memref<4x4x8x128xf32, #tpu.memory_space<hbm>>
        %dma_wait3A_653 = arith.constant 0 : i32
        %dma_wait3A_654 = arith.constant 0 : i32
        %dma_wait3A_655 = arith.constant 0 : i32
        %dma_wait3A_656 = arith.constant 0 : i32
        %dma_wait3A_657 = tpu.memref_slice %arg4[%dma_wait3A_646, %dma_wait3A_653, %dma_wait3A_654, %dma_wait3A_655, %dma_wait3A_656] : memref<26x4x128x8x128xf32, #tpu.memory_space<hbm>> -> memref<1x4x4x8x128xf32, #tpu.memory_space<hbm>>
        %dma_wait3A_658 = tpu.memref_squeeze %dma_wait3A_657 : memref<1x4x4x8x128xf32, #tpu.memory_space<hbm>> -> memref<4x4x8x128xf32, #tpu.memory_space<hbm>>
        tpu.wait_dma2 semaphore(%arg12 : memref<!tpu.dma_semaphore, #tpu.memory_space<semaphore_mem>>) src(%arg8 : memref<4x4x8x128xf32, #tpu.memory_space<vmem>>) dst(%dma_wait3A_658 : memref<4x4x8x128xf32, #tpu.memory_space<hbm>>)
      } else {
      }
      %scan3A_555 = arith.constant 0 : i32
      %scan3A_556 = arith.constant 0 : i32
      %scan3A_557 = arith.constant 32 : i32
      %scan3A_558 = arith.addi %scan3A_556, %scan3A_557 : i32
      %scan3A_559 = arith.constant 1 : i32
      scf.for %scan3A_646 = %scan3A_556 to %scan3A_558 step %scan3A_559  : i32 {
        %mul3A_647 = arith.constant 16 : i32
        %mul3A_648 = arith.muli %scan3A_646, %mul3A_647 : i32
        %add3A_649 = vector.broadcast %mul3A_648 : i32 to vector<16xi32>
        %add3A_650 = arith.addi %add3A_649, %iota3A : vector<16xi32>
        %shift_right_arithmetic3A_651 = arith.constant 7 : i32
        %shift_right_arithmetic3A_652 = vector.broadcast %shift_right_arithmetic3A_651 : i32 to vector<16xi32>
        %shift_right_arithmetic3A_653 = arith.shrsi %add3A_650, %shift_right_arithmetic3A_652 : vector<16xi32>
        %and3A_654 = arith.constant 127 : i32
        %and3A_655 = vector.broadcast %and3A_654 : i32 to vector<16xi32>
        %and3A_656 = arith.andi %add3A_650, %and3A_655 : vector<16xi32>
        %gather3A = tpu.vector_load_idx %arg6[%add3A_650, %and3A_9] : memref<512x32xf32, #tpu.memory_space<vmem>>[vector<16xi32>, vector<16xi32>], vector<16xf32>,
        %gather3A_657 = tpu.vector_load_idx %arg6[%add3A_650, %and3A_15] : memref<512x32xf32, #tpu.memory_space<vmem>>[vector<16xi32>, vector<16xi32>], vector<16xf32>,
        %gather3A_658 = tpu.vector_load_idx %arg6[%add3A_650, %and3A_21] : memref<512x32xf32, #tpu.memory_space<vmem>>[vector<16xi32>, vector<16xi32>], vector<16xf32>,
        %gather3A_659 = tpu.vector_load_idx %arg6[%add3A_650, %and3A_27] : memref<512x32xf32, #tpu.memory_space<vmem>>[vector<16xi32>, vector<16xi32>], vector<16xf32>,
        %gather3A_660 = tpu.vector_load_idx %arg6[%add3A_650, %and3A_33] : memref<512x32xf32, #tpu.memory_space<vmem>>[vector<16xi32>, vector<16xi32>], vector<16xf32>,
        %gather3A_661 = tpu.vector_load_idx %arg6[%add3A_650, %and3A_39] : memref<512x32xf32, #tpu.memory_space<vmem>>[vector<16xi32>, vector<16xi32>], vector<16xf32>,
        %gather3A_662 = tpu.vector_load_idx %arg6[%add3A_650, %and3A_45] : memref<512x32xf32, #tpu.memory_space<vmem>>[vector<16xi32>, vector<16xi32>], vector<16xf32>,
        %gather3A_663 = tpu.vector_load_idx %arg6[%add3A_650, %and3A_51] : memref<512x32xf32, #tpu.memory_space<vmem>>[vector<16xi32>, vector<16xi32>], vector<16xf32>,
        %gather3A_664 = tpu.vector_load_idx %arg6[%add3A_650, %and3A_57] : memref<512x32xf32, #tpu.memory_space<vmem>>[vector<16xi32>, vector<16xi32>], vector<16xf32>,
        %gather3A_665 = tpu.vector_load_idx %arg6[%add3A_650, %and3A_63] : memref<512x32xf32, #tpu.memory_space<vmem>>[vector<16xi32>, vector<16xi32>], vector<16xf32>,
        %gather3A_666 = tpu.vector_load_idx %arg6[%add3A_650, %and3A_69] : memref<512x32xf32, #tpu.memory_space<vmem>>[vector<16xi32>, vector<16xi32>], vector<16xf32>,
        %gather3A_667 = tpu.vector_load_idx %arg6[%add3A_650, %and3A_75] : memref<512x32xf32, #tpu.memory_space<vmem>>[vector<16xi32>, vector<16xi32>], vector<16xf32>,
        %gather3A_668 = tpu.vector_load_idx %arg6[%add3A_650, %and3A_81] : memref<512x32xf32, #tpu.memory_space<vmem>>[vector<16xi32>, vector<16xi32>], vector<16xf32>,
        %gather3A_669 = tpu.vector_load_idx %arg6[%add3A_650, %and3A_87] : memref<512x32xf32, #tpu.memory_space<vmem>>[vector<16xi32>, vector<16xi32>], vector<16xf32>,
        %gather3A_670 = tpu.vector_load_idx %arg6[%add3A_650, %and3A_93] : memref<512x32xf32, #tpu.memory_space<vmem>>[vector<16xi32>, vector<16xi32>], vector<16xf32>,
        %gather3A_671 = tpu.vector_load_idx %arg6[%add3A_650, %and3A_99] : memref<512x32xf32, #tpu.memory_space<vmem>>[vector<16xi32>, vector<16xi32>], vector<16xf32>,
        %gather3A_672 = tpu.vector_load_idx %arg6[%add3A_650, %and3A_105] : memref<512x32xf32, #tpu.memory_space<vmem>>[vector<16xi32>, vector<16xi32>], vector<16xf32>,
        %gather3A_673 = tpu.vector_load_idx %arg6[%add3A_650, %and3A_111] : memref<512x32xf32, #tpu.memory_space<vmem>>[vector<16xi32>, vector<16xi32>], vector<16xf32>,
        %gather3A_674 = tpu.vector_load_idx %arg6[%add3A_650, %and3A_117] : memref<512x32xf32, #tpu.memory_space<vmem>>[vector<16xi32>, vector<16xi32>], vector<16xf32>,
        %gather3A_675 = tpu.vector_load_idx %arg6[%add3A_650, %and3A_123] : memref<512x32xf32, #tpu.memory_space<vmem>>[vector<16xi32>, vector<16xi32>], vector<16xf32>,
        %gather3A_676 = tpu.vector_load_idx %arg6[%add3A_650, %and3A_129] : memref<512x32xf32, #tpu.memory_space<vmem>>[vector<16xi32>, vector<16xi32>], vector<16xf32>,
        %gather3A_677 = tpu.vector_load_idx %arg6[%add3A_650, %and3A_135] : memref<512x32xf32, #tpu.memory_space<vmem>>[vector<16xi32>, vector<16xi32>], vector<16xf32>,
        %gather3A_678 = tpu.vector_load_idx %arg6[%add3A_650, %and3A_141] : memref<512x32xf32, #tpu.memory_space<vmem>>[vector<16xi32>, vector<16xi32>], vector<16xf32>,
        %gather3A_679 = tpu.vector_load_idx %arg6[%add3A_650, %and3A_147] : memref<512x32xf32, #tpu.memory_space<vmem>>[vector<16xi32>, vector<16xi32>], vector<16xf32>,
        %gather3A_680 = tpu.vector_load_idx %arg6[%add3A_650, %and3A_153] : memref<512x32xf32, #tpu.memory_space<vmem>>[vector<16xi32>, vector<16xi32>], vector<16xf32>,
        %gather3A_681 = tpu.vector_load_idx %arg6[%add3A_650, %and3A_159] : memref<512x32xf32, #tpu.memory_space<vmem>>[vector<16xi32>, vector<16xi32>], vector<16xf32>,
        %gather3A_682 = tpu.vector_load_idx %arg6[%add3A_650, %and3A_165] : memref<512x32xf32, #tpu.memory_space<vmem>>[vector<16xi32>, vector<16xi32>], vector<16xf32>,
        %gather3A_683 = tpu.vector_load_idx %arg6[%add3A_650, %and3A_171] : memref<512x32xf32, #tpu.memory_space<vmem>>[vector<16xi32>, vector<16xi32>], vector<16xf32>,
        %gather3A_684 = tpu.vector_load_idx %arg6[%add3A_650, %and3A_177] : memref<512x32xf32, #tpu.memory_space<vmem>>[vector<16xi32>, vector<16xi32>], vector<16xf32>,
        %gather3A_685 = tpu.vector_load_idx %arg6[%add3A_650, %and3A_183] : memref<512x32xf32, #tpu.memory_space<vmem>>[vector<16xi32>, vector<16xi32>], vector<16xf32>,
        %gather3A_686 = tpu.vector_load_idx %arg6[%add3A_650, %and3A_189] : memref<512x32xf32, #tpu.memory_space<vmem>>[vector<16xi32>, vector<16xi32>], vector<16xf32>,
        %gather3A_687 = tpu.vector_load_idx %arg6[%add3A_650, %and3A_195] : memref<512x32xf32, #tpu.memory_space<vmem>>[vector<16xi32>, vector<16xi32>], vector<16xf32>,
        tpu.vector_store_idx %arg8[%shift_right_arithmetic3A_199, %shift_right_arithmetic3A_653, %and3A_295, %and3A_656], %gather3A : memref<4x4x8x128xf32, #tpu.memory_space<vmem>>[vector<16xi32>, vector<16xi32>, vector<16xi32>, vector<16xi32>], vector<16xf32>,
        tpu.vector_store_idx %arg8[%shift_right_arithmetic3A_202, %shift_right_arithmetic3A_653, %and3A_298, %and3A_656], %gather3A_657 : memref<4x4x8x128xf32, #tpu.memory_space<vmem>>[vector<16xi32>, vector<16xi32>, vector<16xi32>, vector<16xi32>], vector<16xf32>,
        tpu.vector_store_idx %arg8[%shift_right_arithmetic3A_205, %shift_right_arithmetic3A_653, %and3A_301, %and3A_656], %gather3A_658 : memref<4x4x8x128xf32, #tpu.memory_space<vmem>>[vector<16xi32>, vector<16xi32>, vector<16xi32>, vector<16xi32>], vector<16xf32>,
        tpu.vector_store_idx %arg8[%shift_right_arithmetic3A_208, %shift_right_arithmetic3A_653, %and3A_304, %and3A_656], %gather3A_659 : memref<4x4x8x128xf32, #tpu.memory_space<vmem>>[vector<16xi32>, vector<16xi32>, vector<16xi32>, vector<16xi32>], vector<16xf32>,
        tpu.vector_store_idx %arg8[%shift_right_arithmetic3A_211, %shift_right_arithmetic3A_653, %and3A_307, %and3A_656], %gather3A_660 : memref<4x4x8x128xf32, #tpu.memory_space<vmem>>[vector<16xi32>, vector<16xi32>, vector<16xi32>, vector<16xi32>], vector<16xf32>,
        tpu.vector_store_idx %arg8[%shift_right_arithmetic3A_214, %shift_right_arithmetic3A_653, %and3A_310, %and3A_656], %gather3A_661 : memref<4x4x8x128xf32, #tpu.memory_space<vmem>>[vector<16xi32>, vector<16xi32>, vector<16xi32>, vector<16xi32>], vector<16xf32>,
        tpu.vector_store_idx %arg8[%shift_right_arithmetic3A_217, %shift_right_arithmetic3A_653, %and3A_313, %and3A_656], %gather3A_662 : memref<4x4x8x128xf32, #tpu.memory_space<vmem>>[vector<16xi32>, vector<16xi32>, vector<16xi32>, vector<16xi32>], vector<16xf32>,
        tpu.vector_store_idx %arg8[%shift_right_arithmetic3A_220, %shift_right_arithmetic3A_653, %and3A_316, %and3A_656], %gather3A_663 : memref<4x4x8x128xf32, #tpu.memory_space<vmem>>[vector<16xi32>, vector<16xi32>, vector<16xi32>, vector<16xi32>], vector<16xf32>,
        tpu.vector_store_idx %arg8[%shift_right_arithmetic3A_223, %shift_right_arithmetic3A_653, %and3A_319, %and3A_656], %gather3A_664 : memref<4x4x8x128xf32, #tpu.memory_space<vmem>>[vector<16xi32>, vector<16xi32>, vector<16xi32>, vector<16xi32>], vector<16xf32>,
        tpu.vector_store_idx %arg8[%shift_right_arithmetic3A_226, %shift_right_arithmetic3A_653, %and3A_322, %and3A_656], %gather3A_665 : memref<4x4x8x128xf32, #tpu.memory_space<vmem>>[vector<16xi32>, vector<16xi32>, vector<16xi32>, vector<16xi32>], vector<16xf32>,
        tpu.vector_store_idx %arg8[%shift_right_arithmetic3A_229, %shift_right_arithmetic3A_653, %and3A_325, %and3A_656], %gather3A_666 : memref<4x4x8x128xf32, #tpu.memory_space<vmem>>[vector<16xi32>, vector<16xi32>, vector<16xi32>, vector<16xi32>], vector<16xf32>,
        tpu.vector_store_idx %arg8[%shift_right_arithmetic3A_232, %shift_right_arithmetic3A_653, %and3A_328, %and3A_656], %gather3A_667 : memref<4x4x8x128xf32, #tpu.memory_space<vmem>>[vector<16xi32>, vector<16xi32>, vector<16xi32>, vector<16xi32>], vector<16xf32>,
        tpu.vector_store_idx %arg8[%shift_right_arithmetic3A_235, %shift_right_arithmetic3A_653, %and3A_331, %and3A_656], %gather3A_668 : memref<4x4x8x128xf32, #tpu.memory_space<vmem>>[vector<16xi32>, vector<16xi32>, vector<16xi32>, vector<16xi32>], vector<16xf32>,
        tpu.vector_store_idx %arg8[%shift_right_arithmetic3A_238, %shift_right_arithmetic3A_653, %and3A_334, %and3A_656], %gather3A_669 : memref<4x4x8x128xf32, #tpu.memory_space<vmem>>[vector<16xi32>, vector<16xi32>, vector<16xi32>, vector<16xi32>], vector<16xf32>,
        tpu.vector_store_idx %arg8[%shift_right_arithmetic3A_241, %shift_right_arithmetic3A_653, %and3A_337, %and3A_656], %gather3A_670 : memref<4x4x8x128xf32, #tpu.memory_space<vmem>>[vector<16xi32>, vector<16xi32>, vector<16xi32>, vector<16xi32>], vector<16xf32>,
        tpu.vector_store_idx %arg8[%shift_right_arithmetic3A_244, %shift_right_arithmetic3A_653, %and3A_340, %and3A_656], %gather3A_671 : memref<4x4x8x128xf32, #tpu.memory_space<vmem>>[vector<16xi32>, vector<16xi32>, vector<16xi32>, vector<16xi32>], vector<16xf32>,
        tpu.vector_store_idx %arg8[%shift_right_arithmetic3A_247, %shift_right_arithmetic3A_653, %and3A_343, %and3A_656], %gather3A_672 : memref<4x4x8x128xf32, #tpu.memory_space<vmem>>[vector<16xi32>, vector<16xi32>, vector<16xi32>, vector<16xi32>], vector<16xf32>,
        tpu.vector_store_idx %arg8[%shift_right_arithmetic3A_250, %shift_right_arithmetic3A_653, %and3A_346, %and3A_656], %gather3A_673 : memref<4x4x8x128xf32, #tpu.memory_space<vmem>>[vector<16xi32>, vector<16xi32>, vector<16xi32>, vector<16xi32>], vector<16xf32>,
        tpu.vector_store_idx %arg8[%shift_right_arithmetic3A_253, %shift_right_arithmetic3A_653, %and3A_349, %and3A_656], %gather3A_674 : memref<4x4x8x128xf32, #tpu.memory_space<vmem>>[vector<16xi32>, vector<16xi32>, vector<16xi32>, vector<16xi32>], vector<16xf32>,
        tpu.vector_store_idx %arg8[%shift_right_arithmetic3A_256, %shift_right_arithmetic3A_653, %and3A_352, %and3A_656], %gather3A_675 : memref<4x4x8x128xf32, #tpu.memory_space<vmem>>[vector<16xi32>, vector<16xi32>, vector<16xi32>, vector<16xi32>], vector<16xf32>,
        tpu.vector_store_idx %arg8[%shift_right_arithmetic3A_259, %shift_right_arithmetic3A_653, %and3A_355, %and3A_656], %gather3A_676 : memref<4x4x8x128xf32, #tpu.memory_space<vmem>>[vector<16xi32>, vector<16xi32>, vector<16xi32>, vector<16xi32>], vector<16xf32>,
        tpu.vector_store_idx %arg8[%shift_right_arithmetic3A_262, %shift_right_arithmetic3A_653, %and3A_358, %and3A_656], %gather3A_677 : memref<4x4x8x128xf32, #tpu.memory_space<vmem>>[vector<16xi32>, vector<16xi32>, vector<16xi32>, vector<16xi32>], vector<16xf32>,
        tpu.vector_store_idx %arg8[%shift_right_arithmetic3A_265, %shift_right_arithmetic3A_653, %and3A_361, %and3A_656], %gather3A_678 : memref<4x4x8x128xf32, #tpu.memory_space<vmem>>[vector<16xi32>, vector<16xi32>, vector<16xi32>, vector<16xi32>], vector<16xf32>,
        tpu.vector_store_idx %arg8[%shift_right_arithmetic3A_268, %shift_right_arithmetic3A_653, %and3A_364, %and3A_656], %gather3A_679 : memref<4x4x8x128xf32, #tpu.memory_space<vmem>>[vector<16xi32>, vector<16xi32>, vector<16xi32>, vector<16xi32>], vector<16xf32>,
        tpu.vector_store_idx %arg8[%shift_right_arithmetic3A_271, %shift_right_arithmetic3A_653, %and3A_367, %and3A_656], %gather3A_680 : memref<4x4x8x128xf32, #tpu.memory_space<vmem>>[vector<16xi32>, vector<16xi32>, vector<16xi32>, vector<16xi32>], vector<16xf32>,
        tpu.vector_store_idx %arg8[%shift_right_arithmetic3A_274, %shift_right_arithmetic3A_653, %and3A_370, %and3A_656], %gather3A_681 : memref<4x4x8x128xf32, #tpu.memory_space<vmem>>[vector<16xi32>, vector<16xi32>, vector<16xi32>, vector<16xi32>], vector<16xf32>,
        tpu.vector_store_idx %arg8[%shift_right_arithmetic3A_277, %shift_right_arithmetic3A_653, %and3A_373, %and3A_656], %gather3A_682 : memref<4x4x8x128xf32, #tpu.memory_space<vmem>>[vector<16xi32>, vector<16xi32>, vector<16xi32>, vector<16xi32>], vector<16xf32>,
        tpu.vector_store_idx %arg8[%shift_right_arithmetic3A_280, %shift_right_arithmetic3A_653, %and3A_376, %and3A_656], %gather3A_683 : memref<4x4x8x128xf32, #tpu.memory_space<vmem>>[vector<16xi32>, vector<16xi32>, vector<16xi32>, vector<16xi32>], vector<16xf32>,
        tpu.vector_store_idx %arg8[%shift_right_arithmetic3A_283, %shift_right_arithmetic3A_653, %and3A_379, %and3A_656], %gather3A_684 : memref<4x4x8x128xf32, #tpu.memory_space<vmem>>[vector<16xi32>, vector<16xi32>, vector<16xi32>, vector<16xi32>], vector<16xf32>,
        tpu.vector_store_idx %arg8[%shift_right_arithmetic3A_286, %shift_right_arithmetic3A_653, %and3A_382, %and3A_656], %gather3A_685 : memref<4x4x8x128xf32, #tpu.memory_space<vmem>>[vector<16xi32>, vector<16xi32>, vector<16xi32>, vector<16xi32>], vector<16xf32>,
        tpu.vector_store_idx %arg8[%shift_right_arithmetic3A_289, %shift_right_arithmetic3A_653, %and3A_385, %and3A_656], %gather3A_686 : memref<4x4x8x128xf32, #tpu.memory_space<vmem>>[vector<16xi32>, vector<16xi32>, vector<16xi32>, vector<16xi32>], vector<16xf32>,
        tpu.vector_store_idx %arg8[%shift_right_arithmetic3A_292, %shift_right_arithmetic3A_653, %and3A_388, %and3A_656], %gather3A_687 : memref<4x4x8x128xf32, #tpu.memory_space<vmem>>[vector<16xi32>, vector<16xi32>, vector<16xi32>, vector<16xi32>], vector<16xf32>,
      }
      %scan3A_560 = arith.constant 32 : i32
      %dma_start3A_561 = arith.constant 0 : i32
      %dma_start3A_562 = arith.constant 0 : i32
      %dma_start3A_563 = arith.constant 0 : i32
      %dma_start3A_564 = tpu.memref_slice %arg4[%mul3A_464, %dma_start3A_561, %mul3A_197, %dma_start3A_562, %dma_start3A_563] : memref<26x4x128x8x128xf32, #tpu.memory_space<hbm>> -> memref<1x4x4x8x128xf32, #tpu.memory_space<hbm>>
      %dma_start3A_565 = tpu.memref_squeeze %dma_start3A_564 : memref<1x4x4x8x128xf32, #tpu.memory_space<hbm>> -> memref<4x4x8x128xf32, #tpu.memory_space<hbm>>
      %dma_start3A_566 = arith.constant 0 : i32
      %dma_start3A_567 = arith.constant 0 : i32
      %dma_start3A_568 = arith.constant 0 : i32
      %dma_start3A_569 = tpu.memref_slice %arg4[%mul3A_464, %dma_start3A_566, %mul3A_197, %dma_start3A_567, %dma_start3A_568] : memref<26x4x128x8x128xf32, #tpu.memory_space<hbm>> -> memref<1x4x4x8x128xf32, #tpu.memory_space<hbm>>
      %dma_start3A_570 = tpu.memref_squeeze %dma_start3A_569 : memref<1x4x4x8x128xf32, #tpu.memory_space<hbm>> -> memref<4x4x8x128xf32, #tpu.memory_space<hbm>>
      tpu.enqueue_dma source(%arg8 : memref<4x4x8x128xf32, #tpu.memory_space<vmem>>) target(%dma_start3A_570 : memref<4x4x8x128xf32, #tpu.memory_space<hbm>>) target_semaphore(%arg12 : memref<!tpu.dma_semaphore, #tpu.memory_space<semaphore_mem>>)
      %mul3A_571 = arith.constant 2 : i32
      %mul3A_572 = arith.muli %mul3A_571, %scan3A_462 : i32
      %add3A_573 = arith.constant 1 : i32
      %add3A_574 = arith.addi %mul3A_572, %add3A_573 : i32
      %lt3A = arith.constant 12 : i32
      %lt3A_575 = arith.cmpi slt, %scan3A_462, %lt3A : i32
      %eq3A_576 = arith.constant 0 : i32
      %eq3A_577 = arith.cmpi eq, %scan3A_462, %eq3A_576 : i32
      %dma_wait3A_578 = arith.constant 0 : i32
      %dma_wait3A_579 = arith.constant 0 : i32
      %dma_wait3A_580 = arith.constant 0 : i32
      %dma_wait3A_581 = arith.constant 0 : i32
      %dma_wait3A_582 = tpu.memref_slice %arg7[%dma_wait3A_580, %dma_wait3A_581] : memref<512x32xf32, #tpu.memory_space<vmem>> -> memref<128x32xf32, #tpu.memory_space<vmem>>
      %dma_wait3A_583 = arith.constant 0 : i32
      %dma_wait3A_584 = tpu.memref_slice %arg5[%dma_wait3A_578, %dma_wait3A_579, %dma_wait3A_583] : memref<26x4x128xi32, #tpu.memory_space<vmem>> -> memref<1x1x128xi32, #tpu.memory_space<vmem>>
      %dma_wait3A_585 = tpu.memref_squeeze %dma_wait3A_584 : memref<1x1x128xi32, #tpu.memory_space<vmem>> -> memref<128xi32, #tpu.memory_space<vmem>>
      %dma_wait3A_586 = arith.constant 0 : i32
      %dma_wait3A_587 = arith.constant 0 : i32
      %dma_wait3A_588 = tpu.memref_slice %arg3[%dma_wait3A_586, %dma_wait3A_587] : memref<1000000x32xf32, #tpu.memory_space<hbm>> -> memref<1000000x32xf32, #tpu.memory_space<hbm>>
      tpu.wait_indirect_dma semaphore(%arg11 : memref<!tpu.dma_semaphore, #tpu.memory_space<semaphore_mem>>) src(%dma_wait3A_588 : memref<1000000x32xf32, #tpu.memory_space<hbm>>) dst(%dma_wait3A_582 : memref<128x32xf32, #tpu.memory_space<vmem>>)
      %dma_wait3A_589 = arith.constant 0 : i32
      %dma_wait3A_590 = arith.constant 1 : i32
      %dma_wait3A_591 = arith.constant 128 : i32
      %dma_wait3A_592 = arith.constant 0 : i32
      %dma_wait3A_593 = tpu.memref_slice %arg7[%dma_wait3A_591, %dma_wait3A_592] : memref<512x32xf32, #tpu.memory_space<vmem>> -> memref<128x32xf32, #tpu.memory_space<vmem>>
      %dma_wait3A_594 = arith.constant 0 : i32
      %dma_wait3A_595 = tpu.memref_slice %arg5[%dma_wait3A_589, %dma_wait3A_590, %dma_wait3A_594] : memref<26x4x128xi32, #tpu.memory_space<vmem>> -> memref<1x1x128xi32, #tpu.memory_space<vmem>>
      %dma_wait3A_596 = tpu.memref_squeeze %dma_wait3A_595 : memref<1x1x128xi32, #tpu.memory_space<vmem>> -> memref<128xi32, #tpu.memory_space<vmem>>
      %dma_wait3A_597 = arith.constant 0 : i32
      %dma_wait3A_598 = arith.constant 0 : i32
      %dma_wait3A_599 = tpu.memref_slice %arg3[%dma_wait3A_597, %dma_wait3A_598] : memref<1000000x32xf32, #tpu.memory_space<hbm>> -> memref<1000000x32xf32, #tpu.memory_space<hbm>>
      tpu.wait_indirect_dma semaphore(%arg11 : memref<!tpu.dma_semaphore, #tpu.memory_space<semaphore_mem>>) src(%dma_wait3A_599 : memref<1000000x32xf32, #tpu.memory_space<hbm>>) dst(%dma_wait3A_593 : memref<128x32xf32, #tpu.memory_space<vmem>>)
      %dma_wait3A_600 = arith.constant 0 : i32
      %dma_wait3A_601 = arith.constant 2 : i32
      %dma_wait3A_602 = arith.constant 256 : i32
      %dma_wait3A_603 = arith.constant 0 : i32
      %dma_wait3A_604 = tpu.memref_slice %arg7[%dma_wait3A_602, %dma_wait3A_603] : memref<512x32xf32, #tpu.memory_space<vmem>> -> memref<128x32xf32, #tpu.memory_space<vmem>>
      %dma_wait3A_605 = arith.constant 0 : i32
      %dma_wait3A_606 = tpu.memref_slice %arg5[%dma_wait3A_600, %dma_wait3A_601, %dma_wait3A_605] : memref<26x4x128xi32, #tpu.memory_space<vmem>> -> memref<1x1x128xi32, #tpu.memory_space<vmem>>
      %dma_wait3A_607 = tpu.memref_squeeze %dma_wait3A_606 : memref<1x1x128xi32, #tpu.memory_space<vmem>> -> memref<128xi32, #tpu.memory_space<vmem>>
      %dma_wait3A_608 = arith.constant 0 : i32
      %dma_wait3A_609 = arith.constant 0 : i32
      %dma_wait3A_610 = tpu.memref_slice %arg3[%dma_wait3A_608, %dma_wait3A_609] : memref<1000000x32xf32, #tpu.memory_space<hbm>> -> memref<1000000x32xf32, #tpu.memory_space<hbm>>
      tpu.wait_indirect_dma semaphore(%arg11 : memref<!tpu.dma_semaphore, #tpu.memory_space<semaphore_mem>>) src(%dma_wait3A_610 : memref<1000000x32xf32, #tpu.memory_space<hbm>>) dst(%dma_wait3A_604 : memref<128x32xf32, #tpu.memory_space<vmem>>)
      %dma_wait3A_611 = arith.constant 0 : i32
      %dma_wait3A_612 = arith.constant 3 : i32
      %dma_wait3A_613 = arith.constant 384 : i32
      %dma_wait3A_614 = arith.constant 0 : i32
      %dma_wait3A_615 = tpu.memref_slice %arg7[%dma_wait3A_613, %dma_wait3A_614] : memref<512x32xf32, #tpu.memory_space<vmem>> -> memref<128x32xf32, #tpu.memory_space<vmem>>
      %dma_wait3A_616 = arith.constant 0 : i32
      %dma_wait3A_617 = tpu.memref_slice %arg5[%dma_wait3A_611, %dma_wait3A_612, %dma_wait3A_616] : memref<26x4x128xi32, #tpu.memory_space<vmem>> -> memref<1x1x128xi32, #tpu.memory_space<vmem>>
      %dma_wait3A_618 = tpu.memref_squeeze %dma_wait3A_617 : memref<1x1x128xi32, #tpu.memory_space<vmem>> -> memref<128xi32, #tpu.memory_space<vmem>>
      %dma_wait3A_619 = arith.constant 0 : i32
      %dma_wait3A_620 = arith.constant 0 : i32
      %dma_wait3A_621 = tpu.memref_slice %arg3[%dma_wait3A_619, %dma_wait3A_620] : memref<1000000x32xf32, #tpu.memory_space<hbm>> -> memref<1000000x32xf32, #tpu.memory_space<hbm>>
      tpu.wait_indirect_dma semaphore(%arg11 : memref<!tpu.dma_semaphore, #tpu.memory_space<semaphore_mem>>) src(%dma_wait3A_621 : memref<1000000x32xf32, #tpu.memory_space<hbm>>) dst(%dma_wait3A_615 : memref<128x32xf32, #tpu.memory_space<vmem>>)
      %convert_element_type3A_622 = arith.extui %lt3A_575 : i1 to i32
      %cond3A_623 = arith.constant 0 : i32
      %cond3A_624 = arith.cmpi ne, %convert_element_type3A_622, %cond3A_623 : i32
      scf.if %cond3A_624 {
        %add3A_646 = arith.constant 1 : i32
        %add3A_647 = arith.addi %add3A_574, %add3A_646 : i32
        %dma_start3A_648 = arith.constant 0 : i32
        %dma_start3A_649 = arith.constant 0 : i32
        %dma_start3A_650 = arith.constant 0 : i32
        %dma_start3A_651 = tpu.memref_slice %arg6[%dma_start3A_649, %dma_start3A_650] : memref<512x32xf32, #tpu.memory_space<vmem>> -> memref<128x32xf32, #tpu.memory_space<vmem>>
        %dma_start3A_652 = arith.constant 0 : i32
        %dma_start3A_653 = tpu.memref_slice %arg5[%add3A_647, %dma_start3A_648, %dma_start3A_652] : memref<26x4x128xi32, #tpu.memory_space<vmem>> -> memref<1x1x128xi32, #tpu.memory_space<vmem>>
        %dma_start3A_654 = tpu.memref_squeeze %dma_start3A_653 : memref<1x1x128xi32, #tpu.memory_space<vmem>> -> memref<128xi32, #tpu.memory_space<vmem>>
        %dma_start3A_655 = arith.constant 0 : i32
        %dma_start3A_656 = arith.constant 0 : i32
        %dma_start3A_657 = tpu.memref_slice %arg3[%dma_start3A_655, %dma_start3A_656] : memref<1000000x32xf32, #tpu.memory_space<hbm>> -> memref<1000000x32xf32, #tpu.memory_space<hbm>>
        tpu.enqueue_indirect_dma source(%dma_start3A_657 : memref<1000000x32xf32, #tpu.memory_space<hbm>>) target(%dma_start3A_651 : memref<128x32xf32, #tpu.memory_space<vmem>>) offsets(%dma_start3A_654 : memref<128xi32, #tpu.memory_space<vmem>>) semaphore(%arg10 : memref<!tpu.dma_semaphore, #tpu.memory_space<semaphore_mem>>)
        %dma_start3A_658 = arith.constant 1 : i32
        %dma_start3A_659 = arith.constant 128 : i32
        %dma_start3A_660 = arith.constant 0 : i32
        %dma_start3A_661 = tpu.memref_slice %arg6[%dma_start3A_659, %dma_start3A_660] : memref<512x32xf32, #tpu.memory_space<vmem>> -> memref<128x32xf32, #tpu.memory_space<vmem>>
        %dma_start3A_662 = arith.constant 0 : i32
        %dma_start3A_663 = tpu.memref_slice %arg5[%add3A_647, %dma_start3A_658, %dma_start3A_662] : memref<26x4x128xi32, #tpu.memory_space<vmem>> -> memref<1x1x128xi32, #tpu.memory_space<vmem>>
        %dma_start3A_664 = tpu.memref_squeeze %dma_start3A_663 : memref<1x1x128xi32, #tpu.memory_space<vmem>> -> memref<128xi32, #tpu.memory_space<vmem>>
        %dma_start3A_665 = arith.constant 0 : i32
        %dma_start3A_666 = arith.constant 0 : i32
        %dma_start3A_667 = tpu.memref_slice %arg3[%dma_start3A_665, %dma_start3A_666] : memref<1000000x32xf32, #tpu.memory_space<hbm>> -> memref<1000000x32xf32, #tpu.memory_space<hbm>>
        tpu.enqueue_indirect_dma source(%dma_start3A_667 : memref<1000000x32xf32, #tpu.memory_space<hbm>>) target(%dma_start3A_661 : memref<128x32xf32, #tpu.memory_space<vmem>>) offsets(%dma_start3A_664 : memref<128xi32, #tpu.memory_space<vmem>>) semaphore(%arg10 : memref<!tpu.dma_semaphore, #tpu.memory_space<semaphore_mem>>)
        %dma_start3A_668 = arith.constant 2 : i32
        %dma_start3A_669 = arith.constant 256 : i32
        %dma_start3A_670 = arith.constant 0 : i32
        %dma_start3A_671 = tpu.memref_slice %arg6[%dma_start3A_669, %dma_start3A_670] : memref<512x32xf32, #tpu.memory_space<vmem>> -> memref<128x32xf32, #tpu.memory_space<vmem>>
        %dma_start3A_672 = arith.constant 0 : i32
        %dma_start3A_673 = tpu.memref_slice %arg5[%add3A_647, %dma_start3A_668, %dma_start3A_672] : memref<26x4x128xi32, #tpu.memory_space<vmem>> -> memref<1x1x128xi32, #tpu.memory_space<vmem>>
        %dma_start3A_674 = tpu.memref_squeeze %dma_start3A_673 : memref<1x1x128xi32, #tpu.memory_space<vmem>> -> memref<128xi32, #tpu.memory_space<vmem>>
        %dma_start3A_675 = arith.constant 0 : i32
        %dma_start3A_676 = arith.constant 0 : i32
        %dma_start3A_677 = tpu.memref_slice %arg3[%dma_start3A_675, %dma_start3A_676] : memref<1000000x32xf32, #tpu.memory_space<hbm>> -> memref<1000000x32xf32, #tpu.memory_space<hbm>>
        tpu.enqueue_indirect_dma source(%dma_start3A_677 : memref<1000000x32xf32, #tpu.memory_space<hbm>>) target(%dma_start3A_671 : memref<128x32xf32, #tpu.memory_space<vmem>>) offsets(%dma_start3A_674 : memref<128xi32, #tpu.memory_space<vmem>>) semaphore(%arg10 : memref<!tpu.dma_semaphore, #tpu.memory_space<semaphore_mem>>)
        %dma_start3A_678 = arith.constant 3 : i32
        %dma_start3A_679 = arith.constant 384 : i32
        %dma_start3A_680 = arith.constant 0 : i32
        %dma_start3A_681 = tpu.memref_slice %arg6[%dma_start3A_679, %dma_start3A_680] : memref<512x32xf32, #tpu.memory_space<vmem>> -> memref<128x32xf32, #tpu.memory_space<vmem>>
        %dma_start3A_682 = arith.constant 0 : i32
        %dma_start3A_683 = tpu.memref_slice %arg5[%add3A_647, %dma_start3A_678, %dma_start3A_682] : memref<26x4x128xi32, #tpu.memory_space<vmem>> -> memref<1x1x128xi32, #tpu.memory_space<vmem>>
        %dma_start3A_684 = tpu.memref_squeeze %dma_start3A_683 : memref<1x1x128xi32, #tpu.memory_space<vmem>> -> memref<128xi32, #tpu.memory_space<vmem>>
        %dma_start3A_685 = arith.constant 0 : i32
        %dma_start3A_686 = arith.constant 0 : i32
        %dma_start3A_687 = tpu.memref_slice %arg3[%dma_start3A_685, %dma_start3A_686] : memref<1000000x32xf32, #tpu.memory_space<hbm>> -> memref<1000000x32xf32, #tpu.memory_space<hbm>>
        tpu.enqueue_indirect_dma source(%dma_start3A_687 : memref<1000000x32xf32, #tpu.memory_space<hbm>>) target(%dma_start3A_681 : memref<128x32xf32, #tpu.memory_space<vmem>>) offsets(%dma_start3A_684 : memref<128xi32, #tpu.memory_space<vmem>>) semaphore(%arg10 : memref<!tpu.dma_semaphore, #tpu.memory_space<semaphore_mem>>)
      } else {
      }
      %not3A_625 = arith.constant true
      %not3A_626 = arith.xori %eq3A_577, %not3A_625 : i1
      %convert_element_type3A_627 = arith.extui %not3A_626 : i1 to i32
      %cond3A_628 = arith.constant 0 : i32
      %cond3A_629 = arith.cmpi ne, %convert_element_type3A_627, %cond3A_628 : i32
      scf.if %cond3A_629 {
        %dma_wait3A_646 = arith.constant 0 : i32
        %dma_wait3A_647 = arith.constant 0 : i32
        %dma_wait3A_648 = arith.constant 0 : i32
        %dma_wait3A_649 = arith.constant 0 : i32
        %dma_wait3A_650 = arith.constant 0 : i32
        %dma_wait3A_651 = tpu.memref_slice %arg4[%dma_wait3A_646, %dma_wait3A_647, %dma_wait3A_648, %dma_wait3A_649, %dma_wait3A_650] : memref<26x4x128x8x128xf32, #tpu.memory_space<hbm>> -> memref<1x4x4x8x128xf32, #tpu.memory_space<hbm>>
        %dma_wait3A_652 = tpu.memref_squeeze %dma_wait3A_651 : memref<1x4x4x8x128xf32, #tpu.memory_space<hbm>> -> memref<4x4x8x128xf32, #tpu.memory_space<hbm>>
        %dma_wait3A_653 = arith.constant 0 : i32
        %dma_wait3A_654 = arith.constant 0 : i32
        %dma_wait3A_655 = arith.constant 0 : i32
        %dma_wait3A_656 = arith.constant 0 : i32
        %dma_wait3A_657 = tpu.memref_slice %arg4[%dma_wait3A_646, %dma_wait3A_653, %dma_wait3A_654, %dma_wait3A_655, %dma_wait3A_656] : memref<26x4x128x8x128xf32, #tpu.memory_space<hbm>> -> memref<1x4x4x8x128xf32, #tpu.memory_space<hbm>>
        %dma_wait3A_658 = tpu.memref_squeeze %dma_wait3A_657 : memref<1x4x4x8x128xf32, #tpu.memory_space<hbm>> -> memref<4x4x8x128xf32, #tpu.memory_space<hbm>>
        tpu.wait_dma2 semaphore(%arg13 : memref<!tpu.dma_semaphore, #tpu.memory_space<semaphore_mem>>) src(%arg9 : memref<4x4x8x128xf32, #tpu.memory_space<vmem>>) dst(%dma_wait3A_658 : memref<4x4x8x128xf32, #tpu.memory_space<hbm>>)
      } else {
      }
      %scan3A_630 = arith.constant 0 : i32
      %scan3A_631 = arith.constant 0 : i32
      %scan3A_632 = arith.constant 32 : i32
      %scan3A_633 = arith.addi %scan3A_631, %scan3A_632 : i32
      %scan3A_634 = arith.constant 1 : i32
      scf.for %scan3A_646 = %scan3A_631 to %scan3A_633 step %scan3A_634  : i32 {
        %mul3A_647 = arith.constant 16 : i32
        %mul3A_648 = arith.muli %scan3A_646, %mul3A_647 : i32
        %add3A_649 = vector.broadcast %mul3A_648 : i32 to vector<16xi32>
        %add3A_650 = arith.addi %add3A_649, %iota3A : vector<16xi32>
        %shift_right_arithmetic3A_651 = arith.constant 7 : i32
        %shift_right_arithmetic3A_652 = vector.broadcast %shift_right_arithmetic3A_651 : i32 to vector<16xi32>
        %shift_right_arithmetic3A_653 = arith.shrsi %add3A_650, %shift_right_arithmetic3A_652 : vector<16xi32>
        %and3A_654 = arith.constant 127 : i32
        %and3A_655 = vector.broadcast %and3A_654 : i32 to vector<16xi32>
        %and3A_656 = arith.andi %add3A_650, %and3A_655 : vector<16xi32>
        %gather3A = tpu.vector_load_idx %arg7[%add3A_650, %and3A_9] : memref<512x32xf32, #tpu.memory_space<vmem>>[vector<16xi32>, vector<16xi32>], vector<16xf32>,
        %gather3A_657 = tpu.vector_load_idx %arg7[%add3A_650, %and3A_15] : memref<512x32xf32, #tpu.memory_space<vmem>>[vector<16xi32>, vector<16xi32>], vector<16xf32>,
        %gather3A_658 = tpu.vector_load_idx %arg7[%add3A_650, %and3A_21] : memref<512x32xf32, #tpu.memory_space<vmem>>[vector<16xi32>, vector<16xi32>], vector<16xf32>,
        %gather3A_659 = tpu.vector_load_idx %arg7[%add3A_650, %and3A_27] : memref<512x32xf32, #tpu.memory_space<vmem>>[vector<16xi32>, vector<16xi32>], vector<16xf32>,
        %gather3A_660 = tpu.vector_load_idx %arg7[%add3A_650, %and3A_33] : memref<512x32xf32, #tpu.memory_space<vmem>>[vector<16xi32>, vector<16xi32>], vector<16xf32>,
        %gather3A_661 = tpu.vector_load_idx %arg7[%add3A_650, %and3A_39] : memref<512x32xf32, #tpu.memory_space<vmem>>[vector<16xi32>, vector<16xi32>], vector<16xf32>,
        %gather3A_662 = tpu.vector_load_idx %arg7[%add3A_650, %and3A_45] : memref<512x32xf32, #tpu.memory_space<vmem>>[vector<16xi32>, vector<16xi32>], vector<16xf32>,
        %gather3A_663 = tpu.vector_load_idx %arg7[%add3A_650, %and3A_51] : memref<512x32xf32, #tpu.memory_space<vmem>>[vector<16xi32>, vector<16xi32>], vector<16xf32>,
        %gather3A_664 = tpu.vector_load_idx %arg7[%add3A_650, %and3A_57] : memref<512x32xf32, #tpu.memory_space<vmem>>[vector<16xi32>, vector<16xi32>], vector<16xf32>,
        %gather3A_665 = tpu.vector_load_idx %arg7[%add3A_650, %and3A_63] : memref<512x32xf32, #tpu.memory_space<vmem>>[vector<16xi32>, vector<16xi32>], vector<16xf32>,
        %gather3A_666 = tpu.vector_load_idx %arg7[%add3A_650, %and3A_69] : memref<512x32xf32, #tpu.memory_space<vmem>>[vector<16xi32>, vector<16xi32>], vector<16xf32>,
        %gather3A_667 = tpu.vector_load_idx %arg7[%add3A_650, %and3A_75] : memref<512x32xf32, #tpu.memory_space<vmem>>[vector<16xi32>, vector<16xi32>], vector<16xf32>,
        %gather3A_668 = tpu.vector_load_idx %arg7[%add3A_650, %and3A_81] : memref<512x32xf32, #tpu.memory_space<vmem>>[vector<16xi32>, vector<16xi32>], vector<16xf32>,
        %gather3A_669 = tpu.vector_load_idx %arg7[%add3A_650, %and3A_87] : memref<512x32xf32, #tpu.memory_space<vmem>>[vector<16xi32>, vector<16xi32>], vector<16xf32>,
        %gather3A_670 = tpu.vector_load_idx %arg7[%add3A_650, %and3A_93] : memref<512x32xf32, #tpu.memory_space<vmem>>[vector<16xi32>, vector<16xi32>], vector<16xf32>,
        %gather3A_671 = tpu.vector_load_idx %arg7[%add3A_650, %and3A_99] : memref<512x32xf32, #tpu.memory_space<vmem>>[vector<16xi32>, vector<16xi32>], vector<16xf32>,
        %gather3A_672 = tpu.vector_load_idx %arg7[%add3A_650, %and3A_105] : memref<512x32xf32, #tpu.memory_space<vmem>>[vector<16xi32>, vector<16xi32>], vector<16xf32>,
        %gather3A_673 = tpu.vector_load_idx %arg7[%add3A_650, %and3A_111] : memref<512x32xf32, #tpu.memory_space<vmem>>[vector<16xi32>, vector<16xi32>], vector<16xf32>,
        %gather3A_674 = tpu.vector_load_idx %arg7[%add3A_650, %and3A_117] : memref<512x32xf32, #tpu.memory_space<vmem>>[vector<16xi32>, vector<16xi32>], vector<16xf32>,
        %gather3A_675 = tpu.vector_load_idx %arg7[%add3A_650, %and3A_123] : memref<512x32xf32, #tpu.memory_space<vmem>>[vector<16xi32>, vector<16xi32>], vector<16xf32>,
        %gather3A_676 = tpu.vector_load_idx %arg7[%add3A_650, %and3A_129] : memref<512x32xf32, #tpu.memory_space<vmem>>[vector<16xi32>, vector<16xi32>], vector<16xf32>,
        %gather3A_677 = tpu.vector_load_idx %arg7[%add3A_650, %and3A_135] : memref<512x32xf32, #tpu.memory_space<vmem>>[vector<16xi32>, vector<16xi32>], vector<16xf32>,
        %gather3A_678 = tpu.vector_load_idx %arg7[%add3A_650, %and3A_141] : memref<512x32xf32, #tpu.memory_space<vmem>>[vector<16xi32>, vector<16xi32>], vector<16xf32>,
        %gather3A_679 = tpu.vector_load_idx %arg7[%add3A_650, %and3A_147] : memref<512x32xf32, #tpu.memory_space<vmem>>[vector<16xi32>, vector<16xi32>], vector<16xf32>,
        %gather3A_680 = tpu.vector_load_idx %arg7[%add3A_650, %and3A_153] : memref<512x32xf32, #tpu.memory_space<vmem>>[vector<16xi32>, vector<16xi32>], vector<16xf32>,
        %gather3A_681 = tpu.vector_load_idx %arg7[%add3A_650, %and3A_159] : memref<512x32xf32, #tpu.memory_space<vmem>>[vector<16xi32>, vector<16xi32>], vector<16xf32>,
        %gather3A_682 = tpu.vector_load_idx %arg7[%add3A_650, %and3A_165] : memref<512x32xf32, #tpu.memory_space<vmem>>[vector<16xi32>, vector<16xi32>], vector<16xf32>,
        %gather3A_683 = tpu.vector_load_idx %arg7[%add3A_650, %and3A_171] : memref<512x32xf32, #tpu.memory_space<vmem>>[vector<16xi32>, vector<16xi32>], vector<16xf32>,
        %gather3A_684 = tpu.vector_load_idx %arg7[%add3A_650, %and3A_177] : memref<512x32xf32, #tpu.memory_space<vmem>>[vector<16xi32>, vector<16xi32>], vector<16xf32>,
        %gather3A_685 = tpu.vector_load_idx %arg7[%add3A_650, %and3A_183] : memref<512x32xf32, #tpu.memory_space<vmem>>[vector<16xi32>, vector<16xi32>], vector<16xf32>,
        %gather3A_686 = tpu.vector_load_idx %arg7[%add3A_650, %and3A_189] : memref<512x32xf32, #tpu.memory_space<vmem>>[vector<16xi32>, vector<16xi32>], vector<16xf32>,
        %gather3A_687 = tpu.vector_load_idx %arg7[%add3A_650, %and3A_195] : memref<512x32xf32, #tpu.memory_space<vmem>>[vector<16xi32>, vector<16xi32>], vector<16xf32>,
        tpu.vector_store_idx %arg9[%shift_right_arithmetic3A_199, %shift_right_arithmetic3A_653, %and3A_295, %and3A_656], %gather3A : memref<4x4x8x128xf32, #tpu.memory_space<vmem>>[vector<16xi32>, vector<16xi32>, vector<16xi32>, vector<16xi32>], vector<16xf32>,
        tpu.vector_store_idx %arg9[%shift_right_arithmetic3A_202, %shift_right_arithmetic3A_653, %and3A_298, %and3A_656], %gather3A_657 : memref<4x4x8x128xf32, #tpu.memory_space<vmem>>[vector<16xi32>, vector<16xi32>, vector<16xi32>, vector<16xi32>], vector<16xf32>,
        tpu.vector_store_idx %arg9[%shift_right_arithmetic3A_205, %shift_right_arithmetic3A_653, %and3A_301, %and3A_656], %gather3A_658 : memref<4x4x8x128xf32, #tpu.memory_space<vmem>>[vector<16xi32>, vector<16xi32>, vector<16xi32>, vector<16xi32>], vector<16xf32>,
        tpu.vector_store_idx %arg9[%shift_right_arithmetic3A_208, %shift_right_arithmetic3A_653, %and3A_304, %and3A_656], %gather3A_659 : memref<4x4x8x128xf32, #tpu.memory_space<vmem>>[vector<16xi32>, vector<16xi32>, vector<16xi32>, vector<16xi32>], vector<16xf32>,
        tpu.vector_store_idx %arg9[%shift_right_arithmetic3A_211, %shift_right_arithmetic3A_653, %and3A_307, %and3A_656], %gather3A_660 : memref<4x4x8x128xf32, #tpu.memory_space<vmem>>[vector<16xi32>, vector<16xi32>, vector<16xi32>, vector<16xi32>], vector<16xf32>,
        tpu.vector_store_idx %arg9[%shift_right_arithmetic3A_214, %shift_right_arithmetic3A_653, %and3A_310, %and3A_656], %gather3A_661 : memref<4x4x8x128xf32, #tpu.memory_space<vmem>>[vector<16xi32>, vector<16xi32>, vector<16xi32>, vector<16xi32>], vector<16xf32>,
        tpu.vector_store_idx %arg9[%shift_right_arithmetic3A_217, %shift_right_arithmetic3A_653, %and3A_313, %and3A_656], %gather3A_662 : memref<4x4x8x128xf32, #tpu.memory_space<vmem>>[vector<16xi32>, vector<16xi32>, vector<16xi32>, vector<16xi32>], vector<16xf32>,
        tpu.vector_store_idx %arg9[%shift_right_arithmetic3A_220, %shift_right_arithmetic3A_653, %and3A_316, %and3A_656], %gather3A_663 : memref<4x4x8x128xf32, #tpu.memory_space<vmem>>[vector<16xi32>, vector<16xi32>, vector<16xi32>, vector<16xi32>], vector<16xf32>,
        tpu.vector_store_idx %arg9[%shift_right_arithmetic3A_223, %shift_right_arithmetic3A_653, %and3A_319, %and3A_656], %gather3A_664 : memref<4x4x8x128xf32, #tpu.memory_space<vmem>>[vector<16xi32>, vector<16xi32>, vector<16xi32>, vector<16xi32>], vector<16xf32>,
        tpu.vector_store_idx %arg9[%shift_right_arithmetic3A_226, %shift_right_arithmetic3A_653, %and3A_322, %and3A_656], %gather3A_665 : memref<4x4x8x128xf32, #tpu.memory_space<vmem>>[vector<16xi32>, vector<16xi32>, vector<16xi32>, vector<16xi32>], vector<16xf32>,
        tpu.vector_store_idx %arg9[%shift_right_arithmetic3A_229, %shift_right_arithmetic3A_653, %and3A_325, %and3A_656], %gather3A_666 : memref<4x4x8x128xf32, #tpu.memory_space<vmem>>[vector<16xi32>, vector<16xi32>, vector<16xi32>, vector<16xi32>], vector<16xf32>,
        tpu.vector_store_idx %arg9[%shift_right_arithmetic3A_232, %shift_right_arithmetic3A_653, %and3A_328, %and3A_656], %gather3A_667 : memref<4x4x8x128xf32, #tpu.memory_space<vmem>>[vector<16xi32>, vector<16xi32>, vector<16xi32>, vector<16xi32>], vector<16xf32>,
        tpu.vector_store_idx %arg9[%shift_right_arithmetic3A_235, %shift_right_arithmetic3A_653, %and3A_331, %and3A_656], %gather3A_668 : memref<4x4x8x128xf32, #tpu.memory_space<vmem>>[vector<16xi32>, vector<16xi32>, vector<16xi32>, vector<16xi32>], vector<16xf32>,
        tpu.vector_store_idx %arg9[%shift_right_arithmetic3A_238, %shift_right_arithmetic3A_653, %and3A_334, %and3A_656], %gather3A_669 : memref<4x4x8x128xf32, #tpu.memory_space<vmem>>[vector<16xi32>, vector<16xi32>, vector<16xi32>, vector<16xi32>], vector<16xf32>,
        tpu.vector_store_idx %arg9[%shift_right_arithmetic3A_241, %shift_right_arithmetic3A_653, %and3A_337, %and3A_656], %gather3A_670 : memref<4x4x8x128xf32, #tpu.memory_space<vmem>>[vector<16xi32>, vector<16xi32>, vector<16xi32>, vector<16xi32>], vector<16xf32>,
        tpu.vector_store_idx %arg9[%shift_right_arithmetic3A_244, %shift_right_arithmetic3A_653, %and3A_340, %and3A_656], %gather3A_671 : memref<4x4x8x128xf32, #tpu.memory_space<vmem>>[vector<16xi32>, vector<16xi32>, vector<16xi32>, vector<16xi32>], vector<16xf32>,
        tpu.vector_store_idx %arg9[%shift_right_arithmetic3A_247, %shift_right_arithmetic3A_653, %and3A_343, %and3A_656], %gather3A_672 : memref<4x4x8x128xf32, #tpu.memory_space<vmem>>[vector<16xi32>, vector<16xi32>, vector<16xi32>, vector<16xi32>], vector<16xf32>,
        tpu.vector_store_idx %arg9[%shift_right_arithmetic3A_250, %shift_right_arithmetic3A_653, %and3A_346, %and3A_656], %gather3A_673 : memref<4x4x8x128xf32, #tpu.memory_space<vmem>>[vector<16xi32>, vector<16xi32>, vector<16xi32>, vector<16xi32>], vector<16xf32>,
        tpu.vector_store_idx %arg9[%shift_right_arithmetic3A_253, %shift_right_arithmetic3A_653, %and3A_349, %and3A_656], %gather3A_674 : memref<4x4x8x128xf32, #tpu.memory_space<vmem>>[vector<16xi32>, vector<16xi32>, vector<16xi32>, vector<16xi32>], vector<16xf32>,
        tpu.vector_store_idx %arg9[%shift_right_arithmetic3A_256, %shift_right_arithmetic3A_653, %and3A_352, %and3A_656], %gather3A_675 : memref<4x4x8x128xf32, #tpu.memory_space<vmem>>[vector<16xi32>, vector<16xi32>, vector<16xi32>, vector<16xi32>], vector<16xf32>,
        tpu.vector_store_idx %arg9[%shift_right_arithmetic3A_259, %shift_right_arithmetic3A_653, %and3A_355, %and3A_656], %gather3A_676 : memref<4x4x8x128xf32, #tpu.memory_space<vmem>>[vector<16xi32>, vector<16xi32>, vector<16xi32>, vector<16xi32>], vector<16xf32>,
        tpu.vector_store_idx %arg9[%shift_right_arithmetic3A_262, %shift_right_arithmetic3A_653, %and3A_358, %and3A_656], %gather3A_677 : memref<4x4x8x128xf32, #tpu.memory_space<vmem>>[vector<16xi32>, vector<16xi32>, vector<16xi32>, vector<16xi32>], vector<16xf32>,
        tpu.vector_store_idx %arg9[%shift_right_arithmetic3A_265, %shift_right_arithmetic3A_653, %and3A_361, %and3A_656], %gather3A_678 : memref<4x4x8x128xf32, #tpu.memory_space<vmem>>[vector<16xi32>, vector<16xi32>, vector<16xi32>, vector<16xi32>], vector<16xf32>,
        tpu.vector_store_idx %arg9[%shift_right_arithmetic3A_268, %shift_right_arithmetic3A_653, %and3A_364, %and3A_656], %gather3A_679 : memref<4x4x8x128xf32, #tpu.memory_space<vmem>>[vector<16xi32>, vector<16xi32>, vector<16xi32>, vector<16xi32>], vector<16xf32>,
        tpu.vector_store_idx %arg9[%shift_right_arithmetic3A_271, %shift_right_arithmetic3A_653, %and3A_367, %and3A_656], %gather3A_680 : memref<4x4x8x128xf32, #tpu.memory_space<vmem>>[vector<16xi32>, vector<16xi32>, vector<16xi32>, vector<16xi32>], vector<16xf32>,
        tpu.vector_store_idx %arg9[%shift_right_arithmetic3A_274, %shift_right_arithmetic3A_653, %and3A_370, %and3A_656], %gather3A_681 : memref<4x4x8x128xf32, #tpu.memory_space<vmem>>[vector<16xi32>, vector<16xi32>, vector<16xi32>, vector<16xi32>], vector<16xf32>,
        tpu.vector_store_idx %arg9[%shift_right_arithmetic3A_277, %shift_right_arithmetic3A_653, %and3A_373, %and3A_656], %gather3A_682 : memref<4x4x8x128xf32, #tpu.memory_space<vmem>>[vector<16xi32>, vector<16xi32>, vector<16xi32>, vector<16xi32>], vector<16xf32>,
        tpu.vector_store_idx %arg9[%shift_right_arithmetic3A_280, %shift_right_arithmetic3A_653, %and3A_376, %and3A_656], %gather3A_683 : memref<4x4x8x128xf32, #tpu.memory_space<vmem>>[vector<16xi32>, vector<16xi32>, vector<16xi32>, vector<16xi32>], vector<16xf32>,
        tpu.vector_store_idx %arg9[%shift_right_arithmetic3A_283, %shift_right_arithmetic3A_653, %and3A_379, %and3A_656], %gather3A_684 : memref<4x4x8x128xf32, #tpu.memory_space<vmem>>[vector<16xi32>, vector<16xi32>, vector<16xi32>, vector<16xi32>], vector<16xf32>,
        tpu.vector_store_idx %arg9[%shift_right_arithmetic3A_286, %shift_right_arithmetic3A_653, %and3A_382, %and3A_656], %gather3A_685 : memref<4x4x8x128xf32, #tpu.memory_space<vmem>>[vector<16xi32>, vector<16xi32>, vector<16xi32>, vector<16xi32>], vector<16xf32>,
        tpu.vector_store_idx %arg9[%shift_right_arithmetic3A_289, %shift_right_arithmetic3A_653, %and3A_385, %and3A_656], %gather3A_686 : memref<4x4x8x128xf32, #tpu.memory_space<vmem>>[vector<16xi32>, vector<16xi32>, vector<16xi32>, vector<16xi32>], vector<16xf32>,
        tpu.vector_store_idx %arg9[%shift_right_arithmetic3A_292, %shift_right_arithmetic3A_653, %and3A_388, %and3A_656], %gather3A_687 : memref<4x4x8x128xf32, #tpu.memory_space<vmem>>[vector<16xi32>, vector<16xi32>, vector<16xi32>, vector<16xi32>], vector<16xf32>,
      }
      %scan3A_635 = arith.constant 32 : i32
      %dma_start3A_636 = arith.constant 0 : i32
      %dma_start3A_637 = arith.constant 0 : i32
      %dma_start3A_638 = arith.constant 0 : i32
      %dma_start3A_639 = tpu.memref_slice %arg4[%add3A_574, %dma_start3A_636, %mul3A_197, %dma_start3A_637, %dma_start3A_638] : memref<26x4x128x8x128xf32, #tpu.memory_space<hbm>> -> memref<1x4x4x8x128xf32, #tpu.memory_space<hbm>>
      %dma_start3A_640 = tpu.memref_squeeze %dma_start3A_639 : memref<1x4x4x8x128xf32, #tpu.memory_space<hbm>> -> memref<4x4x8x128xf32, #tpu.memory_space<hbm>>
      %dma_start3A_641 = arith.constant 0 : i32
      %dma_start3A_642 = arith.constant 0 : i32
      %dma_start3A_643 = arith.constant 0 : i32
      %dma_start3A_644 = tpu.memref_slice %arg4[%add3A_574, %dma_start3A_641, %mul3A_197, %dma_start3A_642, %dma_start3A_643] : memref<26x4x128x8x128xf32, #tpu.memory_space<hbm>> -> memref<1x4x4x8x128xf32, #tpu.memory_space<hbm>>
      %dma_start3A_645 = tpu.memref_squeeze %dma_start3A_644 : memref<1x4x4x8x128xf32, #tpu.memory_space<hbm>> -> memref<4x4x8x128xf32, #tpu.memory_space<hbm>>
      tpu.enqueue_dma source(%arg9 : memref<4x4x8x128xf32, #tpu.memory_space<vmem>>) target(%dma_start3A_645 : memref<4x4x8x128xf32, #tpu.memory_space<hbm>>) target_semaphore(%arg13 : memref<!tpu.dma_semaphore, #tpu.memory_space<semaphore_mem>>)
    }
    %scan3A_436 = arith.constant 13 : i32
    %dma_wait3A = arith.constant 0 : i32
    %dma_wait3A_437 = arith.constant 0 : i32
    %dma_wait3A_438 = arith.constant 0 : i32
    %dma_wait3A_439 = arith.constant 0 : i32
    %dma_wait3A_440 = arith.constant 0 : i32
    %dma_wait3A_441 = tpu.memref_slice %arg4[%dma_wait3A, %dma_wait3A_437, %dma_wait3A_438, %dma_wait3A_439, %dma_wait3A_440] : memref<26x4x128x8x128xf32, #tpu.memory_space<hbm>> -> memref<1x4x4x8x128xf32, #tpu.memory_space<hbm>>
    %dma_wait3A_442 = tpu.memref_squeeze %dma_wait3A_441 : memref<1x4x4x8x128xf32, #tpu.memory_space<hbm>> -> memref<4x4x8x128xf32, #tpu.memory_space<hbm>>
    %dma_wait3A_443 = arith.constant 0 : i32
    %dma_wait3A_444 = arith.constant 0 : i32
    %dma_wait3A_445 = arith.constant 0 : i32
    %dma_wait3A_446 = arith.constant 0 : i32
    %dma_wait3A_447 = tpu.memref_slice %arg4[%dma_wait3A, %dma_wait3A_443, %dma_wait3A_444, %dma_wait3A_445, %dma_wait3A_446] : memref<26x4x128x8x128xf32, #tpu.memory_space<hbm>> -> memref<1x4x4x8x128xf32, #tpu.memory_space<hbm>>
    %dma_wait3A_448 = tpu.memref_squeeze %dma_wait3A_447 : memref<1x4x4x8x128xf32, #tpu.memory_space<hbm>> -> memref<4x4x8x128xf32, #tpu.memory_space<hbm>>
    tpu.wait_dma2 semaphore(%arg12 : memref<!tpu.dma_semaphore, #tpu.memory_space<semaphore_mem>>) src(%arg8 : memref<4x4x8x128xf32, #tpu.memory_space<vmem>>) dst(%dma_wait3A_448 : memref<4x4x8x128xf32, #tpu.memory_space<hbm>>)
    %dma_wait3A_449 = arith.constant 0 : i32
    %dma_wait3A_450 = arith.constant 0 : i32
    %dma_wait3A_451 = arith.constant 0 : i32
    %dma_wait3A_452 = arith.constant 0 : i32
    %dma_wait3A_453 = arith.constant 0 : i32
    %dma_wait3A_454 = tpu.memref_slice %arg4[%dma_wait3A_449, %dma_wait3A_450, %dma_wait3A_451, %dma_wait3A_452, %dma_wait3A_453] : memref<26x4x128x8x128xf32, #tpu.memory_space<hbm>> -> memref<1x4x4x8x128xf32, #tpu.memory_space<hbm>>
    %dma_wait3A_455 = tpu.memref_squeeze %dma_wait3A_454 : memref<1x4x4x8x128xf32, #tpu.memory_space<hbm>> -> memref<4x4x8x128xf32, #tpu.memory_space<hbm>>
    %dma_wait3A_456 = arith.constant 0 : i32
    %dma_wait3A_457 = arith.constant 0 : i32
    %dma_wait3A_458 = arith.constant 0 : i32
    %dma_wait3A_459 = arith.constant 0 : i32
    %dma_wait3A_460 = tpu.memref_slice %arg4[%dma_wait3A_449, %dma_wait3A_456, %dma_wait3A_457, %dma_wait3A_458, %dma_wait3A_459] : memref<26x4x128x8x128xf32, #tpu.memory_space<hbm>> -> memref<1x4x4x8x128xf32, #tpu.memory_space<hbm>>
    %dma_wait3A_461 = tpu.memref_squeeze %dma_wait3A_460 : memref<1x4x4x8x128xf32, #tpu.memory_space<hbm>> -> memref<4x4x8x128xf32, #tpu.memory_space<hbm>>
    tpu.wait_dma2 semaphore(%arg13 : memref<!tpu.dma_semaphore, #tpu.memory_space<semaphore_mem>>) src(%arg9 : memref<4x4x8x128xf32, #tpu.memory_space<vmem>>) dst(%dma_wait3A_461 : memref<4x4x8x128xf32, #tpu.memory_space<hbm>>)
    return
  }
}

</mosaic_0001>

<sc_bundles>
// kernel: kernel.4.cloned.1.call-start
scs
__scs_entry_jumppad:
0x0: {  	(pc) =	sbr.rel $0x88, $3  }
0x1: {  	(tag) =	ssettag $0x0;
	lr =	simm.s32 $0x1  }
0x2: {  	[smem:$0x3F9F] =	sst lr;
	_ =	strace $0xD0000000  }
0x3: {  	_ = 	snop  }
0x4: {  	_ = 	snop  }
0x5: {  	_ = 	snop  }
0x6: {  	_ = 	snop  }
0x7: {  	_ = 	snop  }
__scs_overlays_trampoline_lowered:
0x8: {  	[smem:$0x3FAE] =	sst s0  }
0x9: {  	[smem:$0x3FAF] =	sst s1  }
0xa: {  	[smem:$0x3FB0] =	sst s2  }
0xb: {  	[smem:$0x3FB1] =	sst s3  }
0xc: {  	[smem:$0x3FB2] =	sst s4  }
0xd: {  	[smem:$0x3FB3] =	sst s5  }
0xe: {  	[smem:$0x3FB4] =	sst s6  }
0xf: {  	[smem:$0x3FB5] =	sst s7  }
0x10: {  	[smem:$0x3FB6] =	sst s8  }
0x11: {  	[smem:$0x3FB7] =	sst s9;
	s0 =	simm.s32 @!p0 $0x0  }
0x12: {  	s1 =	sld [smem:$0x3F9D];
	s0 =	simm.s32 @p0 $0x1  }
0x13: {  	[smem:$0x3FB8] =	sst s0;
	s0 =	simm.s32 @!p1 $0x0  }
0x14: {  	s2 =	sld [smem:$0x3F9C];
	s0 =	simm.s32 @p1 $0x1  }
0x15: {  	[smem:$0x3FB9] =	sst s0;
	s0 =	simm.s32 @!p2 $0x0  }
0x16: {  	s3 =	sld [smem:$0x3FDB];
	s0 =	simm.s32 @p2 $0x1  }
0x17: {  	s4 =	simm.s32 $0x1BF5;
	[smem:$0x3FBB] =	sst s0  }
0x18: {  	s0 =	sld [smem:$0x3F9E];
	_ =	swait.ge [sflag:s4], $0x0  }
0x19: {  	s7 =	sld [smem:$0x3F9F]  }
0x1a: {  	s8 =	sadd.s32 $0xFFFFE003, lr  }
0x1b: {  	s9 =	sadd.s32 $0xFFFFFEF7, lr;
	s5 =	simm.s32 $0xFFFFFFFF;
	p2 =	slt.u32 s8, $0xFFFFF086  }
0x1c: {  	p1 =	slt.u32 s9, $0xF7A;
	s5 =	simm.s32 @!p2 $0x0  }
0x1d: {  	s5 =	simm.s32 @p1 $0x1;
	p0 =	seq.s32 s7, s2  }
0x1e: {  	s7 =	smul.u32 @!p0 $0xF7A, s2;
	p2 =	seq.s32 @!p0 s5, $0x0  }
0x1f: {  	s9 =	smul.u32 $0xF7A, s1;
	s8 =	simm.s32 @!p0 $0x1BF5;
	p2 =	por !p2, p0  }
0x20: {  	[sflag:s8] =	ssyncset.s32 @!p0 $0xFFFFF086;
	s6 =	sadd.s32 @!p0 s3, s7;
	s7 =	simm.s32 @!p0 $0x108  }
0x21: {  	s3 =	sadd.s32 s3, s9;
	s6 =	sadd.s32 @!p0 $0x88, s6;
	s7 =	simm.s32 @p2 $0x1082  }
0x22: {  	[simem:s7], [sflag:s8] =	dma.local @!p0 [hbm:s6], $0xF7A  }
0x23: {  	s9 =	sor.u32 $0xD0000000, s2;
	s6 =	simm.s32 $0x108;
	_ =	swait.ge @!p0 [sflag:s8], $0x0  }
0x24: {  	s3 =	sadd.s32 $0x88, s3;
	s6 =	simm.s32 @!p1 $0x1082;
	[sflag:s4] =	ssyncset.s32 $0xFFFFF086  }
0x25: {  	[simem:s6], [sflag:s4] =	dma.local [hbm:s3], $0xF7A  }
0x26: {  	[smem:$0x3F9F] =	sst s1;
	(tag) =	ssettag s2;
	_ =	strace s9  }
0x27: {  	s1 =	sld [smem:$0x3FAF]  }
0x28: {  	s2 =	sld [smem:$0x3FB0]  }
0x29: {  	s4 =	sld [smem:$0x3FB2]  }
0x2a: {  	p0 =	seq.s32 s5, $0x0;
	s5 =	sld [smem:$0x3FB3]  }
0x2b: {  	s6 =	sld [smem:$0x3FB4]  }
0x2c: {  	s7 =	sld [smem:$0x3FB5]  }
0x2d: {  	s3 =	simm.s32 $0x108;
	s8 =	sld [smem:$0x3FB6]  }
0x2e: {  	s3 =	simm.s32 @!p0 $0x1082;
	s9 =	sld [smem:$0x3FB7]  }
0x2f: {  	lr =	sadd.s32 s0, s3;
	s0 =	sld [smem:$0x3FAE]  }
0x30: {  	s3 =	sld [smem:$0x3FB1]  }
0x31: {  	[smem:$0x3FBA] =	sst s10  }
0x32: {  	s10 =	sld [smem:$0x3FB8];
	_ =	sdelay $0x3  }
0x33: {  	p0 =	seq.s32 s10, $0x1;
	s10 =	sld [smem:$0x3FBA];
	_ =	sdelay $0x3  }
0x34: {  	[smem:$0x3FBA] =	sst s10  }
0x35: {  	s10 =	sld [smem:$0x3FB9];
	_ =	sdelay $0x3  }
0x36: {  	p1 =	seq.s32 s10, $0x1;
	s10 =	sld [smem:$0x3FBA];
	_ =	sdelay $0x3  }
0x37: {  	[smem:$0x3FBA] =	sst s10  }
0x38: {  	s10 =	sld [smem:$0x3FBB]  }
0x39: {  	_ = 	snop;
	(pc) =	sbr.ind lr, $3  }
0x3a: {  	_ = 	snop  }
0x3b: {  	_ = 	snop  }
0x3c: {  	p2 =	seq.s32 s10, $0x1;
	s10 =	sld [smem:$0x3FBA]  }
0x3d: {  	_ =	shalt  }
0x3e: {  	_ =	shalt  }
0x3f: {  	_ =	shalt  }
0x40: {  	_ =	shalt  }
0x41: {  	_ =	shalt  }
0x42: {  	_ =	shalt  }
0x43: {  	_ =	shalt  }
0x44: {  	_ =	shalt  }
0x45: {  	_ =	shalt  }
0x46: {  	_ =	shalt  }
0x47: {  	_ =	shalt  }
0x48: {  	_ =	shalt  }
0x49: {  	_ =	shalt  }
0x4a: {  	_ =	shalt  }
0x4b: {  	_ =	shalt  }
0x4c: {  	_ =	shalt  }
0x4d: {  	_ =	shalt  }
0x4e: {  	_ =	shalt  }
0x4f: {  	_ =	shalt  }
0x50: {  	_ =	shalt  }
0x51: {  	_ =	shalt  }
0x52: {  	_ =	shalt  }
0x53: {  	_ =	shalt  }
0x54: {  	_ =	shalt  }
0x55: {  	_ =	shalt  }
0x56: {  	_ =	shalt  }
0x57: {  	_ =	shalt  }
0x58: {  	_ =	shalt  }
0x59: {  	_ =	shalt  }
0x5a: {  	_ =	shalt  }
0x5b: {  	_ =	shalt  }
0x5c: {  	_ =	shalt  }
0x5d: {  	_ =	shalt  }
0x5e: {  	_ =	shalt  }
0x5f: {  	_ =	shalt  }
0x60: {  	_ =	shalt  }
0x61: {  	_ =	shalt  }
0x62: {  	_ =	shalt  }
0x63: {  	_ =	shalt  }
0x64: {  	_ =	shalt  }
0x65: {  	_ =	shalt  }
0x66: {  	_ =	shalt  }
0x67: {  	_ =	shalt  }
0x68: {  	_ =	shalt  }
0x69: {  	_ =	shalt  }
0x6a: {  	_ =	shalt  }
0x6b: {  	_ =	shalt  }
0x6c: {  	_ =	shalt  }
0x6d: {  	_ =	shalt  }
0x6e: {  	_ =	shalt  }
0x6f: {  	_ =	shalt  }
0x70: {  	_ =	shalt  }
0x71: {  	_ =	shalt  }
0x72: {  	_ =	shalt  }
0x73: {  	_ =	shalt  }
0x74: {  	_ =	shalt  }
0x75: {  	_ =	shalt  }
0x76: {  	_ =	shalt  }
0x77: {  	_ =	shalt  }
0x78: {  	_ =	shalt  }
0x79: {  	_ =	shalt  }
0x7a: {  	_ =	shalt  }
0x7b: {  	_ =	shalt  }
0x7c: {  	_ =	shalt  }
0x7d: {  	_ =	shalt  }
0x7e: {  	_ =	shalt  }
0x7f: {  	_ =	shalt  }
0x80: {  	_ =	shalt  }
0x81: {  	_ =	shalt  }
0x82: {  	_ =	shalt  }
0x83: {  	_ =	shalt  }
0x84: {  	_ =	shalt  }
0x85: {  	_ =	shalt  }
0x86: {  	_ =	shalt  }
0x87: {  	_ =	shalt  }
.Lfunc_end0:
.L_simem_size_0:
called_computation_lowered:
.L_overlay_start_0:
0x88: {  	s2 =	sld [smem:$0x3FD9]  }
0x89: {  	s3 =	sld [smem:$0x3FFE];
	_ =	sdelay $0x1  }
0x8a: {  	s1 =	srdreg.scid  }
0x8b: {  	s0 =	sand.u32 $0x1, s1  }
0x8c: {  	s17 =	sshll.u32 s0, $0xA;
	s2 =	sadd.s32 s3, s2  }
0x8d: {  	s2 =	sadd.s32 s2, s17  }
0x8e: {  	[smem:$0x3FC6] =	sst s2  }
0x8f: {  	_ = 	snop  }
0x90: {  	s2 =	sld [smem:$0x3FC8]  }
0x91: {  	s18 =	sld [smem:$0x3FD0];
	(tm) =	ssettm $0x1  }
0x92: {  	s4 =	sld [smem:$0x3FFB];
	_ =	sdelay $0x3  }
0x93: {  	_ =	strace s4  }
0x94: {  	s4 =	sld [smem:$0x3FFC];
	_ =	sdelay $0x3  }
0x95: {  	_ =	strace s4  }
0x96: {  	s4 =	sld [smem:$0x3FFD];
	_ =	sdelay $0x3  }
0x97: {  	_ =	strace s4  }
0x98: {  	_ =	strace $0x8FFFFFFF  }
0x99: {  	s19 =	sld [smem:$0x3FDB];
	_ =	sdelay $0x1  }
0x9a: {  	s5 =	simm.s32 $_scs_section_size  }
0x9b: {  	s6 =	simm.s32 $_size__tile_overlayer_lowered;
	s7 =	simm.s32 $_tile_overlayer_lowered  }
0x9c: {  	s22 =	simm.s32 $0x1BFF;
	s21 =	sshll.u32 s7, $0x1;
	s4 =	sadd.s32 s5, s19  }
0x9d: {  	s8 =	simm.s32 $0x0;
	s20 =	sshll.u32 s6, $0x1;
	s6 =	sadd.s32 s21, s4  }
0x9e: {  	[timem:s8], [sflag:s22] =	dma.local [hbm:s6], s20  }
0x9f: {  	_ =	swait.ge [sflag:s22], s20  }
0xa0: {  	s5 =	ssub.s32 $0x0, s20;
	[sflag:s22] =	ssyncset.done $0x0  }
0xa1: {  	[sflag:s22] =	ssyncadd.s32 s5;
	_ =	sdelay $0x1  }
0xa2: {  	s23 =	simm.s32 $0x1B8B  }
0xa3: {  	_ =	swait.ge [sflag:s23], $0x1  }
0xa4: {  	[sflag:s23] =	ssyncset.done $0x0  }
0xa5: {  	s25 =	simm.s32 $0x1B8E;
	s24 =	sld [smem:$0x3FFE];
	[sflag:s23] =	ssyncadd.s32 $0xFFFFFFFF  }
0xa6: {  	s26 =	simm.s32 $execute0_lowered;
	[smem:$0x3FD2] =	sst s25  }
0xa7: {  	s6 =	sshll.u32 s26, $0x1;
	_ =	strace $0x80000046;
	[dreg:$0x1] =	wrdreg $0xFFFFFFFF  }
0xa8: {  	s28 =	simm.s32 $_size_execute0_lowered;
	s4 =	sadd.s32 s4, s6;
	[dreg:$0x0] =	wrdreg $0x0  }
0xa9: {  	s6 =	sshll.u32 s28, $0x1;
	[dreg:$0x2] =	wrdreg s4  }
0xaa: {  	[dreg:$0x3] =	wrdreg s6  }
0xab: {  	[dreg:$0x4] =	wrdreg $0xC0  }
0xac: {  	_ =	task [dreg:s8], $0x5FFFF  }
0xad: {  	[dreg:$0x1] =	wrdreg $0xFFFFFFFF  }
0xae: {  	[dreg:$0x0] =	wrdreg $0x60  }
0xaf: {  	[dreg:$0x2] =	wrdreg s2  }
0xb0: {  	[dreg:$0x3] =	wrdreg s18  }
0xb1: {  	[dreg:$0x4] =	wrdreg s24  }
0xb2: {  	[dreg:$0x5] =	wrdreg $0x9  }
0xb3: {  	_ =	task.clear_ibuf [dreg:s8], $0x6FFFF;
	_ =	strace $0x90000046  }
0xb4: {  	s29 =	simm.s32 $0x9;
	_ =	strace $0x80000048  }
0xb5: {  	_ =	swait.ge [sflag:s29], $0x1  }
0xb6: {  	[sflag:s29] =	ssyncadd.s32 $0xFFFFFFFF  }
0xb7: {  	_ =	strace $0x90000048  }
0xb8: {  	_ =	sfence  }
0xb9: {  	s30 =	sld [smem:$0x0];
	_ =	sdelay $0x2  }
0xba: {  	s31 =	sshll.u32 s1, $0xD;
	s1 =	sshrl.u32 s1, $0x2  }
0xbb: {  	s3 =	sand.u32 $0x4000, s31;
	s1 =	sadd.s32 s1, s30  }
0xbc: {  	s0 =	sor.u32 s3, s0;
	s1 =	sshll.u32 s1, $0x11  }
0xbd: {  	s0 =	sor.u32 s1, s0  }
0xbe: {  	s0 =	sadd.s32 $0x8F2B, s0  }
0xbf: {  	[sflag:s0] =	ssyncadd.remote.s32 $0x1  }
0xc0: {  	_ =	sfence.sel $0xFFFF  }
0xc1: {  	[dreg:$0x0] =	wrdreg $0xFFFFFFFF;
	(pc) =	sbr.abs _section_cstart, $3  }
0xc2: {  	[dreg:$0x1] =	wrdreg $0xFFFFFFFF  }
0xc3: {  	_ =	task.clear_ibuf [dreg:s8], $0x2FFFF;
	_ =	strace $0x9FFFFFFF  }
0xc4: {  	(tm) =	ssettm $0x7FFFFFFF  }
0xc5: {  	_ =	shalt  }
tec
execute0_lowered:
.L_overlay_start_1:
0x0: {  	(tag) =	ssettag $0x1  }
0x1: {  	vm11 =	vcmask $0x300;
	v0 =	vimm.s32 $0x1F80  }
0x2: {  	vm12 =	vcmask $0x704;
	v0 =	vsel vm11, $0x0, v0  }
0x3: {  	vm0 =	vcmask $0xB08;
	v0 =	vsel vm12, $0x80, v0  }
0x4: {  	v1 =	vimm.s32 $0x3800;
	vm2 =	vcmask $0xF0C;
	v0 =	vsel vm0, $0x100, v0  }
0x5: {  	vm3 =	vcmask $0x1310;
	v1 =	vsel vm11, $0x80, v1;
	v0 =	vsel vm2, $0x180, v0  }
0x6: {  	vm4 =	vcmask $0x1714;
	v1 =	vsel vm12, $0x100, v1;
	v0 =	vsel vm3, $0x200, v0  }
0x7: {  	vm5 =	vcmask $0x1B18;
	v1 =	vsel vm0, $0x180, v1;
	v0 =	vsel vm4, $0x280, v0  }
0x8: {  	vm6 =	vcmask $0x1F1C;
	v1 =	vsel vm2, $0x200, v1;
	v0 =	vsel vm5, $0x300, v0  }
0x9: {  	vm7 =	vcmask $0x2320;
	v1 =	vsel vm3, $0x280, v1;
	v0 =	vsel vm6, $0x380, v0  }
0xa: {  	vm8 =	vcmask $0x2724;
	v1 =	vsel vm4, $0x300, v1;
	v0 =	vsel vm7, $0x1C00, v0  }
0xb: {  	vm9 =	vcmask $0x2B28;
	v1 =	vsel vm5, $0x380, v1;
	v0 =	vsel vm8, $0x1C80, v0  }
0xc: {  	vm10 =	vcmask $0x2F2C;
	v1 =	vsel vm6, $0x1C00, v1;
	v0 =	vsel vm9, $0x1D00, v0  }
0xd: {  	vm13 =	vcmask $0x3330;
	v1 =	vsel vm7, $0x1C80, v1;
	v0 =	vsel vm10, $0x1D80, v0  }
0xe: {  	vm14 =	vcmask $0x3734;
	v1 =	vsel vm8, $0x1D00, v1;
	v0 =	vsel vm13, $0x1E00, v0  }
0xf: {  	vm1 =	vcmask $0x3B38;
	v1 =	vsel vm9, $0x1D80, v1;
	v0 =	vsel vm14, $0x1E80, v0  }
0x10: {  	v1 =	vsel vm10, $0x1E00, v1;
	v0 =	vsel vm1, $0x1F00, v0  }
0x11: {  	[tilespmem:$0x1FB50] =	vst v0;
	v0 =	vsel vm13, $0x1E80, v1  }
0x12: {  	v1 =	vimm.s32 $0x3880;
	v0 =	vsel vm14, $0x1F00, v0  }
0x13: {  	v2 =	vimm.s32 $0x3900;
	v1 =	vsel vm11, $0x100, v1;
	v0 =	vsel vm1, $0x1F80, v0  }
0x14: {  	[tilespmem:$0x1FB60] =	vst v0;
	v0 =	vsel vm12, $0x180, v1;
	v1 =	vsel vm11, $0x180, v2  }
0x15: {  	v2 =	vimm.s32 $0x3980;
	v0 =	vsel vm0, $0x200, v0;
	v1 =	vsel vm12, $0x200, v1  }
0x16: {  	v2 =	vsel vm11, $0x200, v2;
	v0 =	vsel vm2, $0x280, v0;
	v1 =	vsel vm0, $0x280, v1  }
0x17: {  	v2 =	vsel vm12, $0x280, v2;
	v0 =	vsel vm3, $0x300, v0;
	v1 =	vsel vm2, $0x300, v1  }
0x18: {  	v2 =	vsel vm0, $0x300, v2;
	v0 =	vsel vm4, $0x380, v0;
	v1 =	vsel vm3, $0x380, v1  }
0x19: {  	v2 =	vsel vm2, $0x380, v2;
	v0 =	vsel vm5, $0x1C00, v0;
	v1 =	vsel vm4, $0x1C00, v1  }
0x1a: {  	v2 =	vsel vm3, $0x1C00, v2;
	v0 =	vsel vm6, $0x1C80, v0;
	v1 =	vsel vm5, $0x1C80, v1  }
0x1b: {  	v2 =	vsel vm4, $0x1C80, v2;
	v0 =	vsel vm7, $0x1D00, v0;
	v1 =	vsel vm6, $0x1D00, v1  }
0x1c: {  	v2 =	vsel vm5, $0x1D00, v2;
	v0 =	vsel vm8, $0x1D80, v0;
	v1 =	vsel vm7, $0x1D80, v1  }
0x1d: {  	v2 =	vsel vm6, $0x1D80, v2;
	v0 =	vsel vm9, $0x1E00, v0;
	v1 =	vsel vm8, $0x1E00, v1  }
0x1e: {  	v2 =	vsel vm7, $0x1E00, v2;
	v0 =	vsel vm10, $0x1E80, v0;
	v1 =	vsel vm9, $0x1E80, v1  }
0x1f: {  	v2 =	vsel vm8, $0x1E80, v2;
	v0 =	vsel vm13, $0x1F00, v0;
	v1 =	vsel vm10, $0x1F00, v1  }
0x20: {  	v2 =	vsel vm9, $0x1F00, v2;
	v0 =	vsel vm14, $0x1F80, v0;
	v1 =	vsel vm13, $0x1F80, v1  }
0x21: {  	v57 =	vsel vm1, $0x3800, v0;
	v0 =	vsel vm14, $0x3800, v1;
	v1 =	vsel vm10, $0x1F80, v2  }
0x22: {  	v60 =	vsel vm1, $0x3880, v0;
	v0 =	vsel vm13, $0x3800, v1;
	v1 =	vimm.s32 $0x3A00  }
0x23: {  	v2 =	vimm.s32 $0x3A80;
	v0 =	vsel vm14, $0x3880, v0;
	v1 =	vsel vm11, $0x280, v1  }
0x24: {  	v61 =	vsel vm1, $0x3900, v0;
	v0 =	vsel vm12, $0x300, v1;
	v1 =	vsel vm11, $0x300, v2  }
0x25: {  	v2 =	vimm.s32 $0x3B00;
	v0 =	vsel vm0, $0x380, v0;
	v1 =	vsel vm12, $0x380, v1  }
0x26: {  	v2 =	vsel vm11, $0x380, v2;
	v0 =	vsel vm2, $0x1C00, v0;
	v1 =	vsel vm0, $0x1C00, v1  }
0x27: {  	v2 =	vsel vm12, $0x1C00, v2;
	v0 =	vsel vm3, $0x1C80, v0;
	v1 =	vsel vm2, $0x1C80, v1  }
0x28: {  	v2 =	vsel vm0, $0x1C80, v2;
	v0 =	vsel vm4, $0x1D00, v0;
	v1 =	vsel vm3, $0x1D00, v1  }
0x29: {  	v2 =	vsel vm2, $0x1D00, v2;
	v0 =	vsel vm5, $0x1D80, v0;
	v1 =	vsel vm4, $0x1D80, v1  }
0x2a: {  	v2 =	vsel vm3, $0x1D80, v2;
	v0 =	vsel vm6, $0x1E00, v0;
	v1 =	vsel vm5, $0x1E00, v1  }
0x2b: {  	v2 =	vsel vm4, $0x1E00, v2;
	v0 =	vsel vm7, $0x1E80, v0;
	v1 =	vsel vm6, $0x1E80, v1  }
0x2c: {  	v2 =	vsel vm5, $0x1E80, v2;
	v0 =	vsel vm8, $0x1F00, v0;
	v1 =	vsel vm7, $0x1F00, v1  }
0x2d: {  	v2 =	vsel vm6, $0x1F00, v2;
	v0 =	vsel vm9, $0x1F80, v0;
	v1 =	vsel vm8, $0x1F80, v1  }
0x2e: {  	v2 =	vsel vm7, $0x1F80, v2;
	v0 =	vsel vm10, $0x3800, v0;
	v1 =	vsel vm9, $0x3800, v1  }
0x2f: {  	v2 =	vsel vm8, $0x3800, v2;
	v0 =	vsel vm13, $0x3880, v0;
	v1 =	vsel vm10, $0x3880, v1  }
0x30: {  	v2 =	vsel vm9, $0x3880, v2;
	v0 =	vsel vm14, $0x3900, v0;
	v1 =	vsel vm13, $0x3900, v1  }
0x31: {  	v50 =	vsel vm1, $0x3980, v0;
	v0 =	vsel vm14, $0x3980, v1;
	v1 =	vsel vm10, $0x3900, v2  }
0x32: {  	v58 =	vsel vm1, $0x3A00, v0;
	v0 =	vsel vm13, $0x3980, v1;
	v1 =	vimm.s32 $0x3B80  }
0x33: {  	v2 =	vimm.s32 $0x5400;
	v0 =	vsel vm14, $0x3A00, v0;
	v1 =	vsel vm11, $0x1C00, v1  }
0x34: {  	v59 =	vsel vm1, $0x3A80, v0;
	v0 =	vsel vm12, $0x1C80, v1;
	v1 =	vsel vm11, $0x1C80, v2  }
0x35: {  	v0 =	vsel vm0, $0x1D00, v0;
	v1 =	vsel vm12, $0x1D00, v1  }
0x36: {  	v2 =	vimm.s32 $0x5480;
	v0 =	vsel vm2, $0x1D80, v0;
	v1 =	vsel vm0, $0x1D80, v1  }
0x37: {  	v2 =	vsel vm11, $0x1D00, v2;
	v0 =	vsel vm3, $0x1E00, v0;
	v1 =	vsel vm2, $0x1E00, v1  }
0x38: {  	v2 =	vsel vm12, $0x1D80, v2;
	v0 =	vsel vm4, $0x1E80, v0;
	v1 =	vsel vm3, $0x1E80, v1  }
0x39: {  	v2 =	vsel vm0, $0x1E00, v2;
	v0 =	vsel vm5, $0x1F00, v0;
	v1 =	vsel vm4, $0x1F00, v1  }
0x3a: {  	v2 =	vsel vm2, $0x1E80, v2;
	v0 =	vsel vm6, $0x1F80, v0;
	v1 =	vsel vm5, $0x1F80, v1  }
0x3b: {  	v2 =	vsel vm3, $0x1F00, v2;
	v0 =	vsel vm7, $0x3800, v0;
	v1 =	vsel vm6, $0x3800, v1  }
0x3c: {  	v2 =	vsel vm4, $0x1F80, v2;
	v0 =	vsel vm8, $0x3880, v0;
	v1 =	vsel vm7, $0x3880, v1  }
0x3d: {  	v2 =	vsel vm5, $0x3800, v2;
	v0 =	vsel vm9, $0x3900, v0;
	v1 =	vsel vm8, $0x3900, v1  }
0x3e: {  	v2 =	vsel vm6, $0x3880, v2;
	v0 =	vsel vm10, $0x3980, v0;
	v1 =	vsel vm9, $0x3980, v1  }
0x3f: {  	v2 =	vsel vm7, $0x3900, v2;
	v0 =	vsel vm13, $0x3A00, v0;
	v1 =	vsel vm10, $0x3A00, v1  }
0x40: {  	v2 =	vsel vm8, $0x3980, v2;
	v0 =	vsel vm14, $0x3A80, v0;
	v1 =	vsel vm13, $0x3A80, v1  }
0x41: {  	v2 =	vsel vm9, $0x3A00, v2;
	v51 =	vsel vm1, $0x3B00, v0;
	v0 =	vsel vm14, $0x3B00, v1  }
0x42: {  	v1 =	vsel vm10, $0x3A80, v2;
	v0 =	vsel vm1, $0x3B80, v0  }
0x43: {  	[tilespmem:$0x1FB70] =	vst v0;
	v0 =	vsel vm13, $0x3B00, v1;
	v1 =	vimm.s32 $0x5500  }
0x44: {  	v2 =	vimm.s32 $0x5580;
	v0 =	vsel vm14, $0x3B80, v0;
	v1 =	vsel vm11, $0x1D80, v1  }
0x45: {  	v18 =	vsel vm1, $0x5400, v0;
	v0 =	vsel vm12, $0x1E00, v1;
	v1 =	vsel vm11, $0x1E00, v2  }
0x46: {  	v2 =	vimm.s32 $0x5600;
	v0 =	vsel vm0, $0x1E80, v0;
	v1 =	vsel vm12, $0x1E80, v1  }
0x47: {  	v2 =	vsel vm11, $0x1E80, v2;
	v0 =	vsel vm2, $0x1F00, v0;
	v1 =	vsel vm0, $0x1F00, v1  }
0x48: {  	v2 =	vsel vm12, $0x1F00, v2;
	v0 =	vsel vm3, $0x1F80, v0;
	v1 =	vsel vm2, $0x1F80, v1  }
0x49: {  	v2 =	vsel vm0, $0x1F80, v2;
	v0 =	vsel vm4, $0x3800, v0;
	v1 =	vsel vm3, $0x3800, v1  }
0x4a: {  	v2 =	vsel vm2, $0x3800, v2;
	v0 =	vsel vm5, $0x3880, v0;
	v1 =	vsel vm4, $0x3880, v1  }
0x4b: {  	v2 =	vsel vm3, $0x3880, v2;
	v0 =	vsel vm6, $0x3900, v0;
	v1 =	vsel vm5, $0x3900, v1  }
0x4c: {  	v2 =	vsel vm4, $0x3900, v2;
	v0 =	vsel vm7, $0x3980, v0;
	v1 =	vsel vm6, $0x3980, v1  }
0x4d: {  	v2 =	vsel vm5, $0x3980, v2;
	v0 =	vsel vm8, $0x3A00, v0;
	v1 =	vsel vm7, $0x3A00, v1  }
0x4e: {  	v2 =	vsel vm6, $0x3A00, v2;
	v0 =	vsel vm9, $0x3A80, v0;
	v1 =	vsel vm8, $0x3A80, v1  }
0x4f: {  	v2 =	vsel vm7, $0x3A80, v2;
	v0 =	vsel vm10, $0x3B00, v0;
	v1 =	vsel vm9, $0x3B00, v1  }
0x50: {  	v2 =	vsel vm8, $0x3B00, v2;
	v0 =	vsel vm13, $0x3B80, v0;
	v1 =	vsel vm10, $0x3B80, v1  }
0x51: {  	v2 =	vsel vm9, $0x3B80, v2;
	v0 =	vsel vm14, $0x5400, v0;
	v1 =	vsel vm13, $0x5400, v1  }
0x52: {  	v29 =	vsel vm1, $0x5480, v0;
	v0 =	vsel vm14, $0x5480, v1;
	v1 =	vsel vm10, $0x5400, v2  }
0x53: {  	v63 =	vsel vm1, $0x5500, v0;
	v0 =	vsel vm13, $0x5480, v1  }
0x54: {  	v1 =	vimm.s32 $0x5680;
	v0 =	vsel vm14, $0x5500, v0  }
0x55: {  	v2 =	vimm.s32 $0x5700;
	v1 =	vsel vm11, $0x1F00, v1;
	v0 =	vsel vm1, $0x5580, v0  }
0x56: {  	[tilespmem:$0x1FB80] =	vst v0;
	v0 =	vsel vm12, $0x1F80, v1;
	v1 =	vsel vm11, $0x1F80, v2  }
0x57: {  	v2 =	vimm.s32 $0x5780;
	v0 =	vsel vm0, $0x3800, v0;
	v1 =	vsel vm12, $0x3800, v1  }
0x58: {  	v2 =	vsel vm11, $0x3800, v2;
	v0 =	vsel vm2, $0x3880, v0;
	v1 =	vsel vm0, $0x3880, v1  }
0x59: {  	v2 =	vsel vm12, $0x3880, v2;
	v0 =	vsel vm3, $0x3900, v0;
	v1 =	vsel vm2, $0x3900, v1  }
0x5a: {  	v2 =	vsel vm0, $0x3900, v2;
	v0 =	vsel vm4, $0x3980, v0;
	v1 =	vsel vm3, $0x3980, v1  }
0x5b: {  	v2 =	vsel vm2, $0x3980, v2;
	v0 =	vsel vm5, $0x3A00, v0;
	v1 =	vsel vm4, $0x3A00, v1  }
0x5c: {  	v2 =	vsel vm3, $0x3A00, v2;
	v0 =	vsel vm6, $0x3A80, v0;
	v1 =	vsel vm5, $0x3A80, v1  }
0x5d: {  	v2 =	vsel vm4, $0x3A80, v2;
	v0 =	vsel vm7, $0x3B00, v0;
	v1 =	vsel vm6, $0x3B00, v1  }
0x5e: {  	v2 =	vsel vm5, $0x3B00, v2;
	v0 =	vsel vm8, $0x3B80, v0;
	v1 =	vsel vm7, $0x3B80, v1  }
0x5f: {  	v2 =	vsel vm6, $0x3B80, v2;
	v0 =	vsel vm9, $0x5400, v0;
	v1 =	vsel vm8, $0x5400, v1  }
0x60: {  	v2 =	vsel vm7, $0x5400, v2;
	v0 =	vsel vm10, $0x5480, v0;
	v1 =	vsel vm9, $0x5480, v1  }
0x61: {  	v2 =	vsel vm8, $0x5480, v2;
	v0 =	vsel vm13, $0x5500, v0;
	v1 =	vsel vm10, $0x5500, v1  }
0x62: {  	v2 =	vsel vm9, $0x5500, v2;
	v0 =	vsel vm14, $0x5580, v0;
	v1 =	vsel vm13, $0x5580, v1  }
0x63: {  	v54 =	vsel vm1, $0x5600, v0;
	v0 =	vsel vm14, $0x5600, v1;
	v1 =	vsel vm10, $0x5580, v2  }
0x64: {  	v36 =	vsel vm1, $0x5680, v0;
	v0 =	vsel vm13, $0x5600, v1;
	v1 =	vimm.s32 $0x0  }
0x65: {  	v2 =	vimm.s32 $0x80;
	v0 =	vsel vm14, $0x5680, v0;
	v1 =	vsel vm11, $0x3880, v1  }
0x66: {  	v44 =	vsel vm1, $0x5700, v0;
	v0 =	vsel vm12, $0x3900, v1;
	v1 =	vsel vm11, $0x3900, v2  }
0x67: {  	v2 =	vimm.s32 $0x100;
	v0 =	vsel vm0, $0x3980, v0;
	v1 =	vsel vm12, $0x3980, v1  }
0x68: {  	v2 =	vsel vm11, $0x3980, v2;
	v0 =	vsel vm2, $0x3A00, v0;
	v1 =	vsel vm0, $0x3A00, v1  }
0x69: {  	v2 =	vsel vm12, $0x3A00, v2;
	v0 =	vsel vm3, $0x3A80, v0;
	v1 =	vsel vm2, $0x3A80, v1  }
0x6a: {  	v2 =	vsel vm0, $0x3A80, v2;
	v0 =	vsel vm4, $0x3B00, v0;
	v1 =	vsel vm3, $0x3B00, v1  }
0x6b: {  	v2 =	vsel vm2, $0x3B00, v2;
	v0 =	vsel vm5, $0x3B80, v0;
	v1 =	vsel vm4, $0x3B80, v1  }
0x6c: {  	v2 =	vsel vm3, $0x3B80, v2;
	v0 =	vsel vm6, $0x5400, v0;
	v1 =	vsel vm5, $0x5400, v1  }
0x6d: {  	v2 =	vsel vm4, $0x5400, v2;
	v0 =	vsel vm7, $0x5480, v0;
	v1 =	vsel vm6, $0x5480, v1  }
0x6e: {  	v2 =	vsel vm5, $0x5480, v2;
	v0 =	vsel vm8, $0x5500, v0;
	v1 =	vsel vm7, $0x5500, v1  }
0x6f: {  	v2 =	vsel vm6, $0x5500, v2;
	v0 =	vsel vm9, $0x5580, v0;
	v1 =	vsel vm8, $0x5580, v1  }
0x70: {  	v2 =	vsel vm7, $0x5580, v2;
	v0 =	vsel vm10, $0x5600, v0;
	v1 =	vsel vm9, $0x5600, v1  }
0x71: {  	v2 =	vsel vm8, $0x5600, v2;
	v0 =	vsel vm13, $0x5680, v0;
	v1 =	vsel vm10, $0x5680, v1  }
0x72: {  	v2 =	vsel vm9, $0x5680, v2;
	v0 =	vsel vm14, $0x5700, v0;
	v1 =	vsel vm13, $0x5700, v1  }
0x73: {  	v25 =	vsel vm1, $0x5780, v0;
	v0 =	vsel vm14, $0x5780, v1;
	v1 =	vsel vm10, $0x5700, v2  }
0x74: {  	v22 =	vsel vm1, $0x0, v0;
	v0 =	vsel vm13, $0x5780, v1;
	v1 =	vimm.s32 $0x180  }
0x75: {  	v2 =	vimm.s32 $0x200;
	v0 =	vsel vm14, $0x0, v0;
	v1 =	vsel vm11, $0x3A00, v1  }
0x76: {  	v16 =	vsel vm1, $0x80, v0;
	v0 =	vsel vm12, $0x3A80, v1;
	v1 =	vsel vm11, $0x3A80, v2  }
0x77: {  	v2 =	vimm.s32 $0x280;
	v0 =	vsel vm0, $0x3B00, v0;
	v1 =	vsel vm12, $0x3B00, v1  }
0x78: {  	v2 =	vsel vm11, $0x3B00, v2;
	v0 =	vsel vm2, $0x3B80, v0;
	v1 =	vsel vm0, $0x3B80, v1  }
0x79: {  	v2 =	vsel vm12, $0x3B80, v2;
	v0 =	vsel vm3, $0x5400, v0;
	v1 =	vsel vm2, $0x5400, v1  }
0x7a: {  	v2 =	vsel vm0, $0x5400, v2;
	v0 =	vsel vm4, $0x5480, v0;
	v1 =	vsel vm3, $0x5480, v1  }
0x7b: {  	v2 =	vsel vm2, $0x5480, v2;
	v0 =	vsel vm5, $0x5500, v0;
	v1 =	vsel vm4, $0x5500, v1  }
0x7c: {  	v2 =	vsel vm3, $0x5500, v2;
	v0 =	vsel vm6, $0x5580, v0;
	v1 =	vsel vm5, $0x5580, v1  }
0x7d: {  	v2 =	vsel vm4, $0x5580, v2;
	v0 =	vsel vm7, $0x5600, v0;
	v1 =	vsel vm6, $0x5600, v1  }
0x7e: {  	v2 =	vsel vm5, $0x5600, v2;
	v0 =	vsel vm8, $0x5680, v0;
	v1 =	vsel vm7, $0x5680, v1  }
0x7f: {  	v2 =	vsel vm6, $0x5680, v2;
	v0 =	vsel vm9, $0x5700, v0;
	v1 =	vsel vm8, $0x5700, v1  }
0x80: {  	v2 =	vsel vm7, $0x5700, v2;
	v0 =	vsel vm10, $0x5780, v0;
	v1 =	vsel vm9, $0x5780, v1  }
0x81: {  	v2 =	vsel vm8, $0x5780, v2;
	v0 =	vsel vm13, $0x0, v0;
	v1 =	vsel vm10, $0x0, v1  }
0x82: {  	v2 =	vsel vm9, $0x0, v2;
	v0 =	vsel vm14, $0x80, v0;
	v1 =	vsel vm13, $0x80, v1  }
0x83: {  	v48 =	vsel vm1, $0x100, v0;
	v0 =	vsel vm14, $0x100, v1;
	v1 =	vsel vm10, $0x80, v2  }
0x84: {  	v26 =	vsel vm1, $0x180, v0;
	v0 =	vsel vm13, $0x100, v1;
	v1 =	vimm.s32 $0x300  }
0x85: {  	v2 =	vimm.s32 $0x380;
	v0 =	vsel vm14, $0x180, v0;
	v1 =	vsel vm11, $0x3B80, v1  }
0x86: {  	v24 =	vsel vm1, $0x200, v0;
	v0 =	vsel vm12, $0x5400, v1;
	v1 =	vsel vm11, $0x5400, v2  }
0x87: {  	v2 =	vimm.s32 $0x1C00;
	v0 =	vsel vm0, $0x5480, v0;
	v1 =	vsel vm12, $0x5480, v1  }
0x88: {  	v2 =	vsel vm11, $0x5480, v2;
	v0 =	vsel vm2, $0x5500, v0;
	v1 =	vsel vm0, $0x5500, v1  }
0x89: {  	v2 =	vsel vm12, $0x5500, v2;
	v0 =	vsel vm3, $0x5580, v0;
	v1 =	vsel vm2, $0x5580, v1  }
0x8a: {  	v2 =	vsel vm0, $0x5580, v2;
	v0 =	vsel vm4, $0x5600, v0;
	v1 =	vsel vm3, $0x5600, v1  }
0x8b: {  	v2 =	vsel vm2, $0x5600, v2;
	v0 =	vsel vm5, $0x5680, v0;
	v1 =	vsel vm4, $0x5680, v1  }
0x8c: {  	v2 =	vsel vm3, $0x5680, v2;
	v0 =	vsel vm6, $0x5700, v0;
	v1 =	vsel vm5, $0x5700, v1  }
0x8d: {  	v2 =	vsel vm4, $0x5700, v2;
	v0 =	vsel vm7, $0x5780, v0;
	v1 =	vsel vm6, $0x5780, v1  }
0x8e: {  	v2 =	vsel vm5, $0x5780, v2;
	v0 =	vsel vm8, $0x0, v0;
	v1 =	vsel vm7, $0x0, v1  }
0x8f: {  	v2 =	vsel vm6, $0x0, v2;
	v0 =	vsel vm9, $0x80, v0;
	v1 =	vsel vm8, $0x80, v1  }
0x90: {  	v2 =	vsel vm7, $0x80, v2;
	v0 =	vsel vm10, $0x100, v0;
	v1 =	vsel vm9, $0x100, v1  }
0x91: {  	v2 =	vsel vm8, $0x100, v2;
	v0 =	vsel vm13, $0x180, v0;
	v1 =	vsel vm10, $0x180, v1  }
0x92: {  	v2 =	vsel vm9, $0x180, v2;
	v0 =	vsel vm14, $0x200, v0;
	v1 =	vsel vm13, $0x200, v1  }
0x93: {  	v33 =	vsel vm1, $0x280, v0;
	v0 =	vsel vm14, $0x280, v1;
	v1 =	vsel vm10, $0x200, v2  }
0x94: {  	v27 =	vsel vm1, $0x300, v0;
	v0 =	vsel vm13, $0x280, v1  }
0x95: {  	v1 =	vimm.s32 $0x1C80;
	v0 =	vsel vm14, $0x300, v0  }
0x96: {  	v2 =	vimm.s32 $0x1D00;
	v1 =	vsel vm11, $0x5500, v1;
	v0 =	vsel vm1, $0x380, v0  }
0x97: {  	[tilespmem:$0x1FB90] =	vst v0;
	v0 =	vsel vm12, $0x5580, v1;
	v1 =	vsel vm11, $0x5580, v2  }
0x98: {  	v2 =	vimm.s32 $0x1D80;
	v0 =	vsel vm0, $0x5600, v0;
	v1 =	vsel vm12, $0x5600, v1  }
0x99: {  	v2 =	vsel vm11, $0x5600, v2;
	v0 =	vsel vm2, $0x5680, v0;
	v1 =	vsel vm0, $0x5680, v1  }
0x9a: {  	v2 =	vsel vm12, $0x5680, v2;
	v0 =	vsel vm3, $0x5700, v0;
	v1 =	vsel vm2, $0x5700, v1  }
0x9b: {  	v2 =	vsel vm0, $0x5700, v2;
	v0 =	vsel vm4, $0x5780, v0;
	v1 =	vsel vm3, $0x5780, v1  }
0x9c: {  	v2 =	vsel vm2, $0x5780, v2;
	v0 =	vsel vm5, $0x0, v0;
	v1 =	vsel vm4, $0x0, v1  }
0x9d: {  	v2 =	vsel vm3, $0x0, v2;
	v0 =	vsel vm6, $0x80, v0;
	v1 =	vsel vm5, $0x80, v1  }
0x9e: {  	v2 =	vsel vm4, $0x80, v2;
	v0 =	vsel vm7, $0x100, v0;
	v1 =	vsel vm6, $0x100, v1  }
0x9f: {  	v2 =	vsel vm5, $0x100, v2;
	v0 =	vsel vm8, $0x180, v0;
	v1 =	vsel vm7, $0x180, v1  }
0xa0: {  	v2 =	vsel vm6, $0x180, v2;
	v0 =	vsel vm9, $0x200, v0;
	v1 =	vsel vm8, $0x200, v1  }
0xa1: {  	v2 =	vsel vm7, $0x200, v2;
	v0 =	vsel vm10, $0x280, v0;
	v1 =	vsel vm9, $0x280, v1  }
0xa2: {  	v2 =	vsel vm8, $0x280, v2;
	v0 =	vsel vm13, $0x300, v0;
	v1 =	vsel vm10, $0x300, v1  }
0xa3: {  	v2 =	vsel vm9, $0x300, v2;
	v0 =	vsel vm14, $0x380, v0;
	v1 =	vsel vm13, $0x380, v1  }
0xa4: {  	v52 =	vsel vm1, $0x1C00, v0;
	v0 =	vsel vm14, $0x1C00, v1;
	v1 =	vsel vm10, $0x380, v2  }
0xa5: {  	v38 =	vsel vm1, $0x1C80, v0;
	v0 =	vsel vm13, $0x1C00, v1;
	v1 =	vimm.s32 $0x1E00  }
0xa6: {  	v2 =	vimm.s32 $0x1E80;
	v0 =	vsel vm14, $0x1C80, v0;
	v1 =	vsel vm11, $0x5680, v1  }
0xa7: {  	v32 =	vsel vm1, $0x1D00, v0;
	v0 =	vsel vm12, $0x5700, v1;
	v1 =	vsel vm11, $0x5700, v2  }
0xa8: {  	v2 =	vimm.s32 $0x1F00;
	v0 =	vsel vm0, $0x5780, v0;
	v1 =	vsel vm12, $0x5780, v1  }
0xa9: {  	v2 =	vsel vm11, $0x5780, v2;
	v0 =	vsel vm2, $0x0, v0;
	v1 =	vsel vm0, $0x0, v1  }
0xaa: {  	v2 =	vsel vm12, $0x0, v2;
	v0 =	vsel vm3, $0x80, v0;
	v1 =	vsel vm2, $0x80, v1  }
0xab: {  	v2 =	vsel vm0, $0x80, v2;
	v0 =	vsel vm4, $0x100, v0;
	v1 =	vsel vm3, $0x100, v1  }
0xac: {  	v2 =	vsel vm2, $0x100, v2;
	v0 =	vsel vm5, $0x180, v0;
	v1 =	vsel vm4, $0x180, v1  }
0xad: {  	v2 =	vsel vm3, $0x180, v2;
	v0 =	vsel vm6, $0x200, v0;
	v1 =	vsel vm5, $0x200, v1  }
0xae: {  	v2 =	vsel vm4, $0x200, v2;
	v0 =	vsel vm7, $0x280, v0;
	v1 =	vsel vm6, $0x280, v1  }
0xaf: {  	v2 =	vsel vm5, $0x280, v2;
	v0 =	vsel vm8, $0x300, v0;
	v1 =	vsel vm7, $0x300, v1  }
0xb0: {  	v2 =	vsel vm6, $0x300, v2;
	v0 =	vsel vm9, $0x380, v0;
	v1 =	vsel vm8, $0x380, v1  }
0xb1: {  	v2 =	vsel vm7, $0x380, v2;
	v0 =	vsel vm10, $0x1C00, v0;
	v1 =	vsel vm9, $0x1C00, v1  }
0xb2: {  	v2 =	vsel vm8, $0x1C00, v2;
	v0 =	vsel vm13, $0x1C80, v0;
	v1 =	vsel vm10, $0x1C80, v1  }
0xb3: {  	v2 =	vsel vm9, $0x1C80, v2;
	v0 =	vsel vm14, $0x1D00, v0;
	v1 =	vsel vm13, $0x1D00, v1  }
0xb4: {  	v56 =	vsel vm1, $0x1D80, v0;
	v0 =	vsel vm14, $0x1D80, v1;
	v1 =	vsel vm10, $0x1D00, v2  }
0xb5: {  	v53 =	vsel vm1, $0x1E00, v0;
	v0 =	vsel vm13, $0x1D80, v1  }
0xb6: {  	v0 =	vsel vm14, $0x1E00, v0  }
0xb7: {  	v43 =	vsel vm1, $0x1E80, v0;
	v0 =	vimm.s32 $0x704F2E0D  }
0xb8: {  	v37 =	vunpack.c.0.s8.s32 v0;
	v0 =	vimm.s32 $0x6C4B2A09  }
0xb9: {  	v7 =	vunpack.c.0.s8.s32 v0;
	v0 =	vimm.s32 $0x64432201  }
0xba: {  	v8 =	vunpack.c.0.s8.s32 v0;
	v0 =	vimm.s32 $0x71502F0E  }
0xbb: {  	v47 =	vimm.s32 $0x73523110;
	v11 =	vunpack.c.0.s8.s32 v0;
	v0 =	vimm.s32 $0x6D4C2B0A  }
0xbc: {  	v17 =	vunpack.c.0.s8.s32 v47;
	v19 =	vunpack.c.0.s8.s32 v0;
	v0 =	vimm.s32 $0x69482706  }
0xbd: {  	v2 =	vimm.s32 $0x6B4A2908;
	v14 =	vunpack.c.0.s8.s32 v0;
	v0 =	vimm.s32 $0x7251300F  }
0xbe: {  	v1 =	vimm.s32 $0x6F4E2D0C;
	v20 =	vunpack.c.0.s8.s32 v0;
	v0 =	vimm.s32 $0x6E4D2C0B  }
0xbf: {  	v2 =	vunpack.c.0.s8.s32 v2;
	v21 =	vunpack.c.0.s8.s32 v0;
	v0 =	vimm.s32 $0x66452403  }
0xc0: {  	v1 =	vunpack.c.0.s8.s32 v1;
	v23 =	vunpack.c.0.s8.s32 v0;
	v0 =	vimm.s32 $0x74533211  }
0xc1: {  	vm0 =	vcmask $0x1F10;
	v0 =	vunpack.c.0.s8.s32 v0  }
0xc2: {  	v6 =	vsel vm0, v1, v2;
	v42 =	vsel vm0, v17, v1;
	v1 =	vimm.s32 $0x75543312  }
0xc3: {  	v3 =	vimm.s32 $0x63422100;
	[tilespmem:$0x1FBB0] =	vst v0;
	v0 =	vunpack.c.0.s8.s32 v1  }
0xc4: {  	v4 =	vimm.s32 $0x67462504;
	v49 =	vimm.s32 $0x6A492807;
	v5 =	vunpack.c.0.s8.s32 v3  }
0xc5: {  	v3 =	vunpack.c.0.s8.s32 v4;
	v4 =	vunpack.c.0.s8.s32 v49;
	[tilespmem:$0x1FBC0] =	vst v0;
	v0 =	vimm.s32 $0x76553413  }
0xc6: {  	v1 =	vimm.s32 $0x78573615;
	v35 =	vunpack.c.0.s8.s32 v0;
	v0 =	vimm.s32 $0x77563514  }
0xc7: {  	v49 =	vsel vm0, v2, v3;
	v2 =	vunpack.c.0.s8.s32 v0;
	v0 =	vunpack.c.0.s8.s32 v1;
	_ =	sdelay $0x1  }
0xc8: {  	s0 =	rddreg [dreg:$0x0];
	[tilespmem:$0x1FBD0] =	vst v0;
	v0 =	vimm.s32 $0x79583716  }
0xc9: {  	s1 =	rddreg [dreg:$0x1];
	v0 =	vunpack.c.0.s8.s32 v0  }
0xca: {  	s11 =	rddreg [dreg:$0x2];
	s4 =	simm.s32 $0x0;
	[tilespmem:$0x1FBA0] =	vst v5  }
0xcb: {  	v46 =	vimm.s32 $0x65442302;
	s3 =	srdreg.scid;
	[smem:$0x7FF] =	sst s4;
	[tilespmem:$0x1FBE0] =	vst v0  }
0xcc: {  	v13 =	vunpack.c.0.s8.s32 v46;
	s6 =	sand.u32 $0x1, s3;
	s3 =	rddreg [dreg:$0x3];
	_ =	strace $0x80000047;
	[tilespmem:$0x1FC70] =	vst v37  }
0xcd: {  	[tilespmem:$0x1FC90] =	vst v11  }
0xce: {  	[tilespmem:$0x1FCA0] =	vst v13  }
0xcf: {  	[tilespmem:$0x1FCB0] =	vst v21  }
0xd0: {  	[tilespmem:$0x1FCC0] =	vst v23  }
0xd1: {  	v55 =	vsel vm0, v14, v13;
	[tilespmem:$0x1FCD0] =	vst v4  }
0xd2: {  	v62 =	vsel vm0, v20, v21;
	[tilespmem:$0x1FCF0] =	vst v55  }
0xd3: {  	[tilespmem:$0x1FD00] =	vst v62  }
0xd4: {  	[tilespmem:$0x1FD20] =	vst v60  }
0xd5: {  	[tilespmem:$0x1FD30] =	vst v61  }
0xd6: {  	v9 =	vsel vm0, v3, v5;
	[tilespmem:$0x1FD40] =	vst v6  }
0xd7: {  	v45 =	vimm.s32 $0x68472605;
	[tilespmem:$0x1FD50] =	vst v9  }
0xd8: {  	v10 =	vunpack.c.0.s8.s32 v45;
	[tilespmem:$0x1FD60] =	vst v7  }
0xd9: {  	[tilespmem:$0x1FD70] =	vst v8  }
0xda: {  	[tilespmem:$0x1FD80] =	vst v10  }
0xdb: {  	[tilespmem:$0x1FD90] =	vst v19  }
0xdc: {  	[tilespmem:$0x1FDA0] =	vst v14  }
0xdd: {  	[tilespmem:$0x1FDB0] =	vst v20  }
0xde: {  	[tilespmem:$0x1FDC0] =	vst v17  }
0xdf: {  	[tilespmem:$0x1FDD0] =	vst v42  }
0xe0: {  	[tilespmem:$0x1FDE0] =	vst v49  }
0xe1: {  	[tilespmem:$0x1FDF0] =	vst v35  }
0xe2: {  	[tilespmem:$0x1FE00] =	vst v2  }
0xe3: {  	[tilespmem:$0x1FE60] =	vst v53  }
0xe4: {  	[tilespmem:$0x1FE80] =	vst v29  }
0xe5: {  	[tilespmem:$0x1FE90] =	vst v36  }
0xe6: {  	[tilespmem:$0x1FEA0] =	vst v18  }
0xe7: {  	[tilespmem:$0x1FEB0] =	vst v32  }
0xe8: {  	[tilespmem:$0x1FEC0] =	vst v27  }
0xe9: {  	[tilespmem:$0x1FED0] =	vst v16  }
0xea: {  	[tilespmem:$0x1FEE0] =	vst v22  }
0xeb: {  	[tilespmem:$0x1FEF0] =	vst v54  }
0xec: {  	[tilespmem:$0x1FF00] =	vst v38  }
0xed: {  	[tilespmem:$0x1FF10] =	vst v56  }
0xee: {  	[tilespmem:$0x1FF20] =	vst v24  }
0xef: {  	[tilespmem:$0x1FF30] =	vst v48  }
0xf0: {  	[tilespmem:$0x1FF40] =	vst v43  }
0xf1: {  	v0 =	vimm.s32 $0x7A593817;
	[tilespmem:$0x1FF50] =	vst v33  }
0xf2: {  	v0 =	vunpack.c.0.s8.s32 v0;
	[tilespmem:$0x1FF60] =	vst v26  }
0xf3: {  	v1 =	vimm.s32 $0x7B5A3918;
	[tilespmem:$0x1FF70] =	vst v25  }
0xf4: {  	[tilespmem:$0x1FBF0] =	vst v0;
	v0 =	vunpack.c.0.s8.s32 v1  }
0xf5: {  	[tilespmem:$0x1FF80] =	vst v58  }
0xf6: {  	[tilespmem:$0x1FC00] =	vst v0;
	v0 =	vimm.s32 $0x7C5B3A19  }
0xf7: {  	[tilespmem:$0x1FF90] =	vst v59;
	v0 =	vunpack.c.0.s8.s32 v0  }
0xf8: {  	[tilespmem:$0x1FFA0] =	vst v44  }
0xf9: {  	[tilespmem:$0x1FC10] =	vst v0;
	v0 =	vimm.s32 $0x7D5C3B1A  }
0xfa: {  	[tilespmem:$0x1FFB0] =	vst v51;
	v0 =	vunpack.c.0.s8.s32 v0  }
0xfb: {  	[tilespmem:$0x1FFC0] =	vst v52;
	v1 =	vimm.s32 $0x7E5D3C1B  }
0xfc: {  	[tilespmem:$0x1FC20] =	vst v0;
	v0 =	vunpack.c.0.s8.s32 v1  }
0xfd: {  	[tilespmem:$0x1FFD0] =	vst v50  }
0xfe: {  	[tilespmem:$0x1FC30] =	vst v0;
	v0 =	vimm.s32 $0x7F5E3D1C  }
0xff: {  	v4 =	vsel vm0, v4, v23;
	[tilespmem:$0x1FFE0] =	vst v63;
	v0 =	vunpack.c.0.s8.s32 v0  }
0x100: {  	[tilespmem:$0x1FD10] =	vst v4  }
0x101: {  	v4 =	vcombine.low v4, v62;
	v1 =	vimm.s32 $0x61403F1E;
	[tilespmem:$0x1FC40] =	vst v0;
	v0 =	vimm.s32 $0x605F3E1D  }
0x102: {  	[tilespmem:$0x1FFF0] =	vst v57;
	v41 =	vunpack.c.0.s8.s32 v0;
	v0 =	vunpack.c.0.s8.s32 v1  }
0x103: {  	s2 =	stileid.u32;
	s14 =	simm.s32 $0x7A1400;
	[tilespmem:$0x1FE50] =	vst v4  }
0x104: {  	s15 =	simm.s32 $0x7000;
	s16 =	simm.s32 $0x1;
	s17 =	simm.s32 $0xE000;
	v1 =	vsel vm0, v10, v8;
	[tilespmem:$0x1FC50] =	vst v0;
	v0 =	vimm.s32 $0x6241201F  }
0x105: {  	s18 =	simm.s32 $0x2;
	s19 =	simm.s32 $0x15000;
	s5 =	sshll.u32 s2, $0x1;
	[tilespmem:$0x1FC80] =	vst v1;
	v0 =	vunpack.c.0.s8.s32 v0  }
0x106: {  	s20 =	simm.s32 $0x3;
	s21 =	simm.s32 $0x4;
	s5 =	sor.u32 s6, s5;
	[tilespmem:$0x1FE10] =	vst v41  }
0x107: {  	s22 =	simm.s32 $0x0;
	s8 =	ssub.s32 $0x2, s6;
	s7 =	smul.u32 $0x1C00, s5;
	[tilespmem:$0x1FC60] =	vst v0;
	v0 =	vsel vm0, v37, v7  }
.Ltmp0:
0x108: {  	s6 =	sadd.s32 $0xA00, s11;
	s11 =	sadd.s32 $0x3D1200, s11;
	v37 =	vcombine.low v9, v6;
	v3 =	vcombine.low v1, v0;
	v1 =	vsel vm0, v11, v19;
	[tilespmem:$0x1FE20] =	vst v0;
	(pc) =	sbr.rel .LBB2_1-.Ltmp0, $4  }
0x109: {  	s9 =	smul.u32 $0x380, s5;
	s10 =	sshrl.u32 s8, $0x1;
	p0 =	sne.s32 s5, $0x0;
	[tilespmem:$0x1FCE0] =	vst v1  }
0x10a: {  	s13 =	ssub.s32 s8, s10;
	s10 =	sor.u32 $0x60, s5;
	s7 =	sshrl.u32 s7, $0x3;
	v39 =	vcombine.low v55, v1;
	[tilespmem:$0x1FE30] =	vst v37  }
0x10b: {  	s12 =	sadd.s32 s0, s7;
	s7 =	sadd.s32 s0, s9;
	s9 =	sor.u32 $0x40, s5;
	[tilespmem:$0x1FE40] =	vst v3  }
0x10c: {  	v40 =	vlaneseq.u32;
	s8 =	sadd.s32 $0x7000, s12;
	s12 =	smax.u32 s13, $0x1;
	s13 =	simm.s32 $0x1C00;
	[tilespmem:$0x1FE70] =	vst v39  }
.LBB2_10:
0x10d: {  	_ =	swait.ge [sflag:s20], $0x7000  }
0x10e: {  	[sflag:s20] =	ssyncset.done $0x0  }
0x10f: {  	[sflag:s20] =	ssyncadd.s32 $0xFFFF9000  }
0x110: {  	_ =	swait.ge [sflag:s21], $0x7000  }
0x111: {  	s23 =	simm.s32 @!p0 $0x0;
	[sflag:s21] =	ssyncset.done $0x0  }
0x112: {  	s24 =	simm.s32 @!p0 $0xE000;
	s25 =	simm.s32 @!p0 $0x5;
	[sflag:s21] =	ssyncadd.s32 $0xFFFF9000  }
0x113: {  	[tilespmem:s24], [sflag:$0x5] =	stream.linear.gather @!p0 [hbm4b:s1+s23], $0x800, $0x38;
	[tilespmem:$0x1C000] =	vst v63  }
0x114: {  	s22 =	sadd.s32 $0x1, s22;
	_ =	swait.ge @!p0 [sflag:s25], $0x800  }
0x115: {  	p1 =	sne.s32 s22, s12;
	[sflag:s25] =	ssyncset.done @!p0 $0x0  }
.Ltmp1:
0x116: {  	[sflag:s25] =	ssyncadd.s32 @!p0 $0xFFFFF800;
	(pc) =	sbr.rel @!p1 .LBB2_11-.Ltmp1, $4  }
0x117: {  	[hbm4b:s11+s23] =	stream.linear.scatter @!p0 [tilespmem:s24], [sflag:$0x5], $0x800, $0x38;
	[tilespmem:$0x1C000] =	vst v63  }
0x118: {  	_ =	swait.ge @!p0 [sflag:s25], $0x800  }
0x119: {  	[sflag:s25] =	ssyncset.done @!p0 $0x0  }
0x11a: {  	[sflag:s25] =	ssyncadd.s32 @!p0 $0xFFFFF800  }
.LBB2_1:
.Ltmp2:
0x11b: {  	(pc) =	sbr.rel .LBB2_2-.Ltmp2, $4  }
0x11c: {  	_ = 	snop  }
0x11d: {  	[tilespmem:s4], [sflag:$0x1] =	stream.strided.gather [hbm4b:s7+s13], $0x7000, s14, s13, $0x38;
	[tilespmem:$0x1C000] =	vst v63  }
0x11e: {  	s23 =	simm.s32 $0x0  }
0x11f: {  	[tilespmem:s15], [sflag:$0x2] =	stream.strided.gather [hbm4b:s8+s13], $0x7000, s14, s13, $0x38;
	[tilespmem:$0x1C000] =	vst v63  }
.LBB2_9:
0x120: {  	s23 =	sadd.s32 $0x1, s23  }
0x121: {  	p1 =	sne.s32 s23, $0x12  }
.Ltmp3:
0x122: {  	_ = 	snop;
	(pc) =	sbr.rel @!p1 .LBB2_10-.Ltmp3, $1  }
0x123: {  	_ =	sdelay $0x3  }
.LBB2_2:
0x124: {  	s25 =	sshll.u32 s23, $0x6  }
0x125: {  	s26 =	sor.u32 s5, s25  }
0x126: {  	p1 =	sgt.u32 s26, $0x45B  }
.Ltmp4:
0x127: {  	_ = 	snop;
	(pc) =	sbr.rel @p1 .LBB2_9-.Ltmp4, $1  }
0x128: {  	_ =	sdelay $0x3  }
0x129: {  	_ =	swait.ge [sflag:s16], $0x7000  }
0x12a: {  	s24 =	simm.s32 $0x0;
	p1 =	seq.s32 s23, $0x0;
	[sflag:s16] =	ssyncset.done $0x0  }
0x12b: {  	v0 =	vmov s24;
	v1 =	vor.u32 s24, v40;
	s24 =	simm.s32 @!p1 $0x3;
	[sflag:s16] =	ssyncadd.s32 $0xFFFF9000  }
0x12c: {  	v47 =	vld [tilespmem:$0x1FB80];
	_ =	swait.ge @!p1 [sflag:s24], $0x7000  }
0x12d: {  	v13 =	vld [tilespmem:$0x1FB90]  }
0x12e: {  	v34 =	vld [tilespmem:$0x1FCA0]  }
0x12f: {  	v0 =	vshll.u32 v0, $0x3;
	v23 =	vld [tilespmem:$0x1FC50]  }
0x130: {  	v46 =	vand.u32 $0x7F, v1;
	v0 =	vand.u32 $0x1C00, v0;
	v45 =	vld [tilespmem:$0x1FB60]  }
0x131: {  	v37 =	vor.u32 v46, v0;
	v31 =	vld [tilespmem:$0x1FC60]  }
0x132: {  	v4 =	vadd.s32 v32, v37;
	v32 =	vld [tilespmem:$0x1FB70]  }
0x133: {  	v7 =	vadd.s32 v38, v37;
	v38 =	vld [tilespmem:$0x1FB50]  }
0x134: {  	v6 =	vadd.s32 v53, v37;
	v53 =	vld [tilespmem:$0x1FD10]  }
0x135: {  	v0 =	vadd.s32 v25, v37;
	v14 =	vadd.s32 v29, v37;
	v29 =	vld [tilespmem:$0x1FBF0]  }
0x136: {  	v3 =	vadd.s32 v51, v37;
	v5 =	vadd.s32 v59, v37;
	v59 =	vadd.s32 v58, v37;
	v58 =	vld [tilespmem:$0x1FC20]  }
0x137: {  	v62 =	vadd.s32 v61, v37;
	v46 =	vmov v24;
	v61 =	vld [tilespmem:$0x1FBC0]  }
0x138: {  	[sflag:s24] =	ssyncset.done @!p1 $0x0;
	v30 =	vadd.s32 v46, v37;
	v46 =	vld [tilespmem:$0x1FC10]  }
0x139: {  	[sflag:s24] =	ssyncadd.s32 @!p1 $0xFFFF9000;
	v12 =	vsel vm0, v34, v23;
	v34 =	vadd.s32 v60, v37;
	v60 =	vld [tilespmem:$0x1FCF0]  }
0x13a: {  	v0 =	vld.idx.msk [tilespmem:v0+s4+$0x0], $0xffff  }
0x13b: {  	v40 =	vld.idx.msk [tilespmem:v3+s4+$0x0], $0xffff  }
0x13c: {  	v9 =	vadd.s32 v57, v37;
	v4 =	vld.idx.msk [tilespmem:v4+s4+$0x0], $0xffff  }
0x13d: {  	v17 =	vld.idx.msk [tilespmem:v5+s4+$0x0], $0xffff  }
0x13e: {  	v28 =	vmov v27;
	v27 =	vmov v36;
	v36 =	vld.idx.msk [tilespmem:v6+s4+$0x0], $0xffff  }
0x13f: {  	v55 =	vmov v2;
	v2 =	vadd.s32 v47, v37;
	v47 =	vld.idx.msk [tilespmem:v7+s4+$0x0], $0xffff  }
0x140: {  	v21 =	vld.idx.msk [tilespmem:v59+s4+$0x0], $0xffff  }
0x141: {  	v3 =	vadd.s32 v32, v37;
	v32 =	vld.idx.msk [tilespmem:v9+s4+$0x0], $0xffff  }
0x142: {  	v7 =	vadd.s32 v63, v37;
	v59 =	vld [tilespmem:$0x1FBE0]  }
0x143: {  	v24 =	vadd.s32 v22, v37;
	v22 =	vld.idx.msk [tilespmem:v14+s4+$0x0], $0xffff  }
0x144: {  	v39 =	vadd.s32 v13, v37;
	[tilespmem:$0x1F9C0] =	vst v47;
	v47 =	vld [tilespmem:$0x1FC30]  }
0x145: {  	v13 =	vadd.s32 v18, v37;
	v18 =	vadd.s32 v54, v37;
	[tilespmem:$0x1FA80] =	vst v12;
	v11 =	vld.idx.msk [tilespmem:v2+s4+$0x0], $0xffff  }
0x146: {  	v15 =	vsel vm0, v41, v46;
	[tilespmem:$0x1F990] =	vst v0;
	v0 =	vadd.s32 v45, v37;
	v19 =	vld.idx.msk [tilespmem:v3+s4+$0x0], $0xffff  }
0x147: {  	v1 =	vshll.u32 v1, $0x5;
	[tilespmem:$0x1FA00] =	vst v15;
	v3 =	vadd.s32 v16, v37;
	v16 =	vsel vm0, v23, v58;
	v23 =	vld.idx.msk [tilespmem:v7+s4+$0x0], $0xffff  }
0x148: {  	v9 =	vsel vm0, v29, v35;
	v41 =	vadd.s32 v33, v37;
	[tilespmem:$0x1F9A0] =	vst v4;
	v7 =	vld [tilespmem:$0x1FD00];
	v4 =	vcombine.low v16, v60  }
0x149: {  	[tilespmem:$0x1F9B0] =	vst v36;
	v36 =	vand.u32 $0x7F80, v1;
	v1 =	vadd.s32 v38, v37;
	v60 =	vld [tilespmem:$0x1FCE0];
	v6 =	vsel vm0, v31, v47  }
0x14a: {  	v14 =	vsel vm0, v59, v61;
	[tilespmem:$0x1F9D0] =	vst v4;
	v54 =	vcombine.low v6, v53;
	v5 =	vcombine.low v9, v6;
	v6 =	vld [tilespmem:$0x1FC80]  }
0x14b: {  	v45 =	vld.idx.msk [tilespmem:v0+s4+$0x0], $0xffff;
	v0 =	vsel vm0, v58, v59;
	v33 =	vsel vm0, v47, v29;
	v58 =	vcombine.low v14, v16  }
0x14c: {  	v47 =	vld [tilespmem:$0x1FC90];
	[tilespmem:$0x1FA30] =	vst v33  }
0x14d: {  	v38 =	vld [tilespmem:$0x1FCC0];
	[tilespmem:$0x1FA60] =	vst v58  }
0x14e: {  	[tilespmem:$0x1F9E0] =	vst v54;
	v35 =	vor.u32 v54, v36;
	v54 =	vld.idx.msk [tilespmem:v1+s4+$0x0], $0xffff;
	v1 =	vcombine.low v60, v14  }
0x14f: {  	v4 =	vld [tilespmem:$0x1FC00];
	[tilespmem:$0x1F9F0] =	vst v5;
	v2 =	vcombine.low v15, v6  }
0x150: {  	[tilespmem:$0x1FA70] =	vst v1;
	v6 =	vld [tilespmem:$0x1FC40]  }
0x151: {  	[tilespmem:$0x1FA10] =	vst v2;
	v2 =	vcombine.low v7, v9;
	v7 =	vsel vm0, v61, v47  }
0x152: {  	v59 =	vld [tilespmem:$0x1FC70];
	[tilespmem:$0x1FAA0] =	vst v7  }
0x153: {  	v61 =	vld [tilespmem:$0x1FBD0];
	v47 =	vcombine.low v0, v12;
	[tilespmem:$0x1FA20] =	vst v2;
	v2 =	vsel vm0, v38, v31  }
0x154: {  	v8 =	vadd.s32 v50, v37;
	[tilespmem:$0x1FA40] =	vst v2;
	v2 =	vld [tilespmem:$0x1FBB0]  }
0x155: {  	v10 =	vadd.s32 v28, v37;
	v58 =	vld [tilespmem:$0x1FCD0];
	v0 =	vcombine.low v7, v0;
	[tilespmem:$0x1FA90] =	vst v47;
	v53 =	vsel vm0, v6, v4  }
0x156: {  	[tilespmem:$0x1FA50] =	vst v53;
	v53 =	vld [tilespmem:$0x1FCB0]  }
0x157: {  	v25 =	vld.idx.msk [tilespmem:v62+s4+$0x0], $0xffff;
	v4 =	vsel vm0, v4, v55;
	[tilespmem:$0x1FAB0] =	vst v0  }
0x158: {  	[tilespmem:$0x1FAE0] =	vst v4;
	v33 =	vsel vm0, v46, v61;
	v46 =	vadd.s32 v43, v37;
	v43 =	vld [tilespmem:$0x1FBA0]  }
0x159: {  	v28 =	vadd.s32 v26, v37;
	v26 =	vld.idx.msk [tilespmem:v8+s4+$0x0], $0xffff;
	[tilespmem:$0x1FB10] =	vst v33;
	v60 =	vsel vm0, v61, v2  }
0x15a: {  	v8 =	vadd.s32 v48, v37;
	v10 =	vld.idx.msk [tilespmem:v10+s4+$0x0], $0xffff;
	v9 =	vsel vm0, v2, v59;
	[tilespmem:$0x1FB00] =	vst v60  }
0x15b: {  	v24 =	vld.idx.msk [tilespmem:v24+s4+$0x0], $0xffff;
	v59 =	vcombine.low v42, v4;
	v0 =	vsel vm0, v53, v58;
	[tilespmem:$0x1FB20] =	vst v9  }
0x15c: {  	v62 =	vld.idx.msk [tilespmem:v39+s4+$0x0], $0xffff;
	[tilespmem:$0x1FAD0] =	vst v0  }
0x15d: {  	v16 =	vld.idx.msk [tilespmem:v3+s4+$0x0], $0xffff;
	v61 =	vcombine.low v9, v33;
	v6 =	vsel vm0, v43, v6;
	[tilespmem:$0x1FAF0] =	vst v59  }
0x15e: {  	v29 =	vld.idx.msk [tilespmem:v13+s4+$0x0], $0xffff;
	[tilespmem:$0x1FAC0] =	vst v6;
	v6 =	vcombine.low v6, v49  }
0x15f: {  	v27 =	vadd.s32 v27, v37;
	v56 =	vadd.s32 v56, v37;
	v38 =	vld.idx.msk [tilespmem:v8+s4+$0x0], $0xffff;
	[tilespmem:$0x1FB30] =	vst v61  }
0x160: {  	s28 =	sadd.s32 s9, s25;
	s29 =	simm.s32 $0x10;
	s24 =	sor.u32 $0x20, s26;
	v39 =	vadd.s32 v44, v37;
	v55 =	vld.idx.msk [tilespmem:v34+s4+$0x0], $0xffff;
	[tilespmem:$0x1FB40] =	vst v6;
	v14 =	vor.u32 v6, v36  }
.LBB2_4:
0x161: {  	v0 =	vld [tilespmem:$0x1FD90]  }
0x162: {  	v1 =	vld [tilespmem:$0x1FDA0];
	_ =	sdelay $0x4  }
0x163: {  	v8 =	vsel vm0, v0, v1;
	v0 =	vld [tilespmem:$0x1FAC0]  }
0x164: {  	v1 =	vld [tilespmem:$0x1FAE0];
	_ =	sdelay $0x4  }
0x165: {  	v58 =	vcombine.low v1, v0;
	v0 =	vld [tilespmem:$0x1FD70]  }
0x166: {  	v1 =	vld [tilespmem:$0x1FE10];
	_ =	sdelay $0x3  }
0x167: {  	v2 =	vld [tilespmem:$0x1FDC0]  }
0x168: {  	v13 =	vsel vm0, v0, v1;
	v0 =	vld [tilespmem:$0x1FE00];
	_ =	sdelay $0x4  }
0x169: {  	v42 =	vsel vm0, v0, v2;
	v0 =	vld [tilespmem:$0x1FE30];
	_ =	sdelay $0x3  }
0x16a: {  	v2 =	vld [tilespmem:$0x1FDF0]  }
0x16b: {  	v1 =	vadd.s32 v52, v37;
	v37 =	vor.u32 v0, v36;
	v0 =	vld [tilespmem:$0x1FDB0];
	_ =	sdelay $0x3  }
0x16c: {  	v33 =	vld [tilespmem:$0x1FB00]  }
0x16d: {  	v15 =	vsel vm0, v2, v0;
	v0 =	vld [tilespmem:$0x1FA00];
	_ =	sdelay $0x4  }
0x16e: {  	v59 =	vcombine.low v33, v0;
	v0 =	vld [tilespmem:$0x1FE40];
	_ =	sdelay $0x3  }
0x16f: {  	v2 =	vld [tilespmem:$0x1FD80]  }
0x170: {  	v60 =	vor.u32 v0, v36;
	v0 =	vld [tilespmem:$0x1FD60];
	_ =	sdelay $0x1  }
0x171: {  	v4 =	vld [tilespmem:$0x1FA40]  }
0x172: {  	v3 =	vld [tilespmem:$0x1FA30];
	_ =	sdelay $0x1  }
0x173: {  	v20 =	vsel vm0, v0, v2;
	v2 =	vld [tilespmem:$0x1FE70]  }
0x174: {  	v6 =	vld.idx.msk [tilespmem:v39+s4+$0x0], $0xffff  }
0x175: {  	v39 =	vld.idx.msk [tilespmem:v30+s4+$0x0], $0xffff  }
0x176: {  	v30 =	vcombine.low v3, v4;
	v61 =	vcombine.low v15, v3;
	v3 =	vld [tilespmem:$0x1FDD0]  }
0x177: {  	v0 =	vld.idx.msk [tilespmem:v28+s4+$0x0], $0xffff  }
0x178: {  	v28 =	vor.u32 v2, v36;
	v2 =	vld [tilespmem:$0x1FDE0];
	_ =	sdelay $0x4  }
0x179: {  	v53 =	vcombine.low v2, v3;
	v2 =	vld [tilespmem:$0x1FE50];
	_ =	sdelay $0x2  }
0x17a: {  	v9 =	vld.idx.msk [tilespmem:v1+s4+$0x0], $0xffff  }
0x17b: {  	v1 =	vld [tilespmem:$0x1FE20]  }
0x17c: {  	v31 =	vor.u32 v2, v36;
	v2 =	vld [tilespmem:$0x1FB20]  }
0x17d: {  	v27 =	vld.idx.msk [tilespmem:v27+s4+$0x0], $0xffff  }
0x17e: {  	v7 =	vld.idx.msk [tilespmem:v41+s4+$0x0], $0xffff  }
0x17f: {  	v49 =	vld [tilespmem:$0x1FAD0]  }
0x180: {  	v34 =	vcombine.low v1, v33;
	v1 =	vld [tilespmem:$0x1FB10]  }
0x181: {  	v47 =	vcombine.low v20, v2;
	v2 =	vld [tilespmem:$0x1FA80]  }
0x182: {  	v41 =	vld.idx.msk [tilespmem:v46+s4+$0x0], $0xffff  }
0x183: {  	v46 =	vld.idx.msk [tilespmem:v56+s4+$0x0], $0xffff  }
0x184: {  	v5 =	vld [tilespmem:$0x1FA50]  }
0x185: {  	v18 =	vld.idx.msk [tilespmem:v18+s4+$0x0], $0xffff;
	v33 =	vcombine.low v1, v13  }
0x186: {  	v1 =	vcombine.low v49, v15;
	v43 =	vcombine.low v2, v8;
	v2 =	vld [tilespmem:$0x1FAA0]  }
0x187: {  	v3 =	vld [tilespmem:$0x1FD50]  }
0x188: {  	[tilespmem:v37+s17+$0x0] =	vst.idx.msk $0xffff, v54;
	v54 =	vor.u32 v1, v36;
	v1 =	vld [tilespmem:$0x1FD40];
	_ =	sdelay $0x2  }
0x189: {  	v4 =	vcombine.low v4, v49;
	v49 =	vld [tilespmem:$0x1F9D0];
	v56 =	vor.u32 v53, v36;
	v2 =	vcombine.low v8, v2  }
0x18a: {  	v37 =	vcombine.low v42, v5;
	v3 =	vcombine.low v5, v3;
	v5 =	vld [tilespmem:$0x1FA70];
	v12 =	vor.u32 v47, v36  }
0x18b: {  	[tilespmem:v60+s17+$0x0] =	vst.idx.msk $0xffff, v45;
	v1 =	vcombine.low v1, v42;
	v2 =	vor.u32 v2, v36  }
0x18c: {  	[tilespmem:v28+s17+$0x0] =	vst.idx.msk $0xffff, v32  }
0x18d: {  	v28 =	vor.u32 v1, v36;
	[tilespmem:v31+s17+$0x0] =	vst.idx.msk $0xffff, v55;
	v31 =	vld [tilespmem:$0x1FA20]  }
0x18e: {  	v34 =	vor.u32 v34, v36;
	[tilespmem:v56+s17+$0x0] =	vst.idx.msk $0xffff, v25;
	v25 =	vld [tilespmem:$0x1FAF0]  }
0x18f: {  	v32 =	vor.u32 v5, v36;
	v55 =	vor.u32 v49, v36;
	v49 =	vld [tilespmem:$0x1FB30];
	[tilespmem:v12+s17+$0x0] =	vst.idx.msk $0xffff, v26  }
0x190: {  	[tilespmem:v2+s17+$0x0] =	vst.idx.msk $0xffff, v21;
	v2 =	vld [tilespmem:$0x1FAB0]  }
0x191: {  	[tilespmem:v54+s17+$0x0] =	vst.idx.msk $0xffff, v17  }
0x192: {  	v31 =	vor.u32 v31, v36;
	[tilespmem:v28+s17+$0x0] =	vst.idx.msk $0xffff, v40  }
0x193: {  	v25 =	vor.u32 v25, v36;
	v40 =	vld [tilespmem:$0x1F9F0];
	[tilespmem:v34+s17+$0x0] =	vst.idx.msk $0xffff, v19  }
0x194: {  	v12 =	vor.u32 v49, v36;
	[tilespmem:v32+s17+$0x0] =	vst.idx.msk $0xffff, v29;
	v29 =	vld [tilespmem:$0x1FA60]  }
0x195: {  	v2 =	vor.u32 v2, v36  }
0x196: {  	v17 =	vor.u32 v61, v36  }
0x197: {  	v28 =	vor.u32 v37, v36;
	[tilespmem:v31+s17+$0x0] =	vst.idx.msk $0xffff, v22  }
0x198: {  	v19 =	vor.u32 v59, v36;
	[tilespmem:v25+s17+$0x0] =	vst.idx.msk $0xffff, v23;
	v34 =	vor.u32 v40, v36;
	v40 =	vld [tilespmem:$0x1F990]  }
0x199: {  	[tilespmem:v12+s17+$0x0] =	vst.idx.msk $0xffff, v11;
	v29 =	vor.u32 v29, v36  }
0x19a: {  	[tilespmem:v2+s17+$0x0] =	vst.idx.msk $0xffff, v18  }
0x19b: {  	v23 =	vor.u32 v58, v36;
	[tilespmem:v17+s17+$0x0] =	vst.idx.msk $0xffff, v27  }
0x19c: {  	v33 =	vor.u32 v33, v36;
	[tilespmem:v28+s17+$0x0] =	vst.idx.msk $0xffff, v6  }
0x19d: {  	[tilespmem:v19+s17+$0x0] =	vst.idx.msk $0xffff, v40  }
0x19e: {  	[tilespmem:v29+s17+$0x0] =	vst.idx.msk $0xffff, v24  }
0x19f: {  	[tilespmem:v34+s17+$0x0] =	vst.idx.msk $0xffff, v16  }
0x1a0: {  	[tilespmem:v23+s17+$0x0] =	vst.idx.msk $0xffff, v38  }
0x1a1: {  	s30 =	smov.u32 s29;
	[tilespmem:v33+s17+$0x0] =	vst.idx.msk $0xffff, v0;
	v0 =	vld [tilespmem:$0x1FF00]  }
0x1a2: {  	v49 =	vlaneseq.u32;
	v21 =	vor.u32 v30, v36;
	v30 =	vmov s30  }
0x1a3: {  	v54 =	vor.u32 s30, v49;
	v30 =	vshll.u32 v30, $0x3  }
0x1a4: {  	v30 =	vand.u32 $0x1C00, v30;
	v59 =	vand.u32 $0x7F, v54  }
0x1a5: {  	v26 =	vld [tilespmem:$0x1FA90];
	v37 =	vor.u32 v59, v30  }
0x1a6: {  	v33 =	vadd.s32 v0, v37;
	v0 =	vld [tilespmem:$0x1FEB0];
	_ =	sdelay $0x4  }
0x1a7: {  	v26 =	vor.u32 v26, v36;
	v17 =	vadd.s32 v0, v37;
	v0 =	vld [tilespmem:$0x1FE60];
	_ =	sdelay $0x2  }
0x1a8: {  	v5 =	vld [tilespmem:$0x1FA10];
	_ =	sdelay $0x1  }
0x1a9: {  	[tilespmem:v26+s17+$0x0] =	vst.idx.msk $0xffff, v39;
	v26 =	vadd.s32 v0, v37;
	v0 =	vld [tilespmem:$0x1FF70];
	_ =	sdelay $0x1  }
0x1aa: {  	v3 =	vor.u32 v3, v36  }
0x1ab: {  	v56 =	vor.u32 v5, v36;
	v6 =	vld [tilespmem:$0x1FEF0];
	_ =	sdelay $0x1  }
0x1ac: {  	[tilespmem:v21+s17+$0x0] =	vst.idx.msk $0xffff, v7;
	v21 =	vadd.s32 v0, v37;
	v0 =	vld [tilespmem:$0x1F9C0];
	_ =	sdelay $0x1  }
0x1ad: {  	v11 =	vld [tilespmem:$0x1FF90];
	[tilespmem:v3+s17+$0x0] =	vst.idx.msk $0xffff, v10  }
0x1ae: {  	v18 =	vadd.s32 v6, v37;
	v6 =	vld [tilespmem:$0x1FE90];
	[tilespmem:v56+s17+$0x0] =	vst.idx.msk $0xffff, v62  }
0x1af: {  	[tilespmem:v55+s17+$0x0] =	vst.idx.msk $0xffff, v9  }
0x1b0: {  	[tilespmem:v35+s17+$0x0] =	vst.idx.msk $0xffff, v0;
	v0 =	vld [tilespmem:$0x1F9A0];
	_ =	sdelay $0x1  }
0x1b1: {  	v47 =	vcombine.low v13, v20;
	v32 =	vadd.s32 v11, v37;
	v11 =	vld [tilespmem:$0x1FEA0]  }
0x1b2: {  	v27 =	vadd.s32 v6, v37;
	v6 =	vld [tilespmem:$0x1FB70]  }
0x1b3: {  	v45 =	vor.u32 v47, v36  }
0x1b4: {  	v43 =	vor.u32 v43, v36;
	[tilespmem:v14+s17+$0x0] =	vst.idx.msk $0xffff, v0;
	v0 =	vld [tilespmem:$0x1F9B0]  }
0x1b5: {  	v3 =	vor.u32 v4, v36  }
0x1b6: {  	v58 =	vadd.s32 v11, v37;
	v11 =	vld [tilespmem:$0x1FE80]  }
0x1b7: {  	v19 =	vadd.s32 v6, v37;
	v6 =	vld [tilespmem:$0x1FB80]  }
0x1b8: {  	[tilespmem:v45+s17+$0x0] =	vst.idx.msk $0xffff, v46  }
0x1b9: {  	[tilespmem:v43+s17+$0x0] =	vst.idx.msk $0xffff, v0  }
0x1ba: {  	[tilespmem:v3+s17+$0x0] =	vst.idx.msk $0xffff, v41  }
0x1bb: {  	v0 =	vld.idx.msk [tilespmem:v21+s4+$0x0], $0xffff  }
0x1bc: {  	v59 =	vadd.s32 v11, v37;
	v11 =	vadd.s32 v6, v37;
	v6 =	vld [tilespmem:$0x1FEE0];
	_ =	sdelay $0x3  }
0x1bd: {  	[tilespmem:$0x1F990] =	vst v0;
	v0 =	vld.idx.msk [tilespmem:v17+s4+$0x0], $0xffff  }
0x1be: {  	v24 =	vadd.s32 v6, v37;
	v6 =	vld [tilespmem:$0x1FED0];
	_ =	sdelay $0x2  }
0x1bf: {  	v25 =	vld [tilespmem:$0x1FB50]  }
0x1c0: {  	[tilespmem:$0x1F9A0] =	vst v0;
	v0 =	vld.idx.msk [tilespmem:v26+s4+$0x0], $0xffff  }
0x1c1: {  	v29 =	vadd.s32 v6, v37;
	v6 =	vld [tilespmem:$0x1FF60]  }
0x1c2: {  	v61 =	vld [tilespmem:$0x1FD30]  }
0x1c3: {  	v2 =	vld [tilespmem:$0x1FF80]  }
0x1c4: {  	v31 =	vadd.s32 v25, v37;
	v25 =	vld [tilespmem:$0x1FB60]  }
0x1c5: {  	[tilespmem:$0x1F9B0] =	vst v0;
	v0 =	vld [tilespmem:$0x1FF50]  }
0x1c6: {  	v28 =	vadd.s32 v6, v37;
	v6 =	vld [tilespmem:$0x1FF20];
	_ =	sdelay $0x1  }
0x1c7: {  	v10 =	vadd.s32 v51, v37  }
0x1c8: {  	v60 =	vld [tilespmem:$0x1FD20];
	v2 =	vadd.s32 v2, v37  }
0x1c9: {  	v5 =	vshll.u32 v54, $0x5;
	v41 =	vadd.s32 v0, v37;
	v0 =	vld.idx.msk [tilespmem:v33+s4+$0x0], $0xffff  }
0x1ca: {  	v54 =	vadd.s32 v25, v37;
	v25 =	vadd.s32 v61, v37;
	v30 =	vadd.s32 v6, v37;
	v6 =	vld [tilespmem:$0x1FEC0]  }
0x1cb: {  	v11 =	vld.idx.msk [tilespmem:v11+s4+$0x0], $0xffff  }
0x1cc: {  	v40 =	vld.idx.msk [tilespmem:v10+s4+$0x0], $0xffff  }
0x1cd: {  	v21 =	vld.idx.msk [tilespmem:v2+s4+$0x0], $0xffff  }
0x1ce: {  	[tilespmem:$0x1F9C0] =	vst v0;
	v0 =	vld [tilespmem:$0x1F9E0]  }
0x1cf: {  	v25 =	vld.idx.msk [tilespmem:v25+s4+$0x0], $0xffff  }
0x1d0: {  	v12 =	vadd.s32 v60, v37;
	v19 =	vld.idx.msk [tilespmem:v19+s4+$0x0], $0xffff  }
0x1d1: {  	v22 =	vand.u32 $0x7F80, v5;
	v45 =	vld.idx.msk [tilespmem:v54+s4+$0x0], $0xffff  }
0x1d2: {  	v36 =	vmov v22;
	v22 =	vld.idx.msk [tilespmem:v59+s4+$0x0], $0xffff  }
0x1d3: {  	v35 =	vor.u32 v0, v36;
	v0 =	vld [tilespmem:$0x1FF40]  }
0x1d4: {  	v3 =	vadd.s32 v48, v37;
	v54 =	vld.idx.msk [tilespmem:v31+s4+$0x0], $0xffff  }
0x1d5: {  	v55 =	vld.idx.msk [tilespmem:v12+s4+$0x0], $0xffff  }
0x1d6: {  	v34 =	vadd.s32 v57, v37;
	v24 =	vld.idx.msk [tilespmem:v24+s4+$0x0], $0xffff  }
0x1d7: {  	v16 =	vadd.s32 v6, v37;
	v6 =	vld [tilespmem:$0x1FB90]  }
0x1d8: {  	v46 =	vadd.s32 v0, v37;
	v0 =	vld [tilespmem:$0x1FF10]  }
0x1d9: {  	v38 =	vld.idx.msk [tilespmem:v3+s4+$0x0], $0xffff  }
0x1da: {  	v17 =	vld.idx.msk [tilespmem:v32+s4+$0x0], $0xffff  }
0x1db: {  	v9 =	vadd.s32 v50, v37;
	v32 =	vld.idx.msk [tilespmem:v34+s4+$0x0], $0xffff  }
0x1dc: {  	v23 =	vadd.s32 v6, v37;
	v10 =	vld.idx.msk [tilespmem:v16+s4+$0x0], $0xffff  }
0x1dd: {  	p2 =	sne.s32 s29, $0x370;
	v49 =	vadd.s32 v63, v37;
	v56 =	vadd.s32 v0, v37;
	v0 =	vld [tilespmem:$0x1FB40]  }
.Ltmp5:
0x1de: {  	v16 =	vld.idx.msk [tilespmem:v29+s4+$0x0], $0xffff;
	(pc) =	sbr.rel @p2 .LBB2_4-.Ltmp5, $4  }
0x1df: {  	v29 =	vld.idx.msk [tilespmem:v58+s4+$0x0], $0xffff  }
0x1e0: {  	v26 =	vld.idx.msk [tilespmem:v9+s4+$0x0], $0xffff  }
0x1e1: {  	v62 =	vld.idx.msk [tilespmem:v23+s4+$0x0], $0xffff  }
0x1e2: {  	s29 =	sadd.s32 $0x10, s29;
	v39 =	vadd.s32 v44, v37;
	v23 =	vld.idx.msk [tilespmem:v49+s4+$0x0], $0xffff;
	v14 =	vor.u32 v0, v36  }
0x1e3: {  	_ =	sdelay $0x3  }
0x1e4: {  	v9 =	vld.idx.msk [tilespmem:v39+s4+$0x0], $0xffff  }
0x1e5: {  	v33 =	vld.idx.msk [tilespmem:v30+s4+$0x0], $0xffff  }
0x1e6: {  	v27 =	vld.idx.msk [tilespmem:v27+s4+$0x0], $0xffff  }
0x1e7: {  	v58 =	vld.idx.msk [tilespmem:v41+s4+$0x0], $0xffff  }
0x1e8: {  	v12 =	vld [tilespmem:$0x1FE30]  }
0x1e9: {  	v0 =	vld.idx.msk [tilespmem:v46+s4+$0x0], $0xffff  }
0x1ea: {  	v59 =	vld.idx.msk [tilespmem:v28+s4+$0x0], $0xffff  }
0x1eb: {  	v34 =	vld [tilespmem:$0x1FE40]  }
0x1ec: {  	v43 =	vld [tilespmem:$0x1FE70]  }
0x1ed: {  	v41 =	vld.idx.msk [tilespmem:v56+s4+$0x0], $0xffff  }
0x1ee: {  	[tilespmem:$0x1F980] =	vst v0;
	v0 =	vld [tilespmem:$0x1FB20]  }
0x1ef: {  	v2 =	vadd.s32 v52, v37;
	v49 =	vld [tilespmem:$0x1FAD0];
	v3 =	vor.u32 v12, v36  }
0x1f0: {  	v4 =	vld [tilespmem:$0x1FE50]  }
0x1f1: {  	v5 =	vld [tilespmem:$0x1FAA0]  }
0x1f2: {  	v18 =	vld.idx.msk [tilespmem:v18+s4+$0x0], $0xffff;
	v31 =	vor.u32 v34, v36  }
0x1f3: {  	v37 =	vld [tilespmem:$0x1FB00];
	v46 =	vor.u32 v43, v36;
	v0 =	vcombine.low v20, v0  }
0x1f4: {  	v7 =	vcombine.low v49, v15;
	v20 =	vld.idx.msk [tilespmem:v2+s4+$0x0], $0xffff;
	[tilespmem:v3+s17+$0x0] =	vst.idx.msk $0xffff, v54  }
0x1f5: {  	[tilespmem:$0x1F8D0] =	vst v0;
	v3 =	vor.u32 v0, v36;
	v0 =	vld [tilespmem:$0x1FE20]  }
0x1f6: {  	v43 =	vor.u32 v4, v36;
	[tilespmem:$0x1F8F0] =	vst v7  }
0x1f7: {  	v6 =	vcombine.low v8, v5;
	v2 =	vor.u32 v53, v36;
	[tilespmem:v31+s17+$0x0] =	vst.idx.msk $0xffff, v45  }
0x1f8: {  	[tilespmem:v46+s17+$0x0] =	vst.idx.msk $0xffff, v32;
	v46 =	vor.u32 v7, v36;
	v7 =	vld [tilespmem:$0x1FA70]  }
0x1f9: {  	v31 =	vor.u32 v6, v36  }
0x1fa: {  	[tilespmem:$0x1F8C0] =	vst v53;
	v45 =	vcombine.low v0, v37  }
0x1fb: {  	[tilespmem:v43+s17+$0x0] =	vst.idx.msk $0xffff, v55;
	v43 =	vor.u32 v1, v36  }
0x1fc: {  	v30 =	vld [tilespmem:$0x1FA20];
	[tilespmem:v2+s17+$0x0] =	vst.idx.msk $0xffff, v25;
	v2 =	vor.u32 v45, v36  }
0x1fd: {  	[tilespmem:v3+s17+$0x0] =	vst.idx.msk $0xffff, v26;
	v3 =	vor.u32 v7, v36  }
0x1fe: {  	v39 =	vld [tilespmem:$0x1FAF0];
	[tilespmem:v31+s17+$0x0] =	vst.idx.msk $0xffff, v21  }
0x1ff: {  	[tilespmem:v46+s17+$0x0] =	vst.idx.msk $0xffff, v17  }
0x200: {  	v53 =	vld [tilespmem:$0x1FA50];
	[tilespmem:v43+s17+$0x0] =	vst.idx.msk $0xffff, v40  }
0x201: {  	v21 =	vor.u32 v30, v36;
	[tilespmem:v2+s17+$0x0] =	vst.idx.msk $0xffff, v19  }
0x202: {  	[tilespmem:v3+s17+$0x0] =	vst.idx.msk $0xffff, v29;
	v3 =	vld [tilespmem:$0x1FA00]  }
0x203: {  	v17 =	vor.u32 v39, v36  }
0x204: {  	v26 =	vld [tilespmem:$0x1FA30]  }
0x205: {  	v46 =	vld [tilespmem:$0x1FB30];
	v2 =	vcombine.low v42, v53  }
0x206: {  	[tilespmem:v21+s17+$0x0] =	vst.idx.msk $0xffff, v22  }
0x207: {  	v28 =	vld [tilespmem:$0x1FAB0];
	[tilespmem:$0x1F920] =	vst v2;
	v3 =	vcombine.low v37, v3  }
0x208: {  	v21 =	vor.u32 v2, v36;
	v2 =	vld [tilespmem:$0x1FAC0];
	[tilespmem:v17+s17+$0x0] =	vst.idx.msk $0xffff, v23  }
0x209: {  	[tilespmem:$0x1F930] =	vst v3;
	v17 =	vor.u32 v3, v36;
	v3 =	vld [tilespmem:$0x1FAE0]  }
0x20a: {  	[tilespmem:$0x1F900] =	vst v45;
	v45 =	vcombine.low v15, v26;
	v15 =	vor.u32 v46, v36;
	_ =	sdelay $0x2  }
0x20b: {  	v19 =	vor.u32 v28, v36  }
0x20c: {  	v31 =	vld [tilespmem:$0x1FA60];
	v25 =	vor.u32 v45, v36;
	v2 =	vcombine.low v3, v2  }
0x20d: {  	v23 =	vld [tilespmem:$0x1F9F0];
	[tilespmem:v15+s17+$0x0] =	vst.idx.msk $0xffff, v11  }
0x20e: {  	[tilespmem:$0x1F940] =	vst v2;
	v15 =	vor.u32 v2, v36;
	v2 =	vld [tilespmem:$0x1F990]  }
0x20f: {  	v3 =	vld [tilespmem:$0x1FB10]  }
0x210: {  	[tilespmem:v19+s17+$0x0] =	vst.idx.msk $0xffff, v18  }
0x211: {  	[tilespmem:v25+s17+$0x0] =	vst.idx.msk $0xffff, v27  }
0x212: {  	v54 =	vld [tilespmem:$0x1FA40];
	[tilespmem:v21+s17+$0x0] =	vst.idx.msk $0xffff, v9  }
0x213: {  	v11 =	vor.u32 v31, v36;
	[tilespmem:v17+s17+$0x0] =	vst.idx.msk $0xffff, v2;
	v2 =	vld [tilespmem:$0x1FD50]  }
0x214: {  	v18 =	vld [tilespmem:$0x1FA90];
	v3 =	vcombine.low v3, v13;
	v13 =	vor.u32 v23, v36;
	_ =	sdelay $0x2  }
0x215: {  	v56 =	vld [tilespmem:$0x1FA10];
	v55 =	vcombine.low v26, v54;
	[tilespmem:$0x1F950] =	vst v3  }
0x216: {  	v9 =	vor.u32 v3, v36;
	[tilespmem:v11+s17+$0x0] =	vst.idx.msk $0xffff, v24;
	v3 =	vcombine.low v53, v2  }
0x217: {  	v17 =	vor.u32 v18, v36;
	[tilespmem:v13+s17+$0x0] =	vst.idx.msk $0xffff, v16  }
0x218: {  	v11 =	vor.u32 v55, v36;
	[tilespmem:$0x1F970] =	vst v3;
	v13 =	vor.u32 v3, v36;
	v3 =	vld [tilespmem:$0x1FA80]  }
0x219: {  	v21 =	vld [tilespmem:$0x1F9D0]  }
0x21a: {  	[tilespmem:v15+s17+$0x0] =	vst.idx.msk $0xffff, v38;
	v15 =	vor.u32 v56, v36  }
0x21b: {  	[tilespmem:v9+s17+$0x0] =	vst.idx.msk $0xffff, v59  }
0x21c: {  	[tilespmem:v17+s17+$0x0] =	vst.idx.msk $0xffff, v33  }
0x21d: {  	[tilespmem:v11+s17+$0x0] =	vst.idx.msk $0xffff, v58;
	v3 =	vcombine.low v3, v8  }
0x21e: {  	v9 =	vor.u32 v21, v36;
	[tilespmem:v13+s17+$0x0] =	vst.idx.msk $0xffff, v10  }
0x21f: {  	[tilespmem:v15+s17+$0x0] =	vst.idx.msk $0xffff, v62;
	v15 =	vmov v3;
	v62 =	vor.u32 v3, v36;
	v3 =	vld [tilespmem:$0x1F9C0];
	_ =	sdelay $0x3  }
0x220: {  	v32 =	vld [tilespmem:$0x1FEB0];
	[tilespmem:v9+s17+$0x0] =	vst.idx.msk $0xffff, v20  }
0x221: {  	[tilespmem:v35+s17+$0x0] =	vst.idx.msk $0xffff, v3;
	v3 =	vld [tilespmem:$0x1F9A0]  }
0x222: {  	v43 =	vld [tilespmem:$0x1FF40]  }
0x223: {  	v26 =	vld [tilespmem:$0x1FF60]  }
0x224: {  	v42 =	vld [tilespmem:$0x1FDD0]  }
0x225: {  	v29 =	vld [tilespmem:$0x1FE80];
	v59 =	vor.u32 v47, v36  }
0x226: {  	[tilespmem:v14+s17+$0x0] =	vst.idx.msk $0xffff, v3;
	v3 =	vld [tilespmem:$0x1F9B0]  }
0x227: {  	v22 =	vld [tilespmem:$0x1FEE0]  }
0x228: {  	v25 =	vld [tilespmem:$0x1FF70]  }
0x229: {  	v27 =	vld [tilespmem:$0x1FEC0];
	v11 =	vcombine.low v54, v49  }
0x22a: {  	v18 =	vld [tilespmem:$0x1FEA0];
	[tilespmem:v59+s17+$0x0] =	vst.idx.msk $0xffff, v41  }
0x22b: {  	v8 =	vor.u32 v11, v36;
	[tilespmem:v62+s17+$0x0] =	vst.idx.msk $0xffff, v3;
	v3 =	vld [tilespmem:$0x1F980]  }
0x22c: {  	v24 =	vld [tilespmem:$0x1FF20]  }
0x22d: {  	v16 =	vld [tilespmem:$0x1FED0]  }
0x22e: {  	s26 =	smul.u32 $0xE00, s26;
	v38 =	vld [tilespmem:$0x1FF00]  }
0x22f: {  	p2 =	sgt.u32 s28, $0x45B;
	v56 =	vld [tilespmem:$0x1FF10]  }
0x230: {  	s28 =	smul.u32 @!p2 $0x380, s28;
	s29 =	simm.s32 @!p2 $0x7A1400;
	s26 =	sadd.s32 s6, s26;
	v53 =	vld [tilespmem:$0x1FE60];
	[tilespmem:v8+s17+$0x0] =	vst.idx.msk $0xffff, v3  }
0x231: {  	v2 =	vld [tilespmem:$0x1FE00];
	[hbm4b:s26+s4] =	stream.linear.scatter [tilespmem:s17], [sflag:$0x3], $0x7000, $0x38  }
0x232: {  	s30 =	simm.s32 @!p2 $0x0;
	v33 =	vld [tilespmem:$0x1FF50];
	s26 =	sadd.s32 @!p2 s0, s28;
	s28 =	simm.s32 @!p2 $0x1C00  }
0x233: {  	v58 =	vld [tilespmem:$0x1FF80];
	[tilespmem:s30], [sflag:$0x1] =	stream.strided.gather @!p2 [hbm4b:s26+s28], $0x7000, s29, s28, $0x38  }
0x234: {  	v54 =	vld [tilespmem:$0x1FEF0];
	p2 =	sgt.u32 s24, $0x45B  }
.Ltmp6:
0x235: {  	v49 =	vld [tilespmem:$0x1FDE0];
	(pc) =	sbr.rel @p2 .LBB2_9-.Ltmp6, $4  }
0x236: {  	v36 =	vld [tilespmem:$0x1FE90]  }
0x237: {  	[tilespmem:$0x1F8E0] =	vst v6;
	v35 =	vld [tilespmem:$0x1FDF0]  }
0x238: {  	[tilespmem:$0x1F910] =	vst v45;
	v59 =	vld [tilespmem:$0x1FF90]  }
0x239: {  	v40 =	vlaneseq.u32;
	[tilespmem:$0x1F960] =	vst v55;
	v41 =	vld [tilespmem:$0x1FE10]  }
0x23a: {  	[tilespmem:$0x1F8A0] =	vst v11  }
0x23b: {  	_ =	swait.ge [sflag:s18], $0x7000  }
0x23c: {  	s26 =	simm.s32 $0x0;
	[sflag:s18] =	ssyncset.done $0x0  }
0x23d: {  	v4 =	vmov s26;
	v11 =	vor.u32 s26, v40;
	s26 =	simm.s32 @!p1 $0x4;
	[sflag:s18] =	ssyncadd.s32 $0xFFFF9000  }
0x23e: {  	v4 =	vshll.u32 v4, $0x3;
	_ =	swait.ge @!p1 [sflag:s26], $0x7000  }
0x23f: {  	v5 =	vand.u32 $0x7F, v11;
	v4 =	vand.u32 $0x1C00, v4;
	v31 =	vld [tilespmem:$0x1FB50]  }
0x240: {  	v23 =	vor.u32 v5, v4;
	v0 =	vld [tilespmem:$0x1FB60]  }
0x241: {  	v4 =	vadd.s32 v48, v23;
	v17 =	vadd.s32 v29, v23;
	v29 =	vadd.s32 v27, v23;
	v27 =	vld [tilespmem:$0x1FB90]  }
0x242: {  	v2 =	vmov v36;
	v6 =	vadd.s32 v51, v23;
	v49 =	vld [tilespmem:$0x1F8C0]  }
0x243: {  	v7 =	vadd.s32 v59, v23;
	v30 =	vadd.s32 v2, v23;
	v2 =	vld [tilespmem:$0x1F8D0]  }
0x244: {  	[sflag:s26] =	ssyncset.done @!p1 $0x0;
	v8 =	vadd.s32 v25, v23;
	v62 =	vld [tilespmem:$0x1F8E0]  }
0x245: {  	v9 =	vadd.s32 v58, v23;
	v25 =	vadd.s32 v63, v23;
	v63 =	vld [tilespmem:$0x1F900];
	[sflag:s26] =	ssyncadd.s32 @!p1 $0xFFFF9000  }
0x246: {  	v10 =	vadd.s32 v50, v23;
	v5 =	vld.idx.msk [tilespmem:v4+s15+$0x0], $0xffff  }
0x247: {  	v37 =	vmov v12;
	v12 =	vld.idx.msk [tilespmem:v6+s15+$0x0], $0xffff  }
0x248: {  	v4 =	vadd.s32 v16, v23;
	v13 =	vld.idx.msk [tilespmem:v7+s15+$0x0], $0xffff  }
0x249: {  	v6 =	vadd.s32 v61, v23;
	v7 =	vld.idx.msk [tilespmem:v8+s15+$0x0], $0xffff  }
0x24a: {  	[tilespmem:$0x1F8B0] =	vst v15;
	v15 =	vadd.s32 v24, v23;
	v14 =	vld.idx.msk [tilespmem:v9+s15+$0x0], $0xffff  }
0x24b: {  	v9 =	vadd.s32 v18, v23;
	v18 =	vld.idx.msk [tilespmem:v10+s15+$0x0], $0xffff  }
0x24c: {  	v17 =	vld.idx.msk [tilespmem:v17+s15+$0x0], $0xffff  }
0x24d: {  	v16 =	vadd.s32 v31, v23;
	v8 =	vld.idx.msk [tilespmem:v4+s15+$0x0], $0xffff  }
0x24e: {  	v10 =	vadd.s32 v22, v23;
	v22 =	vld.idx.msk [tilespmem:v6+s15+$0x0], $0xffff  }
0x24f: {  	v19 =	vadd.s32 v57, v23;
	v6 =	vld.idx.msk [tilespmem:v15+s15+$0x0], $0xffff  }
0x250: {  	v21 =	vadd.s32 v60, v23;
	v15 =	vld.idx.msk [tilespmem:v9+s15+$0x0], $0xffff  }
0x251: {  	v9 =	vld [tilespmem:$0x1FB70]  }
0x252: {  	v4 =	vadd.s32 v26, v23;
	v36 =	vld.idx.msk [tilespmem:v16+s15+$0x0], $0xffff  }
0x253: {  	v16 =	vadd.s32 v0, v23;
	v0 =	vld [tilespmem:$0x1FB80]  }
0x254: {  	v41 =	vld.idx.msk [tilespmem:v19+s15+$0x0], $0xffff  }
0x255: {  	v45 =	vld.idx.msk [tilespmem:v21+s15+$0x0], $0xffff  }
0x256: {  	v35 =	vadd.s32 v27, v23;
	v27 =	vld.idx.msk [tilespmem:v25+s15+$0x0], $0xffff;
	v20 =	vadd.s32 v9, v23  }
0x257: {  	v9 =	vld.idx.msk [tilespmem:v4+s15+$0x0], $0xffff;
	v4 =	vadd.s32 v54, v23  }
0x258: {  	v10 =	vld.idx.msk [tilespmem:v10+s15+$0x0], $0xffff;
	v24 =	vadd.s32 v0, v23  }
0x259: {  	v19 =	vadd.s32 v33, v23;
	v46 =	vld.idx.msk [tilespmem:v16+s15+$0x0], $0xffff  }
0x25a: {  	v3 =	vmov v34;
	v28 =	vadd.s32 v44, v23;
	v34 =	vmov v0;
	v0 =	vld [tilespmem:$0x1F8F0]  }
0x25b: {  	v26 =	vld.idx.msk [tilespmem:v20+s15+$0x0], $0xffff  }
0x25c: {  	v16 =	vld.idx.msk [tilespmem:v4+s15+$0x0], $0xffff  }
0x25d: {  	v21 =	vadd.s32 v43, v23;
	v20 =	vld.idx.msk [tilespmem:v24+s15+$0x0], $0xffff  }
0x25e: {  	v4 =	vshll.u32 v11, $0x5;
	v11 =	vld.idx.msk [tilespmem:v19+s15+$0x0], $0xffff;
	v24 =	vadd.s32 v53, v23  }
0x25f: {  	v38 =	vadd.s32 v38, v23;
	v39 =	vadd.s32 v32, v23;
	v19 =	vld.idx.msk [tilespmem:v28+s15+$0x0], $0xffff  }
0x260: {  	s25 =	sadd.s32 s10, s25;
	v51 =	vadd.s32 v56, v23;
	v50 =	vadd.s32 v52, v23;
	s26 =	simm.s32 $0x10;
	v23 =	vld.idx.msk [tilespmem:v30+s15+$0x0], $0xffff;
	v4 =	vand.u32 $0x7F80, v4  }
.LBB2_7:
0x261: {  	_ = 	snop  }
0x262: {  	v21 =	vld.idx.msk [tilespmem:v21+s15+$0x0], $0xffff  }
0x263: {  	v24 =	vld.idx.msk [tilespmem:v24+s15+$0x0], $0xffff  }
0x264: {  	v32 =	vld [tilespmem:$0x1FE70]  }
0x265: {  	v44 =	vld [tilespmem:$0x1FE50]  }
0x266: {  	v25 =	vld.idx.msk [tilespmem:v51+s15+$0x0], $0xffff  }
0x267: {  	v28 =	vld.idx.msk [tilespmem:v39+s15+$0x0], $0xffff;
	v31 =	vor.u32 v37, v4  }
0x268: {  	v30 =	vld.idx.msk [tilespmem:v38+s15+$0x0], $0xffff;
	v57 =	vor.u32 v3, v4  }
0x269: {  	v51 =	vld.idx.msk [tilespmem:v35+s15+$0x0], $0xffff;
	v39 =	vor.u32 v32, v4  }
0x26a: {  	v52 =	vld [tilespmem:$0x1FB40];
	v35 =	vor.u32 v44, v4  }
0x26b: {  	v42 =	vld.idx.msk [tilespmem:v29+s15+$0x0], $0xffff;
	v29 =	vor.u32 v49, v4  }
0x26c: {  	v50 =	vld.idx.msk [tilespmem:v50+s15+$0x0], $0xffff;
	[tilespmem:v31+s19+$0x0] =	vst.idx.msk $0xffff, v36;
	v31 =	vor.u32 v2, v4  }
0x26d: {  	v38 =	vor.u32 v62, v4;
	[tilespmem:v57+s19+$0x0] =	vst.idx.msk $0xffff, v46  }
0x26e: {  	[tilespmem:v39+s19+$0x0] =	vst.idx.msk $0xffff, v41;
	v39 =	vor.u32 v0, v4  }
0x26f: {  	v36 =	vor.u32 v52, v4;
	v52 =	vor.u32 v1, v4;
	[tilespmem:v35+s19+$0x0] =	vst.idx.msk $0xffff, v45  }
0x270: {  	v44 =	vld [tilespmem:$0x1F8B0];
	[tilespmem:v29+s19+$0x0] =	vst.idx.msk $0xffff, v22  }
0x271: {  	[tilespmem:v31+s19+$0x0] =	vst.idx.msk $0xffff, v18;
	v18 =	vld [tilespmem:$0x1FA70]  }
0x272: {  	[tilespmem:v38+s19+$0x0] =	vst.idx.msk $0xffff, v14;
	v14 =	vld [tilespmem:$0x1FA20]  }
0x273: {  	[tilespmem:v39+s19+$0x0] =	vst.idx.msk $0xffff, v13;
	v13 =	vld [tilespmem:$0x1FAF0]  }
0x274: {  	[tilespmem:v52+s19+$0x0] =	vst.idx.msk $0xffff, v12;
	v12 =	vld [tilespmem:$0x1FB30]  }
0x275: {  	v22 =	vor.u32 v63, v4  }
0x276: {  	v18 =	vor.u32 v18, v4  }
0x277: {  	v14 =	vor.u32 v14, v4  }
0x278: {  	v55 =	vor.u32 v44, v4;
	v44 =	vld [tilespmem:$0x1F9D0];
	v13 =	vor.u32 v13, v4  }
0x279: {  	v29 =	vld [tilespmem:$0x1F970];
	v12 =	vor.u32 v12, v4  }
0x27a: {  	[tilespmem:v22+s19+$0x0] =	vst.idx.msk $0xffff, v26;
	v22 =	vld [tilespmem:$0x1FAB0]  }
0x27b: {  	[tilespmem:v18+s19+$0x0] =	vst.idx.msk $0xffff, v15;
	v15 =	vld [tilespmem:$0x1F910]  }
0x27c: {  	[tilespmem:v14+s19+$0x0] =	vst.idx.msk $0xffff, v17;
	v14 =	vld [tilespmem:$0x1F920]  }
0x27d: {  	v18 =	vld [tilespmem:$0x1F930];
	[tilespmem:v13+s19+$0x0] =	vst.idx.msk $0xffff, v27  }
0x27e: {  	[tilespmem:v12+s19+$0x0] =	vst.idx.msk $0xffff, v20;
	v12 =	vld [tilespmem:$0x1FA60]  }
0x27f: {  	v26 =	vld [tilespmem:$0x1F9F0];
	v22 =	vor.u32 v22, v4  }
0x280: {  	v39 =	vld [tilespmem:$0x1F940];
	v15 =	vor.u32 v15, v4  }
0x281: {  	v14 =	vor.u32 v14, v4  }
0x282: {  	v57 =	vld [tilespmem:$0x1F9E0];
	v18 =	vor.u32 v18, v4  }
0x283: {  	v41 =	vor.u32 v44, v4;
	v12 =	vor.u32 v12, v4  }
0x284: {  	v44 =	vor.u32 v29, v4;
	v29 =	vld [tilespmem:$0x1F960];
	v26 =	vor.u32 v26, v4;
	[tilespmem:v22+s19+$0x0] =	vst.idx.msk $0xffff, v16  }
0x285: {  	v35 =	vor.u32 v39, v4;
	[tilespmem:v15+s19+$0x0] =	vst.idx.msk $0xffff, v23  }
0x286: {  	[tilespmem:v14+s19+$0x0] =	vst.idx.msk $0xffff, v19  }
0x287: {  	v46 =	vor.u32 v57, v4;
	v57 =	vld [tilespmem:$0x1FA10];
	[tilespmem:v18+s19+$0x0] =	vst.idx.msk $0xffff, v7  }
0x288: {  	[tilespmem:v12+s19+$0x0] =	vst.idx.msk $0xffff, v10  }
0x289: {  	v31 =	vor.u32 v29, v4;
	v29 =	vld [tilespmem:$0x1FA90];
	[tilespmem:v26+s19+$0x0] =	vst.idx.msk $0xffff, v8  }
0x28a: {  	s28 =	smov.u32 s26;
	[tilespmem:v35+s19+$0x0] =	vst.idx.msk $0xffff, v5;
	v5 =	vld [tilespmem:$0x1FF60]  }
0x28b: {  	v52 =	vmov s28  }
0x28c: {  	v45 =	vor.u32 v57, v4;
	v57 =	vor.u32 s28, v40;
	v39 =	vshll.u32 v52, $0x3  }
0x28d: {  	v39 =	vand.u32 $0x1C00, v39;
	v17 =	vand.u32 $0x7F, v57  }
0x28e: {  	v27 =	vor.u32 v17, v39;
	v38 =	vor.u32 v29, v4;
	v29 =	vld [tilespmem:$0x1F950]  }
0x28f: {  	v26 =	vadd.s32 v5, v27;
	v5 =	vld [tilespmem:$0x1FF20];
	_ =	sdelay $0x4  }
0x290: {  	v22 =	vadd.s32 v61, v27;
	v29 =	vor.u32 v29, v4;
	v61 =	vadd.s32 v5, v27;
	v5 =	vld [tilespmem:$0x1FEC0];
	_ =	sdelay $0x4  }
0x291: {  	[tilespmem:v29+s19+$0x0] =	vst.idx.msk $0xffff, v9;
	v29 =	vadd.s32 v5, v27;
	v5 =	vld [tilespmem:$0x1FB90];
	_ =	sdelay $0x2  }
0x292: {  	v48 =	vld [tilespmem:$0x1F8A0]  }
0x293: {  	v7 =	vld [tilespmem:$0x1FFE0]  }
0x294: {  	v35 =	vadd.s32 v5, v27;
	v5 =	vld [tilespmem:$0x1FF00]  }
0x295: {  	v13 =	vld [tilespmem:$0x1FB50];
	_ =	sdelay $0x1  }
0x296: {  	v32 =	vor.u32 v48, v4;
	v57 =	vshll.u32 v57, $0x5  }
0x297: {  	v48 =	vor.u32 v47, v4;
	v4 =	vand.u32 $0x7F80, v57;
	v57 =	vadd.s32 v7, v27;
	v7 =	vld [tilespmem:$0x1FE90]  }
0x298: {  	[tilespmem:v38+s19+$0x0] =	vst.idx.msk $0xffff, v6;
	v38 =	vadd.s32 v5, v27;
	v5 =	vld [tilespmem:$0x1FEB0]  }
0x299: {  	v17 =	vadd.s32 v13, v27;
	v13 =	vld [tilespmem:$0x1FB60]  }
0x29a: {  	v14 =	vld [tilespmem:$0x1FB70];
	[tilespmem:v31+s19+$0x0] =	vst.idx.msk $0xffff, v11  }
0x29b: {  	[tilespmem:v44+s19+$0x0] =	vst.idx.msk $0xffff, v42  }
0x29c: {  	[tilespmem:v45+s19+$0x0] =	vst.idx.msk $0xffff, v51;
	v40 =	vadd.s32 v7, v27;
	v7 =	vld [tilespmem:$0x1FFA0]  }
0x29d: {  	[tilespmem:v41+s19+$0x0] =	vst.idx.msk $0xffff, v50;
	v39 =	vadd.s32 v5, v27;
	v5 =	vld [tilespmem:$0x1FFF0]  }
0x29e: {  	v20 =	vadd.s32 v13, v27;
	v13 =	vadd.s32 v59, v27;
	[tilespmem:v46+s19+$0x0] =	vst.idx.msk $0xffff, v30  }
0x29f: {  	v15 =	vadd.s32 v58, v27;
	v19 =	vadd.s32 v14, v27;
	v14 =	vld [tilespmem:$0x1FEA0];
	[tilespmem:v36+s19+$0x0] =	vst.idx.msk $0xffff, v28  }
0x2a0: {  	v12 =	vld [tilespmem:$0x1FFC0];
	[tilespmem:v48+s19+$0x0] =	vst.idx.msk $0xffff, v25  }
0x2a1: {  	v16 =	vadd.s32 v60, v27;
	[tilespmem:v55+s19+$0x0] =	vst.idx.msk $0xffff, v24;
	v60 =	vadd.s32 v7, v27;
	v7 =	vld [tilespmem:$0x1FEE0]  }
0x2a2: {  	[tilespmem:v32+s19+$0x0] =	vst.idx.msk $0xffff, v21;
	v11 =	vadd.s32 v5, v27;
	v5 =	vld [tilespmem:$0x1FE80]  }
0x2a3: {  	v13 =	vld.idx.msk [tilespmem:v13+s15+$0x0], $0xffff  }
0x2a4: {  	v23 =	vadd.s32 v14, v27;
	v14 =	vld.idx.msk [tilespmem:v15+s15+$0x0], $0xffff  }
0x2a5: {  	v22 =	vld.idx.msk [tilespmem:v22+s15+$0x0], $0xffff  }
0x2a6: {  	v36 =	vld.idx.msk [tilespmem:v17+s15+$0x0], $0xffff  }
0x2a7: {  	v31 =	vadd.s32 v5, v27;
	v5 =	vld [tilespmem:$0x1FFB0]  }
0x2a8: {  	v52 =	vadd.s32 v34, v27;
	v10 =	vadd.s32 v7, v27;
	v7 =	vld [tilespmem:$0x1FED0]  }
0x2a9: {  	v15 =	vld.idx.msk [tilespmem:v23+s15+$0x0], $0xffff  }
0x2aa: {  	v21 =	vadd.s32 v54, v27;
	v46 =	vld.idx.msk [tilespmem:v20+s15+$0x0], $0xffff  }
0x2ab: {  	v45 =	vld.idx.msk [tilespmem:v16+s15+$0x0], $0xffff  }
0x2ac: {  	v6 =	vadd.s32 v5, v27;
	v5 =	vld [tilespmem:$0x1FF70]  }
0x2ad: {  	v20 =	vld.idx.msk [tilespmem:v52+s15+$0x0], $0xffff;
	v8 =	vadd.s32 v7, v27  }
0x2ae: {  	v23 =	vld.idx.msk [tilespmem:v40+s15+$0x0], $0xffff  }
0x2af: {  	v24 =	vadd.s32 v33, v27;
	v16 =	vld.idx.msk [tilespmem:v21+s15+$0x0], $0xffff  }
0x2b0: {  	v10 =	vld.idx.msk [tilespmem:v10+s15+$0x0], $0xffff  }
0x2b1: {  	v7 =	vadd.s32 v5, v27;
	v5 =	vld [tilespmem:$0x1FFD0]  }
0x2b2: {  	v8 =	vld.idx.msk [tilespmem:v8+s15+$0x0], $0xffff  }
0x2b3: {  	v41 =	vld.idx.msk [tilespmem:v11+s15+$0x0], $0xffff  }
0x2b4: {  	v11 =	vld.idx.msk [tilespmem:v24+s15+$0x0], $0xffff  }
0x2b5: {  	v17 =	vld.idx.msk [tilespmem:v31+s15+$0x0], $0xffff  }
0x2b6: {  	v50 =	vadd.s32 v12, v27;
	v12 =	vld.idx.msk [tilespmem:v6+s15+$0x0], $0xffff;
	v9 =	vadd.s32 v5, v27  }
0x2b7: {  	v5 =	vld [tilespmem:$0x1FF30]  }
0x2b8: {  	v6 =	vld.idx.msk [tilespmem:v61+s15+$0x0], $0xffff  }
0x2b9: {  	v61 =	vld [tilespmem:$0x1FD30]  }
0x2ba: {  	v7 =	vld.idx.msk [tilespmem:v7+s15+$0x0], $0xffff  }
0x2bb: {  	v18 =	vld.idx.msk [tilespmem:v9+s15+$0x0], $0xffff  }
0x2bc: {  	p1 =	sne.s32 s26, $0x370;
	v5 =	vadd.s32 v5, v27;
	v9 =	vld.idx.msk [tilespmem:v26+s15+$0x0], $0xffff  }
.Ltmp7:
0x2bd: {  	v26 =	vld.idx.msk [tilespmem:v19+s15+$0x0], $0xffff;
	(pc) =	sbr.rel @p1 .LBB2_7-.Ltmp7, $4  }
0x2be: {  	v51 =	vadd.s32 v56, v27;
	v21 =	vadd.s32 v43, v27;
	v24 =	vadd.s32 v53, v27;
	v27 =	vld.idx.msk [tilespmem:v57+s15+$0x0], $0xffff  }
0x2bf: {  	v19 =	vld.idx.msk [tilespmem:v60+s15+$0x0], $0xffff  }
0x2c0: {  	v60 =	vld [tilespmem:$0x1FD20]  }
0x2c1: {  	s26 =	sadd.s32 $0x10, s26;
	v40 =	vlaneseq.u32;
	v5 =	vld.idx.msk [tilespmem:v5+s15+$0x0], $0xffff  }
0x2c2: {  	_ =	sdelay $0x3  }
0x2c3: {  	v21 =	vld.idx.msk [tilespmem:v21+s15+$0x0], $0xffff  }
0x2c4: {  	v24 =	vld.idx.msk [tilespmem:v24+s15+$0x0], $0xffff  }
0x2c5: {  	v31 =	vld [tilespmem:$0x1FE70]  }
0x2c6: {  	v55 =	vld [tilespmem:$0x1FE50]  }
0x2c7: {  	v25 =	vld.idx.msk [tilespmem:v51+s15+$0x0], $0xffff  }
0x2c8: {  	v28 =	vld.idx.msk [tilespmem:v39+s15+$0x0], $0xffff;
	v30 =	vor.u32 v37, v4  }
0x2c9: {  	v44 =	vld.idx.msk [tilespmem:v38+s15+$0x0], $0xffff;
	v32 =	vor.u32 v3, v4  }
0x2ca: {  	v38 =	vld.idx.msk [tilespmem:v50+s15+$0x0], $0xffff;
	v39 =	vor.u32 v31, v4  }
0x2cb: {  	v35 =	vld.idx.msk [tilespmem:v35+s15+$0x0], $0xffff;
	v57 =	vor.u32 v55, v4  }
0x2cc: {  	v29 =	vld.idx.msk [tilespmem:v29+s15+$0x0], $0xffff;
	v42 =	vor.u32 v49, v4  }
0x2cd: {  	[tilespmem:v30+s19+$0x0] =	vst.idx.msk $0xffff, v36;
	v30 =	vor.u32 v2, v4;
	v2 =	vld [tilespmem:$0x1FA70]  }
0x2ce: {  	[tilespmem:v32+s19+$0x0] =	vst.idx.msk $0xffff, v46  }
0x2cf: {  	[tilespmem:v39+s19+$0x0] =	vst.idx.msk $0xffff, v41  }
0x2d0: {  	[tilespmem:v57+s19+$0x0] =	vst.idx.msk $0xffff, v45  }
0x2d1: {  	[tilespmem:v42+s19+$0x0] =	vst.idx.msk $0xffff, v22  }
0x2d2: {  	[tilespmem:v30+s19+$0x0] =	vst.idx.msk $0xffff, v18;
	v18 =	vor.u32 v2, v4;
	v2 =	vld [tilespmem:$0x1FA20];
	_ =	sdelay $0x4  }
0x2d3: {  	v41 =	vor.u32 v2, v4;
	v2 =	vld [tilespmem:$0x1FAF0];
	_ =	sdelay $0x4  }
0x2d4: {  	v42 =	vor.u32 v2, v4;
	v2 =	vld [tilespmem:$0x1F910];
	_ =	sdelay $0x4  }
0x2d5: {  	v45 =	vor.u32 v2, v4;
	v2 =	vld [tilespmem:$0x1F920];
	_ =	sdelay $0x4  }
0x2d6: {  	v62 =	vor.u32 v62, v4;
	v46 =	vor.u32 v2, v4;
	v2 =	vld [tilespmem:$0x1F930]  }
0x2d7: {  	v34 =	vor.u32 v0, v4  }
0x2d8: {  	v1 =	vor.u32 v1, v4;
	_ =	sdelay $0x2  }
0x2d9: {  	[tilespmem:v62+s19+$0x0] =	vst.idx.msk $0xffff, v14;
	v48 =	vor.u32 v2, v4;
	v2 =	vld [tilespmem:$0x1F940]  }
0x2da: {  	[tilespmem:v34+s19+$0x0] =	vst.idx.msk $0xffff, v13  }
0x2db: {  	[tilespmem:v1+s19+$0x0] =	vst.idx.msk $0xffff, v12;
	v1 =	vld [tilespmem:$0x1FB30]  }
0x2dc: {  	v0 =	vor.u32 v63, v4;
	_ =	sdelay $0x1  }
0x2dd: {  	v49 =	vor.u32 v2, v4;
	v2 =	vld [tilespmem:$0x1F950];
	_ =	sdelay $0x1  }
0x2de: {  	v1 =	vor.u32 v1, v4  }
0x2df: {  	[tilespmem:v0+s19+$0x0] =	vst.idx.msk $0xffff, v26;
	v0 =	vld [tilespmem:$0x1FAB0]  }
0x2e0: {  	[tilespmem:v18+s19+$0x0] =	vst.idx.msk $0xffff, v15  }
0x2e1: {  	[tilespmem:v41+s19+$0x0] =	vst.idx.msk $0xffff, v17;
	v50 =	vor.u32 v2, v4;
	v2 =	vld [tilespmem:$0x1FA90]  }
0x2e2: {  	[tilespmem:v42+s19+$0x0] =	vst.idx.msk $0xffff, v27  }
0x2e3: {  	[tilespmem:v1+s19+$0x0] =	vst.idx.msk $0xffff, v20;
	v1 =	vld [tilespmem:$0x1FA60]  }
0x2e4: {  	v0 =	vor.u32 v0, v4;
	_ =	sdelay $0x1  }
0x2e5: {  	v51 =	vor.u32 v2, v4;
	v2 =	vld [tilespmem:$0x1FA10];
	_ =	sdelay $0x1  }
0x2e6: {  	v1 =	vor.u32 v1, v4  }
0x2e7: {  	[tilespmem:v0+s19+$0x0] =	vst.idx.msk $0xffff, v16;
	v0 =	vld [tilespmem:$0x1F9F0]  }
0x2e8: {  	v36 =	vld [tilespmem:$0x1FE90];
	[tilespmem:v45+s19+$0x0] =	vst.idx.msk $0xffff, v23  }
0x2e9: {  	[tilespmem:v46+s19+$0x0] =	vst.idx.msk $0xffff, v19;
	v52 =	vor.u32 v2, v4;
	v2 =	vld [tilespmem:$0x1F9D0]  }
0x2ea: {  	v32 =	vld [tilespmem:$0x1FEB0];
	[tilespmem:v48+s19+$0x0] =	vst.idx.msk $0xffff, v7  }
0x2eb: {  	[tilespmem:v1+s19+$0x0] =	vst.idx.msk $0xffff, v10;
	v1 =	vld [tilespmem:$0x1F960]  }
0x2ec: {  	v22 =	vld [tilespmem:$0x1FEE0];
	v0 =	vor.u32 v0, v4  }
0x2ed: {  	v26 =	vld [tilespmem:$0x1FF60]  }
0x2ee: {  	v55 =	vor.u32 v2, v4;
	v2 =	vld [tilespmem:$0x1F9E0]  }
0x2ef: {  	v18 =	vld [tilespmem:$0x1FEA0]  }
0x2f0: {  	v41 =	vld [tilespmem:$0x1FE10];
	v1 =	vor.u32 v1, v4  }
0x2f1: {  	[tilespmem:v0+s19+$0x0] =	vst.idx.msk $0xffff, v8;
	v0 =	vld [tilespmem:$0x1F970]  }
0x2f2: {  	v27 =	vld [tilespmem:$0x1FEC0];
	[tilespmem:v49+s19+$0x0] =	vst.idx.msk $0xffff, v5  }
0x2f3: {  	[tilespmem:v50+s19+$0x0] =	vst.idx.msk $0xffff, v9;
	v57 =	vor.u32 v2, v4;
	v2 =	vld [tilespmem:$0x1F8B0]  }
0x2f4: {  	v42 =	vld [tilespmem:$0x1FDD0];
	[tilespmem:v51+s19+$0x0] =	vst.idx.msk $0xffff, v6  }
0x2f5: {  	[tilespmem:v1+s19+$0x0] =	vst.idx.msk $0xffff, v11;
	v1 =	vld [tilespmem:$0x1FB40]  }
0x2f6: {  	v16 =	vld [tilespmem:$0x1FED0];
	v0 =	vor.u32 v0, v4  }
0x2f7: {  	v48 =	vld [tilespmem:$0x1FF30]  }
0x2f8: {  	v62 =	vor.u32 v2, v4;
	v2 =	vld [tilespmem:$0x1F8A0]  }
0x2f9: {  	v49 =	vld [tilespmem:$0x1FDE0]  }
0x2fa: {  	v50 =	vld [tilespmem:$0x1FFD0];
	v1 =	vor.u32 v1, v4  }
0x2fb: {  	v51 =	vld [tilespmem:$0x1FFB0];
	[tilespmem:v0+s19+$0x0] =	vst.idx.msk $0xffff, v29;
	v0 =	vor.u32 v47, v4  }
0x2fc: {  	v29 =	vld [tilespmem:$0x1FE80];
	[tilespmem:v52+s19+$0x0] =	vst.idx.msk $0xffff, v35  }
0x2fd: {  	v52 =	vld [tilespmem:$0x1FFC0];
	[tilespmem:v55+s19+$0x0] =	vst.idx.msk $0xffff, v38;
	v63 =	vor.u32 v2, v4  }
0x2fe: {  	v35 =	vld [tilespmem:$0x1FDF0];
	[tilespmem:v57+s19+$0x0] =	vst.idx.msk $0xffff, v44  }
0x2ff: {  	v38 =	vld [tilespmem:$0x1FF00];
	[tilespmem:v1+s19+$0x0] =	vst.idx.msk $0xffff, v28  }
0x300: {  	s24 =	smul.u32 $0xE00, s24;
	v57 =	vld [tilespmem:$0x1FFF0];
	[tilespmem:v0+s19+$0x0] =	vst.idx.msk $0xffff, v25  }
.Ltmp8:
0x301: {  	p1 =	sgt.u32 s25, $0x45B;
	v44 =	vld [tilespmem:$0x1FFA0];
	[tilespmem:v62+s19+$0x0] =	vst.idx.msk $0xffff, v24;
	(pc) =	sbr.rel .LBB2_9-.Ltmp8, $4  }
0x302: {  	s25 =	smul.u32 @!p1 $0x380, s25;
	s26 =	simm.s32 @!p1 $0x7A1400;
	s24 =	sadd.s32 s6, s24;
	v25 =	vld [tilespmem:$0x1FF70];
	[tilespmem:v63+s19+$0x0] =	vst.idx.msk $0xffff, v21  }
0x303: {  	v24 =	vld [tilespmem:$0x1FF20];
	[hbm4b:s24+s4] =	stream.linear.scatter [tilespmem:s19], [sflag:$0x4], $0x7000, $0x38  }
0x304: {  	s28 =	simm.s32 @!p1 $0x7000;
	v2 =	vld [tilespmem:$0x1FE00];
	s24 =	sadd.s32 @!p1 s0, s25;
	s25 =	simm.s32 @!p1 $0x1C00  }
0x305: {  	v63 =	vld [tilespmem:$0x1FFE0];
	[tilespmem:s28], [sflag:$0x2] =	stream.strided.gather @!p1 [hbm4b:s24+s25], $0x7000, s26, s25, $0x38  }
.LBB2_11:
0x306: {  	_ =	sfence.sel $0x180000  }
0x307: {  	[bflag:$0x0] =	sbarrier.arrive $0xFFFF  }
0x308: {  	p0 =	sne.s32 s2, $0x0;
	_ =	strace $0x90000047  }
0x309: {  	s0 =	sadd.s32 @!p0 $0x100000, s3;
	[bflag:$0x2] =	sbarrier.arrive $0xFFFF  }
0x30a: {  	[sflag:s0] =	ssyncadd.tile.s32 @!p0 $0x1;
	_ =	shalt  }
.Lfunc_end2:
_tile_overlayer_lowered:
.L_overlay_start_2:
0x30b: {  	(tag) =	ssettag $0x2  }
0x30c: {  	s0 =	rddreg [dreg:$0x0];
	s2 =	stileid.u32  }
0x30d: {  	s1 =	rddreg [dreg:$0x1];
	p0 =	sne.s32 s2, $0x0  }
0x30e: {  	s3 =	rddreg [dreg:$0x2];
	[bflag:$0x3] =	sbarrier.arrive $0xFFFF;
	s2 =	simm.s32 @!p0 $0x1C05  }
0x30f: {  	[timem:s3], [sflag:s2] =	dma.local @!p0 [hbm:s0], s1  }
0x310: {  	s0 =	simm.s32 @!p0 $0x5  }
0x311: {  	_ =	swait.ge @!p0 [sflag:s0], s1  }
0x312: {  	s1 =	ssub.s32 @!p0 $0x0, s1;
	[sflag:s0] =	ssyncset.done @!p0 $0x0  }
0x313: {  	[sflag:s0] =	ssyncadd.s32 @!p0 s1  }
0x314: {  	[bflag:$0x3] =	sbarrier.arrive $0xFFFF  }
0x315: {  	_ =	shalt  }

// kernel: kernel.7.cloned.1.call-start
scs
__scs_entry_jumppad:
0x0: {  	(pc) =	sbr.rel $0x88, $3  }
0x1: {  	(tag) =	ssettag $0x0;
	lr =	simm.s32 $0x1  }
0x2: {  	[smem:$0x3F9F] =	sst lr;
	_ =	strace $0xD0000000  }
0x3: {  	_ = 	snop  }
0x4: {  	_ = 	snop  }
0x5: {  	_ = 	snop  }
0x6: {  	_ = 	snop  }
0x7: {  	_ = 	snop  }
__scs_overlays_trampoline_lowered:
0x8: {  	[smem:$0x3FAE] =	sst s0  }
0x9: {  	[smem:$0x3FAF] =	sst s1  }
0xa: {  	[smem:$0x3FB0] =	sst s2  }
0xb: {  	[smem:$0x3FB1] =	sst s3  }
0xc: {  	[smem:$0x3FB2] =	sst s4  }
0xd: {  	[smem:$0x3FB3] =	sst s5  }
0xe: {  	[smem:$0x3FB4] =	sst s6  }
0xf: {  	[smem:$0x3FB5] =	sst s7  }
0x10: {  	[smem:$0x3FB6] =	sst s8  }
0x11: {  	[smem:$0x3FB7] =	sst s9;
	s0 =	simm.s32 @!p0 $0x0  }
0x12: {  	s1 =	sld [smem:$0x3F9D];
	s0 =	simm.s32 @p0 $0x1  }
0x13: {  	[smem:$0x3FB8] =	sst s0;
	s0 =	simm.s32 @!p1 $0x0  }
0x14: {  	s2 =	sld [smem:$0x3F9C];
	s0 =	simm.s32 @p1 $0x1  }
0x15: {  	[smem:$0x3FB9] =	sst s0;
	s0 =	simm.s32 @!p2 $0x0  }
0x16: {  	s3 =	sld [smem:$0x3FDB];
	s0 =	simm.s32 @p2 $0x1  }
0x17: {  	s4 =	simm.s32 $0x1BF5;
	[smem:$0x3FBB] =	sst s0  }
0x18: {  	s0 =	sld [smem:$0x3F9E];
	_ =	swait.ge [sflag:s4], $0x0  }
0x19: {  	s7 =	sld [smem:$0x3F9F]  }
0x1a: {  	s8 =	sadd.s32 $0xFFFFE003, lr  }
0x1b: {  	s9 =	sadd.s32 $0xFFFFFEF7, lr;
	s5 =	simm.s32 $0xFFFFFFFF;
	p2 =	slt.u32 s8, $0xFFFFF086  }
0x1c: {  	p1 =	slt.u32 s9, $0xF7A;
	s5 =	simm.s32 @!p2 $0x0  }
0x1d: {  	s5 =	simm.s32 @p1 $0x1;
	p0 =	seq.s32 s7, s2  }
0x1e: {  	s7 =	smul.u32 @!p0 $0xF7A, s2;
	p2 =	seq.s32 @!p0 s5, $0x0  }
0x1f: {  	s9 =	smul.u32 $0xF7A, s1;
	s8 =	simm.s32 @!p0 $0x1BF5;
	p2 =	por !p2, p0  }
0x20: {  	[sflag:s8] =	ssyncset.s32 @!p0 $0xFFFFF086;
	s6 =	sadd.s32 @!p0 s3, s7;
	s7 =	simm.s32 @!p0 $0x108  }
0x21: {  	s3 =	sadd.s32 s3, s9;
	s6 =	sadd.s32 @!p0 $0x88, s6;
	s7 =	simm.s32 @p2 $0x1082  }
0x22: {  	[simem:s7], [sflag:s8] =	dma.local @!p0 [hbm:s6], $0xF7A  }
0x23: {  	s9 =	sor.u32 $0xD0000000, s2;
	s6 =	simm.s32 $0x108;
	_ =	swait.ge @!p0 [sflag:s8], $0x0  }
0x24: {  	s3 =	sadd.s32 $0x88, s3;
	s6 =	simm.s32 @!p1 $0x1082;
	[sflag:s4] =	ssyncset.s32 $0xFFFFF086  }
0x25: {  	[simem:s6], [sflag:s4] =	dma.local [hbm:s3], $0xF7A  }
0x26: {  	[smem:$0x3F9F] =	sst s1;
	(tag) =	ssettag s2;
	_ =	strace s9  }
0x27: {  	s1 =	sld [smem:$0x3FAF]  }
0x28: {  	s2 =	sld [smem:$0x3FB0]  }
0x29: {  	s4 =	sld [smem:$0x3FB2]  }
0x2a: {  	p0 =	seq.s32 s5, $0x0;
	s5 =	sld [smem:$0x3FB3]  }
0x2b: {  	s6 =	sld [smem:$0x3FB4]  }
0x2c: {  	s7 =	sld [smem:$0x3FB5]  }
0x2d: {  	s3 =	simm.s32 $0x108;
	s8 =	sld [smem:$0x3FB6]  }
0x2e: {  	s3 =	simm.s32 @!p0 $0x1082;
	s9 =	sld [smem:$0x3FB7]  }
0x2f: {  	lr =	sadd.s32 s0, s3;
	s0 =	sld [smem:$0x3FAE]  }
0x30: {  	s3 =	sld [smem:$0x3FB1]  }
0x31: {  	[smem:$0x3FBA] =	sst s10  }
0x32: {  	s10 =	sld [smem:$0x3FB8];
	_ =	sdelay $0x3  }
0x33: {  	p0 =	seq.s32 s10, $0x1;
	s10 =	sld [smem:$0x3FBA];
	_ =	sdelay $0x3  }
0x34: {  	[smem:$0x3FBA] =	sst s10  }
0x35: {  	s10 =	sld [smem:$0x3FB9];
	_ =	sdelay $0x3  }
0x36: {  	p1 =	seq.s32 s10, $0x1;
	s10 =	sld [smem:$0x3FBA];
	_ =	sdelay $0x3  }
0x37: {  	[smem:$0x3FBA] =	sst s10  }
0x38: {  	s10 =	sld [smem:$0x3FBB]  }
0x39: {  	_ = 	snop;
	(pc) =	sbr.ind lr, $3  }
0x3a: {  	_ = 	snop  }
0x3b: {  	_ = 	snop  }
0x3c: {  	p2 =	seq.s32 s10, $0x1;
	s10 =	sld [smem:$0x3FBA]  }
0x3d: {  	_ =	shalt  }
0x3e: {  	_ =	shalt  }
0x3f: {  	_ =	shalt  }
0x40: {  	_ =	shalt  }
0x41: {  	_ =	shalt  }
0x42: {  	_ =	shalt  }
0x43: {  	_ =	shalt  }
0x44: {  	_ =	shalt  }
0x45: {  	_ =	shalt  }
0x46: {  	_ =	shalt  }
0x47: {  	_ =	shalt  }
0x48: {  	_ =	shalt  }
0x49: {  	_ =	shalt  }
0x4a: {  	_ =	shalt  }
0x4b: {  	_ =	shalt  }
0x4c: {  	_ =	shalt  }
0x4d: {  	_ =	shalt  }
0x4e: {  	_ =	shalt  }
0x4f: {  	_ =	shalt  }
0x50: {  	_ =	shalt  }
0x51: {  	_ =	shalt  }
0x52: {  	_ =	shalt  }
0x53: {  	_ =	shalt  }
0x54: {  	_ =	shalt  }
0x55: {  	_ =	shalt  }
0x56: {  	_ =	shalt  }
0x57: {  	_ =	shalt  }
0x58: {  	_ =	shalt  }
0x59: {  	_ =	shalt  }
0x5a: {  	_ =	shalt  }
0x5b: {  	_ =	shalt  }
0x5c: {  	_ =	shalt  }
0x5d: {  	_ =	shalt  }
0x5e: {  	_ =	shalt  }
0x5f: {  	_ =	shalt  }
0x60: {  	_ =	shalt  }
0x61: {  	_ =	shalt  }
0x62: {  	_ =	shalt  }
0x63: {  	_ =	shalt  }
0x64: {  	_ =	shalt  }
0x65: {  	_ =	shalt  }
0x66: {  	_ =	shalt  }
0x67: {  	_ =	shalt  }
0x68: {  	_ =	shalt  }
0x69: {  	_ =	shalt  }
0x6a: {  	_ =	shalt  }
0x6b: {  	_ =	shalt  }
0x6c: {  	_ =	shalt  }
0x6d: {  	_ =	shalt  }
0x6e: {  	_ =	shalt  }
0x6f: {  	_ =	shalt  }
0x70: {  	_ =	shalt  }
0x71: {  	_ =	shalt  }
0x72: {  	_ =	shalt  }
0x73: {  	_ =	shalt  }
0x74: {  	_ =	shalt  }
0x75: {  	_ =	shalt  }
0x76: {  	_ =	shalt  }
0x77: {  	_ =	shalt  }
0x78: {  	_ =	shalt  }
0x79: {  	_ =	shalt  }
0x7a: {  	_ =	shalt  }
0x7b: {  	_ =	shalt  }
0x7c: {  	_ =	shalt  }
0x7d: {  	_ =	shalt  }
0x7e: {  	_ =	shalt  }
0x7f: {  	_ =	shalt  }
0x80: {  	_ =	shalt  }
0x81: {  	_ =	shalt  }
0x82: {  	_ =	shalt  }
0x83: {  	_ =	shalt  }
0x84: {  	_ =	shalt  }
0x85: {  	_ =	shalt  }
0x86: {  	_ =	shalt  }
0x87: {  	_ =	shalt  }
.Lfunc_end0:
.L_simem_size_0:
called_computation.1_lowered:
.L_overlay_start_0:
0x88: {  	s2 =	sld [smem:$0x3FD9]  }
0x89: {  	s3 =	sld [smem:$0x3FFE];
	_ =	sdelay $0x1  }
0x8a: {  	s1 =	srdreg.scid  }
0x8b: {  	s0 =	sand.u32 $0x1, s1  }
0x8c: {  	s17 =	sshll.u32 s0, $0xA;
	s2 =	sadd.s32 s3, s2  }
0x8d: {  	s2 =	sadd.s32 s2, s17  }
0x8e: {  	[smem:$0x3FC6] =	sst s2  }
0x8f: {  	_ = 	snop  }
0x90: {  	s2 =	sld [smem:$0x3FD0];
	(tm) =	ssettm $0x1  }
0x91: {  	s18 =	sld [smem:$0x3FFB];
	_ =	sdelay $0x3  }
0x92: {  	_ =	strace s18  }
0x93: {  	s3 =	sld [smem:$0x3FFC];
	_ =	sdelay $0x3  }
0x94: {  	_ =	strace s3  }
0x95: {  	s3 =	sld [smem:$0x3FFD];
	_ =	sdelay $0x3  }
0x96: {  	_ =	strace s3  }
0x97: {  	_ =	strace $0x8FFFFFFF  }
0x98: {  	s19 =	sld [smem:$0x3FDB];
	_ =	sdelay $0x1  }
0x99: {  	s4 =	simm.s32 $_scs_section_size  }
0x9a: {  	s5 =	simm.s32 $_size__tile_overlayer_lowered;
	s6 =	simm.s32 $_tile_overlayer_lowered  }
0x9b: {  	s22 =	simm.s32 $0x1BFF;
	s21 =	sshll.u32 s6, $0x1;
	s3 =	sadd.s32 s4, s19  }
0x9c: {  	s7 =	simm.s32 $0x0;
	s20 =	sshll.u32 s5, $0x1;
	s5 =	sadd.s32 s21, s3  }
0x9d: {  	[timem:s7], [sflag:s22] =	dma.local [hbm:s5], s20  }
0x9e: {  	_ =	swait.ge [sflag:s22], s20  }
0x9f: {  	s4 =	ssub.s32 $0x0, s20;
	[sflag:s22] =	ssyncset.done $0x0  }
0xa0: {  	[sflag:s22] =	ssyncadd.s32 s4;
	_ =	sdelay $0x1  }
0xa1: {  	s23 =	simm.s32 $0x1B8B  }
0xa2: {  	_ =	swait.ge [sflag:s23], $0x1  }
0xa3: {  	[sflag:s23] =	ssyncset.done $0x0  }
0xa4: {  	s25 =	simm.s32 $0x1B8E;
	s24 =	sld [smem:$0x3FFE];
	[sflag:s23] =	ssyncadd.s32 $0xFFFFFFFF  }
0xa5: {  	s26 =	simm.s32 $execute0_lowered;
	[smem:$0x3FD2] =	sst s25  }
0xa6: {  	s5 =	sshll.u32 s26, $0x1;
	_ =	strace $0x80000049;
	[dreg:$0x1] =	wrdreg $0xFFFFFFFF  }
0xa7: {  	s28 =	simm.s32 $_size_execute0_lowered;
	s3 =	sadd.s32 s3, s5;
	[dreg:$0x0] =	wrdreg $0x0  }
0xa8: {  	s5 =	sshll.u32 s28, $0x1;
	[dreg:$0x2] =	wrdreg s3  }
0xa9: {  	[dreg:$0x3] =	wrdreg s5  }
0xaa: {  	[dreg:$0x4] =	wrdreg $0xC0  }
0xab: {  	_ =	task [dreg:s7], $0x5FFFF  }
0xac: {  	[dreg:$0x1] =	wrdreg $0xFFFFFFFF  }
0xad: {  	[dreg:$0x0] =	wrdreg $0x60  }
0xae: {  	[dreg:$0x2] =	wrdreg s24  }
0xaf: {  	[dreg:$0x3] =	wrdreg s2  }
0xb0: {  	[dreg:$0x4] =	wrdreg $0x9  }
0xb1: {  	_ =	task.clear_ibuf [dreg:s7], $0x5FFFF;
	_ =	strace $0x90000049  }
0xb2: {  	s29 =	simm.s32 $0x9;
	_ =	strace $0x8000004B  }
0xb3: {  	_ =	swait.ge [sflag:s29], $0x1  }
0xb4: {  	[sflag:s29] =	ssyncadd.s32 $0xFFFFFFFF  }
0xb5: {  	_ =	strace $0x9000004B  }
0xb6: {  	_ =	sfence  }
0xb7: {  	s30 =	sld [smem:$0x0];
	_ =	sdelay $0x2  }
0xb8: {  	s31 =	sshll.u32 s1, $0xD;
	s1 =	sshrl.u32 s1, $0x2  }
0xb9: {  	s3 =	sand.u32 $0x4000, s31;
	s1 =	sadd.s32 s1, s30  }
0xba: {  	s0 =	sor.u32 s3, s0;
	s1 =	sshll.u32 s1, $0x11  }
0xbb: {  	s0 =	sor.u32 s1, s0  }
0xbc: {  	s0 =	sadd.s32 $0x8F2B, s0  }
0xbd: {  	[sflag:s0] =	ssyncadd.remote.s32 $0x1  }
0xbe: {  	_ =	sfence.sel $0xFFFF  }
0xbf: {  	[dreg:$0x0] =	wrdreg $0xFFFFFFFF;
	(pc) =	sbr.abs _section_cstart, $3  }
0xc0: {  	[dreg:$0x1] =	wrdreg $0xFFFFFFFF  }
0xc1: {  	_ =	task.clear_ibuf [dreg:s7], $0x2FFFF;
	_ =	strace $0x9FFFFFFF  }
0xc2: {  	(tm) =	ssettm $0x7FFFFFFF  }
0xc3: {  	_ =	shalt  }
tec
execute0_lowered:
.L_overlay_start_1:
0x0: {  	(tag) =	ssettag $0x1  }
0x1: {  	v42 =	vlaneseq.u32  }
0x2: {  	v0 =	vimm.s32 $0x14131211;
	v1 =	vimm.s32 $0x18171615;
	vm0 =	vcmask $0x1F10  }
0x3: {  	v2 =	vimm.s32 $0x1C1B1A19;
	v3 =	vimm.s32 $0x1F1E1D;
	v4 =	vimm.s32 $0x15141312  }
0x4: {  	v5 =	vimm.s32 $0x19181716;
	v6 =	vimm.s32 $0x1D1C1B1A;
	v7 =	vimm.s32 $0x1001F1E  }
0x5: {  	v8 =	vimm.s32 $0x16151413;
	v9 =	vimm.s32 $0x1A191817;
	v36 =	vimm.s32 $0x1E1D1C1B  }
0x6: {  	v11 =	vimm.s32 $0x201001F;
	v12 =	vimm.s32 $0x3020100;
	v13 =	vimm.s32 $0x1F1E1D1C  }
0x7: {  	v14 =	vimm.s32 $0x17161514;
	v15 =	vimm.s32 $0x1B1A1918;
	v17 =	vimm.s32 $0x5040302  }
0x8: {  	v51 =	vimm.s32 $0x76543210;
	v53 =	vimm.s32 $0x87654321;
	v55 =	vimm.s32 $0x98765432  }
0x9: {  	v56 =	vimm.s32 $0x32107654;
	v57 =	vimm.s32 $0xA9876543;
	vm14 =	vcmask $0x2F10  }
0xa: {  	v32 =	vimm.s32 $0xB0A0908;
	v33 =	vimm.s32 $0x54329876;
	vm1 =	vcmask $0x3F30  }
0xb: {  	vm13 =	vcmask $0x704;
	vm12 =	vcmask $0xB08;
	vm11 =	vcmask $0xF0C  }
0xc: {  	vm10 =	vcmask $0x1310;
	vm9 =	vcmask $0x1714;
	vm8 =	vcmask $0x1B18  }
0xd: {  	vm7 =	vcmask $0x1F1C;
	vm6 =	vcmask $0x2320;
	vm5 =	vcmask $0x2724  }
0xe: {  	vm4 =	vcmask $0x2B28;
	vm3 =	vcmask $0x2F2C;
	vm2 =	vcmask $0x3330  }
0xf: {  	vm15 =	vcmask $0x3B38;
	v43 =	vadd.s32 $0x1, v42;
	v18 =	vadd.s32 $0x2, v42  }
0x10: {  	v19 =	vadd.s32 $0x9, v42;
	v22 =	vadd.s32 $0xA, v42;
	v24 =	vadd.s32 $0xB, v42  }
0x11: {  	v20 =	vadd.s32 $0xC, v42;
	v23 =	vadd.s32 $0xD, v42;
	v25 =	vadd.s32 $0xE, v42  }
0x12: {  	v0 =	vunpack.c.0.s8.s32 v0;
	v1 =	vunpack.c.0.s8.s32 v1;
	v21 =	vadd.s32 $0xF, v42  }
0x13: {  	v26 =	vor.u32 $0x10, v42;
	v2 =	vunpack.c.0.s8.s32 v2;
	v3 =	vunpack.c.0.s8.s32 v3  }
0x14: {  	v4 =	vunpack.c.0.s8.s32 v4;
	v5 =	vunpack.c.0.s8.s32 v5;
	v6 =	vunpack.c.0.s8.s32 v6  }
0x15: {  	v7 =	vunpack.c.0.s8.s32 v7;
	v8 =	vunpack.c.0.s8.s32 v8;
	v9 =	vunpack.c.0.s8.s32 v9  }
0x16: {  	v11 =	vunpack.c.0.s8.s32 v11;
	v12 =	vunpack.c.0.s8.s32 v12;
	v13 =	vunpack.c.0.s8.s32 v13  }
0x17: {  	v14 =	vunpack.c.0.s8.s32 v14;
	v15 =	vunpack.c.0.s8.s32 v15;
	v40 =	vunpack.c.0.s8.s32 v17  }
0x18: {  	v54 =	vunpack.c.l.s4.s8 v53;
	v0 =	vsel vm0, v1, v0;
	v10 =	vsel vm0, v3, v2  }
0x19: {  	v62 =	vsel vm0, v5, v4;
	v63 =	vsel vm0, v7, v6;
	v35 =	vsel vm0, v9, v8  }
0x1a: {  	v8 =	vunpack.c.0.s8.s32 v36;
	v37 =	vsel vm0, v12, v13;
	v12 =	vimm.s32 $0x4030201  }
0x1b: {  	v14 =	vsel vm0, v15, v14;
	v1 =	vsel vm0, v2, v1;
	v49 =	vsel vm0, v6, v5  }
0x1c: {  	v2 =	vunpack.c.l.s4.s8 v55;
	v5 =	vunpack.c.l.s4.s8 v56;
	v58 =	vsel vm0, v13, v15  }
0x1d: {  	v6 =	vunpack.c.l.s4.s8 v57;
	v4 =	vunpack.c.0.s8.s32 v32;
	v55 =	vimm.s32 $0x1387  }
0x1e: {  	v56 =	vimm.s32 $0x2007;
	v57 =	vimm.s32 $0x2087;
	v27 =	vcombine.low v0, v10  }
0x1f: {  	v28 =	vcombine.low v62, v63;
	v12 =	vunpack.c.0.s8.s32 v12;
	v30 =	vcombine.low v14, v37  }
0x20: {  	v14 =	vimm.s32 $0x6050403;
	v0 =	vsel vm0, v40, v7;
	v37 =	vimm.s32 $0x6543A987  }
0x21: {  	v16 =	vsel vm0, v11, v8;
	v48 =	vunpack.c.0.s8.s32 v14;
	v29 =	vcombine.low v49, v0  }
0x22: {  	v52 =	vsel vm0, v8, v9;
	v0 =	vunpack.c.0.s8.s32 v54;
	v2 =	vunpack.c.0.s8.s32 v2  }
0x23: {  	v59 =	vunpack.c.0.s8.s32 v5;
	v61 =	vunpack.c.0.s8.s32 v6;
	v5 =	vunpack.c.l.s4.s8 v33  }
0x24: {  	v6 =	vunpack.c.l.s4.s8 v37;
	v9 =	vimm.s32 $0x3207;
	v12 =	vsel vm0, v12, v3  }
0x25: {  	v41 =	vcombine.low v35, v16;
	v17 =	vcombine.low v1, v12;
	v50 =	vsel vm0, v48, v11  }
0x26: {  	v1 =	vunpack.c.l.s4.s8 v51;
	v0 =	vand.u32 $0xF, v0;
	v60 =	vand.u32 $0xF, v2  }
0x27: {  	v62 =	vand.u32 $0xF, v59;
	v48 =	vimm.s32 $0xC0B0A09;
	v49 =	vunpack.c.0.s8.s32 v5  }
0x28: {  	v51 =	vimm.s32 $0xD0C0B0A;
	v59 =	vimm.s32 $0x2187;
	v34 =	vcombine.low v52, v50  }
0x29: {  	v36 =	vcombine.low v10, v0;
	v40 =	vcombine.low v63, v60;
	v63 =	vand.u32 $0xF, v61  }
0x2a: {  	v0 =	vsel vm14, v62, v13;
	v10 =	vimm.s32 $0x43218765;
	v50 =	vunpack.c.0.s8.s32 v6  }
0x2b: {  	v52 =	vimm.s32 $0xE0D0C0B;
	v6 =	vunpack.c.0.s8.s32 v51;
	v60 =	vimm.s32 $0x2207  }
0x2c: {  	v61 =	vimm.s32 $0x2287;
	v62 =	vimm.s32 $0x2307;
	v1 =	vunpack.c.0.s8.s32 v1  }
0x2d: {  	v2 =	vunpack.c.l.s4.s8 v10;
	v37 =	vsel vm1, v4, v0;
	v0 =	vunpack.c.0.s8.s32 v48  }
0x2e: {  	v4 =	vand.u32 $0xF, v49;
	v8 =	vunpack.c.0.s8.s32 v52;
	v48 =	vcombine.low v16, v63  }
0x2f: {  	v63 =	vimm.s32 $0x2387;
	v5 =	vand.u32 $0xF, v50;
	v53 =	vsel vm14, v4, v7  }
0x30: {  	v4 =	vimm.s32 $0x3007;
	v7 =	vimm.s32 $0x3107;
	v2 =	vunpack.c.0.s8.s32 v2  }
0x31: {  	v35 =	vcombine.low v58, v1;
	v54 =	vsel vm14, v5, v11;
	v32 =	vsel vm1, v6, v53  }
0x32: {  	v58 =	vimm.s32 $0x2107;
	v5 =	vimm.s32 $0x3087;
	v2 =	vand.u32 $0xF, v2  }
0x33: {  	v11 =	vimm.s32 $0x3287;
	v33 =	vsel vm1, v8, v54;
	v2 =	vsel vm14, v2, v3  }
0x34: {  	v8 =	vimm.s32 $0x3187;
	vm14 =	vcmask $0x300;
	v12 =	vsel vm1, v0, v2  }
0x35: {  	v0 =	vsel vm14, $0x0, v55;
	v2 =	vsel vm14, $0x80, v56;
	vm1 =	vcmask $0x3734  }
0x36: {  	v1 =	vsel vm14, $0x180, v58;
	v56 =	vimm.s32 $0x3307;
	v58 =	vimm.s32 $0x3387  }
0x37: {  	v0 =	vsel vm13, $0x81, v0;
	v2 =	vsel vm13, $0x101, v2;
	v1 =	vsel vm13, $0x201, v1  }
0x38: {  	v0 =	vsel vm12, $0x102, v0;
	v2 =	vsel vm12, $0x182, v2;
	v1 =	vsel vm12, $0x282, v1  }
0x39: {  	v0 =	vsel vm11, $0x183, v0;
	v2 =	vsel vm11, $0x203, v2;
	v1 =	vsel vm11, $0x303, v1  }
0x3a: {  	v0 =	vsel vm10, $0x204, v0;
	v2 =	vsel vm10, $0x284, v2;
	v1 =	vsel vm10, $0x384, v1  }
0x3b: {  	v0 =	vsel vm9, $0x285, v0;
	v2 =	vsel vm9, $0x305, v2;
	v1 =	vsel vm9, $0x1005, v1  }
0x3c: {  	v0 =	vsel vm8, $0x306, v0;
	v2 =	vsel vm8, $0x386, v2;
	v1 =	vsel vm8, $0x1086, v1  }
0x3d: {  	v0 =	vsel vm7, $0x387, v0;
	v2 =	vsel vm7, $0x1007, v2;
	v1 =	vsel vm7, $0x1107, v1  }
0x3e: {  	v0 =	vsel vm6, $0x1000, v0;
	v2 =	vsel vm6, $0x1080, v2;
	v1 =	vsel vm6, $0x1180, v1  }
0x3f: {  	v0 =	vsel vm5, $0x1081, v0;
	v2 =	vsel vm5, $0x1101, v2;
	v1 =	vsel vm5, $0x1201, v1  }
0x40: {  	v0 =	vsel vm4, $0x1102, v0;
	v2 =	vsel vm4, $0x1182, v2;
	v1 =	vsel vm4, $0x1282, v1  }
0x41: {  	v0 =	vsel vm3, $0x1183, v0;
	v2 =	vsel vm3, $0x1203, v2;
	v1 =	vsel vm3, $0x1303, v1  }
0x42: {  	v0 =	vsel vm2, $0x1204, v0;
	v2 =	vsel vm2, $0x1284, v2;
	v1 =	vsel vm2, $0x1384, v1  }
0x43: {  	v0 =	vsel vm1, $0x1285, v0;
	v2 =	vsel vm1, $0x1305, v2;
	v1 =	vsel vm1, $0x2005, v1  }
0x44: {  	v50 =	vsel vm15, $0x1306, v0;
	v51 =	vsel vm15, $0x1386, v2;
	v0 =	vsel vm14, $0x100, v57  }
0x45: {  	v2 =	vsel vm14, $0x200, v59;
	v53 =	vsel vm15, $0x2086, v1;
	v1 =	vsel vm14, $0x300, v61  }
0x46: {  	v0 =	vsel vm13, $0x181, v0;
	v2 =	vsel vm13, $0x281, v2;
	v1 =	vsel vm13, $0x381, v1  }
0x47: {  	v0 =	vsel vm12, $0x202, v0;
	v2 =	vsel vm12, $0x302, v2;
	v1 =	vsel vm12, $0x1002, v1  }
0x48: {  	v0 =	vsel vm11, $0x283, v0;
	v2 =	vsel vm11, $0x383, v2;
	v1 =	vsel vm11, $0x1083, v1  }
0x49: {  	v0 =	vsel vm10, $0x304, v0;
	v2 =	vsel vm10, $0x1004, v2;
	v1 =	vsel vm10, $0x1104, v1  }
0x4a: {  	v0 =	vsel vm9, $0x385, v0;
	v2 =	vsel vm9, $0x1085, v2;
	v1 =	vsel vm9, $0x1185, v1  }
0x4b: {  	v0 =	vsel vm8, $0x1006, v0;
	v2 =	vsel vm8, $0x1106, v2;
	v1 =	vsel vm8, $0x1206, v1  }
0x4c: {  	v0 =	vsel vm7, $0x1087, v0;
	v2 =	vsel vm7, $0x1187, v2;
	v1 =	vsel vm7, $0x1287, v1  }
0x4d: {  	v0 =	vsel vm6, $0x1100, v0;
	v2 =	vsel vm6, $0x1200, v2;
	v1 =	vsel vm6, $0x1300, v1  }
0x4e: {  	v0 =	vsel vm5, $0x1181, v0;
	v2 =	vsel vm5, $0x1281, v2;
	v1 =	vsel vm5, $0x1381, v1  }
0x4f: {  	v0 =	vsel vm4, $0x1202, v0;
	v2 =	vsel vm4, $0x1302, v2;
	v1 =	vsel vm4, $0x2002, v1  }
0x50: {  	v0 =	vsel vm3, $0x1283, v0;
	v2 =	vsel vm3, $0x1383, v2;
	v1 =	vsel vm3, $0x2083, v1  }
0x51: {  	v0 =	vsel vm2, $0x1304, v0;
	v2 =	vsel vm2, $0x2004, v2;
	v1 =	vsel vm2, $0x2104, v1  }
0x52: {  	v0 =	vsel vm1, $0x1385, v0;
	v2 =	vsel vm1, $0x2085, v2;
	v1 =	vsel vm1, $0x2185, v1  }
0x53: {  	v52 =	vsel vm15, $0x2006, v0;
	v54 =	vsel vm15, $0x2106, v2;
	v0 =	vsel vm14, $0x280, v60  }
0x54: {  	v2 =	vsel vm14, $0x380, v62;
	v61 =	vsel vm15, $0x2206, v1;
	v1 =	vsel vm14, $0x1080, v4  }
0x55: {  	v4 =	vimm.s32 $0x7;
	v0 =	vsel vm13, $0x301, v0;
	v2 =	vsel vm13, $0x1001, v2  }
0x56: {  	v1 =	vsel vm13, $0x1101, v1;
	v0 =	vsel vm12, $0x382, v0;
	v2 =	vsel vm12, $0x1082, v2  }
0x57: {  	v1 =	vsel vm12, $0x1182, v1;
	v0 =	vsel vm11, $0x1003, v0;
	v2 =	vsel vm11, $0x1103, v2  }
0x58: {  	v1 =	vsel vm11, $0x1203, v1;
	v0 =	vsel vm10, $0x1084, v0;
	v2 =	vsel vm10, $0x1184, v2  }
0x59: {  	v1 =	vsel vm10, $0x1284, v1;
	v0 =	vsel vm9, $0x1105, v0;
	v2 =	vsel vm9, $0x1205, v2  }
0x5a: {  	v1 =	vsel vm9, $0x1305, v1;
	v0 =	vsel vm8, $0x1186, v0;
	v2 =	vsel vm8, $0x1286, v2  }
0x5b: {  	v1 =	vsel vm8, $0x1386, v1;
	v0 =	vsel vm7, $0x1207, v0;
	v2 =	vsel vm7, $0x1307, v2  }
0x5c: {  	v1 =	vsel vm7, $0x2007, v1;
	v0 =	vsel vm6, $0x1280, v0;
	v2 =	vsel vm6, $0x1380, v2  }
0x5d: {  	v1 =	vsel vm6, $0x2080, v1;
	v0 =	vsel vm5, $0x1301, v0;
	v2 =	vsel vm5, $0x2001, v2  }
0x5e: {  	v1 =	vsel vm5, $0x2101, v1;
	v0 =	vsel vm4, $0x1382, v0;
	v2 =	vsel vm4, $0x2082, v2  }
0x5f: {  	v1 =	vsel vm4, $0x2182, v1;
	v0 =	vsel vm3, $0x2003, v0;
	v2 =	vsel vm3, $0x2103, v2  }
0x60: {  	v1 =	vsel vm3, $0x2203, v1;
	v0 =	vsel vm2, $0x2084, v0;
	v2 =	vsel vm2, $0x2184, v2  }
0x61: {  	v1 =	vsel vm2, $0x2284, v1;
	v0 =	vsel vm1, $0x2105, v0;
	v2 =	vsel vm1, $0x2205, v2  }
0x62: {  	v1 =	vsel vm1, $0x2305, v1;
	v55 =	vsel vm15, $0x2186, v0;
	v62 =	vsel vm15, $0x2286, v2  }
0x63: {  	v0 =	vsel vm14, $0x1000, v63;
	v2 =	vsel vm14, $0x1100, v5;
	v6 =	vsel vm15, $0x2386, v1  }
0x64: {  	v1 =	vsel vm14, $0x1200, v8;
	v5 =	vimm.s32 $0x87;
	v8 =	vimm.s32 $0x187  }
0x65: {  	v0 =	vsel vm13, $0x1081, v0;
	v2 =	vsel vm13, $0x1181, v2;
	v1 =	vsel vm13, $0x1281, v1  }
0x66: {  	[tilespmem:$0x1FC90] =	vst v6;
	v6 =	vimm.s32 $0x107;
	v0 =	vsel vm12, $0x1102, v0;
	v2 =	vsel vm12, $0x1202, v2  }
0x67: {  	v1 =	vsel vm12, $0x1302, v1;
	v0 =	vsel vm11, $0x1183, v0;
	v2 =	vsel vm11, $0x1283, v2  }
0x68: {  	v1 =	vsel vm11, $0x1383, v1;
	v0 =	vsel vm10, $0x1204, v0;
	v2 =	vsel vm10, $0x1304, v2  }
0x69: {  	v1 =	vsel vm10, $0x2004, v1;
	v0 =	vsel vm9, $0x1285, v0;
	v2 =	vsel vm9, $0x1385, v2  }
0x6a: {  	v1 =	vsel vm9, $0x2085, v1;
	v0 =	vsel vm8, $0x1306, v0;
	v2 =	vsel vm8, $0x2006, v2  }
0x6b: {  	v1 =	vsel vm8, $0x2106, v1;
	v0 =	vsel vm7, $0x1387, v0;
	v2 =	vsel vm7, $0x2087, v2  }
0x6c: {  	v1 =	vsel vm7, $0x2187, v1;
	v0 =	vsel vm6, $0x2000, v0;
	v2 =	vsel vm6, $0x2100, v2  }
0x6d: {  	v1 =	vsel vm6, $0x2200, v1;
	v0 =	vsel vm5, $0x2081, v0;
	v2 =	vsel vm5, $0x2181, v2  }
0x6e: {  	v1 =	vsel vm5, $0x2281, v1;
	v0 =	vsel vm4, $0x2102, v0;
	v2 =	vsel vm4, $0x2202, v2  }
0x6f: {  	v1 =	vsel vm4, $0x2302, v1;
	v0 =	vsel vm3, $0x2183, v0;
	v2 =	vsel vm3, $0x2283, v2  }
0x70: {  	v1 =	vsel vm3, $0x2383, v1;
	v0 =	vsel vm2, $0x2204, v0;
	v2 =	vsel vm2, $0x2304, v2  }
0x71: {  	v1 =	vsel vm2, $0x3004, v1;
	v0 =	vsel vm1, $0x2285, v0;
	v2 =	vsel vm1, $0x2385, v2  }
0x72: {  	v1 =	vsel vm1, $0x3085, v1;
	v63 =	vsel vm15, $0x2306, v0;
	v0 =	vsel vm14, $0x1180, v7  }
0x73: {  	v49 =	vsel vm15, $0x3006, v2;
	v2 =	vsel vm14, $0x1280, v9;
	v0 =	vsel vm13, $0x1201, v0  }
0x74: {  	v10 =	vsel vm15, $0x3106, v1;
	v1 =	vsel vm14, $0x1380, v56;
	v0 =	vsel vm12, $0x1282, v0  }
0x75: {  	v9 =	vimm.s32 $0x207;
	v2 =	vsel vm13, $0x1301, v2;
	v0 =	vsel vm11, $0x1303, v0  }
0x76: {  	[tilespmem:$0x1FCA0] =	vst v10;
	v1 =	vsel vm13, $0x2001, v1;
	v10 =	vimm.s32 $0x287;
	v0 =	vsel vm10, $0x1384, v0  }
0x77: {  	v2 =	vsel vm12, $0x1382, v2;
	v1 =	vsel vm12, $0x2082, v1;
	v0 =	vsel vm9, $0x2005, v0  }
0x78: {  	v2 =	vsel vm11, $0x2003, v2;
	v1 =	vsel vm11, $0x2103, v1;
	v0 =	vsel vm8, $0x2086, v0  }
0x79: {  	v2 =	vsel vm10, $0x2084, v2;
	v1 =	vsel vm10, $0x2184, v1;
	v0 =	vsel vm7, $0x2107, v0  }
0x7a: {  	v2 =	vsel vm9, $0x2105, v2;
	v1 =	vsel vm9, $0x2205, v1;
	v0 =	vsel vm6, $0x2180, v0  }
0x7b: {  	v2 =	vsel vm8, $0x2186, v2;
	v1 =	vsel vm8, $0x2286, v1;
	v0 =	vsel vm5, $0x2201, v0  }
0x7c: {  	v2 =	vsel vm7, $0x2207, v2;
	v1 =	vsel vm7, $0x2307, v1;
	v0 =	vsel vm4, $0x2282, v0  }
0x7d: {  	v2 =	vsel vm6, $0x2280, v2;
	v1 =	vsel vm6, $0x2380, v1;
	v0 =	vsel vm3, $0x2303, v0  }
0x7e: {  	v2 =	vsel vm5, $0x2301, v2;
	v1 =	vsel vm5, $0x3001, v1;
	v0 =	vsel vm2, $0x2384, v0  }
0x7f: {  	v2 =	vsel vm4, $0x2382, v2;
	v1 =	vsel vm4, $0x3082, v1;
	v0 =	vsel vm1, $0x3005, v0  }
0x80: {  	v2 =	vsel vm3, $0x3003, v2;
	v31 =	vsel vm15, $0x3086, v0;
	v0 =	vsel vm14, $0x1300, v11  }
0x81: {  	v1 =	vsel vm3, $0x3103, v1;
	v2 =	vsel vm2, $0x3084, v2;
	v0 =	vsel vm13, $0x1381, v0  }
0x82: {  	v1 =	vsel vm2, $0x3184, v1;
	v2 =	vsel vm1, $0x3105, v2;
	v0 =	vsel vm12, $0x2002, v0  }
0x83: {  	v1 =	vsel vm1, $0x3205, v1;
	v57 =	vsel vm15, $0x3186, v2;
	v0 =	vsel vm11, $0x2083, v0  }
0x84: {  	v2 =	vsel vm14, $0x2000, v58;
	v59 =	vsel vm15, $0x3286, v1;
	v0 =	vsel vm10, $0x2104, v0  }
0x85: {  	v1 =	vsel vm14, $0x2100, v5;
	v11 =	vimm.s32 $0x307;
	v0 =	vsel vm9, $0x2185, v0  }
0x86: {  	v5 =	vimm.s32 $0x1087;
	v2 =	vsel vm13, $0x2081, v2;
	v0 =	vsel vm8, $0x2206, v0  }
0x87: {  	v1 =	vsel vm13, $0x2181, v1;
	v2 =	vsel vm12, $0x2102, v2;
	v0 =	vsel vm7, $0x2287, v0  }
0x88: {  	v1 =	vsel vm12, $0x2202, v1;
	v2 =	vsel vm11, $0x2183, v2;
	v0 =	vsel vm6, $0x2300, v0  }
0x89: {  	v1 =	vsel vm11, $0x2283, v1;
	v2 =	vsel vm10, $0x2204, v2;
	v0 =	vsel vm5, $0x2381, v0  }
0x8a: {  	v1 =	vsel vm10, $0x2304, v1;
	v2 =	vsel vm9, $0x2285, v2;
	v0 =	vsel vm4, $0x3002, v0  }
0x8b: {  	v1 =	vsel vm9, $0x2385, v1;
	v2 =	vsel vm8, $0x2306, v2;
	v0 =	vsel vm3, $0x3083, v0  }
0x8c: {  	v1 =	vsel vm8, $0x3006, v1;
	v2 =	vsel vm7, $0x2387, v2;
	v0 =	vsel vm2, $0x3104, v0  }
0x8d: {  	v1 =	vsel vm7, $0x3087, v1;
	v2 =	vsel vm6, $0x3000, v2;
	v0 =	vsel vm1, $0x3185, v0  }
0x8e: {  	v1 =	vsel vm6, $0x3100, v1;
	v58 =	vsel vm15, $0x3206, v0;
	v0 =	vsel vm14, $0x2080, v4  }
0x8f: {  	v2 =	vsel vm5, $0x3081, v2;
	v1 =	vsel vm5, $0x3181, v1;
	v0 =	vsel vm13, $0x2101, v0  }
0x90: {  	v2 =	vsel vm4, $0x3102, v2;
	v1 =	vsel vm4, $0x3202, v1;
	v0 =	vsel vm12, $0x2182, v0  }
0x91: {  	v2 =	vsel vm3, $0x3183, v2;
	v1 =	vsel vm3, $0x3283, v1;
	v0 =	vsel vm11, $0x2203, v0  }
0x92: {  	v2 =	vsel vm2, $0x3204, v2;
	v1 =	vsel vm2, $0x3304, v1;
	v0 =	vsel vm10, $0x2284, v0  }
0x93: {  	v2 =	vsel vm1, $0x3285, v2;
	v1 =	vsel vm1, $0x3385, v1;
	v0 =	vsel vm9, $0x2305, v0  }
0x94: {  	v60 =	vsel vm15, $0x3306, v2;
	v2 =	vsel vm14, $0x2180, v6;
	v0 =	vsel vm8, $0x2386, v0  }
0x95: {  	v13 =	vsel vm15, $0x6, v1;
	v2 =	vsel vm13, $0x2201, v2;
	v0 =	vsel vm7, $0x3007, v0  }
0x96: {  	v1 =	vsel vm14, $0x2280, v9;
	v2 =	vsel vm12, $0x2282, v2;
	v0 =	vsel vm6, $0x3080, v0  }
0x97: {  	v1 =	vsel vm13, $0x2301, v1;
	v2 =	vsel vm11, $0x2303, v2;
	v0 =	vsel vm5, $0x3101, v0  }
0x98: {  	[tilespmem:$0x1FCC0] =	vst v60;
	v60 =	vimm.s32 $0x387;
	v2 =	vsel vm10, $0x2384, v2;
	v0 =	vsel vm4, $0x3182, v0  }
0x99: {  	v1 =	vsel vm12, $0x2382, v1;
	v2 =	vsel vm9, $0x3005, v2;
	v0 =	vsel vm3, $0x3203, v0  }
0x9a: {  	v1 =	vsel vm11, $0x3003, v1;
	v2 =	vsel vm8, $0x3086, v2;
	v0 =	vsel vm2, $0x3284, v0  }
0x9b: {  	v1 =	vsel vm10, $0x3084, v1;
	v2 =	vsel vm7, $0x3107, v2;
	v0 =	vsel vm1, $0x3305, v0  }
0x9c: {  	v2 =	vsel vm6, $0x3180, v2;
	v14 =	vsel vm15, $0x3386, v0;
	v0 =	vsel vm14, $0x2200, v8  }
0x9d: {  	v1 =	vsel vm9, $0x3105, v1;
	v2 =	vsel vm5, $0x3201, v2;
	v0 =	vsel vm13, $0x2281, v0  }
0x9e: {  	v1 =	vsel vm8, $0x3186, v1;
	v2 =	vsel vm4, $0x3282, v2;
	v0 =	vsel vm12, $0x2302, v0  }
0x9f: {  	v1 =	vsel vm7, $0x3207, v1;
	v2 =	vsel vm3, $0x3303, v2;
	v0 =	vsel vm11, $0x2383, v0  }
0xa0: {  	v1 =	vsel vm6, $0x3280, v1;
	v2 =	vsel vm2, $0x3384, v2;
	v0 =	vsel vm10, $0x3004, v0  }
0xa1: {  	v1 =	vsel vm5, $0x3301, v1;
	v2 =	vsel vm1, $0x5, v2;
	v0 =	vsel vm9, $0x3085, v0  }
0xa2: {  	v7 =	vsel vm15, $0x86, v2;
	v2 =	vsel vm14, $0x2300, v10;
	v0 =	vsel vm8, $0x3106, v0  }
0xa3: {  	v1 =	vsel vm4, $0x3382, v1;
	v2 =	vsel vm13, $0x2381, v2;
	v0 =	vsel vm7, $0x3187, v0  }
0xa4: {  	v1 =	vsel vm3, $0x3, v1;
	v2 =	vsel vm12, $0x3002, v2;
	v0 =	vsel vm6, $0x3200, v0  }
0xa5: {  	v1 =	vsel vm2, $0x84, v1;
	v2 =	vsel vm11, $0x3083, v2;
	v0 =	vsel vm5, $0x3281, v0  }
0xa6: {  	v1 =	vsel vm1, $0x105, v1;
	v2 =	vsel vm10, $0x3104, v2;
	v0 =	vsel vm4, $0x3302, v0  }
0xa7: {  	v56 =	vsel vm15, $0x186, v1;
	v2 =	vsel vm9, $0x3185, v2;
	v0 =	vsel vm3, $0x3383, v0  }
0xa8: {  	v1 =	vsel vm14, $0x3000, v60;
	v2 =	vsel vm8, $0x3206, v2;
	v0 =	vsel vm2, $0x4, v0  }
0xa9: {  	[tilespmem:$0x1FCB0] =	vst v59;
	v1 =	vsel vm13, $0x3081, v1;
	v2 =	vsel vm7, $0x3287, v2;
	v0 =	vsel vm1, $0x85, v0  }
0xaa: {  	s0 =	rddreg [dreg:$0x0];
	s3 =	simm.s32 $0x0;
	[tilespmem:$0x1FCD0] =	vst v7;
	v1 =	vsel vm12, $0x3102, v1;
	v2 =	vsel vm6, $0x3300, v2;
	v0 =	vsel vm15, $0x106, v0  }
0xab: {  	[smem:$0x7FF] =	sst s3;
	v4 =	vimm.s32 $0x1007;
	v1 =	vsel vm11, $0x3183, v1;
	v2 =	vsel vm5, $0x3381, v2;
	[tilespmem:$0x1FCE0] =	vst v0  }
0xac: {  	s1 =	rddreg [dreg:$0x1];
	v9 =	vimm.s32 $0x1187;
	v1 =	vsel vm10, $0x3204, v1;
	v2 =	vsel vm4, $0x2, v2;
	_ =	strace $0x8000004A;
	[tilespmem:$0x1FCF0] =	vst v41  }
0xad: {  	v8 =	vimm.s32 $0x1107;
	v1 =	vsel vm9, $0x3285, v1;
	v2 =	vsel vm3, $0x83, v2;
	[tilespmem:$0x1FD00] =	vst v30  }
0xae: {  	v10 =	vimm.s32 $0x1207;
	v1 =	vsel vm8, $0x3306, v1;
	v2 =	vsel vm2, $0x104, v2;
	[tilespmem:$0x1FD10] =	vst v17  }
0xaf: {  	v60 =	vimm.s32 $0x1307;
	v1 =	vsel vm7, $0x3387, v1;
	v2 =	vsel vm1, $0x185, v2;
	[tilespmem:$0x1FD20] =	vst v27  }
0xb0: {  	v1 =	vsel vm6, $0x0, v1;
	v59 =	vsel vm15, $0x206, v2;
	v2 =	vsel vm14, $0x3080, v4;
	[tilespmem:$0x1FD30] =	vst v34  }
0xb1: {  	v1 =	vsel vm5, $0x81, v1;
	v0 =	vsel vm14, $0x2380, v11;
	v2 =	vsel vm13, $0x3101, v2;
	[tilespmem:$0x1FD40] =	vst v35  }
0xb2: {  	v1 =	vsel vm4, $0x102, v1;
	v0 =	vsel vm13, $0x3001, v0;
	v2 =	vsel vm12, $0x3182, v2;
	[tilespmem:$0x1FD50] =	vst v36  }
0xb3: {  	v1 =	vsel vm3, $0x183, v1;
	[tilespmem:$0x1FD60] =	vst v21;
	v0 =	vsel vm12, $0x3082, v0;
	v2 =	vsel vm11, $0x3203, v2  }
0xb4: {  	v1 =	vsel vm2, $0x204, v1;
	[tilespmem:$0x1FD70] =	vst v37;
	v0 =	vsel vm11, $0x3103, v0;
	v2 =	vsel vm10, $0x3284, v2  }
0xb5: {  	v1 =	vsel vm1, $0x285, v1;
	[tilespmem:$0x1FD80] =	vst v25;
	v0 =	vsel vm10, $0x3184, v0;
	v2 =	vsel vm9, $0x3305, v2  }
0xb6: {  	v6 =	vsel vm15, $0x306, v1;
	[tilespmem:$0x1FD90] =	vst v32;
	v0 =	vsel vm9, $0x3205, v0;
	v2 =	vsel vm8, $0x3386, v2  }
0xb7: {  	v1 =	vsel vm14, $0x3180, v8;
	[tilespmem:$0x1FDA0] =	vst v33;
	v0 =	vsel vm8, $0x3286, v0;
	v2 =	vsel vm7, $0x7, v2  }
0xb8: {  	v1 =	vsel vm13, $0x3201, v1;
	[tilespmem:$0x1FDB0] =	vst v48;
	v0 =	vsel vm7, $0x3307, v0;
	v2 =	vsel vm6, $0x80, v2  }
0xb9: {  	v11 =	vimm.s32 $0x1287;
	[tilespmem:$0x1FDC0] =	vst v50;
	v0 =	vsel vm6, $0x3380, v0;
	v2 =	vsel vm5, $0x101, v2  }
0xba: {  	v1 =	vsel vm12, $0x3282, v1;
	[tilespmem:$0x1FDD0] =	vst v51;
	v0 =	vsel vm5, $0x1, v0;
	v2 =	vsel vm4, $0x182, v2  }
0xbb: {  	[tilespmem:$0x1FDE0] =	vst v52;
	v1 =	vsel vm11, $0x3303, v1;
	v0 =	vsel vm4, $0x82, v0;
	v2 =	vsel vm3, $0x203, v2  }
0xbc: {  	[tilespmem:$0x1FDF0] =	vst v53;
	v1 =	vsel vm10, $0x3384, v1;
	v0 =	vsel vm3, $0x103, v0;
	v2 =	vsel vm2, $0x284, v2  }
0xbd: {  	[tilespmem:$0x1FE00] =	vst v54;
	v1 =	vsel vm9, $0x5, v1;
	v0 =	vsel vm2, $0x184, v0;
	v2 =	vsel vm1, $0x305, v2  }
0xbe: {  	[tilespmem:$0x1FE10] =	vst v55;
	v0 =	vsel vm1, $0x205, v0;
	v4 =	vsel vm15, $0x386, v2;
	v2 =	vsel vm14, $0x3200, v9  }
0xbf: {  	[tilespmem:$0x1FE20] =	vst v61;
	v7 =	vsel vm15, $0x286, v0;
	v0 =	vsel vm14, $0x3100, v5;
	v2 =	vsel vm13, $0x3281, v2  }
0xc0: {  	[tilespmem:$0x1FE30] =	vst v62;
	v1 =	vsel vm8, $0x86, v1;
	v0 =	vsel vm13, $0x3181, v0;
	v2 =	vsel vm12, $0x3302, v2  }
0xc1: {  	[tilespmem:$0x1FE40] =	vst v63;
	v1 =	vsel vm7, $0x107, v1;
	v0 =	vsel vm12, $0x3202, v0;
	v2 =	vsel vm11, $0x3383, v2  }
0xc2: {  	[tilespmem:$0x1FE50] =	vst v49;
	v1 =	vsel vm6, $0x180, v1;
	v0 =	vsel vm11, $0x3283, v0;
	v2 =	vsel vm10, $0x4, v2  }
0xc3: {  	[tilespmem:$0x1FE60] =	vst v31;
	v1 =	vsel vm5, $0x201, v1;
	v0 =	vsel vm10, $0x3304, v0;
	v2 =	vsel vm9, $0x85, v2  }
0xc4: {  	[tilespmem:$0x1FE70] =	vst v57;
	v1 =	vsel vm4, $0x282, v1;
	v0 =	vsel vm9, $0x3385, v0;
	v2 =	vsel vm8, $0x106, v2  }
0xc5: {  	[tilespmem:$0x1FE80] =	vst v58;
	v1 =	vsel vm3, $0x303, v1;
	v0 =	vsel vm8, $0x6, v0;
	v2 =	vsel vm7, $0x187, v2  }
0xc6: {  	[tilespmem:$0x1FE90] =	vst v14;
	v1 =	vsel vm2, $0x384, v1;
	v0 =	vsel vm7, $0x87, v0;
	v2 =	vsel vm6, $0x200, v2  }
0xc7: {  	[tilespmem:$0x1FEA0] =	vst v13;
	v1 =	vsel vm1, $0x1005, v1;
	v0 =	vsel vm6, $0x100, v0;
	v2 =	vsel vm5, $0x281, v2  }
0xc8: {  	[tilespmem:$0x1FEB0] =	vst v56;
	v5 =	vsel vm15, $0x1086, v1;
	v0 =	vsel vm5, $0x181, v0;
	v2 =	vsel vm4, $0x302, v2  }
0xc9: {  	[tilespmem:$0x1FEC0] =	vst v59;
	v1 =	vsel vm14, $0x3300, v11;
	v0 =	vsel vm4, $0x202, v0;
	v2 =	vsel vm3, $0x383, v2  }
0xca: {  	[tilespmem:$0x1FEE0] =	vst v6;
	v1 =	vsel vm13, $0x3381, v1;
	v0 =	vsel vm3, $0x283, v0;
	v2 =	vsel vm2, $0x1004, v2  }
0xcb: {  	[tilespmem:$0x1FEF0] =	vst v29;
	v1 =	vsel vm12, $0x2, v1;
	v0 =	vsel vm2, $0x304, v0;
	v2 =	vsel vm1, $0x1085, v2  }
0xcc: {  	[tilespmem:$0x1FF10] =	vst v12;
	v0 =	vsel vm1, $0x385, v0;
	v15 =	vsel vm15, $0x1106, v2;
	v2 =	vsel vm14, $0x3380, v60  }
0xcd: {  	[tilespmem:$0x1FF40] =	vst v26;
	v3 =	vsel vm15, $0x1006, v0;
	v0 =	vsel vm14, $0x3280, v10;
	v2 =	vsel vm13, $0x1, v2  }
0xce: {  	[tilespmem:$0x1FF50] =	vst v22;
	v1 =	vsel vm11, $0x83, v1;
	v0 =	vsel vm13, $0x3301, v0;
	v2 =	vsel vm12, $0x82, v2  }
0xcf: {  	[tilespmem:$0x1FF60] =	vst v19;
	v1 =	vsel vm10, $0x104, v1;
	v0 =	vsel vm12, $0x3382, v0;
	v2 =	vsel vm11, $0x103, v2  }
0xd0: {  	[tilespmem:$0x1FF70] =	vst v20;
	v1 =	vsel vm9, $0x185, v1;
	v0 =	vsel vm11, $0x3, v0;
	v2 =	vsel vm10, $0x184, v2  }
0xd1: {  	s2 =	srdreg.scid;
	[tilespmem:$0x1FF80] =	vst v18;
	v1 =	vsel vm8, $0x206, v1;
	v0 =	vsel vm10, $0x84, v0;
	v2 =	vsel vm9, $0x205, v2  }
0xd2: {  	s4 =	stileid.u32;
	s12 =	simm.s32 $0x3400;
	s15 =	simm.s32 $0x5400;
	[tilespmem:$0x1FF90] =	vst v23;
	v1 =	vsel vm7, $0x287, v1;
	v0 =	vsel vm9, $0x105, v0;
	v2 =	vsel vm8, $0x286, v2  }
0xd3: {  	s10 =	simm.s32 $0x5;
	s16 =	simm.s32 $0x180;
	s17 =	simm.s32 $0x6400;
	[tilespmem:$0x1FFB0] =	vst v24;
	v1 =	vsel vm6, $0x300, v1;
	v0 =	vsel vm8, $0x186, v0;
	v2 =	vsel vm7, $0x307, v2  }
0xd4: {  	s11 =	simm.s32 $0x80;
	s19 =	simm.s32 $0x7400;
	s20 =	simm.s32 $0x8400;
	[tilespmem:$0x1FFC0] =	vst v28;
	v1 =	vsel vm5, $0x381, v1;
	v0 =	vsel vm7, $0x207, v0;
	v2 =	vsel vm6, $0x380, v2  }
0xd5: {  	s18 =	simm.s32 $0x1;
	s21 =	simm.s32 $0x9400;
	s22 =	simm.s32 $0xA400;
	[tilespmem:$0x1FF00] =	vst v4;
	v1 =	vsel vm4, $0x1002, v1;
	v0 =	vsel vm6, $0x280, v0;
	v2 =	vsel vm5, $0x1001, v2  }
0xd6: {  	s23 =	simm.s32 $0xB400;
	s24 =	simm.s32 $0x1000;
	s2 =	sand.u32 $0x1, s2;
	[tilespmem:$0x1FED0] =	vst v7;
	v1 =	vsel vm3, $0x1083, v1;
	v0 =	vsel vm5, $0x301, v0;
	v2 =	vsel vm4, $0x1082, v2  }
0xd7: {  	s28 =	simm.s32 $0xF400;
	s4 =	sshll.u32 s4, $0x3;
	s5 =	sshll.u32 s2, $0x2;
	[tilespmem:$0x1FF30] =	vst v5;
	v1 =	vsel vm2, $0x1104, v1;
	v0 =	vsel vm4, $0x382, v0;
	v2 =	vsel vm3, $0x1103, v2  }
0xd8: {  	s29 =	simm.s32 $0x3;
	s30 =	simm.s32 $0x4;
	s6 =	sor.u32 s5, s4;
	v1 =	vsel vm1, $0x1185, v1;
	[tilespmem:$0x1FFE0] =	vst v15;
	v0 =	vsel vm3, $0x1003, v0;
	v2 =	vsel vm2, $0x1184, v2  }
0xd9: {  	s31 =	simm.s32 $0x0;
	s2 =	ssub.s32 $0x2, s2;
	s4 =	sshll.u32 s6, $0x4;
	v1 =	vsel vm15, $0x1206, v1;
	[tilespmem:$0x1FF20] =	vst v3;
	v0 =	vsel vm2, $0x1084, v0;
	v2 =	vsel vm1, $0x1205, v2  }
0xda: {  	v44 =	vadd.s32 $0x3, v42;
	s26 =	sshrl.u32 s2, $0x1;
	s6 =	sshll.u32 s6, $0xA;
	s25 =	sadd.s32 s4, s0;
	[tilespmem:$0x1FFF0] =	vst v1;
	v0 =	vsel vm1, $0x1105, v0;
	v60 =	vsel vm15, $0x1286, v2  }
0xdb: {  	v45 =	vadd.s32 $0x4, v42;
	v38 =	vadd.s32 $0x5, v42;
	s4 =	sadd.s32 $0xA00, s0;
	s0 =	ssub.s32 s2, s26;
	s26 =	simm.s32 $0x2;
	v0 =	vsel vm15, $0x1186, v0;
	[tilespmem:$0x1FFA0] =	vst v60  }
0xdc: {  	v46 =	vadd.s32 $0x6, v42;
	v39 =	vadd.s32 $0x7, v42;
	v47 =	vadd.s32 $0x8, v42;
	s5 =	sadd.s32 $0x3D1400, s25;
	s7 =	smax.u32 s0, $0x1;
	s25 =	simm.s32 $0x20000;
	[tilespmem:$0x1FFD0] =	vst v0  }
.LBB2_1:
0xdd: {  	s0 =	simm.s32 $0x200;
	s2 =	simm.s32 $0x4000  }
0xde: {  	[tilespmem:s3], [sflag:$0x5] =	stream.strided.gather [hbm4b:s5+s0], $0x3400, s2, s0, $0x38;
	[tilespmem:$0x13400] =	vst v63  }
0xdf: {  	_ =	swait.ge [sflag:s10], $0x3400  }
0xe0: {  	[sflag:s10] =	ssyncset.done $0x0  }
0xe1: {  	[sflag:s10] =	ssyncadd.s32 $0xFFFFCC00  }
0xe2: {  	[tilespmem:s12], [sflag:$0x1] =	stream.indirect.gather [hbm4b:s4+s11], $0x20, s3, s11, $0xb8;
	[tilespmem:$0x13400] =	vst v63  }
0xe3: {  	s13 =	simm.s32 $0x4400  }
0xe4: {  	[tilespmem:s13], [sflag:$0x1] =	stream.indirect.gather [hbm4b:s4+s11], $0x20, s11, s11, $0xb8;
	[tilespmem:$0x13400] =	vst v63  }
0xe5: {  	s14 =	simm.s32 $0x100  }
0xe6: {  	[tilespmem:s15], [sflag:$0x1] =	stream.indirect.gather [hbm4b:s4+s11], $0x20, s14, s11, $0xb8;
	[tilespmem:$0x13400] =	vst v63  }
0xe7: {  	s0 =	simm.s32 $0x0  }
0xe8: {  	[tilespmem:s17], [sflag:$0x1] =	stream.indirect.gather [hbm4b:s4+s11], $0x20, s16, s11, $0xb8;
	[tilespmem:$0x13400] =	vst v63  }
.LBB2_2:
0xe9: {  	_ =	swait.ge [sflag:s18], $0x1000  }
0xea: {  	[sflag:s18] =	ssyncset.done $0x0  }
0xeb: {  	[sflag:s18] =	ssyncadd.s32 $0xFFFFF000  }
0xec: {  	_ =	swait.ge [sflag:s18], $0x1000  }
0xed: {  	[sflag:s18] =	ssyncset.done $0x0  }
0xee: {  	[sflag:s18] =	ssyncadd.s32 $0xFFFFF000  }
0xef: {  	_ =	swait.ge [sflag:s18], $0x1000  }
0xf0: {  	[sflag:s18] =	ssyncset.done $0x0  }
0xf1: {  	[sflag:s18] =	ssyncadd.s32 $0xFFFFF000  }
0xf2: {  	s2 =	sshllo.u32 s0, $0x1;
	_ =	swait.ge [sflag:s18], $0x1000  }
0xf3: {  	s8 =	sshll.u32 s2, $0x9;
	[sflag:s18] =	ssyncset.done $0x0  }
0xf4: {  	s8 =	sand.u32 $0x3FFFFE00, s8;
	[sflag:s18] =	ssyncadd.s32 $0xFFFFF000  }
0xf5: {  	[tilespmem:s19], [sflag:$0x2] =	stream.indirect.gather [hbm4b:s4+s11], $0x20, s8, s11, $0xb8;
	[tilespmem:$0x13400] =	vst v63  }
0xf6: {  	s9 =	sor.u32 $0x80, s8  }
0xf7: {  	[tilespmem:s20], [sflag:$0x2] =	stream.indirect.gather [hbm4b:s4+s11], $0x20, s9, s11, $0xb8;
	[tilespmem:$0x13400] =	vst v63  }
0xf8: {  	s14 =	simm.s32 $0x0;
	s13 =	sor.u32 $0x100, s8  }
0xf9: {  	v2 =	vor.u32 s14, v42;
	[tilespmem:s21], [sflag:$0x2] =	stream.indirect.gather [hbm4b:s4+s11], $0x20, s13, s11, $0xb8;
	[tilespmem:$0x13400] =	vst v63  }
0xfa: {  	p0 =	seq.s32 s0, $0x0;
	v4 =	vshll.u32 v2, $0x5;
	s8 =	sor.u32 $0x180, s8  }
0xfb: {  	v0 =	vor.u32 v22, v4;
	[tilespmem:s22], [sflag:$0x2] =	stream.indirect.gather [hbm4b:s4+s11], $0x20, s8, s11, $0xb8;
	[tilespmem:$0x13400] =	vst v63  }
0xfc: {  	v1 =	vor.u32 v19, v4;
	s8 =	simm.s32 @!p0 $0x3  }
0xfd: {  	v3 =	vor.u32 v26, v4;
	_ =	swait.ge @!p0 [sflag:s8], $0x4000  }
0xfe: {  	v5 =	vor.u32 v20, v4;
	[sflag:s8] =	ssyncset.done @!p0 $0x0  }
0xff: {  	v8 =	vor.u32 v47, v4;
	[sflag:s8] =	ssyncadd.s32 @!p0 $0xFFFFC000  }
0x100: {  	v10 =	vor.u32 v39, v4;
	v6 =	vld.idx.msk [tilespmem:v0+s12+$0x0], $0xffff  }
0x101: {  	v11 =	vor.u32 v38, v4;
	v9 =	vld.idx.msk [tilespmem:v1+s12+$0x0], $0xffff  }
0x102: {  	v0 =	vor.u32 v46, v4;
	v1 =	vld.idx.msk [tilespmem:v3+s12+$0x0], $0xffff  }
0x103: {  	v3 =	vor.u32 v45, v4;
	v7 =	vld.idx.msk [tilespmem:v5+s12+$0x0], $0xffff  }
0x104: {  	v5 =	vor.u32 v18, v4;
	v13 =	vld.idx.msk [tilespmem:v8+s12+$0x0], $0xffff  }
0x105: {  	v8 =	vor.u32 v23, v4;
	v14 =	vld.idx.msk [tilespmem:v10+s12+$0x0], $0xffff  }
0x106: {  	v10 =	vor.u32 v24, v4;
	v20 =	vld.idx.msk [tilespmem:v11+s12+$0x0], $0xffff  }
0x107: {  	v16 =	vor.u32 v44, v4;
	v19 =	vld.idx.msk [tilespmem:v0+s12+$0x0], $0xffff  }
0x108: {  	v0 =	vor.u32 v12, v4;
	v23 =	vld.idx.msk [tilespmem:v3+s12+$0x0], $0xffff  }
0x109: {  	v12 =	vor.u32 v28, v4;
	v26 =	vld.idx.msk [tilespmem:v5+s12+$0x0], $0xffff  }
0x10a: {  	v3 =	vor.u32 v29, v4;
	v11 =	vld.idx.msk [tilespmem:v8+s12+$0x0], $0xffff  }
0x10b: {  	v5 =	vor.u32 v42, v4;
	v15 =	vld.idx.msk [tilespmem:v10+s12+$0x0], $0xffff  }
0x10c: {  	v10 =	vor.u32 v25, v4;
	v29 =	vld.idx.msk [tilespmem:v16+s12+$0x0], $0xffff  }
0x10d: {  	v18 =	vor.u32 v41, v4;
	v0 =	vld.idx.msk [tilespmem:v0+s12+$0x0], $0xffff  }
0x10e: {  	v21 =	vor.u32 v21, v4;
	v8 =	vld.idx.msk [tilespmem:v12+s12+$0x0], $0xffff  }
0x10f: {  	v49 =	vor.u32 v32, v4;
	v3 =	vld.idx.msk [tilespmem:v3+s12+$0x0], $0xffff  }
0x110: {  	v12 =	vor.u32 v43, v4;
	v31 =	vld.idx.msk [tilespmem:v5+s12+$0x0], $0xffff  }
0x111: {  	v56 =	vmov v28;
	v22 =	vor.u32 v17, v4;
	v5 =	vor.u32 v27, v4;
	v17 =	vld.idx.msk [tilespmem:v10+s12+$0x0], $0xffff  }
0x112: {  	v60 =	vmovc v30;
	v58 =	vmov v34;
	v32 =	vor.u32 v34, v4;
	v34 =	vor.u32 v40, v4;
	v10 =	vld.idx.msk [tilespmem:v18+s12+$0x0], $0xffff  }
0x113: {  	v24 =	vor.u32 v33, v4;
	v25 =	vor.u32 v35, v4;
	v28 =	vor.u32 v48, v4;
	v18 =	vld.idx.msk [tilespmem:v21+s12+$0x0], $0xffff  }
0x114: {  	v21 =	vor.u32 v30, v4;
	v27 =	vor.u32 v36, v4;
	v30 =	vor.u32 v37, v4;
	v4 =	vld.idx.msk [tilespmem:v49+s12+$0x0], $0xffff  }
0x115: {  	v53 =	vand.u32 $0x78, v2;
	v2 =	vmov s14;
	v33 =	vld.idx.msk [tilespmem:v12+s12+$0x0], $0xffff  }
0x116: {  	v2 =	vshll.u32 v2, $0x3;
	v16 =	vld.idx.msk [tilespmem:v5+s12+$0x0], $0xffff  }
0x117: {  	v57 =	vmov v41;
	v59 =	vmov v36;
	v12 =	vld.idx.msk [tilespmem:v22+s12+$0x0], $0xffff;
	v5 =	vand.u32 $0xC00, v2  }
0x118: {  	v63 =	vmovc v40;
	v62 =	vmovc v37;
	v61 =	vmov v48;
	s8 =	simm.s32 $0x10;
	v49 =	vmov v35;
	v2 =	vld.idx.msk [tilespmem:v24+s12+$0x0], $0xffff;
	v5 =	vor.u32 v5, v53  }
.LBB2_3:
0x119: {  	_ =	sdelay $0x1  }
0x11a: {  	v22 =	vld.idx.msk [tilespmem:v30+s12+$0x0], $0xffff  }
0x11b: {  	v24 =	vld.idx.msk [tilespmem:v28+s12+$0x0], $0xffff  }
0x11c: {  	v28 =	vld [tilespmem:$0x1FDC0]  }
0x11d: {  	v35 =	vld.idx.msk [tilespmem:v27+s12+$0x0], $0xffff  }
0x11e: {  	v27 =	vld [tilespmem:$0x1FDD0]  }
0x11f: {  	v36 =	vld.idx.msk [tilespmem:v25+s12+$0x0], $0xffff  }
0x120: {  	v25 =	vld [tilespmem:$0x1FDE0]  }
0x121: {  	v30 =	vld.idx.msk [tilespmem:v21+s12+$0x0], $0xffff  }
0x122: {  	v21 =	vld [tilespmem:$0x1FDF0]  }
0x123: {  	v28 =	vor.u32 v28, v5;
	_ =	sdelay $0x1  }
0x124: {  	v34 =	vld.idx.msk [tilespmem:v34+s12+$0x0], $0xffff;
	v27 =	vor.u32 v27, v5  }
0x125: {  	v37 =	vld [tilespmem:$0x1FE00];
	v25 =	vor.u32 v25, v5  }
0x126: {  	v32 =	vld.idx.msk [tilespmem:v32+s12+$0x0], $0xffff;
	v21 =	vor.u32 v21, v5  }
0x127: {  	[tilespmem:v28+s23+$0x0] =	vst.idx.msk $0xffff, v31;
	v28 =	vld [tilespmem:$0x1FE10];
	_ =	sdelay $0x1  }
0x128: {  	[tilespmem:v27+s23+$0x0] =	vst.idx.msk $0xffff, v33;
	v27 =	vld [tilespmem:$0x1FE20]  }
0x129: {  	v37 =	vor.u32 v37, v5;
	[tilespmem:v25+s23+$0x0] =	vst.idx.msk $0xffff, v26;
	v25 =	vld [tilespmem:$0x1FE30]  }
0x12a: {  	[tilespmem:v21+s23+$0x0] =	vst.idx.msk $0xffff, v29;
	v21 =	vld [tilespmem:$0x1FE40]  }
0x12b: {  	v28 =	vor.u32 v28, v5  }
0x12c: {  	v31 =	vld [tilespmem:$0x1FFD0]  }
0x12d: {  	v26 =	vld [tilespmem:$0x1FFA0];
	v27 =	vor.u32 v27, v5  }
0x12e: {  	[tilespmem:v37+s23+$0x0] =	vst.idx.msk $0xffff, v23;
	v23 =	vld [tilespmem:$0x1FC90];
	v25 =	vor.u32 v25, v5  }
0x12f: {  	v29 =	vld [tilespmem:$0x1FFF0];
	v21 =	vor.u32 v21, v5  }
0x130: {  	[tilespmem:v28+s23+$0x0] =	vst.idx.msk $0xffff, v20;
	v20 =	vld [tilespmem:$0x1FE50]  }
0x131: {  	v28 =	vld [tilespmem:$0x1FFE0]  }
0x132: {  	[tilespmem:v27+s23+$0x0] =	vst.idx.msk $0xffff, v19;
	v19 =	vld [tilespmem:$0x1FE60]  }
0x133: {  	v23 =	vor.u32 v23, v5;
	[tilespmem:v25+s23+$0x0] =	vst.idx.msk $0xffff, v14;
	v14 =	vld [tilespmem:$0x1FCA0]  }
0x134: {  	[tilespmem:v21+s23+$0x0] =	vst.idx.msk $0xffff, v13;
	v21 =	vld [tilespmem:$0x1FF00]  }
0x135: {  	v27 =	vld [tilespmem:$0x1FF30];
	v20 =	vor.u32 v20, v5  }
0x136: {  	v13 =	vld [tilespmem:$0x1FE70]  }
0x137: {  	v25 =	vld [tilespmem:$0x1FF20];
	v19 =	vor.u32 v19, v5  }
0x138: {  	[tilespmem:v23+s23+$0x0] =	vst.idx.msk $0xffff, v9;
	v9 =	vld [tilespmem:$0x1FE80]  }
0x139: {  	v54 =	vmov v39;
	v14 =	vor.u32 v14, v5;
	v39 =	vor.u32 v21, v5;
	v21 =	vld [tilespmem:$0x1FEE0]  }
0x13a: {  	[tilespmem:v20+s23+$0x0] =	vst.idx.msk $0xffff, v6;
	v6 =	vld [tilespmem:$0x1FCB0]  }
0x13b: {  	v13 =	vor.u32 v13, v5;
	v20 =	vld [tilespmem:$0x1FED0]  }
0x13c: {  	[tilespmem:v19+s23+$0x0] =	vst.idx.msk $0xffff, v15;
	v15 =	vld [tilespmem:$0x1FCC0]  }
0x13d: {  	v9 =	vor.u32 v9, v5;
	v19 =	vld [tilespmem:$0x1FEC0]  }
0x13e: {  	[tilespmem:v14+s23+$0x0] =	vst.idx.msk $0xffff, v7;
	v7 =	vld [tilespmem:$0x1FE90]  }
0x13f: {  	v14 =	vld [tilespmem:$0x1FEB0]  }
0x140: {  	[tilespmem:v13+s23+$0x0] =	vst.idx.msk $0xffff, v11;
	v11 =	vld [tilespmem:$0x1FEA0]  }
0x141: {  	v13 =	vld [tilespmem:$0x1FCE0]  }
0x142: {  	v31 =	vor.u32 v31, v5;
	[tilespmem:v9+s23+$0x0] =	vst.idx.msk $0xffff, v17;
	v9 =	vld [tilespmem:$0x1FCD0]  }
0x143: {  	v26 =	vor.u32 v26, v5;
	v29 =	vor.u32 v29, v5;
	v6 =	vor.u32 v6, v5  }
0x144: {  	v33 =	vor.u32 v28, v5;
	v37 =	vor.u32 v27, v5;
	v15 =	vor.u32 v15, v5  }
0x145: {  	v52 =	vmovc v38;
	v38 =	vor.u32 v25, v5;
	v23 =	vor.u32 v21, v5;
	v7 =	vor.u32 v7, v5  }
0x146: {  	v20 =	vor.u32 v20, v5;
	v19 =	vor.u32 v19, v5;
	v11 =	vor.u32 v11, v5  }
0x147: {  	v14 =	vor.u32 v14, v5;
	v13 =	vor.u32 v13, v5;
	v5 =	vor.u32 v9, v5  }
0x148: {  	[tilespmem:v6+s23+$0x0] =	vst.idx.msk $0xffff, v18  }
0x149: {  	[tilespmem:v15+s23+$0x0] =	vst.idx.msk $0xffff, v1  }
0x14a: {  	[tilespmem:v7+s23+$0x0] =	vst.idx.msk $0xffff, v16  }
0x14b: {  	[tilespmem:v11+s23+$0x0] =	vst.idx.msk $0xffff, v8  }
0x14c: {  	[tilespmem:v5+s23+$0x0] =	vst.idx.msk $0xffff, v10;
	v5 =	vld [tilespmem:$0x1FD80]  }
0x14d: {  	s9 =	smov.u32 s8  }
0x14e: {  	v21 =	vor.u32 s9, v42  }
0x14f: {  	v40 =	vshll.u32 v21, $0x5  }
0x150: {  	v48 =	vmov v43;
	v17 =	vor.u32 v42, v40  }
0x151: {  	v51 =	vmovc v45;
	v42 =	vor.u32 v43, v40;
	v43 =	vor.u32 v45, v40;
	v45 =	vor.u32 v5, v40;
	v5 =	vld [tilespmem:$0x1FD60];
	_ =	sdelay $0x4  }
0x152: {  	v53 =	vmov v46;
	v10 =	vor.u32 v46, v40;
	v46 =	vor.u32 v5, v40;
	v5 =	vld [tilespmem:$0x1FD10];
	_ =	sdelay $0x2  }
0x153: {  	v6 =	vld [tilespmem:$0x1FFB0]  }
0x154: {  	[tilespmem:v13+s23+$0x0] =	vst.idx.msk $0xffff, v30  }
0x155: {  	[tilespmem:v14+s23+$0x0] =	vst.idx.msk $0xffff, v12;
	v12 =	vor.u32 v5, v40;
	v5 =	vld [tilespmem:$0x1FEF0];
	_ =	sdelay $0x1  }
0x156: {  	v1 =	vld [tilespmem:$0x1FF60];
	[tilespmem:v19+s23+$0x0] =	vst.idx.msk $0xffff, v3  }
0x157: {  	v16 =	vor.u32 v6, v40;
	v6 =	vld [tilespmem:$0x1FF70];
	[tilespmem:v20+s23+$0x0] =	vst.idx.msk $0xffff, v32  }
0x158: {  	[tilespmem:v23+s23+$0x0] =	vst.idx.msk $0xffff, v36  }
0x159: {  	v55 =	vmov v47;
	v15 =	vor.u32 v47, v40;
	[tilespmem:v39+s23+$0x0] =	vst.idx.msk $0xffff, v35;
	v47 =	vor.u32 v5, v40;
	v5 =	vld [tilespmem:$0x1FF80]  }
0x15a: {  	[tilespmem:v38+s23+$0x0] =	vst.idx.msk $0xffff, v34  }
0x15b: {  	v1 =	vor.u32 v1, v40;
	[tilespmem:v37+s23+$0x0] =	vst.idx.msk $0xffff, v24  }
0x15c: {  	v7 =	vor.u32 v6, v40;
	[tilespmem:v33+s23+$0x0] =	vst.idx.msk $0xffff, v22  }
0x15d: {  	v14 =	vor.u32 v54, v40;
	[tilespmem:v31+s23+$0x0] =	vst.idx.msk $0xffff, v0  }
0x15e: {  	[tilespmem:v29+s23+$0x0] =	vst.idx.msk $0xffff, v4;
	v11 =	vor.u32 v5, v40;
	v5 =	vld [tilespmem:$0x1FD90]  }
0x15f: {  	v6 =	vld [tilespmem:$0x1FD20];
	[tilespmem:v26+s23+$0x0] =	vst.idx.msk $0xffff, v2  }
0x160: {  	v9 =	vld.idx.msk [tilespmem:v1+s12+$0x0], $0xffff  }
0x161: {  	v8 =	vor.u32 v56, v40;
	v7 =	vld.idx.msk [tilespmem:v7+s12+$0x0], $0xffff  }
0x162: {  	v2 =	vor.u32 v57, v40;
	v14 =	vld.idx.msk [tilespmem:v14+s12+$0x0], $0xffff  }
0x163: {  	v36 =	vor.u32 v5, v40;
	v5 =	vld [tilespmem:$0x1FF90]  }
0x164: {  	v19 =	vld.idx.msk [tilespmem:v10+s12+$0x0], $0xffff  }
0x165: {  	v23 =	vld.idx.msk [tilespmem:v43+s12+$0x0], $0xffff  }
0x166: {  	v18 =	vor.u32 v44, v40;
	v8 =	vld.idx.msk [tilespmem:v8+s12+$0x0], $0xffff  }
0x167: {  	v10 =	vld.idx.msk [tilespmem:v2+s12+$0x0], $0xffff  }
0x168: {  	v35 =	vor.u32 v5, v40;
	v5 =	vld [tilespmem:$0x1FF50]  }
0x169: {  	v2 =	vld [tilespmem:$0x1FDA0]  }
0x16a: {  	v0 =	vor.u32 v52, v40;
	v31 =	vld.idx.msk [tilespmem:v17+s12+$0x0], $0xffff  }
0x16b: {  	v29 =	vld.idx.msk [tilespmem:v18+s12+$0x0], $0xffff  }
0x16c: {  	v17 =	vld.idx.msk [tilespmem:v45+s12+$0x0], $0xffff  }
0x16d: {  	v50 =	vmov v44;
	v44 =	vor.u32 v6, v40;
	v6 =	vor.u32 v5, v40;
	v5 =	vld [tilespmem:$0x1FF40]  }
0x16e: {  	v33 =	vld.idx.msk [tilespmem:v42+s12+$0x0], $0xffff;
	v2 =	vor.u32 v2, v40  }
0x16f: {  	v3 =	vmov s9;
	v20 =	vld.idx.msk [tilespmem:v0+s12+$0x0], $0xffff  }
0x170: {  	v3 =	vshll.u32 v3, $0x3;
	v18 =	vld.idx.msk [tilespmem:v46+s12+$0x0], $0xffff  }
0x171: {  	v41 =	vand.u32 $0x78, v21;
	v3 =	vand.u32 $0xC00, v3;
	v12 =	vld.idx.msk [tilespmem:v12+s12+$0x0], $0xffff  }
0x172: {  	v13 =	vor.u32 v5, v40;
	v5 =	vor.u32 v3, v41;
	v3 =	vld [tilespmem:$0x1FF10]  }
0x173: {  	v2 =	vld.idx.msk [tilespmem:v2+s12+$0x0], $0xffff  }
0x174: {  	v26 =	vld.idx.msk [tilespmem:v11+s12+$0x0], $0xffff  }
0x175: {  	v4 =	vld.idx.msk [tilespmem:v36+s12+$0x0], $0xffff  }
0x176: {  	v11 =	vld.idx.msk [tilespmem:v35+s12+$0x0], $0xffff  }
0x177: {  	v6 =	vld.idx.msk [tilespmem:v6+s12+$0x0], $0xffff;
	v3 =	vor.u32 v3, v40  }
0x178: {  	p0 =	sne.s32 s8, $0x1F0;
	v1 =	vld.idx.msk [tilespmem:v13+s12+$0x0], $0xffff  }
.Ltmp0:
0x179: {  	v13 =	vld.idx.msk [tilespmem:v15+s12+$0x0], $0xffff;
	(pc) =	sbr.rel @p0 .LBB2_3-.Ltmp0, $4  }
0x17a: {  	v21 =	vor.u32 v60, v40;
	v25 =	vor.u32 v49, v40;
	v27 =	vor.u32 v59, v40;
	v15 =	vld.idx.msk [tilespmem:v16+s12+$0x0], $0xffff  }
0x17b: {  	v28 =	vor.u32 v61, v40;
	v30 =	vor.u32 v62, v40;
	v32 =	vor.u32 v58, v40;
	v16 =	vld.idx.msk [tilespmem:v44+s12+$0x0], $0xffff  }
0x17c: {  	v39 =	vmovc v54;
	v38 =	vmov v52;
	v34 =	vor.u32 v63, v40;
	v43 =	vmov v48;
	v0 =	vld.idx.msk [tilespmem:v3+s12+$0x0], $0xffff  }
0x17d: {  	s8 =	sadd.s32 $0x10, s8;
	v45 =	vmovc v51;
	v42 =	vlaneseq.u32;
	v46 =	vmovc v53;
	v44 =	vmov v50;
	v3 =	vld.idx.msk [tilespmem:v47+s12+$0x0], $0xffff;
	v47 =	vmov v55  }
0x17e: {  	_ =	sdelay $0x3  }
0x17f: {  	v22 =	vld.idx.msk [tilespmem:v30+s12+$0x0], $0xffff  }
0x180: {  	v24 =	vld.idx.msk [tilespmem:v28+s12+$0x0], $0xffff  }
0x181: {  	v30 =	vld [tilespmem:$0x1FDC0]  }
0x182: {  	v28 =	vld.idx.msk [tilespmem:v34+s12+$0x0], $0xffff  }
0x183: {  	v27 =	vld.idx.msk [tilespmem:v27+s12+$0x0], $0xffff  }
0x184: {  	v41 =	vld [tilespmem:$0x1FDD0]  }
0x185: {  	v25 =	vld.idx.msk [tilespmem:v25+s12+$0x0], $0xffff  }
0x186: {  	v35 =	vld [tilespmem:$0x1FDE0];
	v30 =	vor.u32 v30, v5  }
0x187: {  	v21 =	vld.idx.msk [tilespmem:v21+s12+$0x0], $0xffff  }
0x188: {  	v36 =	vld [tilespmem:$0x1FDF0]  }
0x189: {  	v32 =	vld.idx.msk [tilespmem:v32+s12+$0x0], $0xffff  }
0x18a: {  	v37 =	vld [tilespmem:$0x1FE00]  }
0x18b: {  	[tilespmem:v30+s23+$0x0] =	vst.idx.msk $0xffff, v31;
	v30 =	vld [tilespmem:$0x1FE10]  }
0x18c: {  	v34 =	vor.u32 v41, v5;
	v31 =	vld [tilespmem:$0x1FE20]  }
0x18d: {  	v35 =	vor.u32 v35, v5  }
0x18e: {  	v36 =	vor.u32 v36, v5  }
0x18f: {  	v37 =	vor.u32 v37, v5  }
0x190: {  	v30 =	vor.u32 v30, v5  }
0x191: {  	[tilespmem:v34+s23+$0x0] =	vst.idx.msk $0xffff, v33;
	v31 =	vor.u32 v31, v5  }
0x192: {  	[tilespmem:v35+s23+$0x0] =	vst.idx.msk $0xffff, v26;
	v26 =	vld [tilespmem:$0x1FE30]  }
0x193: {  	[tilespmem:v36+s23+$0x0] =	vst.idx.msk $0xffff, v29;
	v29 =	vld [tilespmem:$0x1FE40]  }
0x194: {  	[tilespmem:v37+s23+$0x0] =	vst.idx.msk $0xffff, v23;
	v23 =	vld [tilespmem:$0x1FC90]  }
0x195: {  	[tilespmem:v30+s23+$0x0] =	vst.idx.msk $0xffff, v20;
	v20 =	vld [tilespmem:$0x1FE50]  }
0x196: {  	[tilespmem:v31+s23+$0x0] =	vst.idx.msk $0xffff, v19;
	v19 =	vld [tilespmem:$0x1FE60]  }
0x197: {  	v26 =	vor.u32 v26, v5  }
0x198: {  	v29 =	vor.u32 v29, v5  }
0x199: {  	v23 =	vor.u32 v23, v5  }
0x19a: {  	v20 =	vor.u32 v20, v5  }
0x19b: {  	v19 =	vor.u32 v19, v5  }
0x19c: {  	[tilespmem:v26+s23+$0x0] =	vst.idx.msk $0xffff, v14;
	v14 =	vld [tilespmem:$0x1FCA0]  }
0x19d: {  	[tilespmem:v29+s23+$0x0] =	vst.idx.msk $0xffff, v13;
	v13 =	vld [tilespmem:$0x1FE70]  }
0x19e: {  	[tilespmem:v23+s23+$0x0] =	vst.idx.msk $0xffff, v9;
	v9 =	vld [tilespmem:$0x1FE80]  }
0x19f: {  	[tilespmem:v20+s23+$0x0] =	vst.idx.msk $0xffff, v6;
	v6 =	vld [tilespmem:$0x1FCB0]  }
0x1a0: {  	[tilespmem:v19+s23+$0x0] =	vst.idx.msk $0xffff, v15;
	v15 =	vld [tilespmem:$0x1FCC0]  }
0x1a1: {  	v14 =	vor.u32 v14, v5  }
0x1a2: {  	v13 =	vor.u32 v13, v5  }
0x1a3: {  	v9 =	vor.u32 v9, v5  }
0x1a4: {  	v6 =	vor.u32 v6, v5  }
0x1a5: {  	v15 =	vor.u32 v15, v5  }
0x1a6: {  	[tilespmem:v14+s23+$0x0] =	vst.idx.msk $0xffff, v7;
	v7 =	vld [tilespmem:$0x1FE90]  }
0x1a7: {  	[tilespmem:v13+s23+$0x0] =	vst.idx.msk $0xffff, v11;
	v11 =	vld [tilespmem:$0x1FEA0]  }
0x1a8: {  	[tilespmem:v9+s23+$0x0] =	vst.idx.msk $0xffff, v17;
	v9 =	vld [tilespmem:$0x1FCD0]  }
0x1a9: {  	[tilespmem:v6+s23+$0x0] =	vst.idx.msk $0xffff, v18;
	v6 =	vld [tilespmem:$0x1FCE0]  }
0x1aa: {  	[tilespmem:v15+s23+$0x0] =	vst.idx.msk $0xffff, v1;
	v1 =	vld [tilespmem:$0x1FEB0]  }
0x1ab: {  	v7 =	vor.u32 v7, v5  }
0x1ac: {  	v11 =	vor.u32 v11, v5  }
0x1ad: {  	v9 =	vor.u32 v9, v5  }
0x1ae: {  	v6 =	vor.u32 v6, v5  }
0x1af: {  	v1 =	vor.u32 v1, v5  }
0x1b0: {  	[tilespmem:v7+s23+$0x0] =	vst.idx.msk $0xffff, v16;
	v7 =	vld [tilespmem:$0x1FEC0]  }
0x1b1: {  	[tilespmem:v11+s23+$0x0] =	vst.idx.msk $0xffff, v8;
	v8 =	vld [tilespmem:$0x1FED0]  }
0x1b2: {  	[tilespmem:v9+s23+$0x0] =	vst.idx.msk $0xffff, v10;
	v9 =	vld [tilespmem:$0x1FEE0]  }
0x1b3: {  	[tilespmem:v6+s23+$0x0] =	vst.idx.msk $0xffff, v21;
	v6 =	vld [tilespmem:$0x1FF00]  }
0x1b4: {  	[tilespmem:v1+s23+$0x0] =	vst.idx.msk $0xffff, v12;
	v1 =	vld [tilespmem:$0x1FF20]  }
0x1b5: {  	v7 =	vor.u32 v7, v5  }
0x1b6: {  	v8 =	vor.u32 v8, v5  }
0x1b7: {  	v9 =	vor.u32 v9, v5  }
0x1b8: {  	v6 =	vor.u32 v6, v5  }
0x1b9: {  	v1 =	vor.u32 v1, v5  }
0x1ba: {  	[tilespmem:v7+s23+$0x0] =	vst.idx.msk $0xffff, v3;
	v3 =	vld [tilespmem:$0x1FF30]  }
0x1bb: {  	v7 =	vld [tilespmem:$0x1FFE0];
	[tilespmem:v8+s23+$0x0] =	vst.idx.msk $0xffff, v32  }
0x1bc: {  	v8 =	vld [tilespmem:$0x1FFD0];
	[tilespmem:v9+s23+$0x0] =	vst.idx.msk $0xffff, v25  }
0x1bd: {  	[tilespmem:v6+s23+$0x0] =	vst.idx.msk $0xffff, v27;
	v6 =	vld [tilespmem:$0x1FFF0]  }
0x1be: {  	[tilespmem:v1+s23+$0x0] =	vst.idx.msk $0xffff, v28;
	v1 =	vld [tilespmem:$0x1FFA0]  }
0x1bf: {  	v3 =	vor.u32 v3, v5  }
0x1c0: {  	v7 =	vor.u32 v7, v5  }
0x1c1: {  	v8 =	vor.u32 v8, v5  }
0x1c2: {  	v6 =	vor.u32 v6, v5  }
0x1c3: {  	v1 =	vor.u32 v1, v5  }
0x1c4: {  	v61 =	vld [tilespmem:$0x1FF40];
	[tilespmem:v3+s23+$0x0] =	vst.idx.msk $0xffff, v24  }
0x1c5: {  	v60 =	vld [tilespmem:$0x1FF90];
	s8 =	sshll.u32 s0, $0x14;
	[tilespmem:v7+s23+$0x0] =	vst.idx.msk $0xffff, v22  }
0x1c6: {  	v59 =	vld [tilespmem:$0x1FF70];
	s8 =	sor.u32 s6, s8;
	[tilespmem:v8+s23+$0x0] =	vst.idx.msk $0xffff, v0  }
0x1c7: {  	v58 =	vld [tilespmem:$0x1FFB0];
	s8 =	sshrl.u32 s8, $0x3;
	[tilespmem:v6+s23+$0x0] =	vst.idx.msk $0xffff, v4  }
0x1c8: {  	v57 =	vld [tilespmem:$0x1FF50];
	s8 =	sadd.s32 s1, s8;
	[tilespmem:v1+s23+$0x0] =	vst.idx.msk $0xffff, v2  }
0x1c9: {  	v40 =	vld [tilespmem:$0x1FF60];
	[hbm4b:s8+s24] =	stream.strided.scatter [tilespmem:s23], [sflag:$0x3], $0x4000, s25, s24, $0x38  }
0x1ca: {  	v49 =	vld [tilespmem:$0x1FF80];
	_ =	swait.ge [sflag:s26], $0x1000  }
0x1cb: {  	[sflag:s26] =	ssyncset.done $0x0  }
0x1cc: {  	[sflag:s26] =	ssyncadd.s32 $0xFFFFF000  }
0x1cd: {  	_ =	swait.ge [sflag:s26], $0x1000  }
0x1ce: {  	[sflag:s26] =	ssyncset.done $0x0  }
0x1cf: {  	[sflag:s26] =	ssyncadd.s32 $0xFFFFF000  }
0x1d0: {  	_ =	swait.ge [sflag:s26], $0x1000  }
0x1d1: {  	[sflag:s26] =	ssyncset.done $0x0  }
0x1d2: {  	p0 =	seq.s32 s0, $0xC;
	[sflag:s26] =	ssyncadd.s32 $0xFFFFF000  }
0x1d3: {  	s8 =	sshll.u32 @!p0 s0, $0xA;
	_ =	swait.ge [sflag:s26], $0x1000  }
0x1d4: {  	s13 =	simm.s32 @!p0 $0x80;
	s8 =	sand.u32 @!p0 $0x3FFFFC00, s8;
	[sflag:s26] =	ssyncset.done $0x0  }
0x1d5: {  	s14 =	simm.s32 @!p0 $0x3400;
	s9 =	sadd.s32 @!p0 $0x400, s8;
	[sflag:s26] =	ssyncadd.s32 $0xFFFFF000  }
0x1d6: {  	[tilespmem:s14], [sflag:$0x1] =	stream.indirect.gather @!p0 [hbm4b:s4+s13], $0x20, s9, s13, $0xb8;
	[tilespmem:$0x13400] =	vst v63  }
0x1d7: {  	s9 =	sadd.s32 @!p0 $0x480, s8;
	s14 =	simm.s32 @!p0 $0x4400  }
0x1d8: {  	[tilespmem:s14], [sflag:$0x1] =	stream.indirect.gather @!p0 [hbm4b:s4+s13], $0x20, s9, s13, $0xb8;
	[tilespmem:$0x13400] =	vst v63  }
0x1d9: {  	s9 =	sadd.s32 @!p0 $0x500, s8;
	s14 =	simm.s32 @!p0 $0x5400  }
0x1da: {  	[tilespmem:s14], [sflag:$0x1] =	stream.indirect.gather @!p0 [hbm4b:s4+s13], $0x20, s9, s13, $0xb8;
	[tilespmem:$0x13400] =	vst v63  }
0x1db: {  	s14 =	simm.s32 $0x0  }
0x1dc: {  	v2 =	vor.u32 s14, v42  }
0x1dd: {  	p1 =	seq.s32 @!p0 s0, $0x0;
	s8 =	sadd.s32 @!p0 $0x580, s8;
	s9 =	simm.s32 @!p0 $0x6400;
	v4 =	vshll.u32 v2, $0x5  }
0x1de: {  	[tilespmem:s9], [sflag:$0x1] =	stream.indirect.gather @!p0 [hbm4b:s4+s13], $0x20, s8, s13, $0xb8;
	v5 =	vor.u32 v59, v4;
	[tilespmem:$0x13400] =	vst v63  }
0x1df: {  	p0 =	por p0, !p1  }
0x1e0: {  	_ =	swait.ge @p0 [sflag:s30], $0x4000  }
0x1e1: {  	v16 =	vor.u32 v44, v4;
	[sflag:s30] =	ssyncset.done @p0 $0x0  }
0x1e2: {  	v17 =	vld [tilespmem:$0x1FD60];
	[sflag:s30] =	ssyncadd.s32 @p0 $0xFFFFC000  }
0x1e3: {  	v62 =	vmov v56;
	v7 =	vld.idx.msk [tilespmem:v5+s19+$0x0], $0xffff;
	v5 =	vor.u32 v49, v4  }
0x1e4: {  	v12 =	vor.u32 v62, v4;
	v62 =	vand.u32 $0x78, v2;
	v2 =	vld [tilespmem:$0x1FD00]  }
0x1e5: {  	v56 =	vld [tilespmem:$0x1FDC0]  }
0x1e6: {  	v0 =	vor.u32 v57, v4;
	v29 =	vld.idx.msk [tilespmem:v16+s19+$0x0], $0xffff  }
0x1e7: {  	v16 =	vld [tilespmem:$0x1FD10]  }
0x1e8: {  	v26 =	vld.idx.msk [tilespmem:v5+s19+$0x0], $0xffff;
	v5 =	vor.u32 v42, v4  }
0x1e9: {  	v59 =	vld [tilespmem:$0x1FDD0]  }
0x1ea: {  	v1 =	vor.u32 v40, v4;
	v57 =	vld [tilespmem:$0x1FDF0]  }
0x1eb: {  	v3 =	vor.u32 v61, v4;
	v6 =	vld.idx.msk [tilespmem:v0+s19+$0x0], $0xffff  }
0x1ec: {  	v8 =	vor.u32 v47, v4;
	v22 =	vor.u32 v16, v4;
	v16 =	vld [tilespmem:$0x1FDA0]  }
0x1ed: {  	v10 =	vor.u32 v39, v4;
	v31 =	vld.idx.msk [tilespmem:v5+s19+$0x0], $0xffff  }
0x1ee: {  	v5 =	vld [tilespmem:$0x1FD20]  }
0x1ef: {  	v11 =	vor.u32 v38, v4;
	v9 =	vld.idx.msk [tilespmem:v1+s19+$0x0], $0xffff  }
0x1f0: {  	v1 =	vld.idx.msk [tilespmem:v3+s19+$0x0], $0xffff  }
0x1f1: {  	v13 =	vld.idx.msk [tilespmem:v8+s19+$0x0], $0xffff;
	v8 =	vor.u32 v60, v4  }
0x1f2: {  	v14 =	vld.idx.msk [tilespmem:v10+s19+$0x0], $0xffff  }
0x1f3: {  	v24 =	vor.u32 v16, v4;
	v16 =	vld [tilespmem:$0x1FD90];
	v5 =	vor.u32 v5, v4  }
0x1f4: {  	v20 =	vld.idx.msk [tilespmem:v11+s19+$0x0], $0xffff  }
0x1f5: {  	v0 =	vor.u32 v46, v4;
	v60 =	vld [tilespmem:$0x1FDE0]  }
0x1f6: {  	v11 =	vld.idx.msk [tilespmem:v8+s19+$0x0], $0xffff  }
0x1f7: {  	v10 =	vor.u32 v58, v4;
	v8 =	vld [tilespmem:$0x1FD80]  }
0x1f8: {  	v61 =	vor.u32 v16, v4;
	v16 =	vld.idx.msk [tilespmem:v5+s19+$0x0], $0xffff  }
0x1f9: {  	v5 =	vld [tilespmem:$0x1FD40]  }
0x1fa: {  	v19 =	vld.idx.msk [tilespmem:v0+s19+$0x0], $0xffff  }
0x1fb: {  	v3 =	vor.u32 v45, v4;
	v0 =	vld [tilespmem:$0x1FF10]  }
0x1fc: {  	v15 =	vld.idx.msk [tilespmem:v10+s19+$0x0], $0xffff  }
0x1fd: {  	v10 =	vor.u32 v8, v4;
	v8 =	vld [tilespmem:$0x1FCF0]  }
0x1fe: {  	v25 =	vor.u32 v5, v4;
	v5 =	vld [tilespmem:$0x1FD50]  }
0x1ff: {  	v58 =	vld [tilespmem:$0x1FE20]  }
0x200: {  	v23 =	vld.idx.msk [tilespmem:v3+s19+$0x0], $0xffff;
	v0 =	vor.u32 v0, v4  }
0x201: {  	v3 =	vld [tilespmem:$0x1FEF0]  }
0x202: {  	v18 =	vor.u32 v8, v4;
	v8 =	vld.idx.msk [tilespmem:v12+s19+$0x0], $0xffff;
	v12 =	vor.u32 v43, v4  }
0x203: {  	v27 =	vor.u32 v5, v4;
	v5 =	vld [tilespmem:$0x1FDB0]  }
0x204: {  	v49 =	vld [tilespmem:$0x1FE30]  }
0x205: {  	v0 =	vld.idx.msk [tilespmem:v0+s19+$0x0], $0xffff  }
0x206: {  	v21 =	vor.u32 v17, v4;
	v17 =	vld.idx.msk [tilespmem:v10+s19+$0x0], $0xffff  }
0x207: {  	v33 =	vld.idx.msk [tilespmem:v12+s19+$0x0], $0xffff  }
0x208: {  	v3 =	vor.u32 v3, v4;
	v28 =	vor.u32 v5, v4;
	v5 =	vld [tilespmem:$0x1FD70]  }
0x209: {  	v12 =	vld.idx.msk [tilespmem:v22+s19+$0x0], $0xffff  }
0x20a: {  	v22 =	vld [tilespmem:$0x1FD30]  }
0x20b: {  	v10 =	vld.idx.msk [tilespmem:v18+s19+$0x0], $0xffff  }
0x20c: {  	v18 =	vld.idx.msk [tilespmem:v21+s19+$0x0], $0xffff;
	v21 =	vor.u32 v2, v4;
	v2 =	vmov s14  }
0x20d: {  	v3 =	vld.idx.msk [tilespmem:v3+s19+$0x0], $0xffff;
	v2 =	vshll.u32 v2, $0x3;
	v30 =	vor.u32 v5, v4  }
0x20e: {  	v5 =	vand.u32 $0xC00, v2;
	v2 =	vld.idx.msk [tilespmem:v24+s19+$0x0], $0xffff  }
0x20f: {  	v34 =	vor.u32 v63, v4;
	v32 =	vor.u32 v22, v4;
	v4 =	vld.idx.msk [tilespmem:v61+s19+$0x0], $0xffff  }
0x210: {  	v61 =	vld [tilespmem:$0x1FE10]  }
0x211: {  	s8 =	simm.s32 $0x10;
	v5 =	vor.u32 v5, v62;
	v62 =	vld [tilespmem:$0x1FE00]  }
.LBB2_5:
0x212: {  	v22 =	vld.idx.msk [tilespmem:v30+s19+$0x0], $0xffff  }
0x213: {  	v24 =	vld.idx.msk [tilespmem:v28+s19+$0x0], $0xffff;
	v28 =	vor.u32 v56, v5  }
0x214: {  	v35 =	vld.idx.msk [tilespmem:v27+s19+$0x0], $0xffff;
	v27 =	vor.u32 v59, v5  }
0x215: {  	v36 =	vld.idx.msk [tilespmem:v25+s19+$0x0], $0xffff;
	v25 =	vor.u32 v60, v5  }
0x216: {  	v30 =	vld.idx.msk [tilespmem:v21+s19+$0x0], $0xffff;
	v21 =	vor.u32 v57, v5  }
0x217: {  	v34 =	vld.idx.msk [tilespmem:v34+s19+$0x0], $0xffff  }
0x218: {  	v32 =	vld.idx.msk [tilespmem:v32+s19+$0x0], $0xffff;
	v37 =	vor.u32 v62, v5;
	[tilespmem:v28+s28+$0x0] =	vst.idx.msk $0xffff, v31  }
0x219: {  	v28 =	vor.u32 v61, v5;
	[tilespmem:v27+s28+$0x0] =	vst.idx.msk $0xffff, v33  }
0x21a: {  	v31 =	vld [tilespmem:$0x1FFD0];
	[tilespmem:v25+s28+$0x0] =	vst.idx.msk $0xffff, v26  }
0x21b: {  	v27 =	vor.u32 v58, v5;
	[tilespmem:v21+s28+$0x0] =	vst.idx.msk $0xffff, v29;
	v21 =	vld [tilespmem:$0x1FE40]  }
0x21c: {  	v26 =	vld [tilespmem:$0x1FFA0]  }
0x21d: {  	v25 =	vor.u32 v49, v5;
	[tilespmem:v37+s28+$0x0] =	vst.idx.msk $0xffff, v23;
	v23 =	vld [tilespmem:$0x1FC90]  }
0x21e: {  	[tilespmem:v28+s28+$0x0] =	vst.idx.msk $0xffff, v20;
	v20 =	vld [tilespmem:$0x1FE50]  }
0x21f: {  	v29 =	vld [tilespmem:$0x1FFF0]  }
0x220: {  	[tilespmem:v27+s28+$0x0] =	vst.idx.msk $0xffff, v19;
	v19 =	vld [tilespmem:$0x1FE60];
	v21 =	vor.u32 v21, v5  }
0x221: {  	v28 =	vld [tilespmem:$0x1FFE0]  }
0x222: {  	[tilespmem:v25+s28+$0x0] =	vst.idx.msk $0xffff, v14;
	v14 =	vld [tilespmem:$0x1FCA0];
	v23 =	vor.u32 v23, v5  }
0x223: {  	v27 =	vld [tilespmem:$0x1FF30];
	v20 =	vor.u32 v20, v5  }
0x224: {  	v25 =	vld [tilespmem:$0x1FF20]  }
0x225: {  	v19 =	vor.u32 v19, v5;
	[tilespmem:v21+s28+$0x0] =	vst.idx.msk $0xffff, v13;
	v13 =	vld [tilespmem:$0x1FE70]  }
0x226: {  	v21 =	vld [tilespmem:$0x1FF00]  }
0x227: {  	v14 =	vor.u32 v14, v5;
	[tilespmem:v23+s28+$0x0] =	vst.idx.msk $0xffff, v9;
	v9 =	vld [tilespmem:$0x1FE80]  }
0x228: {  	[tilespmem:v20+s28+$0x0] =	vst.idx.msk $0xffff, v6;
	v6 =	vld [tilespmem:$0x1FCB0]  }
0x229: {  	v20 =	vld [tilespmem:$0x1FED0]  }
0x22a: {  	[tilespmem:v19+s28+$0x0] =	vst.idx.msk $0xffff, v15;
	v15 =	vld [tilespmem:$0x1FCC0];
	v13 =	vor.u32 v13, v5  }
0x22b: {  	v19 =	vld [tilespmem:$0x1FEC0]  }
0x22c: {  	[tilespmem:v14+s28+$0x0] =	vst.idx.msk $0xffff, v7;
	v7 =	vld [tilespmem:$0x1FE90];
	v9 =	vor.u32 v9, v5  }
0x22d: {  	v14 =	vld [tilespmem:$0x1FEB0]  }
0x22e: {  	v39 =	vor.u32 v21, v5;
	v21 =	vld [tilespmem:$0x1FEE0]  }
0x22f: {  	[tilespmem:v13+s28+$0x0] =	vst.idx.msk $0xffff, v11;
	v11 =	vld [tilespmem:$0x1FEA0]  }
0x230: {  	v13 =	vld [tilespmem:$0x1FCE0]  }
0x231: {  	v31 =	vor.u32 v31, v5;
	[tilespmem:v9+s28+$0x0] =	vst.idx.msk $0xffff, v17;
	v9 =	vld [tilespmem:$0x1FCD0]  }
0x232: {  	v26 =	vor.u32 v26, v5;
	v29 =	vor.u32 v29, v5;
	v6 =	vor.u32 v6, v5  }
0x233: {  	v33 =	vor.u32 v28, v5;
	v37 =	vor.u32 v27, v5;
	v15 =	vor.u32 v15, v5  }
0x234: {  	v38 =	vor.u32 v25, v5;
	v20 =	vor.u32 v20, v5;
	v7 =	vor.u32 v7, v5  }
0x235: {  	v19 =	vor.u32 v19, v5;
	v14 =	vor.u32 v14, v5;
	v11 =	vor.u32 v11, v5  }
0x236: {  	v23 =	vor.u32 v21, v5;
	v13 =	vor.u32 v13, v5;
	v5 =	vor.u32 v9, v5  }
0x237: {  	[tilespmem:v6+s28+$0x0] =	vst.idx.msk $0xffff, v18  }
0x238: {  	[tilespmem:v15+s28+$0x0] =	vst.idx.msk $0xffff, v1  }
0x239: {  	[tilespmem:v7+s28+$0x0] =	vst.idx.msk $0xffff, v16  }
0x23a: {  	[tilespmem:v11+s28+$0x0] =	vst.idx.msk $0xffff, v8  }
0x23b: {  	[tilespmem:v5+s28+$0x0] =	vst.idx.msk $0xffff, v10;
	v5 =	vld [tilespmem:$0x1FD00];
	_ =	sdelay $0x1  }
0x23c: {  	s9 =	smov.u32 s8  }
0x23d: {  	v21 =	vor.u32 s9, v42  }
0x23e: {  	v40 =	vshll.u32 v21, $0x5  }
0x23f: {  	v41 =	vand.u32 $0x78, v21;
	v21 =	vor.u32 v5, v40;
	v5 =	vld [tilespmem:$0x1FD80];
	_ =	sdelay $0x3  }
0x240: {  	v17 =	vor.u32 v42, v40  }
0x241: {  	v42 =	vor.u32 v43, v40;
	v43 =	vor.u32 v45, v40;
	v45 =	vor.u32 v5, v40;
	v5 =	vld [tilespmem:$0x1FD60];
	_ =	sdelay $0x4  }
0x242: {  	v10 =	vor.u32 v46, v40;
	v46 =	vor.u32 v5, v40;
	v5 =	vld [tilespmem:$0x1FD10];
	_ =	sdelay $0x3  }
0x243: {  	[tilespmem:v13+s28+$0x0] =	vst.idx.msk $0xffff, v30  }
0x244: {  	[tilespmem:v14+s28+$0x0] =	vst.idx.msk $0xffff, v12;
	v12 =	vor.u32 v5, v40;
	v5 =	vld [tilespmem:$0x1FEF0];
	_ =	sdelay $0x3  }
0x245: {  	v6 =	vld [tilespmem:$0x1FFB0]  }
0x246: {  	v15 =	vor.u32 v47, v40;
	v47 =	vor.u32 v5, v40;
	v5 =	vld [tilespmem:$0x1FF80];
	_ =	sdelay $0x1  }
0x247: {  	[tilespmem:v19+s28+$0x0] =	vst.idx.msk $0xffff, v3;
	v3 =	vld [tilespmem:$0x1FD40];
	_ =	sdelay $0x1  }
0x248: {  	v16 =	vor.u32 v6, v40;
	v6 =	vld [tilespmem:$0x1FF70]  }
0x249: {  	v11 =	vor.u32 v5, v40;
	v5 =	vld [tilespmem:$0x1FD90];
	_ =	sdelay $0x1  }
0x24a: {  	v25 =	vor.u32 v3, v40;
	v3 =	vld [tilespmem:$0x1FD50]  }
0x24b: {  	v1 =	vld [tilespmem:$0x1FF60]  }
0x24c: {  	v7 =	vor.u32 v6, v40;
	v6 =	vld [tilespmem:$0x1FD20];
	[tilespmem:v20+s28+$0x0] =	vst.idx.msk $0xffff, v32  }
0x24d: {  	[tilespmem:v23+s28+$0x0] =	vst.idx.msk $0xffff, v36;
	v36 =	vor.u32 v5, v40;
	v5 =	vld [tilespmem:$0x1FF90]  }
0x24e: {  	[tilespmem:v39+s28+$0x0] =	vst.idx.msk $0xffff, v35  }
0x24f: {  	[tilespmem:v38+s28+$0x0] =	vst.idx.msk $0xffff, v34;
	v27 =	vor.u32 v3, v40;
	v3 =	vld [tilespmem:$0x1FDB0]  }
0x250: {  	v1 =	vor.u32 v1, v40;
	[tilespmem:v37+s28+$0x0] =	vst.idx.msk $0xffff, v24  }
0x251: {  	v18 =	vor.u32 v44, v40;
	v44 =	vor.u32 v6, v40;
	v6 =	vld [tilespmem:$0x1FFC0];
	[tilespmem:v33+s28+$0x0] =	vst.idx.msk $0xffff, v22  }
0x252: {  	[tilespmem:v31+s28+$0x0] =	vst.idx.msk $0xffff, v0;
	v35 =	vor.u32 v5, v40;
	v5 =	vld [tilespmem:$0x1FF50]  }
0x253: {  	v14 =	vor.u32 v54, v40;
	[tilespmem:v29+s28+$0x0] =	vst.idx.msk $0xffff, v4;
	v4 =	vld [tilespmem:$0x1FD30]  }
0x254: {  	[tilespmem:v26+s28+$0x0] =	vst.idx.msk $0xffff, v2;
	v28 =	vor.u32 v3, v40;
	v3 =	vld [tilespmem:$0x1FD70]  }
0x255: {  	v9 =	vld.idx.msk [tilespmem:v1+s19+$0x0], $0xffff  }
0x256: {  	v7 =	vld.idx.msk [tilespmem:v7+s19+$0x0], $0xffff  }
0x257: {  	v8 =	vor.u32 v6, v40;
	v6 =	vor.u32 v5, v40;
	v5 =	vld [tilespmem:$0x1FF40]  }
0x258: {  	v14 =	vld.idx.msk [tilespmem:v14+s19+$0x0], $0xffff  }
0x259: {  	v19 =	vld.idx.msk [tilespmem:v10+s19+$0x0], $0xffff;
	v30 =	vor.u32 v3, v40;
	v3 =	vmov s9  }
0x25a: {  	v0 =	vor.u32 v52, v40;
	v23 =	vld.idx.msk [tilespmem:v43+s19+$0x0], $0xffff;
	v3 =	vshll.u32 v3, $0x3  }
0x25b: {  	v31 =	vld.idx.msk [tilespmem:v17+s19+$0x0], $0xffff;
	v3 =	vand.u32 $0xC00, v3  }
0x25c: {  	v13 =	vor.u32 v5, v40;
	v5 =	vor.u32 v3, v41;
	v41 =	vld [tilespmem:$0x1FCF0]  }
0x25d: {  	v29 =	vld.idx.msk [tilespmem:v18+s19+$0x0], $0xffff  }
0x25e: {  	v33 =	vld.idx.msk [tilespmem:v42+s19+$0x0], $0xffff  }
0x25f: {  	v20 =	vld.idx.msk [tilespmem:v0+s19+$0x0], $0xffff  }
0x260: {  	v17 =	vld.idx.msk [tilespmem:v45+s19+$0x0], $0xffff  }
0x261: {  	v8 =	vld.idx.msk [tilespmem:v8+s19+$0x0], $0xffff;
	v2 =	vor.u32 v41, v40  }
0x262: {  	v18 =	vld.idx.msk [tilespmem:v46+s19+$0x0], $0xffff  }
0x263: {  	v12 =	vld.idx.msk [tilespmem:v12+s19+$0x0], $0xffff  }
0x264: {  	v26 =	vld.idx.msk [tilespmem:v11+s19+$0x0], $0xffff  }
0x265: {  	v3 =	vld [tilespmem:$0x1FF10]  }
0x266: {  	v10 =	vld.idx.msk [tilespmem:v2+s19+$0x0], $0xffff  }
0x267: {  	v2 =	vld [tilespmem:$0x1FDA0]  }
0x268: {  	v32 =	vor.u32 v4, v40;
	v4 =	vld.idx.msk [tilespmem:v36+s19+$0x0], $0xffff  }
0x269: {  	v11 =	vld.idx.msk [tilespmem:v35+s19+$0x0], $0xffff  }
0x26a: {  	v6 =	vld.idx.msk [tilespmem:v6+s19+$0x0], $0xffff;
	v3 =	vor.u32 v3, v40  }
0x26b: {  	v1 =	vld.idx.msk [tilespmem:v13+s19+$0x0], $0xffff  }
0x26c: {  	p0 =	sne.s32 s8, $0x1F0;
	v13 =	vld.idx.msk [tilespmem:v15+s19+$0x0], $0xffff;
	v2 =	vor.u32 v2, v40  }
.Ltmp1:
0x26d: {  	v15 =	vld.idx.msk [tilespmem:v16+s19+$0x0], $0xffff;
	(pc) =	sbr.rel @p0 .LBB2_5-.Ltmp1, $4  }
0x26e: {  	v16 =	vld.idx.msk [tilespmem:v44+s19+$0x0], $0xffff  }
0x26f: {  	v0 =	vld.idx.msk [tilespmem:v3+s19+$0x0], $0xffff  }
0x270: {  	v34 =	vor.u32 v63, v40;
	v43 =	vmov v48;
	v3 =	vld.idx.msk [tilespmem:v47+s19+$0x0], $0xffff  }
0x271: {  	s8 =	sadd.s32 $0x10, s8;
	v42 =	vlaneseq.u32;
	v45 =	vmovc v51;
	v46 =	vmovc v53;
	v44 =	vmov v50;
	v47 =	vmov v55;
	v2 =	vld.idx.msk [tilespmem:v2+s19+$0x0], $0xffff  }
0x272: {  	_ =	sdelay $0x3  }
0x273: {  	v22 =	vld.idx.msk [tilespmem:v30+s19+$0x0], $0xffff  }
0x274: {  	v24 =	vld.idx.msk [tilespmem:v28+s19+$0x0], $0xffff;
	v30 =	vor.u32 v56, v5  }
0x275: {  	v28 =	vld.idx.msk [tilespmem:v34+s19+$0x0], $0xffff;
	v56 =	vor.u32 v59, v5  }
0x276: {  	v27 =	vld.idx.msk [tilespmem:v27+s19+$0x0], $0xffff;
	v35 =	vor.u32 v60, v5  }
0x277: {  	v25 =	vld.idx.msk [tilespmem:v25+s19+$0x0], $0xffff;
	v36 =	vor.u32 v57, v5  }
0x278: {  	v21 =	vld.idx.msk [tilespmem:v21+s19+$0x0], $0xffff;
	v37 =	vor.u32 v62, v5  }
0x279: {  	v32 =	vld.idx.msk [tilespmem:v32+s19+$0x0], $0xffff;
	[tilespmem:v30+s28+$0x0] =	vst.idx.msk $0xffff, v31;
	v30 =	vor.u32 v61, v5  }
0x27a: {  	v31 =	vor.u32 v58, v5;
	[tilespmem:v56+s28+$0x0] =	vst.idx.msk $0xffff, v33  }
0x27b: {  	[tilespmem:v35+s28+$0x0] =	vst.idx.msk $0xffff, v26;
	v26 =	vor.u32 v49, v5  }
0x27c: {  	v58 =	vld [tilespmem:$0x1FE40];
	[tilespmem:v36+s28+$0x0] =	vst.idx.msk $0xffff, v29  }
0x27d: {  	[tilespmem:v37+s28+$0x0] =	vst.idx.msk $0xffff, v23;
	v23 =	vld [tilespmem:$0x1FC90]  }
0x27e: {  	v59 =	vld [tilespmem:$0x1FE50];
	[tilespmem:v30+s28+$0x0] =	vst.idx.msk $0xffff, v20  }
0x27f: {  	[tilespmem:v31+s28+$0x0] =	vst.idx.msk $0xffff, v19;
	v31 =	vld [tilespmem:$0x1FE60]  }
0x280: {  	[tilespmem:v26+s28+$0x0] =	vst.idx.msk $0xffff, v14;
	v14 =	vld [tilespmem:$0x1FCA0]  }
0x281: {  	v29 =	vor.u32 v58, v5  }
0x282: {  	v23 =	vor.u32 v23, v5  }
0x283: {  	v60 =	vld [tilespmem:$0x1FE70];
	v20 =	vor.u32 v59, v5  }
0x284: {  	v40 =	vmov v63;
	v63 =	vld [tilespmem:$0x1FCB0];
	v19 =	vor.u32 v31, v5  }
0x285: {  	v53 =	vld [tilespmem:$0x1FF00];
	v14 =	vor.u32 v14, v5  }
0x286: {  	v61 =	vld [tilespmem:$0x1FE80];
	[tilespmem:v29+s28+$0x0] =	vst.idx.msk $0xffff, v13  }
0x287: {  	v35 =	vld [tilespmem:$0x1FCD0];
	[tilespmem:v23+s28+$0x0] =	vst.idx.msk $0xffff, v9  }
0x288: {  	v49 =	vld [tilespmem:$0x1FEC0];
	[tilespmem:v20+s28+$0x0] =	vst.idx.msk $0xffff, v6  }
0x289: {  	v13 =	vor.u32 v60, v5;
	[tilespmem:v19+s28+$0x0] =	vst.idx.msk $0xffff, v15;
	v15 =	vld [tilespmem:$0x1FCC0]  }
0x28a: {  	[tilespmem:v14+s28+$0x0] =	vst.idx.msk $0xffff, v7;
	v14 =	vld [tilespmem:$0x1FE90]  }
0x28b: {  	v36 =	vld [tilespmem:$0x1FCE0]  }
0x28c: {  	v37 =	vld [tilespmem:$0x1FEB0];
	v62 =	vor.u32 v61, v5  }
0x28d: {  	v59 =	vld [tilespmem:$0x1FFF0];
	v6 =	vor.u32 v63, v5  }
0x28e: {  	[tilespmem:v13+s28+$0x0] =	vst.idx.msk $0xffff, v11;
	v13 =	vld [tilespmem:$0x1FEA0];
	v15 =	vor.u32 v15, v5  }
0x28f: {  	v61 =	vld [tilespmem:$0x1FFA0];
	v33 =	vor.u32 v14, v5  }
0x290: {  	v30 =	vld [tilespmem:$0x1FD00]  }
0x291: {  	v26 =	vld [tilespmem:$0x1FF40];
	[tilespmem:v62+s28+$0x0] =	vst.idx.msk $0xffff, v17  }
0x292: {  	v48 =	vor.u32 v37, v5;
	v37 =	vld [tilespmem:$0x1FD70];
	[tilespmem:v6+s28+$0x0] =	vst.idx.msk $0xffff, v18  }
0x293: {  	v34 =	vor.u32 v13, v5;
	[tilespmem:v15+s28+$0x0] =	vst.idx.msk $0xffff, v1;
	v15 =	vld [tilespmem:$0x1FED0]  }
0x294: {  	v9 =	vor.u32 v35, v5;
	[tilespmem:v33+s28+$0x0] =	vst.idx.msk $0xffff, v16;
	v16 =	vld [tilespmem:$0x1FEE0]  }
0x295: {  	v29 =	vld [tilespmem:$0x1FEF0];
	v6 =	vor.u32 v36, v5  }
0x296: {  	v23 =	vld [tilespmem:$0x1FF90]  }
0x297: {  	v50 =	vor.u32 v49, v5;
	v35 =	vld [tilespmem:$0x1FD40]  }
0x298: {  	v20 =	vld [tilespmem:$0x1FFE0];
	[tilespmem:v34+s28+$0x0] =	vst.idx.msk $0xffff, v8;
	v51 =	vor.u32 v15, v5  }
0x299: {  	v38 =	vmov v52;
	v63 =	vld [tilespmem:$0x1FF60];
	[tilespmem:v9+s28+$0x0] =	vst.idx.msk $0xffff, v10;
	v52 =	vor.u32 v16, v5  }
0x29a: {  	v19 =	vld [tilespmem:$0x1FF50];
	[tilespmem:v6+s28+$0x0] =	vst.idx.msk $0xffff, v21  }
0x29b: {  	v18 =	vld [tilespmem:$0x1FF20];
	[tilespmem:v48+s28+$0x0] =	vst.idx.msk $0xffff, v12  }
0x29c: {  	v21 =	vld [tilespmem:$0x1FF30];
	[tilespmem:v50+s28+$0x0] =	vst.idx.msk $0xffff, v3  }
0x29d: {  	v17 =	vld [tilespmem:$0x1FD10];
	[tilespmem:v51+s28+$0x0] =	vst.idx.msk $0xffff, v32  }
0x29e: {  	[tilespmem:v52+s28+$0x0] =	vst.idx.msk $0xffff, v25;
	v25 =	vld [tilespmem:$0x1FFD0]  }
0x29f: {  	v39 =	vmov v54;
	v54 =	vor.u32 v53, v5;
	v57 =	vor.u32 v20, v5;
	v20 =	vld [tilespmem:$0x1FF70]  }
0x2a0: {  	v36 =	vld [tilespmem:$0x1FD50];
	v55 =	vor.u32 v18, v5  }
0x2a1: {  	v18 =	vld [tilespmem:$0x1FF80];
	v56 =	vor.u32 v21, v5  }
0x2a2: {  	v33 =	vld [tilespmem:$0x1FDA0]  }
0x2a3: {  	v34 =	vld [tilespmem:$0x1FD30];
	v58 =	vor.u32 v25, v5  }
0x2a4: {  	v60 =	vor.u32 v59, v5;
	v12 =	vld [tilespmem:$0x1FF10];
	[tilespmem:v54+s28+$0x0] =	vst.idx.msk $0xffff, v27  }
0x2a5: {  	s0 =	sadd.s32 $0x1, s0;
	v62 =	vor.u32 v61, v5;
	v48 =	vld [tilespmem:$0x1FDB0];
	[tilespmem:v55+s28+$0x0] =	vst.idx.msk $0xffff, v28  }
0x2a6: {  	p0 =	sne.s32 s0, $0xD;
	v21 =	vld [tilespmem:$0x1FD60];
	[tilespmem:v56+s28+$0x0] =	vst.idx.msk $0xffff, v24  }
.Ltmp2:
0x2a7: {  	s2 =	sshll.u32 s2, $0x13;
	v32 =	vld [tilespmem:$0x1FD90];
	[tilespmem:v57+s28+$0x0] =	vst.idx.msk $0xffff, v22;
	(pc) =	sbr.rel @p0 .LBB2_2-.Ltmp2, $4  }
0x2a8: {  	s2 =	sor.u32 s6, s2;
	v27 =	vld [tilespmem:$0x1FD20];
	[tilespmem:v58+s28+$0x0] =	vst.idx.msk $0xffff, v0  }
0x2a9: {  	s2 =	sshrl.u32 s2, $0x3;
	v28 =	vld [tilespmem:$0x1FFC0];
	[tilespmem:v60+s28+$0x0] =	vst.idx.msk $0xffff, v4  }
0x2aa: {  	s2 =	sadd.s32 s1, s2;
	v24 =	vld [tilespmem:$0x1FFB0];
	[tilespmem:v62+s28+$0x0] =	vst.idx.msk $0xffff, v2  }
0x2ab: {  	v22 =	vmov v19;
	v19 =	vmov v63;
	v25 =	vld [tilespmem:$0x1FD80];
	[hbm4b:s2+s24] =	stream.strided.scatter [tilespmem:s28], [sflag:$0x4], $0x4000, s25, s24, $0x38  }
0x2ac: {  	s31 =	sadd.s32 $0x1, s31  }
0x2ad: {  	_ =	swait.ge [sflag:s29], $0x4000;
	p0 =	sne.s32 s31, s7  }
.Ltmp3:
0x2ae: {  	[sflag:s29] =	ssyncset.done $0x0;
	(pc) =	sbr.rel @p0 .LBB2_1-.Ltmp3, $4  }
0x2af: {  	[sflag:s29] =	ssyncadd.s32 $0xFFFFC000  }
0x2b0: {  	_ =	swait.ge [sflag:s30], $0x4000  }
0x2b1: {  	[sflag:s30] =	ssyncset.done $0x0  }
0x2b2: {  	[sflag:s30] =	ssyncadd.s32 $0xFFFFC000  }
0x2b3: {  	_ =	sfence.sel $0x180000  }
0x2b4: {  	[bflag:$0x0] =	sbarrier.arrive $0xFFFF  }
0x2b5: {  	_ =	strace $0x9000004A  }
0x2b6: {  	s0 =	stileid.u32;
	[bflag:$0x2] =	sbarrier.arrive $0xFFFF  }
0x2b7: {  	p0 =	sne.s32 s0, $0x0;
	s0 =	rddreg [dreg:$0x2]  }
0x2b8: {  	s0 =	sadd.s32 @!p0 $0x100000, s0  }
0x2b9: {  	[sflag:s0] =	ssyncadd.tile.s32 @!p0 $0x1;
	_ =	shalt  }
.Lfunc_end2:
_tile_overlayer_lowered:
.L_overlay_start_2:
0x2ba: {  	(tag) =	ssettag $0x2  }
0x2bb: {  	s0 =	rddreg [dreg:$0x0];
	s2 =	stileid.u32  }
0x2bc: {  	s1 =	rddreg [dreg:$0x1];
	p0 =	sne.s32 s2, $0x0  }
0x2bd: {  	s3 =	rddreg [dreg:$0x2];
	[bflag:$0x3] =	sbarrier.arrive $0xFFFF;
	s2 =	simm.s32 @!p0 $0x1C05  }
0x2be: {  	[timem:s3], [sflag:s2] =	dma.local @!p0 [hbm:s0], s1  }
0x2bf: {  	s0 =	simm.s32 @!p0 $0x5  }
0x2c0: {  	_ =	swait.ge @!p0 [sflag:s0], s1  }
0x2c1: {  	s1 =	ssub.s32 @!p0 $0x0, s1;
	[sflag:s0] =	ssyncset.done @!p0 $0x0  }
0x2c2: {  	[sflag:s0] =	ssyncadd.s32 @!p0 s1  }
0x2c3: {  	[bflag:$0x3] =	sbarrier.arrive $0xFFFF  }
0x2c4: {  	_ =	shalt  }

</sc_bundles>
